<compile_context>
chip_gen: v7x
topology: tpu7x:2x2x1
jax: 0.10.2.dev20260603
libtpu: 0.0.44.dev20260713+nightly
codegen_flags: <defaults>
</compile_context>

<pallas_src>
import functools
import jax
import jax.numpy as jnp
from jax import lax
from jax.experimental import pallas as pl
from jax.experimental.pallas import tpu as pltpu
from jax.experimental.pallas import tpu_sc as plsc

_EMB = 64
_SCALE = 8.0
_LANES = 16
_NC, _NS = 2, 16
_NW = _NC * _NS
_CHUNK = 128
_NBUF = 10
_DEPTH = 8


@functools.lru_cache(maxsize=None)
def _make_kernel(n_tokens):
    assert n_tokens % (_NW * _CHUNK * _NBUF) == 0
    per_w = n_tokens // _NW
    n_chunks = per_w // _CHUNK
    n_groups = n_chunks // _NBUF
    mesh = plsc.VectorSubcoreMesh(core_axis_name="c", subcore_axis_name="s")

    @functools.partial(
        pl.kernel,
        out_type=jax.ShapeDtypeStruct((_NW, n_chunks, _CHUNK, _EMB), jnp.float32),
        mesh=mesh,
        scratch_types=[
            pltpu.VMEM((n_chunks, _CHUNK), jnp.int32),
            [pltpu.VMEM((_CHUNK, _EMB), jnp.float32) for _ in range(_NBUF)],
            [pltpu.SemaphoreType.DMA for _ in range(_NBUF)],
            [pltpu.SemaphoreType.DMA for _ in range(_NBUF)],
        ],
        compiler_params=pltpu.CompilerParams(use_tc_tiling_on_sc=False),
    )
    def gather_kernel(tokens_hbm, table_hbm, out_hbm, idx_v, rows, gsems, osems):
        wid = lax.axis_index("s") * _NC + lax.axis_index("c")
        pltpu.sync_copy(tokens_hbm.at[wid], idx_v)

        for b in range(_DEPTH):
            pltpu.async_copy(table_hbm.at[idx_v.at[b]], rows[b], gsems[b])

        def process(j, b, bb):
            pltpu.make_async_copy(
                table_hbm.at[idx_v.at[j]], rows[b], gsems[b]
            ).wait()

            def scale_row(r, carry2):
                for c in range(_EMB // _LANES):
                    sl = pl.ds(c * _LANES, _LANES)
                    rows[b][r, sl] = rows[b][r, sl] * _SCALE
                return carry2

            lax.fori_loop(0, _CHUNK, scale_row, 0, unroll=4)
            pltpu.async_copy(rows[b], out_hbm.at[wid, j], osems[b])

            @pl.when(j >= _NBUF - _DEPTH)
            def _():
                pltpu.make_async_copy(
                    rows[bb], out_hbm.at[wid, 0], osems[bb]
                ).wait()

            @pl.when(j + _DEPTH < n_chunks)
            def _():
                pltpu.async_copy(
                    table_hbm.at[idx_v.at[j + _DEPTH]], rows[bb], gsems[bb]
                )

        def group_body(g, carry):
            for b in range(_NBUF):
                process(g * _NBUF + b, b, (b + _DEPTH) % _NBUF)
            return carry

        lax.fori_loop(0, n_groups, group_body, 0)

        for j_tail in range(n_chunks - (_NBUF - _DEPTH), n_chunks):
            b = j_tail % _NBUF
            pltpu.make_async_copy(
                rows[b], out_hbm.at[wid, 0], osems[b]
            ).wait()

    return gather_kernel


@jax.jit
def kernel(tokens, table):
    batch, seq = tokens.shape
    n_tokens = batch * seq
    tokens_flat = tokens.reshape(_NW, n_tokens // (_NW * _CHUNK), _CHUNK)
    out = _make_kernel(n_tokens)(tokens_flat, table)
    return out.reshape(batch, seq, _EMB)

# --- scband reference (transcript-rebuilt; emitter-appended) ---
"""Pipeline reference for scband-phoneme-embedding-64278480552085 (READ-ONLY COPY).

The authoritative reference and input builder live on the scoring server;
editing this copy changes nothing except your own understanding.
"""

import math
import jax, jax.numpy as jnp
import numpy as np

VOCAB = 100000
EMB = 64
BATCH = 4096
SEQ = 200

def setup_inputs(seed: int = 0) -> dict:
    key = jax.random.key(seed)
    k1, k2 = jax.random.split(key)
    tokens = jax.random.randint(k1, (BATCH, SEQ), 0, VOCAB, dtype=jnp.int64 if jax.config.jax_enable_x64 else jnp.int32)
    table = jax.random.normal(k2, (VOCAB, EMB), dtype=jnp.float32)
    return {"tokens": tokens, "table": table}

def reference(tokens, table):
    emb = jnp.take(table, tokens, axis=0)
    return emb * math.sqrt(EMB)

if __name__ == "__main__":
    import jax
    _d = setup_inputs()
    print(jax.jit(kernel)(*tuple(_d.values())))

</pallas_src>

<mosaic_0001>
#map = affine_map<(d0, d1) -> (0, 0, 0)>
#map1 = affine_map<(d0, d1) -> (0, 0)>
#map2 = affine_map<(d0, d1) -> (0, 0, 0, 0)>
module attributes {stable_mosaic.version = 14 : i64} {
  func.func @gather_kernel(%arg0: i32, %arg1: i32, %arg2: memref<32x200x128xi32, #tpu.memory_space<hbm>>, %arg3: memref<100000x64xf32, #tpu.memory_space<hbm>>, %arg4: memref<32x200x128x64xf32, #tpu.memory_space<hbm>>, %arg5: memref<200x128xi32, #tpu.memory_space<vmem>>, %arg6: memref<128x64xf32, #tpu.memory_space<vmem>>, %arg7: memref<128x64xf32, #tpu.memory_space<vmem>>, %arg8: memref<128x64xf32, #tpu.memory_space<vmem>>, %arg9: memref<128x64xf32, #tpu.memory_space<vmem>>, %arg10: memref<128x64xf32, #tpu.memory_space<vmem>>, %arg11: memref<128x64xf32, #tpu.memory_space<vmem>>, %arg12: memref<128x64xf32, #tpu.memory_space<vmem>>, %arg13: memref<128x64xf32, #tpu.memory_space<vmem>>, %arg14: memref<128x64xf32, #tpu.memory_space<vmem>>, %arg15: memref<128x64xf32, #tpu.memory_space<vmem>>, %arg16: memref<!tpu.dma_semaphore, #tpu.memory_space<semaphore_mem>>, %arg17: memref<!tpu.dma_semaphore, #tpu.memory_space<semaphore_mem>>, %arg18: memref<!tpu.dma_semaphore, #tpu.memory_space<semaphore_mem>>, %arg19: memref<!tpu.dma_semaphore, #tpu.memory_space<semaphore_mem>>, %arg20: memref<!tpu.dma_semaphore, #tpu.memory_space<semaphore_mem>>, %arg21: memref<!tpu.dma_semaphore, #tpu.memory_space<semaphore_mem>>, %arg22: memref<!tpu.dma_semaphore, #tpu.memory_space<semaphore_mem>>, %arg23: memref<!tpu.dma_semaphore, #tpu.memory_space<semaphore_mem>>, %arg24: memref<!tpu.dma_semaphore, #tpu.memory_space<semaphore_mem>>, %arg25: memref<!tpu.dma_semaphore, #tpu.memory_space<semaphore_mem>>, %arg26: memref<!tpu.dma_semaphore, #tpu.memory_space<semaphore_mem>>, %arg27: memref<!tpu.dma_semaphore, #tpu.memory_space<semaphore_mem>>, %arg28: memref<!tpu.dma_semaphore, #tpu.memory_space<semaphore_mem>>, %arg29: memref<!tpu.dma_semaphore, #tpu.memory_space<semaphore_mem>>, %arg30: memref<!tpu.dma_semaphore, #tpu.memory_space<semaphore_mem>>, %arg31: memref<!tpu.dma_semaphore, #tpu.memory_space<semaphore_mem>>, %arg32: memref<!tpu.dma_semaphore, #tpu.memory_space<semaphore_mem>>, %arg33: memref<!tpu.dma_semaphore, #tpu.memory_space<semaphore_mem>>, %arg34: memref<!tpu.dma_semaphore, #tpu.memory_space<semaphore_mem>>, %arg35: memref<!tpu.dma_semaphore, #tpu.memory_space<semaphore_mem>>) attributes {dimension_semantics = [#tpu.dimension_semantics<core_parallel>, #tpu.dimension_semantics<subcore_parallel>], iteration_bounds = array<i64: 2, 16>, scalar_prefetch = 0 : i64, scratch_operands = 31 : i64, tpu.core_type = #tpu.core_type<sc_vector_subcore>, window_params = [{transform_indices = #map}, {transform_indices = #map1}, {transform_indices = #map2}]} {
    %mul3A = arith.constant 2 : i32
    %mul3A_0 = arith.muli %arg1, %mul3A : i32
    %add3A = arith.addi %mul3A_0, %arg0 : i32
    "tpu.region"() ({
      %run_scoped3A = tpu.sem_alloc : memref<!tpu.dma_semaphore, #tpu.memory_space<semaphore_mem>>
      %dma_start3A_78 = arith.constant 0 : i32
      %dma_start3A_79 = arith.constant 0 : i32
      %dma_start3A_80 = tpu.memref_slice %arg2[%add3A, %dma_start3A_78, %dma_start3A_79] : memref<32x200x128xi32, #tpu.memory_space<hbm>> -> memref<1x200x128xi32, #tpu.memory_space<hbm>>
      %dma_start3A_81 = tpu.memref_squeeze %dma_start3A_80 : memref<1x200x128xi32, #tpu.memory_space<hbm>> -> memref<200x128xi32, #tpu.memory_space<hbm>>
      %dma_start3A_82 = arith.constant 0 : i32
      %dma_start3A_83 = arith.constant 0 : i32
      %dma_start3A_84 = tpu.memref_slice %arg2[%add3A, %dma_start3A_82, %dma_start3A_83] : memref<32x200x128xi32, #tpu.memory_space<hbm>> -> memref<1x200x128xi32, #tpu.memory_space<hbm>>
      %dma_start3A_85 = tpu.memref_squeeze %dma_start3A_84 : memref<1x200x128xi32, #tpu.memory_space<hbm>> -> memref<200x128xi32, #tpu.memory_space<hbm>>
      tpu.enqueue_dma source(%dma_start3A_85 : memref<200x128xi32, #tpu.memory_space<hbm>>) target(%arg5 : memref<200x128xi32, #tpu.memory_space<vmem>>) target_semaphore(%run_scoped3A : memref<!tpu.dma_semaphore, #tpu.memory_space<semaphore_mem>>)
      %dma_wait3A_86 = arith.constant 0 : i32
      %dma_wait3A_87 = arith.constant 0 : i32
      %dma_wait3A_88 = tpu.memref_slice %arg2[%add3A, %dma_wait3A_86, %dma_wait3A_87] : memref<32x200x128xi32, #tpu.memory_space<hbm>> -> memref<1x200x128xi32, #tpu.memory_space<hbm>>
      %dma_wait3A_89 = tpu.memref_squeeze %dma_wait3A_88 : memref<1x200x128xi32, #tpu.memory_space<hbm>> -> memref<200x128xi32, #tpu.memory_space<hbm>>
      %dma_wait3A_90 = arith.constant 0 : i32
      %dma_wait3A_91 = arith.constant 0 : i32
      %dma_wait3A_92 = tpu.memref_slice %arg2[%add3A, %dma_wait3A_90, %dma_wait3A_91] : memref<32x200x128xi32, #tpu.memory_space<hbm>> -> memref<1x200x128xi32, #tpu.memory_space<hbm>>
      %dma_wait3A_93 = tpu.memref_squeeze %dma_wait3A_92 : memref<1x200x128xi32, #tpu.memory_space<hbm>> -> memref<200x128xi32, #tpu.memory_space<hbm>>
      tpu.wait_dma2 semaphore(%run_scoped3A : memref<!tpu.dma_semaphore, #tpu.memory_space<semaphore_mem>>) src(%dma_wait3A_93 : memref<200x128xi32, #tpu.memory_space<hbm>>) dst(%arg5 : memref<200x128xi32, #tpu.memory_space<vmem>>)
      tpu.yield
    }) : () -> ()
    %dma_start3A = arith.constant 0 : i32
    %dma_start3A_1 = arith.constant 0 : i32
    %dma_start3A_2 = tpu.memref_slice %arg5[%dma_start3A, %dma_start3A_1] : memref<200x128xi32, #tpu.memory_space<vmem>> -> memref<1x128xi32, #tpu.memory_space<vmem>>
    %dma_start3A_3 = tpu.memref_squeeze %dma_start3A_2 : memref<1x128xi32, #tpu.memory_space<vmem>> -> memref<128xi32, #tpu.memory_space<vmem>>
    %dma_start3A_4 = arith.constant 0 : i32
    %dma_start3A_5 = arith.constant 0 : i32
    %dma_start3A_6 = tpu.memref_slice %arg3[%dma_start3A_4, %dma_start3A_5] : memref<100000x64xf32, #tpu.memory_space<hbm>> -> memref<100000x64xf32, #tpu.memory_space<hbm>>
    tpu.enqueue_indirect_dma source(%dma_start3A_6 : memref<100000x64xf32, #tpu.memory_space<hbm>>) target(%arg6 : memref<128x64xf32, #tpu.memory_space<vmem>>) offsets(%dma_start3A_3 : memref<128xi32, #tpu.memory_space<vmem>>) semaphore(%arg16 : memref<!tpu.dma_semaphore, #tpu.memory_space<semaphore_mem>>)
    %dma_start3A_7 = arith.constant 1 : i32
    %dma_start3A_8 = arith.constant 0 : i32
    %dma_start3A_9 = tpu.memref_slice %arg5[%dma_start3A_7, %dma_start3A_8] : memref<200x128xi32, #tpu.memory_space<vmem>> -> memref<1x128xi32, #tpu.memory_space<vmem>>
    %dma_start3A_10 = tpu.memref_squeeze %dma_start3A_9 : memref<1x128xi32, #tpu.memory_space<vmem>> -> memref<128xi32, #tpu.memory_space<vmem>>
    %dma_start3A_11 = arith.constant 0 : i32
    %dma_start3A_12 = arith.constant 0 : i32
    %dma_start3A_13 = tpu.memref_slice %arg3[%dma_start3A_11, %dma_start3A_12] : memref<100000x64xf32, #tpu.memory_space<hbm>> -> memref<100000x64xf32, #tpu.memory_space<hbm>>
    tpu.enqueue_indirect_dma source(%dma_start3A_13 : memref<100000x64xf32, #tpu.memory_space<hbm>>) target(%arg7 : memref<128x64xf32, #tpu.memory_space<vmem>>) offsets(%dma_start3A_10 : memref<128xi32, #tpu.memory_space<vmem>>) semaphore(%arg17 : memref<!tpu.dma_semaphore, #tpu.memory_space<semaphore_mem>>)
    %dma_start3A_14 = arith.constant 2 : i32
    %dma_start3A_15 = arith.constant 0 : i32
    %dma_start3A_16 = tpu.memref_slice %arg5[%dma_start3A_14, %dma_start3A_15] : memref<200x128xi32, #tpu.memory_space<vmem>> -> memref<1x128xi32, #tpu.memory_space<vmem>>
    %dma_start3A_17 = tpu.memref_squeeze %dma_start3A_16 : memref<1x128xi32, #tpu.memory_space<vmem>> -> memref<128xi32, #tpu.memory_space<vmem>>
    %dma_start3A_18 = arith.constant 0 : i32
    %dma_start3A_19 = arith.constant 0 : i32
    %dma_start3A_20 = tpu.memref_slice %arg3[%dma_start3A_18, %dma_start3A_19] : memref<100000x64xf32, #tpu.memory_space<hbm>> -> memref<100000x64xf32, #tpu.memory_space<hbm>>
    tpu.enqueue_indirect_dma source(%dma_start3A_20 : memref<100000x64xf32, #tpu.memory_space<hbm>>) target(%arg8 : memref<128x64xf32, #tpu.memory_space<vmem>>) offsets(%dma_start3A_17 : memref<128xi32, #tpu.memory_space<vmem>>) semaphore(%arg18 : memref<!tpu.dma_semaphore, #tpu.memory_space<semaphore_mem>>)
    %dma_start3A_21 = arith.constant 3 : i32
    %dma_start3A_22 = arith.constant 0 : i32
    %dma_start3A_23 = tpu.memref_slice %arg5[%dma_start3A_21, %dma_start3A_22] : memref<200x128xi32, #tpu.memory_space<vmem>> -> memref<1x128xi32, #tpu.memory_space<vmem>>
    %dma_start3A_24 = tpu.memref_squeeze %dma_start3A_23 : memref<1x128xi32, #tpu.memory_space<vmem>> -> memref<128xi32, #tpu.memory_space<vmem>>
    %dma_start3A_25 = arith.constant 0 : i32
    %dma_start3A_26 = arith.constant 0 : i32
    %dma_start3A_27 = tpu.memref_slice %arg3[%dma_start3A_25, %dma_start3A_26] : memref<100000x64xf32, #tpu.memory_space<hbm>> -> memref<100000x64xf32, #tpu.memory_space<hbm>>
    tpu.enqueue_indirect_dma source(%dma_start3A_27 : memref<100000x64xf32, #tpu.memory_space<hbm>>) target(%arg9 : memref<128x64xf32, #tpu.memory_space<vmem>>) offsets(%dma_start3A_24 : memref<128xi32, #tpu.memory_space<vmem>>) semaphore(%arg19 : memref<!tpu.dma_semaphore, #tpu.memory_space<semaphore_mem>>)
    %dma_start3A_28 = arith.constant 4 : i32
    %dma_start3A_29 = arith.constant 0 : i32
    %dma_start3A_30 = tpu.memref_slice %arg5[%dma_start3A_28, %dma_start3A_29] : memref<200x128xi32, #tpu.memory_space<vmem>> -> memref<1x128xi32, #tpu.memory_space<vmem>>
    %dma_start3A_31 = tpu.memref_squeeze %dma_start3A_30 : memref<1x128xi32, #tpu.memory_space<vmem>> -> memref<128xi32, #tpu.memory_space<vmem>>
    %dma_start3A_32 = arith.constant 0 : i32
    %dma_start3A_33 = arith.constant 0 : i32
    %dma_start3A_34 = tpu.memref_slice %arg3[%dma_start3A_32, %dma_start3A_33] : memref<100000x64xf32, #tpu.memory_space<hbm>> -> memref<100000x64xf32, #tpu.memory_space<hbm>>
    tpu.enqueue_indirect_dma source(%dma_start3A_34 : memref<100000x64xf32, #tpu.memory_space<hbm>>) target(%arg10 : memref<128x64xf32, #tpu.memory_space<vmem>>) offsets(%dma_start3A_31 : memref<128xi32, #tpu.memory_space<vmem>>) semaphore(%arg20 : memref<!tpu.dma_semaphore, #tpu.memory_space<semaphore_mem>>)
    %dma_start3A_35 = arith.constant 5 : i32
    %dma_start3A_36 = arith.constant 0 : i32
    %dma_start3A_37 = tpu.memref_slice %arg5[%dma_start3A_35, %dma_start3A_36] : memref<200x128xi32, #tpu.memory_space<vmem>> -> memref<1x128xi32, #tpu.memory_space<vmem>>
    %dma_start3A_38 = tpu.memref_squeeze %dma_start3A_37 : memref<1x128xi32, #tpu.memory_space<vmem>> -> memref<128xi32, #tpu.memory_space<vmem>>
    %dma_start3A_39 = arith.constant 0 : i32
    %dma_start3A_40 = arith.constant 0 : i32
    %dma_start3A_41 = tpu.memref_slice %arg3[%dma_start3A_39, %dma_start3A_40] : memref<100000x64xf32, #tpu.memory_space<hbm>> -> memref<100000x64xf32, #tpu.memory_space<hbm>>
    tpu.enqueue_indirect_dma source(%dma_start3A_41 : memref<100000x64xf32, #tpu.memory_space<hbm>>) target(%arg11 : memref<128x64xf32, #tpu.memory_space<vmem>>) offsets(%dma_start3A_38 : memref<128xi32, #tpu.memory_space<vmem>>) semaphore(%arg21 : memref<!tpu.dma_semaphore, #tpu.memory_space<semaphore_mem>>)
    %dma_start3A_42 = arith.constant 6 : i32
    %dma_start3A_43 = arith.constant 0 : i32
    %dma_start3A_44 = tpu.memref_slice %arg5[%dma_start3A_42, %dma_start3A_43] : memref<200x128xi32, #tpu.memory_space<vmem>> -> memref<1x128xi32, #tpu.memory_space<vmem>>
    %dma_start3A_45 = tpu.memref_squeeze %dma_start3A_44 : memref<1x128xi32, #tpu.memory_space<vmem>> -> memref<128xi32, #tpu.memory_space<vmem>>
    %dma_start3A_46 = arith.constant 0 : i32
    %dma_start3A_47 = arith.constant 0 : i32
    %dma_start3A_48 = tpu.memref_slice %arg3[%dma_start3A_46, %dma_start3A_47] : memref<100000x64xf32, #tpu.memory_space<hbm>> -> memref<100000x64xf32, #tpu.memory_space<hbm>>
    tpu.enqueue_indirect_dma source(%dma_start3A_48 : memref<100000x64xf32, #tpu.memory_space<hbm>>) target(%arg12 : memref<128x64xf32, #tpu.memory_space<vmem>>) offsets(%dma_start3A_45 : memref<128xi32, #tpu.memory_space<vmem>>) semaphore(%arg22 : memref<!tpu.dma_semaphore, #tpu.memory_space<semaphore_mem>>)
    %dma_start3A_49 = arith.constant 7 : i32
    %dma_start3A_50 = arith.constant 0 : i32
    %dma_start3A_51 = tpu.memref_slice %arg5[%dma_start3A_49, %dma_start3A_50] : memref<200x128xi32, #tpu.memory_space<vmem>> -> memref<1x128xi32, #tpu.memory_space<vmem>>
    %dma_start3A_52 = tpu.memref_squeeze %dma_start3A_51 : memref<1x128xi32, #tpu.memory_space<vmem>> -> memref<128xi32, #tpu.memory_space<vmem>>
    %dma_start3A_53 = arith.constant 0 : i32
    %dma_start3A_54 = arith.constant 0 : i32
    %dma_start3A_55 = tpu.memref_slice %arg3[%dma_start3A_53, %dma_start3A_54] : memref<100000x64xf32, #tpu.memory_space<hbm>> -> memref<100000x64xf32, #tpu.memory_space<hbm>>
    tpu.enqueue_indirect_dma source(%dma_start3A_55 : memref<100000x64xf32, #tpu.memory_space<hbm>>) target(%arg13 : memref<128x64xf32, #tpu.memory_space<vmem>>) offsets(%dma_start3A_52 : memref<128xi32, #tpu.memory_space<vmem>>) semaphore(%arg23 : memref<!tpu.dma_semaphore, #tpu.memory_space<semaphore_mem>>)
    %scan3A = arith.constant 0 : i32
    %scan3A_56 = arith.constant 0 : i32
    %scan3A_57 = arith.constant 20 : i32
    %scan3A_58 = arith.addi %scan3A_56, %scan3A_57 : i32
    %scan3A_59 = arith.constant 1 : i32
    scf.for %scan3A_78 = %scan3A_56 to %scan3A_58 step %scan3A_59  : i32 {
      %mul3A_79 = arith.constant 10 : i32
      %mul3A_80 = arith.muli %scan3A_78, %mul3A_79 : i32
      %add3A_81 = arith.constant 0 : i32
      %add3A_82 = arith.addi %mul3A_80, %add3A_81 : i32
      %dma_wait3A_83 = arith.constant 0 : i32
      %dma_wait3A_84 = tpu.memref_slice %arg5[%add3A_82, %dma_wait3A_83] : memref<200x128xi32, #tpu.memory_space<vmem>> -> memref<1x128xi32, #tpu.memory_space<vmem>>
      %dma_wait3A_85 = tpu.memref_squeeze %dma_wait3A_84 : memref<1x128xi32, #tpu.memory_space<vmem>> -> memref<128xi32, #tpu.memory_space<vmem>>
      %dma_wait3A_86 = arith.constant 0 : i32
      %dma_wait3A_87 = arith.constant 0 : i32
      %dma_wait3A_88 = tpu.memref_slice %arg3[%dma_wait3A_86, %dma_wait3A_87] : memref<100000x64xf32, #tpu.memory_space<hbm>> -> memref<100000x64xf32, #tpu.memory_space<hbm>>
      tpu.wait_indirect_dma semaphore(%arg16 : memref<!tpu.dma_semaphore, #tpu.memory_space<semaphore_mem>>) src(%dma_wait3A_88 : memref<100000x64xf32, #tpu.memory_space<hbm>>) dst(%arg6 : memref<128x64xf32, #tpu.memory_space<vmem>>)
      %scan3A_89 = arith.constant 0 : i32
      %scan3A_90 = arith.constant 0 : i32
      %scan3A_91 = arith.constant 128 : i32
      %scan3A_92 = arith.addi %scan3A_90, %scan3A_91 : i32
      %scan3A_93 = arith.constant 4 : i32
      scf.for %scan3A_435 = %scan3A_90 to %scan3A_92 step %scan3A_93  : i32 {
        %get3A = arith.index_cast %scan3A_435 : i32 to index
        %get3A_436 = arith.constant 0 : index
        %get3A_437 = tpu.vector_load %arg6[%get3A, %get3A_436] {strides = array<i32>} : memref<128x64xf32, #tpu.memory_space<vmem>>, vector<1x16xf32>,
        %get3A_438 = vector.shape_cast %get3A_437 : vector<1x16xf32> to vector<16xf32>
        %mul3A_439 = arith.constant 8.000000e+00 : f32
        %mul3A_440 = vector.broadcast %mul3A_439 : f32 to vector<16xf32>
        %mul3A_441 = arith.mulf %get3A_438, %mul3A_440 : vector<16xf32>
        %swap3A = arith.index_cast %scan3A_435 : i32 to index
        %swap3A_442 = arith.constant 0 : index
        %swap3A_443 = tpu.vector_load %arg6[%swap3A, %swap3A_442] {strides = array<i32>} : memref<128x64xf32, #tpu.memory_space<vmem>>, vector<1x16xf32>,
        %swap3A_444 = vector.shape_cast %swap3A_443 : vector<1x16xf32> to vector<16xf32>
        %swap3A_445 = vector.shape_cast %mul3A_441 : vector<16xf32> to vector<1x16xf32>
        tpu.vector_store %arg6[%swap3A, %swap3A_442], %swap3A_445 {strides = array<i32>} : memref<128x64xf32, #tpu.memory_space<vmem>>, vector<1x16xf32>,
        %get3A_446 = arith.index_cast %scan3A_435 : i32 to index
        %get3A_447 = arith.constant 16 : index
        %get3A_448 = tpu.vector_load %arg6[%get3A_446, %get3A_447] {strides = array<i32>} : memref<128x64xf32, #tpu.memory_space<vmem>>, vector<1x16xf32>,
        %get3A_449 = vector.shape_cast %get3A_448 : vector<1x16xf32> to vector<16xf32>
        %mul3A_450 = arith.constant 8.000000e+00 : f32
        %mul3A_451 = vector.broadcast %mul3A_450 : f32 to vector<16xf32>
        %mul3A_452 = arith.mulf %get3A_449, %mul3A_451 : vector<16xf32>
        %swap3A_453 = arith.index_cast %scan3A_435 : i32 to index
        %swap3A_454 = arith.constant 16 : index
        %swap3A_455 = tpu.vector_load %arg6[%swap3A_453, %swap3A_454] {strides = array<i32>} : memref<128x64xf32, #tpu.memory_space<vmem>>, vector<1x16xf32>,
        %swap3A_456 = vector.shape_cast %swap3A_455 : vector<1x16xf32> to vector<16xf32>
        %swap3A_457 = vector.shape_cast %mul3A_452 : vector<16xf32> to vector<1x16xf32>
        tpu.vector_store %arg6[%swap3A_453, %swap3A_454], %swap3A_457 {strides = array<i32>} : memref<128x64xf32, #tpu.memory_space<vmem>>, vector<1x16xf32>,
        %get3A_458 = arith.index_cast %scan3A_435 : i32 to index
        %get3A_459 = arith.constant 32 : index
        %get3A_460 = tpu.vector_load %arg6[%get3A_458, %get3A_459] {strides = array<i32>} : memref<128x64xf32, #tpu.memory_space<vmem>>, vector<1x16xf32>,
        %get3A_461 = vector.shape_cast %get3A_460 : vector<1x16xf32> to vector<16xf32>
        %mul3A_462 = arith.constant 8.000000e+00 : f32
        %mul3A_463 = vector.broadcast %mul3A_462 : f32 to vector<16xf32>
        %mul3A_464 = arith.mulf %get3A_461, %mul3A_463 : vector<16xf32>
        %swap3A_465 = arith.index_cast %scan3A_435 : i32 to index
        %swap3A_466 = arith.constant 32 : index
        %swap3A_467 = tpu.vector_load %arg6[%swap3A_465, %swap3A_466] {strides = array<i32>} : memref<128x64xf32, #tpu.memory_space<vmem>>, vector<1x16xf32>,
        %swap3A_468 = vector.shape_cast %swap3A_467 : vector<1x16xf32> to vector<16xf32>
        %swap3A_469 = vector.shape_cast %mul3A_464 : vector<16xf32> to vector<1x16xf32>
        tpu.vector_store %arg6[%swap3A_465, %swap3A_466], %swap3A_469 {strides = array<i32>} : memref<128x64xf32, #tpu.memory_space<vmem>>, vector<1x16xf32>,
        %get3A_470 = arith.index_cast %scan3A_435 : i32 to index
        %get3A_471 = arith.constant 48 : index
        %get3A_472 = tpu.vector_load %arg6[%get3A_470, %get3A_471] {strides = array<i32>} : memref<128x64xf32, #tpu.memory_space<vmem>>, vector<1x16xf32>,
        %get3A_473 = vector.shape_cast %get3A_472 : vector<1x16xf32> to vector<16xf32>
        %mul3A_474 = arith.constant 8.000000e+00 : f32
        %mul3A_475 = vector.broadcast %mul3A_474 : f32 to vector<16xf32>
        %mul3A_476 = arith.mulf %get3A_473, %mul3A_475 : vector<16xf32>
        %swap3A_477 = arith.index_cast %scan3A_435 : i32 to index
        %swap3A_478 = arith.constant 48 : index
        %swap3A_479 = tpu.vector_load %arg6[%swap3A_477, %swap3A_478] {strides = array<i32>} : memref<128x64xf32, #tpu.memory_space<vmem>>, vector<1x16xf32>,
        %swap3A_480 = vector.shape_cast %swap3A_479 : vector<1x16xf32> to vector<16xf32>
        %swap3A_481 = vector.shape_cast %mul3A_476 : vector<16xf32> to vector<1x16xf32>
        tpu.vector_store %arg6[%swap3A_477, %swap3A_478], %swap3A_481 {strides = array<i32>} : memref<128x64xf32, #tpu.memory_space<vmem>>, vector<1x16xf32>,
        %scan3A_482 = arith.constant 1 : i32
        %scan3A_483 = arith.addi %scan3A_435, %scan3A_482 : i32
        %get3A_484 = arith.index_cast %scan3A_483 : i32 to index
        %get3A_485 = arith.constant 0 : index
        %get3A_486 = tpu.vector_load %arg6[%get3A_484, %get3A_485] {strides = array<i32>} : memref<128x64xf32, #tpu.memory_space<vmem>>, vector<1x16xf32>,
        %get3A_487 = vector.shape_cast %get3A_486 : vector<1x16xf32> to vector<16xf32>
        %mul3A_488 = arith.constant 8.000000e+00 : f32
        %mul3A_489 = vector.broadcast %mul3A_488 : f32 to vector<16xf32>
        %mul3A_490 = arith.mulf %get3A_487, %mul3A_489 : vector<16xf32>
        %swap3A_491 = arith.index_cast %scan3A_483 : i32 to index
        %swap3A_492 = arith.constant 0 : index
        %swap3A_493 = tpu.vector_load %arg6[%swap3A_491, %swap3A_492] {strides = array<i32>} : memref<128x64xf32, #tpu.memory_space<vmem>>, vector<1x16xf32>,
        %swap3A_494 = vector.shape_cast %swap3A_493 : vector<1x16xf32> to vector<16xf32>
        %swap3A_495 = vector.shape_cast %mul3A_490 : vector<16xf32> to vector<1x16xf32>
        tpu.vector_store %arg6[%swap3A_491, %swap3A_492], %swap3A_495 {strides = array<i32>} : memref<128x64xf32, #tpu.memory_space<vmem>>, vector<1x16xf32>,
        %get3A_496 = arith.index_cast %scan3A_483 : i32 to index
        %get3A_497 = arith.constant 16 : index
        %get3A_498 = tpu.vector_load %arg6[%get3A_496, %get3A_497] {strides = array<i32>} : memref<128x64xf32, #tpu.memory_space<vmem>>, vector<1x16xf32>,
        %get3A_499 = vector.shape_cast %get3A_498 : vector<1x16xf32> to vector<16xf32>
        %mul3A_500 = arith.constant 8.000000e+00 : f32
        %mul3A_501 = vector.broadcast %mul3A_500 : f32 to vector<16xf32>
        %mul3A_502 = arith.mulf %get3A_499, %mul3A_501 : vector<16xf32>
        %swap3A_503 = arith.index_cast %scan3A_483 : i32 to index
        %swap3A_504 = arith.constant 16 : index
        %swap3A_505 = tpu.vector_load %arg6[%swap3A_503, %swap3A_504] {strides = array<i32>} : memref<128x64xf32, #tpu.memory_space<vmem>>, vector<1x16xf32>,
        %swap3A_506 = vector.shape_cast %swap3A_505 : vector<1x16xf32> to vector<16xf32>
        %swap3A_507 = vector.shape_cast %mul3A_502 : vector<16xf32> to vector<1x16xf32>
        tpu.vector_store %arg6[%swap3A_503, %swap3A_504], %swap3A_507 {strides = array<i32>} : memref<128x64xf32, #tpu.memory_space<vmem>>, vector<1x16xf32>,
        %get3A_508 = arith.index_cast %scan3A_483 : i32 to index
        %get3A_509 = arith.constant 32 : index
        %get3A_510 = tpu.vector_load %arg6[%get3A_508, %get3A_509] {strides = array<i32>} : memref<128x64xf32, #tpu.memory_space<vmem>>, vector<1x16xf32>,
        %get3A_511 = vector.shape_cast %get3A_510 : vector<1x16xf32> to vector<16xf32>
        %mul3A_512 = arith.constant 8.000000e+00 : f32
        %mul3A_513 = vector.broadcast %mul3A_512 : f32 to vector<16xf32>
        %mul3A_514 = arith.mulf %get3A_511, %mul3A_513 : vector<16xf32>
        %swap3A_515 = arith.index_cast %scan3A_483 : i32 to index
        %swap3A_516 = arith.constant 32 : index
        %swap3A_517 = tpu.vector_load %arg6[%swap3A_515, %swap3A_516] {strides = array<i32>} : memref<128x64xf32, #tpu.memory_space<vmem>>, vector<1x16xf32>,
        %swap3A_518 = vector.shape_cast %swap3A_517 : vector<1x16xf32> to vector<16xf32>
        %swap3A_519 = vector.shape_cast %mul3A_514 : vector<16xf32> to vector<1x16xf32>
        tpu.vector_store %arg6[%swap3A_515, %swap3A_516], %swap3A_519 {strides = array<i32>} : memref<128x64xf32, #tpu.memory_space<vmem>>, vector<1x16xf32>,
        %get3A_520 = arith.index_cast %scan3A_483 : i32 to index
        %get3A_521 = arith.constant 48 : index
        %get3A_522 = tpu.vector_load %arg6[%get3A_520, %get3A_521] {strides = array<i32>} : memref<128x64xf32, #tpu.memory_space<vmem>>, vector<1x16xf32>,
        %get3A_523 = vector.shape_cast %get3A_522 : vector<1x16xf32> to vector<16xf32>
        %mul3A_524 = arith.constant 8.000000e+00 : f32
        %mul3A_525 = vector.broadcast %mul3A_524 : f32 to vector<16xf32>
        %mul3A_526 = arith.mulf %get3A_523, %mul3A_525 : vector<16xf32>
        %swap3A_527 = arith.index_cast %scan3A_483 : i32 to index
        %swap3A_528 = arith.constant 48 : index
        %swap3A_529 = tpu.vector_load %arg6[%swap3A_527, %swap3A_528] {strides = array<i32>} : memref<128x64xf32, #tpu.memory_space<vmem>>, vector<1x16xf32>,
        %swap3A_530 = vector.shape_cast %swap3A_529 : vector<1x16xf32> to vector<16xf32>
        %swap3A_531 = vector.shape_cast %mul3A_526 : vector<16xf32> to vector<1x16xf32>
        tpu.vector_store %arg6[%swap3A_527, %swap3A_528], %swap3A_531 {strides = array<i32>} : memref<128x64xf32, #tpu.memory_space<vmem>>, vector<1x16xf32>,
        %scan3A_532 = arith.constant 2 : i32
        %scan3A_533 = arith.addi %scan3A_435, %scan3A_532 : i32
        %get3A_534 = arith.index_cast %scan3A_533 : i32 to index
        %get3A_535 = arith.constant 0 : index
        %get3A_536 = tpu.vector_load %arg6[%get3A_534, %get3A_535] {strides = array<i32>} : memref<128x64xf32, #tpu.memory_space<vmem>>, vector<1x16xf32>,
        %get3A_537 = vector.shape_cast %get3A_536 : vector<1x16xf32> to vector<16xf32>
        %mul3A_538 = arith.constant 8.000000e+00 : f32
        %mul3A_539 = vector.broadcast %mul3A_538 : f32 to vector<16xf32>
        %mul3A_540 = arith.mulf %get3A_537, %mul3A_539 : vector<16xf32>
        %swap3A_541 = arith.index_cast %scan3A_533 : i32 to index
        %swap3A_542 = arith.constant 0 : index
        %swap3A_543 = tpu.vector_load %arg6[%swap3A_541, %swap3A_542] {strides = array<i32>} : memref<128x64xf32, #tpu.memory_space<vmem>>, vector<1x16xf32>,
        %swap3A_544 = vector.shape_cast %swap3A_543 : vector<1x16xf32> to vector<16xf32>
        %swap3A_545 = vector.shape_cast %mul3A_540 : vector<16xf32> to vector<1x16xf32>
        tpu.vector_store %arg6[%swap3A_541, %swap3A_542], %swap3A_545 {strides = array<i32>} : memref<128x64xf32, #tpu.memory_space<vmem>>, vector<1x16xf32>,
        %get3A_546 = arith.index_cast %scan3A_533 : i32 to index
        %get3A_547 = arith.constant 16 : index
        %get3A_548 = tpu.vector_load %arg6[%get3A_546, %get3A_547] {strides = array<i32>} : memref<128x64xf32, #tpu.memory_space<vmem>>, vector<1x16xf32>,
        %get3A_549 = vector.shape_cast %get3A_548 : vector<1x16xf32> to vector<16xf32>
        %mul3A_550 = arith.constant 8.000000e+00 : f32
        %mul3A_551 = vector.broadcast %mul3A_550 : f32 to vector<16xf32>
        %mul3A_552 = arith.mulf %get3A_549, %mul3A_551 : vector<16xf32>
        %swap3A_553 = arith.index_cast %scan3A_533 : i32 to index
        %swap3A_554 = arith.constant 16 : index
        %swap3A_555 = tpu.vector_load %arg6[%swap3A_553, %swap3A_554] {strides = array<i32>} : memref<128x64xf32, #tpu.memory_space<vmem>>, vector<1x16xf32>,
        %swap3A_556 = vector.shape_cast %swap3A_555 : vector<1x16xf32> to vector<16xf32>
        %swap3A_557 = vector.shape_cast %mul3A_552 : vector<16xf32> to vector<1x16xf32>
        tpu.vector_store %arg6[%swap3A_553, %swap3A_554], %swap3A_557 {strides = array<i32>} : memref<128x64xf32, #tpu.memory_space<vmem>>, vector<1x16xf32>,
        %get3A_558 = arith.index_cast %scan3A_533 : i32 to index
        %get3A_559 = arith.constant 32 : index
        %get3A_560 = tpu.vector_load %arg6[%get3A_558, %get3A_559] {strides = array<i32>} : memref<128x64xf32, #tpu.memory_space<vmem>>, vector<1x16xf32>,
        %get3A_561 = vector.shape_cast %get3A_560 : vector<1x16xf32> to vector<16xf32>
        %mul3A_562 = arith.constant 8.000000e+00 : f32
        %mul3A_563 = vector.broadcast %mul3A_562 : f32 to vector<16xf32>
        %mul3A_564 = arith.mulf %get3A_561, %mul3A_563 : vector<16xf32>
        %swap3A_565 = arith.index_cast %scan3A_533 : i32 to index
        %swap3A_566 = arith.constant 32 : index
        %swap3A_567 = tpu.vector_load %arg6[%swap3A_565, %swap3A_566] {strides = array<i32>} : memref<128x64xf32, #tpu.memory_space<vmem>>, vector<1x16xf32>,
        %swap3A_568 = vector.shape_cast %swap3A_567 : vector<1x16xf32> to vector<16xf32>
        %swap3A_569 = vector.shape_cast %mul3A_564 : vector<16xf32> to vector<1x16xf32>
        tpu.vector_store %arg6[%swap3A_565, %swap3A_566], %swap3A_569 {strides = array<i32>} : memref<128x64xf32, #tpu.memory_space<vmem>>, vector<1x16xf32>,
        %get3A_570 = arith.index_cast %scan3A_533 : i32 to index
        %get3A_571 = arith.constant 48 : index
        %get3A_572 = tpu.vector_load %arg6[%get3A_570, %get3A_571] {strides = array<i32>} : memref<128x64xf32, #tpu.memory_space<vmem>>, vector<1x16xf32>,
        %get3A_573 = vector.shape_cast %get3A_572 : vector<1x16xf32> to vector<16xf32>
        %mul3A_574 = arith.constant 8.000000e+00 : f32
        %mul3A_575 = vector.broadcast %mul3A_574 : f32 to vector<16xf32>
        %mul3A_576 = arith.mulf %get3A_573, %mul3A_575 : vector<16xf32>
        %swap3A_577 = arith.index_cast %scan3A_533 : i32 to index
        %swap3A_578 = arith.constant 48 : index
        %swap3A_579 = tpu.vector_load %arg6[%swap3A_577, %swap3A_578] {strides = array<i32>} : memref<128x64xf32, #tpu.memory_space<vmem>>, vector<1x16xf32>,
        %swap3A_580 = vector.shape_cast %swap3A_579 : vector<1x16xf32> to vector<16xf32>
        %swap3A_581 = vector.shape_cast %mul3A_576 : vector<16xf32> to vector<1x16xf32>
        tpu.vector_store %arg6[%swap3A_577, %swap3A_578], %swap3A_581 {strides = array<i32>} : memref<128x64xf32, #tpu.memory_space<vmem>>, vector<1x16xf32>,
        %scan3A_582 = arith.constant 3 : i32
        %scan3A_583 = arith.addi %scan3A_435, %scan3A_582 : i32
        %get3A_584 = arith.index_cast %scan3A_583 : i32 to index
        %get3A_585 = arith.constant 0 : index
        %get3A_586 = tpu.vector_load %arg6[%get3A_584, %get3A_585] {strides = array<i32>} : memref<128x64xf32, #tpu.memory_space<vmem>>, vector<1x16xf32>,
        %get3A_587 = vector.shape_cast %get3A_586 : vector<1x16xf32> to vector<16xf32>
        %mul3A_588 = arith.constant 8.000000e+00 : f32
        %mul3A_589 = vector.broadcast %mul3A_588 : f32 to vector<16xf32>
        %mul3A_590 = arith.mulf %get3A_587, %mul3A_589 : vector<16xf32>
        %swap3A_591 = arith.index_cast %scan3A_583 : i32 to index
        %swap3A_592 = arith.constant 0 : index
        %swap3A_593 = tpu.vector_load %arg6[%swap3A_591, %swap3A_592] {strides = array<i32>} : memref<128x64xf32, #tpu.memory_space<vmem>>, vector<1x16xf32>,
        %swap3A_594 = vector.shape_cast %swap3A_593 : vector<1x16xf32> to vector<16xf32>
        %swap3A_595 = vector.shape_cast %mul3A_590 : vector<16xf32> to vector<1x16xf32>
        tpu.vector_store %arg6[%swap3A_591, %swap3A_592], %swap3A_595 {strides = array<i32>} : memref<128x64xf32, #tpu.memory_space<vmem>>, vector<1x16xf32>,
        %get3A_596 = arith.index_cast %scan3A_583 : i32 to index
        %get3A_597 = arith.constant 16 : index
        %get3A_598 = tpu.vector_load %arg6[%get3A_596, %get3A_597] {strides = array<i32>} : memref<128x64xf32, #tpu.memory_space<vmem>>, vector<1x16xf32>,
        %get3A_599 = vector.shape_cast %get3A_598 : vector<1x16xf32> to vector<16xf32>
        %mul3A_600 = arith.constant 8.000000e+00 : f32
        %mul3A_601 = vector.broadcast %mul3A_600 : f32 to vector<16xf32>
        %mul3A_602 = arith.mulf %get3A_599, %mul3A_601 : vector<16xf32>
        %swap3A_603 = arith.index_cast %scan3A_583 : i32 to index
        %swap3A_604 = arith.constant 16 : index
        %swap3A_605 = tpu.vector_load %arg6[%swap3A_603, %swap3A_604] {strides = array<i32>} : memref<128x64xf32, #tpu.memory_space<vmem>>, vector<1x16xf32>,
        %swap3A_606 = vector.shape_cast %swap3A_605 : vector<1x16xf32> to vector<16xf32>
        %swap3A_607 = vector.shape_cast %mul3A_602 : vector<16xf32> to vector<1x16xf32>
        tpu.vector_store %arg6[%swap3A_603, %swap3A_604], %swap3A_607 {strides = array<i32>} : memref<128x64xf32, #tpu.memory_space<vmem>>, vector<1x16xf32>,
        %get3A_608 = arith.index_cast %scan3A_583 : i32 to index
        %get3A_609 = arith.constant 32 : index
        %get3A_610 = tpu.vector_load %arg6[%get3A_608, %get3A_609] {strides = array<i32>} : memref<128x64xf32, #tpu.memory_space<vmem>>, vector<1x16xf32>,
        %get3A_611 = vector.shape_cast %get3A_610 : vector<1x16xf32> to vector<16xf32>
        %mul3A_612 = arith.constant 8.000000e+00 : f32
        %mul3A_613 = vector.broadcast %mul3A_612 : f32 to vector<16xf32>
        %mul3A_614 = arith.mulf %get3A_611, %mul3A_613 : vector<16xf32>
        %swap3A_615 = arith.index_cast %scan3A_583 : i32 to index
        %swap3A_616 = arith.constant 32 : index
        %swap3A_617 = tpu.vector_load %arg6[%swap3A_615, %swap3A_616] {strides = array<i32>} : memref<128x64xf32, #tpu.memory_space<vmem>>, vector<1x16xf32>,
        %swap3A_618 = vector.shape_cast %swap3A_617 : vector<1x16xf32> to vector<16xf32>
        %swap3A_619 = vector.shape_cast %mul3A_614 : vector<16xf32> to vector<1x16xf32>
        tpu.vector_store %arg6[%swap3A_615, %swap3A_616], %swap3A_619 {strides = array<i32>} : memref<128x64xf32, #tpu.memory_space<vmem>>, vector<1x16xf32>,
        %get3A_620 = arith.index_cast %scan3A_583 : i32 to index
        %get3A_621 = arith.constant 48 : index
        %get3A_622 = tpu.vector_load %arg6[%get3A_620, %get3A_621] {strides = array<i32>} : memref<128x64xf32, #tpu.memory_space<vmem>>, vector<1x16xf32>,
        %get3A_623 = vector.shape_cast %get3A_622 : vector<1x16xf32> to vector<16xf32>
        %mul3A_624 = arith.constant 8.000000e+00 : f32
        %mul3A_625 = vector.broadcast %mul3A_624 : f32 to vector<16xf32>
        %mul3A_626 = arith.mulf %get3A_623, %mul3A_625 : vector<16xf32>
        %swap3A_627 = arith.index_cast %scan3A_583 : i32 to index
        %swap3A_628 = arith.constant 48 : index
        %swap3A_629 = tpu.vector_load %arg6[%swap3A_627, %swap3A_628] {strides = array<i32>} : memref<128x64xf32, #tpu.memory_space<vmem>>, vector<1x16xf32>,
        %swap3A_630 = vector.shape_cast %swap3A_629 : vector<1x16xf32> to vector<16xf32>
        %swap3A_631 = vector.shape_cast %mul3A_626 : vector<16xf32> to vector<1x16xf32>
        tpu.vector_store %arg6[%swap3A_627, %swap3A_628], %swap3A_631 {strides = array<i32>} : memref<128x64xf32, #tpu.memory_space<vmem>>, vector<1x16xf32>,
      }
      %scan3A_94 = arith.constant 128 : i32
      %dma_start3A_95 = arith.constant 0 : i32
      %dma_start3A_96 = arith.constant 0 : i32
      %dma_start3A_97 = tpu.memref_slice %arg4[%add3A, %add3A_82, %dma_start3A_95, %dma_start3A_96] : memref<32x200x128x64xf32, #tpu.memory_space<hbm>> -> memref<1x1x128x64xf32, #tpu.memory_space<hbm>>
      %dma_start3A_98 = tpu.memref_squeeze %dma_start3A_97 : memref<1x1x128x64xf32, #tpu.memory_space<hbm>> -> memref<128x64xf32, #tpu.memory_space<hbm>>
      %dma_start3A_99 = arith.constant 0 : i32
      %dma_start3A_100 = arith.constant 0 : i32
      %dma_start3A_101 = tpu.memref_slice %arg4[%add3A, %add3A_82, %dma_start3A_99, %dma_start3A_100] : memref<32x200x128x64xf32, #tpu.memory_space<hbm>> -> memref<1x1x128x64xf32, #tpu.memory_space<hbm>>
      %dma_start3A_102 = tpu.memref_squeeze %dma_start3A_101 : memref<1x1x128x64xf32, #tpu.memory_space<hbm>> -> memref<128x64xf32, #tpu.memory_space<hbm>>
      tpu.enqueue_dma source(%arg6 : memref<128x64xf32, #tpu.memory_space<vmem>>) target(%dma_start3A_102 : memref<128x64xf32, #tpu.memory_space<hbm>>) target_semaphore(%arg26 : memref<!tpu.dma_semaphore, #tpu.memory_space<semaphore_mem>>)
      %ge3A = arith.constant 2 : i32
      %ge3A_103 = arith.cmpi sge, %add3A_82, %ge3A : i32
      %convert_element_type3A = arith.extui %ge3A_103 : i1 to i32
      %cond3A = arith.constant 0 : i32
      %cond3A_104 = arith.cmpi ne, %convert_element_type3A, %cond3A : i32
      scf.if %cond3A_104 {
        %dma_wait3A_435 = arith.constant 0 : i32
        %dma_wait3A_436 = arith.constant 0 : i32
        %dma_wait3A_437 = arith.constant 0 : i32
        %dma_wait3A_438 = tpu.memref_slice %arg4[%add3A, %dma_wait3A_435, %dma_wait3A_436, %dma_wait3A_437] : memref<32x200x128x64xf32, #tpu.memory_space<hbm>> -> memref<1x1x128x64xf32, #tpu.memory_space<hbm>>
        %dma_wait3A_439 = tpu.memref_squeeze %dma_wait3A_438 : memref<1x1x128x64xf32, #tpu.memory_space<hbm>> -> memref<128x64xf32, #tpu.memory_space<hbm>>
        %dma_wait3A_440 = arith.constant 0 : i32
        %dma_wait3A_441 = arith.constant 0 : i32
        %dma_wait3A_442 = tpu.memref_slice %arg4[%add3A, %dma_wait3A_435, %dma_wait3A_440, %dma_wait3A_441] : memref<32x200x128x64xf32, #tpu.memory_space<hbm>> -> memref<1x1x128x64xf32, #tpu.memory_space<hbm>>
        %dma_wait3A_443 = tpu.memref_squeeze %dma_wait3A_442 : memref<1x1x128x64xf32, #tpu.memory_space<hbm>> -> memref<128x64xf32, #tpu.memory_space<hbm>>
        tpu.wait_dma2 semaphore(%arg34 : memref<!tpu.dma_semaphore, #tpu.memory_space<semaphore_mem>>) src(%arg14 : memref<128x64xf32, #tpu.memory_space<vmem>>) dst(%dma_wait3A_443 : memref<128x64xf32, #tpu.memory_space<hbm>>)
      } else {
      }
      %add3A_105 = arith.constant 8 : i32
      %add3A_106 = arith.addi %add3A_82, %add3A_105 : i32
      %lt3A = arith.constant 200 : i32
      %lt3A_107 = arith.cmpi slt, %add3A_106, %lt3A : i32
      %convert_element_type3A_108 = arith.extui %lt3A_107 : i1 to i32
      %cond3A_109 = arith.constant 0 : i32
      %cond3A_110 = arith.cmpi ne, %convert_element_type3A_108, %cond3A_109 : i32
      scf.if %cond3A_110 {
        %add3A_435 = arith.constant 8 : i32
        %add3A_436 = arith.addi %add3A_82, %add3A_435 : i32
        %dma_start3A_437 = arith.constant 0 : i32
        %dma_start3A_438 = tpu.memref_slice %arg5[%add3A_436, %dma_start3A_437] : memref<200x128xi32, #tpu.memory_space<vmem>> -> memref<1x128xi32, #tpu.memory_space<vmem>>
        %dma_start3A_439 = tpu.memref_squeeze %dma_start3A_438 : memref<1x128xi32, #tpu.memory_space<vmem>> -> memref<128xi32, #tpu.memory_space<vmem>>
        %dma_start3A_440 = arith.constant 0 : i32
        %dma_start3A_441 = arith.constant 0 : i32
        %dma_start3A_442 = tpu.memref_slice %arg3[%dma_start3A_440, %dma_start3A_441] : memref<100000x64xf32, #tpu.memory_space<hbm>> -> memref<100000x64xf32, #tpu.memory_space<hbm>>
        tpu.enqueue_indirect_dma source(%dma_start3A_442 : memref<100000x64xf32, #tpu.memory_space<hbm>>) target(%arg14 : memref<128x64xf32, #tpu.memory_space<vmem>>) offsets(%dma_start3A_439 : memref<128xi32, #tpu.memory_space<vmem>>) semaphore(%arg24 : memref<!tpu.dma_semaphore, #tpu.memory_space<semaphore_mem>>)
      } else {
      }
      %mul3A_111 = arith.constant 10 : i32
      %mul3A_112 = arith.muli %scan3A_78, %mul3A_111 : i32
      %add3A_113 = arith.constant 1 : i32
      %add3A_114 = arith.addi %mul3A_112, %add3A_113 : i32
      %dma_wait3A_115 = arith.constant 0 : i32
      %dma_wait3A_116 = tpu.memref_slice %arg5[%add3A_114, %dma_wait3A_115] : memref<200x128xi32, #tpu.memory_space<vmem>> -> memref<1x128xi32, #tpu.memory_space<vmem>>
      %dma_wait3A_117 = tpu.memref_squeeze %dma_wait3A_116 : memref<1x128xi32, #tpu.memory_space<vmem>> -> memref<128xi32, #tpu.memory_space<vmem>>
      %dma_wait3A_118 = arith.constant 0 : i32
      %dma_wait3A_119 = arith.constant 0 : i32
      %dma_wait3A_120 = tpu.memref_slice %arg3[%dma_wait3A_118, %dma_wait3A_119] : memref<100000x64xf32, #tpu.memory_space<hbm>> -> memref<100000x64xf32, #tpu.memory_space<hbm>>
      tpu.wait_indirect_dma semaphore(%arg17 : memref<!tpu.dma_semaphore, #tpu.memory_space<semaphore_mem>>) src(%dma_wait3A_120 : memref<100000x64xf32, #tpu.memory_space<hbm>>) dst(%arg7 : memref<128x64xf32, #tpu.memory_space<vmem>>)
      %scan3A_121 = arith.constant 0 : i32
      %scan3A_122 = arith.constant 0 : i32
      %scan3A_123 = arith.constant 128 : i32
      %scan3A_124 = arith.addi %scan3A_122, %scan3A_123 : i32
      %scan3A_125 = arith.constant 4 : i32
      scf.for %scan3A_435 = %scan3A_122 to %scan3A_124 step %scan3A_125  : i32 {
        %get3A = arith.index_cast %scan3A_435 : i32 to index
        %get3A_436 = arith.constant 0 : index
        %get3A_437 = tpu.vector_load %arg7[%get3A, %get3A_436] {strides = array<i32>} : memref<128x64xf32, #tpu.memory_space<vmem>>, vector<1x16xf32>,
        %get3A_438 = vector.shape_cast %get3A_437 : vector<1x16xf32> to vector<16xf32>
        %mul3A_439 = arith.constant 8.000000e+00 : f32
        %mul3A_440 = vector.broadcast %mul3A_439 : f32 to vector<16xf32>
        %mul3A_441 = arith.mulf %get3A_438, %mul3A_440 : vector<16xf32>
        %swap3A = arith.index_cast %scan3A_435 : i32 to index
        %swap3A_442 = arith.constant 0 : index
        %swap3A_443 = tpu.vector_load %arg7[%swap3A, %swap3A_442] {strides = array<i32>} : memref<128x64xf32, #tpu.memory_space<vmem>>, vector<1x16xf32>,
        %swap3A_444 = vector.shape_cast %swap3A_443 : vector<1x16xf32> to vector<16xf32>
        %swap3A_445 = vector.shape_cast %mul3A_441 : vector<16xf32> to vector<1x16xf32>
        tpu.vector_store %arg7[%swap3A, %swap3A_442], %swap3A_445 {strides = array<i32>} : memref<128x64xf32, #tpu.memory_space<vmem>>, vector<1x16xf32>,
        %get3A_446 = arith.index_cast %scan3A_435 : i32 to index
        %get3A_447 = arith.constant 16 : index
        %get3A_448 = tpu.vector_load %arg7[%get3A_446, %get3A_447] {strides = array<i32>} : memref<128x64xf32, #tpu.memory_space<vmem>>, vector<1x16xf32>,
        %get3A_449 = vector.shape_cast %get3A_448 : vector<1x16xf32> to vector<16xf32>
        %mul3A_450 = arith.constant 8.000000e+00 : f32
        %mul3A_451 = vector.broadcast %mul3A_450 : f32 to vector<16xf32>
        %mul3A_452 = arith.mulf %get3A_449, %mul3A_451 : vector<16xf32>
        %swap3A_453 = arith.index_cast %scan3A_435 : i32 to index
        %swap3A_454 = arith.constant 16 : index
        %swap3A_455 = tpu.vector_load %arg7[%swap3A_453, %swap3A_454] {strides = array<i32>} : memref<128x64xf32, #tpu.memory_space<vmem>>, vector<1x16xf32>,
        %swap3A_456 = vector.shape_cast %swap3A_455 : vector<1x16xf32> to vector<16xf32>
        %swap3A_457 = vector.shape_cast %mul3A_452 : vector<16xf32> to vector<1x16xf32>
        tpu.vector_store %arg7[%swap3A_453, %swap3A_454], %swap3A_457 {strides = array<i32>} : memref<128x64xf32, #tpu.memory_space<vmem>>, vector<1x16xf32>,
        %get3A_458 = arith.index_cast %scan3A_435 : i32 to index
        %get3A_459 = arith.constant 32 : index
        %get3A_460 = tpu.vector_load %arg7[%get3A_458, %get3A_459] {strides = array<i32>} : memref<128x64xf32, #tpu.memory_space<vmem>>, vector<1x16xf32>,
        %get3A_461 = vector.shape_cast %get3A_460 : vector<1x16xf32> to vector<16xf32>
        %mul3A_462 = arith.constant 8.000000e+00 : f32
        %mul3A_463 = vector.broadcast %mul3A_462 : f32 to vector<16xf32>
        %mul3A_464 = arith.mulf %get3A_461, %mul3A_463 : vector<16xf32>
        %swap3A_465 = arith.index_cast %scan3A_435 : i32 to index
        %swap3A_466 = arith.constant 32 : index
        %swap3A_467 = tpu.vector_load %arg7[%swap3A_465, %swap3A_466] {strides = array<i32>} : memref<128x64xf32, #tpu.memory_space<vmem>>, vector<1x16xf32>,
        %swap3A_468 = vector.shape_cast %swap3A_467 : vector<1x16xf32> to vector<16xf32>
        %swap3A_469 = vector.shape_cast %mul3A_464 : vector<16xf32> to vector<1x16xf32>
        tpu.vector_store %arg7[%swap3A_465, %swap3A_466], %swap3A_469 {strides = array<i32>} : memref<128x64xf32, #tpu.memory_space<vmem>>, vector<1x16xf32>,
        %get3A_470 = arith.index_cast %scan3A_435 : i32 to index
        %get3A_471 = arith.constant 48 : index
        %get3A_472 = tpu.vector_load %arg7[%get3A_470, %get3A_471] {strides = array<i32>} : memref<128x64xf32, #tpu.memory_space<vmem>>, vector<1x16xf32>,
        %get3A_473 = vector.shape_cast %get3A_472 : vector<1x16xf32> to vector<16xf32>
        %mul3A_474 = arith.constant 8.000000e+00 : f32
        %mul3A_475 = vector.broadcast %mul3A_474 : f32 to vector<16xf32>
        %mul3A_476 = arith.mulf %get3A_473, %mul3A_475 : vector<16xf32>
        %swap3A_477 = arith.index_cast %scan3A_435 : i32 to index
        %swap3A_478 = arith.constant 48 : index
        %swap3A_479 = tpu.vector_load %arg7[%swap3A_477, %swap3A_478] {strides = array<i32>} : memref<128x64xf32, #tpu.memory_space<vmem>>, vector<1x16xf32>,
        %swap3A_480 = vector.shape_cast %swap3A_479 : vector<1x16xf32> to vector<16xf32>
        %swap3A_481 = vector.shape_cast %mul3A_476 : vector<16xf32> to vector<1x16xf32>
        tpu.vector_store %arg7[%swap3A_477, %swap3A_478], %swap3A_481 {strides = array<i32>} : memref<128x64xf32, #tpu.memory_space<vmem>>, vector<1x16xf32>,
        %scan3A_482 = arith.constant 1 : i32
        %scan3A_483 = arith.addi %scan3A_435, %scan3A_482 : i32
        %get3A_484 = arith.index_cast %scan3A_483 : i32 to index
        %get3A_485 = arith.constant 0 : index
        %get3A_486 = tpu.vector_load %arg7[%get3A_484, %get3A_485] {strides = array<i32>} : memref<128x64xf32, #tpu.memory_space<vmem>>, vector<1x16xf32>,
        %get3A_487 = vector.shape_cast %get3A_486 : vector<1x16xf32> to vector<16xf32>
        %mul3A_488 = arith.constant 8.000000e+00 : f32
        %mul3A_489 = vector.broadcast %mul3A_488 : f32 to vector<16xf32>
        %mul3A_490 = arith.mulf %get3A_487, %mul3A_489 : vector<16xf32>
        %swap3A_491 = arith.index_cast %scan3A_483 : i32 to index
        %swap3A_492 = arith.constant 0 : index
        %swap3A_493 = tpu.vector_load %arg7[%swap3A_491, %swap3A_492] {strides = array<i32>} : memref<128x64xf32, #tpu.memory_space<vmem>>, vector<1x16xf32>,
        %swap3A_494 = vector.shape_cast %swap3A_493 : vector<1x16xf32> to vector<16xf32>
        %swap3A_495 = vector.shape_cast %mul3A_490 : vector<16xf32> to vector<1x16xf32>
        tpu.vector_store %arg7[%swap3A_491, %swap3A_492], %swap3A_495 {strides = array<i32>} : memref<128x64xf32, #tpu.memory_space<vmem>>, vector<1x16xf32>,
        %get3A_496 = arith.index_cast %scan3A_483 : i32 to index
        %get3A_497 = arith.constant 16 : index
        %get3A_498 = tpu.vector_load %arg7[%get3A_496, %get3A_497] {strides = array<i32>} : memref<128x64xf32, #tpu.memory_space<vmem>>, vector<1x16xf32>,
        %get3A_499 = vector.shape_cast %get3A_498 : vector<1x16xf32> to vector<16xf32>
        %mul3A_500 = arith.constant 8.000000e+00 : f32
        %mul3A_501 = vector.broadcast %mul3A_500 : f32 to vector<16xf32>
        %mul3A_502 = arith.mulf %get3A_499, %mul3A_501 : vector<16xf32>
        %swap3A_503 = arith.index_cast %scan3A_483 : i32 to index
        %swap3A_504 = arith.constant 16 : index
        %swap3A_505 = tpu.vector_load %arg7[%swap3A_503, %swap3A_504] {strides = array<i32>} : memref<128x64xf32, #tpu.memory_space<vmem>>, vector<1x16xf32>,
        %swap3A_506 = vector.shape_cast %swap3A_505 : vector<1x16xf32> to vector<16xf32>
        %swap3A_507 = vector.shape_cast %mul3A_502 : vector<16xf32> to vector<1x16xf32>
        tpu.vector_store %arg7[%swap3A_503, %swap3A_504], %swap3A_507 {strides = array<i32>} : memref<128x64xf32, #tpu.memory_space<vmem>>, vector<1x16xf32>,
        %get3A_508 = arith.index_cast %scan3A_483 : i32 to index
        %get3A_509 = arith.constant 32 : index
        %get3A_510 = tpu.vector_load %arg7[%get3A_508, %get3A_509] {strides = array<i32>} : memref<128x64xf32, #tpu.memory_space<vmem>>, vector<1x16xf32>,
        %get3A_511 = vector.shape_cast %get3A_510 : vector<1x16xf32> to vector<16xf32>
        %mul3A_512 = arith.constant 8.000000e+00 : f32
        %mul3A_513 = vector.broadcast %mul3A_512 : f32 to vector<16xf32>
        %mul3A_514 = arith.mulf %get3A_511, %mul3A_513 : vector<16xf32>
        %swap3A_515 = arith.index_cast %scan3A_483 : i32 to index
        %swap3A_516 = arith.constant 32 : index
        %swap3A_517 = tpu.vector_load %arg7[%swap3A_515, %swap3A_516] {strides = array<i32>} : memref<128x64xf32, #tpu.memory_space<vmem>>, vector<1x16xf32>,
        %swap3A_518 = vector.shape_cast %swap3A_517 : vector<1x16xf32> to vector<16xf32>
        %swap3A_519 = vector.shape_cast %mul3A_514 : vector<16xf32> to vector<1x16xf32>
        tpu.vector_store %arg7[%swap3A_515, %swap3A_516], %swap3A_519 {strides = array<i32>} : memref<128x64xf32, #tpu.memory_space<vmem>>, vector<1x16xf32>,
        %get3A_520 = arith.index_cast %scan3A_483 : i32 to index
        %get3A_521 = arith.constant 48 : index
        %get3A_522 = tpu.vector_load %arg7[%get3A_520, %get3A_521] {strides = array<i32>} : memref<128x64xf32, #tpu.memory_space<vmem>>, vector<1x16xf32>,
        %get3A_523 = vector.shape_cast %get3A_522 : vector<1x16xf32> to vector<16xf32>
        %mul3A_524 = arith.constant 8.000000e+00 : f32
        %mul3A_525 = vector.broadcast %mul3A_524 : f32 to vector<16xf32>
        %mul3A_526 = arith.mulf %get3A_523, %mul3A_525 : vector<16xf32>
        %swap3A_527 = arith.index_cast %scan3A_483 : i32 to index
        %swap3A_528 = arith.constant 48 : index
        %swap3A_529 = tpu.vector_load %arg7[%swap3A_527, %swap3A_528] {strides = array<i32>} : memref<128x64xf32, #tpu.memory_space<vmem>>, vector<1x16xf32>,
        %swap3A_530 = vector.shape_cast %swap3A_529 : vector<1x16xf32> to vector<16xf32>
        %swap3A_531 = vector.shape_cast %mul3A_526 : vector<16xf32> to vector<1x16xf32>
        tpu.vector_store %arg7[%swap3A_527, %swap3A_528], %swap3A_531 {strides = array<i32>} : memref<128x64xf32, #tpu.memory_space<vmem>>, vector<1x16xf32>,
        %scan3A_532 = arith.constant 2 : i32
        %scan3A_533 = arith.addi %scan3A_435, %scan3A_532 : i32
        %get3A_534 = arith.index_cast %scan3A_533 : i32 to index
        %get3A_535 = arith.constant 0 : index
        %get3A_536 = tpu.vector_load %arg7[%get3A_534, %get3A_535] {strides = array<i32>} : memref<128x64xf32, #tpu.memory_space<vmem>>, vector<1x16xf32>,
        %get3A_537 = vector.shape_cast %get3A_536 : vector<1x16xf32> to vector<16xf32>
        %mul3A_538 = arith.constant 8.000000e+00 : f32
        %mul3A_539 = vector.broadcast %mul3A_538 : f32 to vector<16xf32>
        %mul3A_540 = arith.mulf %get3A_537, %mul3A_539 : vector<16xf32>
        %swap3A_541 = arith.index_cast %scan3A_533 : i32 to index
        %swap3A_542 = arith.constant 0 : index
        %swap3A_543 = tpu.vector_load %arg7[%swap3A_541, %swap3A_542] {strides = array<i32>} : memref<128x64xf32, #tpu.memory_space<vmem>>, vector<1x16xf32>,
        %swap3A_544 = vector.shape_cast %swap3A_543 : vector<1x16xf32> to vector<16xf32>
        %swap3A_545 = vector.shape_cast %mul3A_540 : vector<16xf32> to vector<1x16xf32>
        tpu.vector_store %arg7[%swap3A_541, %swap3A_542], %swap3A_545 {strides = array<i32>} : memref<128x64xf32, #tpu.memory_space<vmem>>, vector<1x16xf32>,
        %get3A_546 = arith.index_cast %scan3A_533 : i32 to index
        %get3A_547 = arith.constant 16 : index
        %get3A_548 = tpu.vector_load %arg7[%get3A_546, %get3A_547] {strides = array<i32>} : memref<128x64xf32, #tpu.memory_space<vmem>>, vector<1x16xf32>,
        %get3A_549 = vector.shape_cast %get3A_548 : vector<1x16xf32> to vector<16xf32>
        %mul3A_550 = arith.constant 8.000000e+00 : f32
        %mul3A_551 = vector.broadcast %mul3A_550 : f32 to vector<16xf32>
        %mul3A_552 = arith.mulf %get3A_549, %mul3A_551 : vector<16xf32>
        %swap3A_553 = arith.index_cast %scan3A_533 : i32 to index
        %swap3A_554 = arith.constant 16 : index
        %swap3A_555 = tpu.vector_load %arg7[%swap3A_553, %swap3A_554] {strides = array<i32>} : memref<128x64xf32, #tpu.memory_space<vmem>>, vector<1x16xf32>,
        %swap3A_556 = vector.shape_cast %swap3A_555 : vector<1x16xf32> to vector<16xf32>
        %swap3A_557 = vector.shape_cast %mul3A_552 : vector<16xf32> to vector<1x16xf32>
        tpu.vector_store %arg7[%swap3A_553, %swap3A_554], %swap3A_557 {strides = array<i32>} : memref<128x64xf32, #tpu.memory_space<vmem>>, vector<1x16xf32>,
        %get3A_558 = arith.index_cast %scan3A_533 : i32 to index
        %get3A_559 = arith.constant 32 : index
        %get3A_560 = tpu.vector_load %arg7[%get3A_558, %get3A_559] {strides = array<i32>} : memref<128x64xf32, #tpu.memory_space<vmem>>, vector<1x16xf32>,
        %get3A_561 = vector.shape_cast %get3A_560 : vector<1x16xf32> to vector<16xf32>
        %mul3A_562 = arith.constant 8.000000e+00 : f32
        %mul3A_563 = vector.broadcast %mul3A_562 : f32 to vector<16xf32>
        %mul3A_564 = arith.mulf %get3A_561, %mul3A_563 : vector<16xf32>
        %swap3A_565 = arith.index_cast %scan3A_533 : i32 to index
        %swap3A_566 = arith.constant 32 : index
        %swap3A_567 = tpu.vector_load %arg7[%swap3A_565, %swap3A_566] {strides = array<i32>} : memref<128x64xf32, #tpu.memory_space<vmem>>, vector<1x16xf32>,
        %swap3A_568 = vector.shape_cast %swap3A_567 : vector<1x16xf32> to vector<16xf32>
        %swap3A_569 = vector.shape_cast %mul3A_564 : vector<16xf32> to vector<1x16xf32>
        tpu.vector_store %arg7[%swap3A_565, %swap3A_566], %swap3A_569 {strides = array<i32>} : memref<128x64xf32, #tpu.memory_space<vmem>>, vector<1x16xf32>,
        %get3A_570 = arith.index_cast %scan3A_533 : i32 to index
        %get3A_571 = arith.constant 48 : index
        %get3A_572 = tpu.vector_load %arg7[%get3A_570, %get3A_571] {strides = array<i32>} : memref<128x64xf32, #tpu.memory_space<vmem>>, vector<1x16xf32>,
        %get3A_573 = vector.shape_cast %get3A_572 : vector<1x16xf32> to vector<16xf32>
        %mul3A_574 = arith.constant 8.000000e+00 : f32
        %mul3A_575 = vector.broadcast %mul3A_574 : f32 to vector<16xf32>
        %mul3A_576 = arith.mulf %get3A_573, %mul3A_575 : vector<16xf32>
        %swap3A_577 = arith.index_cast %scan3A_533 : i32 to index
        %swap3A_578 = arith.constant 48 : index
        %swap3A_579 = tpu.vector_load %arg7[%swap3A_577, %swap3A_578] {strides = array<i32>} : memref<128x64xf32, #tpu.memory_space<vmem>>, vector<1x16xf32>,
        %swap3A_580 = vector.shape_cast %swap3A_579 : vector<1x16xf32> to vector<16xf32>
        %swap3A_581 = vector.shape_cast %mul3A_576 : vector<16xf32> to vector<1x16xf32>
        tpu.vector_store %arg7[%swap3A_577, %swap3A_578], %swap3A_581 {strides = array<i32>} : memref<128x64xf32, #tpu.memory_space<vmem>>, vector<1x16xf32>,
        %scan3A_582 = arith.constant 3 : i32
        %scan3A_583 = arith.addi %scan3A_435, %scan3A_582 : i32
        %get3A_584 = arith.index_cast %scan3A_583 : i32 to index
        %get3A_585 = arith.constant 0 : index
        %get3A_586 = tpu.vector_load %arg7[%get3A_584, %get3A_585] {strides = array<i32>} : memref<128x64xf32, #tpu.memory_space<vmem>>, vector<1x16xf32>,
        %get3A_587 = vector.shape_cast %get3A_586 : vector<1x16xf32> to vector<16xf32>
        %mul3A_588 = arith.constant 8.000000e+00 : f32
        %mul3A_589 = vector.broadcast %mul3A_588 : f32 to vector<16xf32>
        %mul3A_590 = arith.mulf %get3A_587, %mul3A_589 : vector<16xf32>
        %swap3A_591 = arith.index_cast %scan3A_583 : i32 to index
        %swap3A_592 = arith.constant 0 : index
        %swap3A_593 = tpu.vector_load %arg7[%swap3A_591, %swap3A_592] {strides = array<i32>} : memref<128x64xf32, #tpu.memory_space<vmem>>, vector<1x16xf32>,
        %swap3A_594 = vector.shape_cast %swap3A_593 : vector<1x16xf32> to vector<16xf32>
        %swap3A_595 = vector.shape_cast %mul3A_590 : vector<16xf32> to vector<1x16xf32>
        tpu.vector_store %arg7[%swap3A_591, %swap3A_592], %swap3A_595 {strides = array<i32>} : memref<128x64xf32, #tpu.memory_space<vmem>>, vector<1x16xf32>,
        %get3A_596 = arith.index_cast %scan3A_583 : i32 to index
        %get3A_597 = arith.constant 16 : index
        %get3A_598 = tpu.vector_load %arg7[%get3A_596, %get3A_597] {strides = array<i32>} : memref<128x64xf32, #tpu.memory_space<vmem>>, vector<1x16xf32>,
        %get3A_599 = vector.shape_cast %get3A_598 : vector<1x16xf32> to vector<16xf32>
        %mul3A_600 = arith.constant 8.000000e+00 : f32
        %mul3A_601 = vector.broadcast %mul3A_600 : f32 to vector<16xf32>
        %mul3A_602 = arith.mulf %get3A_599, %mul3A_601 : vector<16xf32>
        %swap3A_603 = arith.index_cast %scan3A_583 : i32 to index
        %swap3A_604 = arith.constant 16 : index
        %swap3A_605 = tpu.vector_load %arg7[%swap3A_603, %swap3A_604] {strides = array<i32>} : memref<128x64xf32, #tpu.memory_space<vmem>>, vector<1x16xf32>,
        %swap3A_606 = vector.shape_cast %swap3A_605 : vector<1x16xf32> to vector<16xf32>
        %swap3A_607 = vector.shape_cast %mul3A_602 : vector<16xf32> to vector<1x16xf32>
        tpu.vector_store %arg7[%swap3A_603, %swap3A_604], %swap3A_607 {strides = array<i32>} : memref<128x64xf32, #tpu.memory_space<vmem>>, vector<1x16xf32>,
        %get3A_608 = arith.index_cast %scan3A_583 : i32 to index
        %get3A_609 = arith.constant 32 : index
        %get3A_610 = tpu.vector_load %arg7[%get3A_608, %get3A_609] {strides = array<i32>} : memref<128x64xf32, #tpu.memory_space<vmem>>, vector<1x16xf32>,
        %get3A_611 = vector.shape_cast %get3A_610 : vector<1x16xf32> to vector<16xf32>
        %mul3A_612 = arith.constant 8.000000e+00 : f32
        %mul3A_613 = vector.broadcast %mul3A_612 : f32 to vector<16xf32>
        %mul3A_614 = arith.mulf %get3A_611, %mul3A_613 : vector<16xf32>
        %swap3A_615 = arith.index_cast %scan3A_583 : i32 to index
        %swap3A_616 = arith.constant 32 : index
        %swap3A_617 = tpu.vector_load %arg7[%swap3A_615, %swap3A_616] {strides = array<i32>} : memref<128x64xf32, #tpu.memory_space<vmem>>, vector<1x16xf32>,
        %swap3A_618 = vector.shape_cast %swap3A_617 : vector<1x16xf32> to vector<16xf32>
        %swap3A_619 = vector.shape_cast %mul3A_614 : vector<16xf32> to vector<1x16xf32>
        tpu.vector_store %arg7[%swap3A_615, %swap3A_616], %swap3A_619 {strides = array<i32>} : memref<128x64xf32, #tpu.memory_space<vmem>>, vector<1x16xf32>,
        %get3A_620 = arith.index_cast %scan3A_583 : i32 to index
        %get3A_621 = arith.constant 48 : index
        %get3A_622 = tpu.vector_load %arg7[%get3A_620, %get3A_621] {strides = array<i32>} : memref<128x64xf32, #tpu.memory_space<vmem>>, vector<1x16xf32>,
        %get3A_623 = vector.shape_cast %get3A_622 : vector<1x16xf32> to vector<16xf32>
        %mul3A_624 = arith.constant 8.000000e+00 : f32
        %mul3A_625 = vector.broadcast %mul3A_624 : f32 to vector<16xf32>
        %mul3A_626 = arith.mulf %get3A_623, %mul3A_625 : vector<16xf32>
        %swap3A_627 = arith.index_cast %scan3A_583 : i32 to index
        %swap3A_628 = arith.constant 48 : index
        %swap3A_629 = tpu.vector_load %arg7[%swap3A_627, %swap3A_628] {strides = array<i32>} : memref<128x64xf32, #tpu.memory_space<vmem>>, vector<1x16xf32>,
        %swap3A_630 = vector.shape_cast %swap3A_629 : vector<1x16xf32> to vector<16xf32>
        %swap3A_631 = vector.shape_cast %mul3A_626 : vector<16xf32> to vector<1x16xf32>
        tpu.vector_store %arg7[%swap3A_627, %swap3A_628], %swap3A_631 {strides = array<i32>} : memref<128x64xf32, #tpu.memory_space<vmem>>, vector<1x16xf32>,
      }
      %scan3A_126 = arith.constant 128 : i32
      %dma_start3A_127 = arith.constant 0 : i32
      %dma_start3A_128 = arith.constant 0 : i32
      %dma_start3A_129 = tpu.memref_slice %arg4[%add3A, %add3A_114, %dma_start3A_127, %dma_start3A_128] : memref<32x200x128x64xf32, #tpu.memory_space<hbm>> -> memref<1x1x128x64xf32, #tpu.memory_space<hbm>>
      %dma_start3A_130 = tpu.memref_squeeze %dma_start3A_129 : memref<1x1x128x64xf32, #tpu.memory_space<hbm>> -> memref<128x64xf32, #tpu.memory_space<hbm>>
      %dma_start3A_131 = arith.constant 0 : i32
      %dma_start3A_132 = arith.constant 0 : i32
      %dma_start3A_133 = tpu.memref_slice %arg4[%add3A, %add3A_114, %dma_start3A_131, %dma_start3A_132] : memref<32x200x128x64xf32, #tpu.memory_space<hbm>> -> memref<1x1x128x64xf32, #tpu.memory_space<hbm>>
      %dma_start3A_134 = tpu.memref_squeeze %dma_start3A_133 : memref<1x1x128x64xf32, #tpu.memory_space<hbm>> -> memref<128x64xf32, #tpu.memory_space<hbm>>
      tpu.enqueue_dma source(%arg7 : memref<128x64xf32, #tpu.memory_space<vmem>>) target(%dma_start3A_134 : memref<128x64xf32, #tpu.memory_space<hbm>>) target_semaphore(%arg27 : memref<!tpu.dma_semaphore, #tpu.memory_space<semaphore_mem>>)
      %ge3A_135 = arith.constant 2 : i32
      %ge3A_136 = arith.cmpi sge, %add3A_114, %ge3A_135 : i32
      %convert_element_type3A_137 = arith.extui %ge3A_136 : i1 to i32
      %cond3A_138 = arith.constant 0 : i32
      %cond3A_139 = arith.cmpi ne, %convert_element_type3A_137, %cond3A_138 : i32
      scf.if %cond3A_139 {
        %dma_wait3A_435 = arith.constant 0 : i32
        %dma_wait3A_436 = arith.constant 0 : i32
        %dma_wait3A_437 = arith.constant 0 : i32
        %dma_wait3A_438 = tpu.memref_slice %arg4[%add3A, %dma_wait3A_435, %dma_wait3A_436, %dma_wait3A_437] : memref<32x200x128x64xf32, #tpu.memory_space<hbm>> -> memref<1x1x128x64xf32, #tpu.memory_space<hbm>>
        %dma_wait3A_439 = tpu.memref_squeeze %dma_wait3A_438 : memref<1x1x128x64xf32, #tpu.memory_space<hbm>> -> memref<128x64xf32, #tpu.memory_space<hbm>>
        %dma_wait3A_440 = arith.constant 0 : i32
        %dma_wait3A_441 = arith.constant 0 : i32
        %dma_wait3A_442 = tpu.memref_slice %arg4[%add3A, %dma_wait3A_435, %dma_wait3A_440, %dma_wait3A_441] : memref<32x200x128x64xf32, #tpu.memory_space<hbm>> -> memref<1x1x128x64xf32, #tpu.memory_space<hbm>>
        %dma_wait3A_443 = tpu.memref_squeeze %dma_wait3A_442 : memref<1x1x128x64xf32, #tpu.memory_space<hbm>> -> memref<128x64xf32, #tpu.memory_space<hbm>>
        tpu.wait_dma2 semaphore(%arg35 : memref<!tpu.dma_semaphore, #tpu.memory_space<semaphore_mem>>) src(%arg15 : memref<128x64xf32, #tpu.memory_space<vmem>>) dst(%dma_wait3A_443 : memref<128x64xf32, #tpu.memory_space<hbm>>)
      } else {
      }
      %add3A_140 = arith.constant 8 : i32
      %add3A_141 = arith.addi %add3A_114, %add3A_140 : i32
      %lt3A_142 = arith.constant 200 : i32
      %lt3A_143 = arith.cmpi slt, %add3A_141, %lt3A_142 : i32
      %convert_element_type3A_144 = arith.extui %lt3A_143 : i1 to i32
      %cond3A_145 = arith.constant 0 : i32
      %cond3A_146 = arith.cmpi ne, %convert_element_type3A_144, %cond3A_145 : i32
      scf.if %cond3A_146 {
        %add3A_435 = arith.constant 8 : i32
        %add3A_436 = arith.addi %add3A_114, %add3A_435 : i32
        %dma_start3A_437 = arith.constant 0 : i32
        %dma_start3A_438 = tpu.memref_slice %arg5[%add3A_436, %dma_start3A_437] : memref<200x128xi32, #tpu.memory_space<vmem>> -> memref<1x128xi32, #tpu.memory_space<vmem>>
        %dma_start3A_439 = tpu.memref_squeeze %dma_start3A_438 : memref<1x128xi32, #tpu.memory_space<vmem>> -> memref<128xi32, #tpu.memory_space<vmem>>
        %dma_start3A_440 = arith.constant 0 : i32
        %dma_start3A_441 = arith.constant 0 : i32
        %dma_start3A_442 = tpu.memref_slice %arg3[%dma_start3A_440, %dma_start3A_441] : memref<100000x64xf32, #tpu.memory_space<hbm>> -> memref<100000x64xf32, #tpu.memory_space<hbm>>
        tpu.enqueue_indirect_dma source(%dma_start3A_442 : memref<100000x64xf32, #tpu.memory_space<hbm>>) target(%arg15 : memref<128x64xf32, #tpu.memory_space<vmem>>) offsets(%dma_start3A_439 : memref<128xi32, #tpu.memory_space<vmem>>) semaphore(%arg25 : memref<!tpu.dma_semaphore, #tpu.memory_space<semaphore_mem>>)
      } else {
      }
      %mul3A_147 = arith.constant 10 : i32
      %mul3A_148 = arith.muli %scan3A_78, %mul3A_147 : i32
      %add3A_149 = arith.constant 2 : i32
      %add3A_150 = arith.addi %mul3A_148, %add3A_149 : i32
      %dma_wait3A_151 = arith.constant 0 : i32
      %dma_wait3A_152 = tpu.memref_slice %arg5[%add3A_150, %dma_wait3A_151] : memref<200x128xi32, #tpu.memory_space<vmem>> -> memref<1x128xi32, #tpu.memory_space<vmem>>
      %dma_wait3A_153 = tpu.memref_squeeze %dma_wait3A_152 : memref<1x128xi32, #tpu.memory_space<vmem>> -> memref<128xi32, #tpu.memory_space<vmem>>
      %dma_wait3A_154 = arith.constant 0 : i32
      %dma_wait3A_155 = arith.constant 0 : i32
      %dma_wait3A_156 = tpu.memref_slice %arg3[%dma_wait3A_154, %dma_wait3A_155] : memref<100000x64xf32, #tpu.memory_space<hbm>> -> memref<100000x64xf32, #tpu.memory_space<hbm>>
      tpu.wait_indirect_dma semaphore(%arg18 : memref<!tpu.dma_semaphore, #tpu.memory_space<semaphore_mem>>) src(%dma_wait3A_156 : memref<100000x64xf32, #tpu.memory_space<hbm>>) dst(%arg8 : memref<128x64xf32, #tpu.memory_space<vmem>>)
      %scan3A_157 = arith.constant 0 : i32
      %scan3A_158 = arith.constant 0 : i32
      %scan3A_159 = arith.constant 128 : i32
      %scan3A_160 = arith.addi %scan3A_158, %scan3A_159 : i32
      %scan3A_161 = arith.constant 4 : i32
      scf.for %scan3A_435 = %scan3A_158 to %scan3A_160 step %scan3A_161  : i32 {
        %get3A = arith.index_cast %scan3A_435 : i32 to index
        %get3A_436 = arith.constant 0 : index
        %get3A_437 = tpu.vector_load %arg8[%get3A, %get3A_436] {strides = array<i32>} : memref<128x64xf32, #tpu.memory_space<vmem>>, vector<1x16xf32>,
        %get3A_438 = vector.shape_cast %get3A_437 : vector<1x16xf32> to vector<16xf32>
        %mul3A_439 = arith.constant 8.000000e+00 : f32
        %mul3A_440 = vector.broadcast %mul3A_439 : f32 to vector<16xf32>
        %mul3A_441 = arith.mulf %get3A_438, %mul3A_440 : vector<16xf32>
        %swap3A = arith.index_cast %scan3A_435 : i32 to index
        %swap3A_442 = arith.constant 0 : index
        %swap3A_443 = tpu.vector_load %arg8[%swap3A, %swap3A_442] {strides = array<i32>} : memref<128x64xf32, #tpu.memory_space<vmem>>, vector<1x16xf32>,
        %swap3A_444 = vector.shape_cast %swap3A_443 : vector<1x16xf32> to vector<16xf32>
        %swap3A_445 = vector.shape_cast %mul3A_441 : vector<16xf32> to vector<1x16xf32>
        tpu.vector_store %arg8[%swap3A, %swap3A_442], %swap3A_445 {strides = array<i32>} : memref<128x64xf32, #tpu.memory_space<vmem>>, vector<1x16xf32>,
        %get3A_446 = arith.index_cast %scan3A_435 : i32 to index
        %get3A_447 = arith.constant 16 : index
        %get3A_448 = tpu.vector_load %arg8[%get3A_446, %get3A_447] {strides = array<i32>} : memref<128x64xf32, #tpu.memory_space<vmem>>, vector<1x16xf32>,
        %get3A_449 = vector.shape_cast %get3A_448 : vector<1x16xf32> to vector<16xf32>
        %mul3A_450 = arith.constant 8.000000e+00 : f32
        %mul3A_451 = vector.broadcast %mul3A_450 : f32 to vector<16xf32>
        %mul3A_452 = arith.mulf %get3A_449, %mul3A_451 : vector<16xf32>
        %swap3A_453 = arith.index_cast %scan3A_435 : i32 to index
        %swap3A_454 = arith.constant 16 : index
        %swap3A_455 = tpu.vector_load %arg8[%swap3A_453, %swap3A_454] {strides = array<i32>} : memref<128x64xf32, #tpu.memory_space<vmem>>, vector<1x16xf32>,
        %swap3A_456 = vector.shape_cast %swap3A_455 : vector<1x16xf32> to vector<16xf32>
        %swap3A_457 = vector.shape_cast %mul3A_452 : vector<16xf32> to vector<1x16xf32>
        tpu.vector_store %arg8[%swap3A_453, %swap3A_454], %swap3A_457 {strides = array<i32>} : memref<128x64xf32, #tpu.memory_space<vmem>>, vector<1x16xf32>,
        %get3A_458 = arith.index_cast %scan3A_435 : i32 to index
        %get3A_459 = arith.constant 32 : index
        %get3A_460 = tpu.vector_load %arg8[%get3A_458, %get3A_459] {strides = array<i32>} : memref<128x64xf32, #tpu.memory_space<vmem>>, vector<1x16xf32>,
        %get3A_461 = vector.shape_cast %get3A_460 : vector<1x16xf32> to vector<16xf32>
        %mul3A_462 = arith.constant 8.000000e+00 : f32
        %mul3A_463 = vector.broadcast %mul3A_462 : f32 to vector<16xf32>
        %mul3A_464 = arith.mulf %get3A_461, %mul3A_463 : vector<16xf32>
        %swap3A_465 = arith.index_cast %scan3A_435 : i32 to index
        %swap3A_466 = arith.constant 32 : index
        %swap3A_467 = tpu.vector_load %arg8[%swap3A_465, %swap3A_466] {strides = array<i32>} : memref<128x64xf32, #tpu.memory_space<vmem>>, vector<1x16xf32>,
        %swap3A_468 = vector.shape_cast %swap3A_467 : vector<1x16xf32> to vector<16xf32>
        %swap3A_469 = vector.shape_cast %mul3A_464 : vector<16xf32> to vector<1x16xf32>
        tpu.vector_store %arg8[%swap3A_465, %swap3A_466], %swap3A_469 {strides = array<i32>} : memref<128x64xf32, #tpu.memory_space<vmem>>, vector<1x16xf32>,
        %get3A_470 = arith.index_cast %scan3A_435 : i32 to index
        %get3A_471 = arith.constant 48 : index
        %get3A_472 = tpu.vector_load %arg8[%get3A_470, %get3A_471] {strides = array<i32>} : memref<128x64xf32, #tpu.memory_space<vmem>>, vector<1x16xf32>,
        %get3A_473 = vector.shape_cast %get3A_472 : vector<1x16xf32> to vector<16xf32>
        %mul3A_474 = arith.constant 8.000000e+00 : f32
        %mul3A_475 = vector.broadcast %mul3A_474 : f32 to vector<16xf32>
        %mul3A_476 = arith.mulf %get3A_473, %mul3A_475 : vector<16xf32>
        %swap3A_477 = arith.index_cast %scan3A_435 : i32 to index
        %swap3A_478 = arith.constant 48 : index
        %swap3A_479 = tpu.vector_load %arg8[%swap3A_477, %swap3A_478] {strides = array<i32>} : memref<128x64xf32, #tpu.memory_space<vmem>>, vector<1x16xf32>,
        %swap3A_480 = vector.shape_cast %swap3A_479 : vector<1x16xf32> to vector<16xf32>
        %swap3A_481 = vector.shape_cast %mul3A_476 : vector<16xf32> to vector<1x16xf32>
        tpu.vector_store %arg8[%swap3A_477, %swap3A_478], %swap3A_481 {strides = array<i32>} : memref<128x64xf32, #tpu.memory_space<vmem>>, vector<1x16xf32>,
        %scan3A_482 = arith.constant 1 : i32
        %scan3A_483 = arith.addi %scan3A_435, %scan3A_482 : i32
        %get3A_484 = arith.index_cast %scan3A_483 : i32 to index
        %get3A_485 = arith.constant 0 : index
        %get3A_486 = tpu.vector_load %arg8[%get3A_484, %get3A_485] {strides = array<i32>} : memref<128x64xf32, #tpu.memory_space<vmem>>, vector<1x16xf32>,
        %get3A_487 = vector.shape_cast %get3A_486 : vector<1x16xf32> to vector<16xf32>
        %mul3A_488 = arith.constant 8.000000e+00 : f32
        %mul3A_489 = vector.broadcast %mul3A_488 : f32 to vector<16xf32>
        %mul3A_490 = arith.mulf %get3A_487, %mul3A_489 : vector<16xf32>
        %swap3A_491 = arith.index_cast %scan3A_483 : i32 to index
        %swap3A_492 = arith.constant 0 : index
        %swap3A_493 = tpu.vector_load %arg8[%swap3A_491, %swap3A_492] {strides = array<i32>} : memref<128x64xf32, #tpu.memory_space<vmem>>, vector<1x16xf32>,
        %swap3A_494 = vector.shape_cast %swap3A_493 : vector<1x16xf32> to vector<16xf32>
        %swap3A_495 = vector.shape_cast %mul3A_490 : vector<16xf32> to vector<1x16xf32>
        tpu.vector_store %arg8[%swap3A_491, %swap3A_492], %swap3A_495 {strides = array<i32>} : memref<128x64xf32, #tpu.memory_space<vmem>>, vector<1x16xf32>,
        %get3A_496 = arith.index_cast %scan3A_483 : i32 to index
        %get3A_497 = arith.constant 16 : index
        %get3A_498 = tpu.vector_load %arg8[%get3A_496, %get3A_497] {strides = array<i32>} : memref<128x64xf32, #tpu.memory_space<vmem>>, vector<1x16xf32>,
        %get3A_499 = vector.shape_cast %get3A_498 : vector<1x16xf32> to vector<16xf32>
        %mul3A_500 = arith.constant 8.000000e+00 : f32
        %mul3A_501 = vector.broadcast %mul3A_500 : f32 to vector<16xf32>
        %mul3A_502 = arith.mulf %get3A_499, %mul3A_501 : vector<16xf32>
        %swap3A_503 = arith.index_cast %scan3A_483 : i32 to index
        %swap3A_504 = arith.constant 16 : index
        %swap3A_505 = tpu.vector_load %arg8[%swap3A_503, %swap3A_504] {strides = array<i32>} : memref<128x64xf32, #tpu.memory_space<vmem>>, vector<1x16xf32>,
        %swap3A_506 = vector.shape_cast %swap3A_505 : vector<1x16xf32> to vector<16xf32>
        %swap3A_507 = vector.shape_cast %mul3A_502 : vector<16xf32> to vector<1x16xf32>
        tpu.vector_store %arg8[%swap3A_503, %swap3A_504], %swap3A_507 {strides = array<i32>} : memref<128x64xf32, #tpu.memory_space<vmem>>, vector<1x16xf32>,
        %get3A_508 = arith.index_cast %scan3A_483 : i32 to index
        %get3A_509 = arith.constant 32 : index
        %get3A_510 = tpu.vector_load %arg8[%get3A_508, %get3A_509] {strides = array<i32>} : memref<128x64xf32, #tpu.memory_space<vmem>>, vector<1x16xf32>,
        %get3A_511 = vector.shape_cast %get3A_510 : vector<1x16xf32> to vector<16xf32>
        %mul3A_512 = arith.constant 8.000000e+00 : f32
        %mul3A_513 = vector.broadcast %mul3A_512 : f32 to vector<16xf32>
        %mul3A_514 = arith.mulf %get3A_511, %mul3A_513 : vector<16xf32>
        %swap3A_515 = arith.index_cast %scan3A_483 : i32 to index
        %swap3A_516 = arith.constant 32 : index
        %swap3A_517 = tpu.vector_load %arg8[%swap3A_515, %swap3A_516] {strides = array<i32>} : memref<128x64xf32, #tpu.memory_space<vmem>>, vector<1x16xf32>,
        %swap3A_518 = vector.shape_cast %swap3A_517 : vector<1x16xf32> to vector<16xf32>
        %swap3A_519 = vector.shape_cast %mul3A_514 : vector<16xf32> to vector<1x16xf32>
        tpu.vector_store %arg8[%swap3A_515, %swap3A_516], %swap3A_519 {strides = array<i32>} : memref<128x64xf32, #tpu.memory_space<vmem>>, vector<1x16xf32>,
        %get3A_520 = arith.index_cast %scan3A_483 : i32 to index
        %get3A_521 = arith.constant 48 : index
        %get3A_522 = tpu.vector_load %arg8[%get3A_520, %get3A_521] {strides = array<i32>} : memref<128x64xf32, #tpu.memory_space<vmem>>, vector<1x16xf32>,
        %get3A_523 = vector.shape_cast %get3A_522 : vector<1x16xf32> to vector<16xf32>
        %mul3A_524 = arith.constant 8.000000e+00 : f32
        %mul3A_525 = vector.broadcast %mul3A_524 : f32 to vector<16xf32>
        %mul3A_526 = arith.mulf %get3A_523, %mul3A_525 : vector<16xf32>
        %swap3A_527 = arith.index_cast %scan3A_483 : i32 to index
        %swap3A_528 = arith.constant 48 : index
        %swap3A_529 = tpu.vector_load %arg8[%swap3A_527, %swap3A_528] {strides = array<i32>} : memref<128x64xf32, #tpu.memory_space<vmem>>, vector<1x16xf32>,
        %swap3A_530 = vector.shape_cast %swap3A_529 : vector<1x16xf32> to vector<16xf32>
        %swap3A_531 = vector.shape_cast %mul3A_526 : vector<16xf32> to vector<1x16xf32>
        tpu.vector_store %arg8[%swap3A_527, %swap3A_528], %swap3A_531 {strides = array<i32>} : memref<128x64xf32, #tpu.memory_space<vmem>>, vector<1x16xf32>,
        %scan3A_532 = arith.constant 2 : i32
        %scan3A_533 = arith.addi %scan3A_435, %scan3A_532 : i32
        %get3A_534 = arith.index_cast %scan3A_533 : i32 to index
        %get3A_535 = arith.constant 0 : index
        %get3A_536 = tpu.vector_load %arg8[%get3A_534, %get3A_535] {strides = array<i32>} : memref<128x64xf32, #tpu.memory_space<vmem>>, vector<1x16xf32>,
        %get3A_537 = vector.shape_cast %get3A_536 : vector<1x16xf32> to vector<16xf32>
        %mul3A_538 = arith.constant 8.000000e+00 : f32
        %mul3A_539 = vector.broadcast %mul3A_538 : f32 to vector<16xf32>
        %mul3A_540 = arith.mulf %get3A_537, %mul3A_539 : vector<16xf32>
        %swap3A_541 = arith.index_cast %scan3A_533 : i32 to index
        %swap3A_542 = arith.constant 0 : index
        %swap3A_543 = tpu.vector_load %arg8[%swap3A_541, %swap3A_542] {strides = array<i32>} : memref<128x64xf32, #tpu.memory_space<vmem>>, vector<1x16xf32>,
        %swap3A_544 = vector.shape_cast %swap3A_543 : vector<1x16xf32> to vector<16xf32>
        %swap3A_545 = vector.shape_cast %mul3A_540 : vector<16xf32> to vector<1x16xf32>
        tpu.vector_store %arg8[%swap3A_541, %swap3A_542], %swap3A_545 {strides = array<i32>} : memref<128x64xf32, #tpu.memory_space<vmem>>, vector<1x16xf32>,
        %get3A_546 = arith.index_cast %scan3A_533 : i32 to index
        %get3A_547 = arith.constant 16 : index
        %get3A_548 = tpu.vector_load %arg8[%get3A_546, %get3A_547] {strides = array<i32>} : memref<128x64xf32, #tpu.memory_space<vmem>>, vector<1x16xf32>,
        %get3A_549 = vector.shape_cast %get3A_548 : vector<1x16xf32> to vector<16xf32>
        %mul3A_550 = arith.constant 8.000000e+00 : f32
        %mul3A_551 = vector.broadcast %mul3A_550 : f32 to vector<16xf32>
        %mul3A_552 = arith.mulf %get3A_549, %mul3A_551 : vector<16xf32>
        %swap3A_553 = arith.index_cast %scan3A_533 : i32 to index
        %swap3A_554 = arith.constant 16 : index
        %swap3A_555 = tpu.vector_load %arg8[%swap3A_553, %swap3A_554] {strides = array<i32>} : memref<128x64xf32, #tpu.memory_space<vmem>>, vector<1x16xf32>,
        %swap3A_556 = vector.shape_cast %swap3A_555 : vector<1x16xf32> to vector<16xf32>
        %swap3A_557 = vector.shape_cast %mul3A_552 : vector<16xf32> to vector<1x16xf32>
        tpu.vector_store %arg8[%swap3A_553, %swap3A_554], %swap3A_557 {strides = array<i32>} : memref<128x64xf32, #tpu.memory_space<vmem>>, vector<1x16xf32>,
        %get3A_558 = arith.index_cast %scan3A_533 : i32 to index
        %get3A_559 = arith.constant 32 : index
        %get3A_560 = tpu.vector_load %arg8[%get3A_558, %get3A_559] {strides = array<i32>} : memref<128x64xf32, #tpu.memory_space<vmem>>, vector<1x16xf32>,
        %get3A_561 = vector.shape_cast %get3A_560 : vector<1x16xf32> to vector<16xf32>
        %mul3A_562 = arith.constant 8.000000e+00 : f32
        %mul3A_563 = vector.broadcast %mul3A_562 : f32 to vector<16xf32>
        %mul3A_564 = arith.mulf %get3A_561, %mul3A_563 : vector<16xf32>
        %swap3A_565 = arith.index_cast %scan3A_533 : i32 to index
        %swap3A_566 = arith.constant 32 : index
        %swap3A_567 = tpu.vector_load %arg8[%swap3A_565, %swap3A_566] {strides = array<i32>} : memref<128x64xf32, #tpu.memory_space<vmem>>, vector<1x16xf32>,
        %swap3A_568 = vector.shape_cast %swap3A_567 : vector<1x16xf32> to vector<16xf32>
        %swap3A_569 = vector.shape_cast %mul3A_564 : vector<16xf32> to vector<1x16xf32>
        tpu.vector_store %arg8[%swap3A_565, %swap3A_566], %swap3A_569 {strides = array<i32>} : memref<128x64xf32, #tpu.memory_space<vmem>>, vector<1x16xf32>,
        %get3A_570 = arith.index_cast %scan3A_533 : i32 to index
        %get3A_571 = arith.constant 48 : index
        %get3A_572 = tpu.vector_load %arg8[%get3A_570, %get3A_571] {strides = array<i32>} : memref<128x64xf32, #tpu.memory_space<vmem>>, vector<1x16xf32>,
        %get3A_573 = vector.shape_cast %get3A_572 : vector<1x16xf32> to vector<16xf32>
        %mul3A_574 = arith.constant 8.000000e+00 : f32
        %mul3A_575 = vector.broadcast %mul3A_574 : f32 to vector<16xf32>
        %mul3A_576 = arith.mulf %get3A_573, %mul3A_575 : vector<16xf32>
        %swap3A_577 = arith.index_cast %scan3A_533 : i32 to index
        %swap3A_578 = arith.constant 48 : index
        %swap3A_579 = tpu.vector_load %arg8[%swap3A_577, %swap3A_578] {strides = array<i32>} : memref<128x64xf32, #tpu.memory_space<vmem>>, vector<1x16xf32>,
        %swap3A_580 = vector.shape_cast %swap3A_579 : vector<1x16xf32> to vector<16xf32>
        %swap3A_581 = vector.shape_cast %mul3A_576 : vector<16xf32> to vector<1x16xf32>
        tpu.vector_store %arg8[%swap3A_577, %swap3A_578], %swap3A_581 {strides = array<i32>} : memref<128x64xf32, #tpu.memory_space<vmem>>, vector<1x16xf32>,
        %scan3A_582 = arith.constant 3 : i32
        %scan3A_583 = arith.addi %scan3A_435, %scan3A_582 : i32
        %get3A_584 = arith.index_cast %scan3A_583 : i32 to index
        %get3A_585 = arith.constant 0 : index
        %get3A_586 = tpu.vector_load %arg8[%get3A_584, %get3A_585] {strides = array<i32>} : memref<128x64xf32, #tpu.memory_space<vmem>>, vector<1x16xf32>,
        %get3A_587 = vector.shape_cast %get3A_586 : vector<1x16xf32> to vector<16xf32>
        %mul3A_588 = arith.constant 8.000000e+00 : f32
        %mul3A_589 = vector.broadcast %mul3A_588 : f32 to vector<16xf32>
        %mul3A_590 = arith.mulf %get3A_587, %mul3A_589 : vector<16xf32>
        %swap3A_591 = arith.index_cast %scan3A_583 : i32 to index
        %swap3A_592 = arith.constant 0 : index
        %swap3A_593 = tpu.vector_load %arg8[%swap3A_591, %swap3A_592] {strides = array<i32>} : memref<128x64xf32, #tpu.memory_space<vmem>>, vector<1x16xf32>,
        %swap3A_594 = vector.shape_cast %swap3A_593 : vector<1x16xf32> to vector<16xf32>
        %swap3A_595 = vector.shape_cast %mul3A_590 : vector<16xf32> to vector<1x16xf32>
        tpu.vector_store %arg8[%swap3A_591, %swap3A_592], %swap3A_595 {strides = array<i32>} : memref<128x64xf32, #tpu.memory_space<vmem>>, vector<1x16xf32>,
        %get3A_596 = arith.index_cast %scan3A_583 : i32 to index
        %get3A_597 = arith.constant 16 : index
        %get3A_598 = tpu.vector_load %arg8[%get3A_596, %get3A_597] {strides = array<i32>} : memref<128x64xf32, #tpu.memory_space<vmem>>, vector<1x16xf32>,
        %get3A_599 = vector.shape_cast %get3A_598 : vector<1x16xf32> to vector<16xf32>
        %mul3A_600 = arith.constant 8.000000e+00 : f32
        %mul3A_601 = vector.broadcast %mul3A_600 : f32 to vector<16xf32>
        %mul3A_602 = arith.mulf %get3A_599, %mul3A_601 : vector<16xf32>
        %swap3A_603 = arith.index_cast %scan3A_583 : i32 to index
        %swap3A_604 = arith.constant 16 : index
        %swap3A_605 = tpu.vector_load %arg8[%swap3A_603, %swap3A_604] {strides = array<i32>} : memref<128x64xf32, #tpu.memory_space<vmem>>, vector<1x16xf32>,
        %swap3A_606 = vector.shape_cast %swap3A_605 : vector<1x16xf32> to vector<16xf32>
        %swap3A_607 = vector.shape_cast %mul3A_602 : vector<16xf32> to vector<1x16xf32>
        tpu.vector_store %arg8[%swap3A_603, %swap3A_604], %swap3A_607 {strides = array<i32>} : memref<128x64xf32, #tpu.memory_space<vmem>>, vector<1x16xf32>,
        %get3A_608 = arith.index_cast %scan3A_583 : i32 to index
        %get3A_609 = arith.constant 32 : index
        %get3A_610 = tpu.vector_load %arg8[%get3A_608, %get3A_609] {strides = array<i32>} : memref<128x64xf32, #tpu.memory_space<vmem>>, vector<1x16xf32>,
        %get3A_611 = vector.shape_cast %get3A_610 : vector<1x16xf32> to vector<16xf32>
        %mul3A_612 = arith.constant 8.000000e+00 : f32
        %mul3A_613 = vector.broadcast %mul3A_612 : f32 to vector<16xf32>
        %mul3A_614 = arith.mulf %get3A_611, %mul3A_613 : vector<16xf32>
        %swap3A_615 = arith.index_cast %scan3A_583 : i32 to index
        %swap3A_616 = arith.constant 32 : index
        %swap3A_617 = tpu.vector_load %arg8[%swap3A_615, %swap3A_616] {strides = array<i32>} : memref<128x64xf32, #tpu.memory_space<vmem>>, vector<1x16xf32>,
        %swap3A_618 = vector.shape_cast %swap3A_617 : vector<1x16xf32> to vector<16xf32>
        %swap3A_619 = vector.shape_cast %mul3A_614 : vector<16xf32> to vector<1x16xf32>
        tpu.vector_store %arg8[%swap3A_615, %swap3A_616], %swap3A_619 {strides = array<i32>} : memref<128x64xf32, #tpu.memory_space<vmem>>, vector<1x16xf32>,
        %get3A_620 = arith.index_cast %scan3A_583 : i32 to index
        %get3A_621 = arith.constant 48 : index
        %get3A_622 = tpu.vector_load %arg8[%get3A_620, %get3A_621] {strides = array<i32>} : memref<128x64xf32, #tpu.memory_space<vmem>>, vector<1x16xf32>,
        %get3A_623 = vector.shape_cast %get3A_622 : vector<1x16xf32> to vector<16xf32>
        %mul3A_624 = arith.constant 8.000000e+00 : f32
        %mul3A_625 = vector.broadcast %mul3A_624 : f32 to vector<16xf32>
        %mul3A_626 = arith.mulf %get3A_623, %mul3A_625 : vector<16xf32>
        %swap3A_627 = arith.index_cast %scan3A_583 : i32 to index
        %swap3A_628 = arith.constant 48 : index
        %swap3A_629 = tpu.vector_load %arg8[%swap3A_627, %swap3A_628] {strides = array<i32>} : memref<128x64xf32, #tpu.memory_space<vmem>>, vector<1x16xf32>,
        %swap3A_630 = vector.shape_cast %swap3A_629 : vector<1x16xf32> to vector<16xf32>
        %swap3A_631 = vector.shape_cast %mul3A_626 : vector<16xf32> to vector<1x16xf32>
        tpu.vector_store %arg8[%swap3A_627, %swap3A_628], %swap3A_631 {strides = array<i32>} : memref<128x64xf32, #tpu.memory_space<vmem>>, vector<1x16xf32>,
      }
      %scan3A_162 = arith.constant 128 : i32
      %dma_start3A_163 = arith.constant 0 : i32
      %dma_start3A_164 = arith.constant 0 : i32
      %dma_start3A_165 = tpu.memref_slice %arg4[%add3A, %add3A_150, %dma_start3A_163, %dma_start3A_164] : memref<32x200x128x64xf32, #tpu.memory_space<hbm>> -> memref<1x1x128x64xf32, #tpu.memory_space<hbm>>
      %dma_start3A_166 = tpu.memref_squeeze %dma_start3A_165 : memref<1x1x128x64xf32, #tpu.memory_space<hbm>> -> memref<128x64xf32, #tpu.memory_space<hbm>>
      %dma_start3A_167 = arith.constant 0 : i32
      %dma_start3A_168 = arith.constant 0 : i32
      %dma_start3A_169 = tpu.memref_slice %arg4[%add3A, %add3A_150, %dma_start3A_167, %dma_start3A_168] : memref<32x200x128x64xf32, #tpu.memory_space<hbm>> -> memref<1x1x128x64xf32, #tpu.memory_space<hbm>>
      %dma_start3A_170 = tpu.memref_squeeze %dma_start3A_169 : memref<1x1x128x64xf32, #tpu.memory_space<hbm>> -> memref<128x64xf32, #tpu.memory_space<hbm>>
      tpu.enqueue_dma source(%arg8 : memref<128x64xf32, #tpu.memory_space<vmem>>) target(%dma_start3A_170 : memref<128x64xf32, #tpu.memory_space<hbm>>) target_semaphore(%arg28 : memref<!tpu.dma_semaphore, #tpu.memory_space<semaphore_mem>>)
      %ge3A_171 = arith.constant 2 : i32
      %ge3A_172 = arith.cmpi sge, %add3A_150, %ge3A_171 : i32
      %convert_element_type3A_173 = arith.extui %ge3A_172 : i1 to i32
      %cond3A_174 = arith.constant 0 : i32
      %cond3A_175 = arith.cmpi ne, %convert_element_type3A_173, %cond3A_174 : i32
      scf.if %cond3A_175 {
        %dma_wait3A_435 = arith.constant 0 : i32
        %dma_wait3A_436 = arith.constant 0 : i32
        %dma_wait3A_437 = arith.constant 0 : i32
        %dma_wait3A_438 = tpu.memref_slice %arg4[%add3A, %dma_wait3A_435, %dma_wait3A_436, %dma_wait3A_437] : memref<32x200x128x64xf32, #tpu.memory_space<hbm>> -> memref<1x1x128x64xf32, #tpu.memory_space<hbm>>
        %dma_wait3A_439 = tpu.memref_squeeze %dma_wait3A_438 : memref<1x1x128x64xf32, #tpu.memory_space<hbm>> -> memref<128x64xf32, #tpu.memory_space<hbm>>
        %dma_wait3A_440 = arith.constant 0 : i32
        %dma_wait3A_441 = arith.constant 0 : i32
        %dma_wait3A_442 = tpu.memref_slice %arg4[%add3A, %dma_wait3A_435, %dma_wait3A_440, %dma_wait3A_441] : memref<32x200x128x64xf32, #tpu.memory_space<hbm>> -> memref<1x1x128x64xf32, #tpu.memory_space<hbm>>
        %dma_wait3A_443 = tpu.memref_squeeze %dma_wait3A_442 : memref<1x1x128x64xf32, #tpu.memory_space<hbm>> -> memref<128x64xf32, #tpu.memory_space<hbm>>
        tpu.wait_dma2 semaphore(%arg26 : memref<!tpu.dma_semaphore, #tpu.memory_space<semaphore_mem>>) src(%arg6 : memref<128x64xf32, #tpu.memory_space<vmem>>) dst(%dma_wait3A_443 : memref<128x64xf32, #tpu.memory_space<hbm>>)
      } else {
      }
      %add3A_176 = arith.constant 8 : i32
      %add3A_177 = arith.addi %add3A_150, %add3A_176 : i32
      %lt3A_178 = arith.constant 200 : i32
      %lt3A_179 = arith.cmpi slt, %add3A_177, %lt3A_178 : i32
      %convert_element_type3A_180 = arith.extui %lt3A_179 : i1 to i32
      %cond3A_181 = arith.constant 0 : i32
      %cond3A_182 = arith.cmpi ne, %convert_element_type3A_180, %cond3A_181 : i32
      scf.if %cond3A_182 {
        %add3A_435 = arith.constant 8 : i32
        %add3A_436 = arith.addi %add3A_150, %add3A_435 : i32
        %dma_start3A_437 = arith.constant 0 : i32
        %dma_start3A_438 = tpu.memref_slice %arg5[%add3A_436, %dma_start3A_437] : memref<200x128xi32, #tpu.memory_space<vmem>> -> memref<1x128xi32, #tpu.memory_space<vmem>>
        %dma_start3A_439 = tpu.memref_squeeze %dma_start3A_438 : memref<1x128xi32, #tpu.memory_space<vmem>> -> memref<128xi32, #tpu.memory_space<vmem>>
        %dma_start3A_440 = arith.constant 0 : i32
        %dma_start3A_441 = arith.constant 0 : i32
        %dma_start3A_442 = tpu.memref_slice %arg3[%dma_start3A_440, %dma_start3A_441] : memref<100000x64xf32, #tpu.memory_space<hbm>> -> memref<100000x64xf32, #tpu.memory_space<hbm>>
        tpu.enqueue_indirect_dma source(%dma_start3A_442 : memref<100000x64xf32, #tpu.memory_space<hbm>>) target(%arg6 : memref<128x64xf32, #tpu.memory_space<vmem>>) offsets(%dma_start3A_439 : memref<128xi32, #tpu.memory_space<vmem>>) semaphore(%arg16 : memref<!tpu.dma_semaphore, #tpu.memory_space<semaphore_mem>>)
      } else {
      }
      %mul3A_183 = arith.constant 10 : i32
      %mul3A_184 = arith.muli %scan3A_78, %mul3A_183 : i32
      %add3A_185 = arith.constant 3 : i32
      %add3A_186 = arith.addi %mul3A_184, %add3A_185 : i32
      %dma_wait3A_187 = arith.constant 0 : i32
      %dma_wait3A_188 = tpu.memref_slice %arg5[%add3A_186, %dma_wait3A_187] : memref<200x128xi32, #tpu.memory_space<vmem>> -> memref<1x128xi32, #tpu.memory_space<vmem>>
      %dma_wait3A_189 = tpu.memref_squeeze %dma_wait3A_188 : memref<1x128xi32, #tpu.memory_space<vmem>> -> memref<128xi32, #tpu.memory_space<vmem>>
      %dma_wait3A_190 = arith.constant 0 : i32
      %dma_wait3A_191 = arith.constant 0 : i32
      %dma_wait3A_192 = tpu.memref_slice %arg3[%dma_wait3A_190, %dma_wait3A_191] : memref<100000x64xf32, #tpu.memory_space<hbm>> -> memref<100000x64xf32, #tpu.memory_space<hbm>>
      tpu.wait_indirect_dma semaphore(%arg19 : memref<!tpu.dma_semaphore, #tpu.memory_space<semaphore_mem>>) src(%dma_wait3A_192 : memref<100000x64xf32, #tpu.memory_space<hbm>>) dst(%arg9 : memref<128x64xf32, #tpu.memory_space<vmem>>)
      %scan3A_193 = arith.constant 0 : i32
      %scan3A_194 = arith.constant 0 : i32
      %scan3A_195 = arith.constant 128 : i32
      %scan3A_196 = arith.addi %scan3A_194, %scan3A_195 : i32
      %scan3A_197 = arith.constant 4 : i32
      scf.for %scan3A_435 = %scan3A_194 to %scan3A_196 step %scan3A_197  : i32 {
        %get3A = arith.index_cast %scan3A_435 : i32 to index
        %get3A_436 = arith.constant 0 : index
        %get3A_437 = tpu.vector_load %arg9[%get3A, %get3A_436] {strides = array<i32>} : memref<128x64xf32, #tpu.memory_space<vmem>>, vector<1x16xf32>,
        %get3A_438 = vector.shape_cast %get3A_437 : vector<1x16xf32> to vector<16xf32>
        %mul3A_439 = arith.constant 8.000000e+00 : f32
        %mul3A_440 = vector.broadcast %mul3A_439 : f32 to vector<16xf32>
        %mul3A_441 = arith.mulf %get3A_438, %mul3A_440 : vector<16xf32>
        %swap3A = arith.index_cast %scan3A_435 : i32 to index
        %swap3A_442 = arith.constant 0 : index
        %swap3A_443 = tpu.vector_load %arg9[%swap3A, %swap3A_442] {strides = array<i32>} : memref<128x64xf32, #tpu.memory_space<vmem>>, vector<1x16xf32>,
        %swap3A_444 = vector.shape_cast %swap3A_443 : vector<1x16xf32> to vector<16xf32>
        %swap3A_445 = vector.shape_cast %mul3A_441 : vector<16xf32> to vector<1x16xf32>
        tpu.vector_store %arg9[%swap3A, %swap3A_442], %swap3A_445 {strides = array<i32>} : memref<128x64xf32, #tpu.memory_space<vmem>>, vector<1x16xf32>,
        %get3A_446 = arith.index_cast %scan3A_435 : i32 to index
        %get3A_447 = arith.constant 16 : index
        %get3A_448 = tpu.vector_load %arg9[%get3A_446, %get3A_447] {strides = array<i32>} : memref<128x64xf32, #tpu.memory_space<vmem>>, vector<1x16xf32>,
        %get3A_449 = vector.shape_cast %get3A_448 : vector<1x16xf32> to vector<16xf32>
        %mul3A_450 = arith.constant 8.000000e+00 : f32
        %mul3A_451 = vector.broadcast %mul3A_450 : f32 to vector<16xf32>
        %mul3A_452 = arith.mulf %get3A_449, %mul3A_451 : vector<16xf32>
        %swap3A_453 = arith.index_cast %scan3A_435 : i32 to index
        %swap3A_454 = arith.constant 16 : index
        %swap3A_455 = tpu.vector_load %arg9[%swap3A_453, %swap3A_454] {strides = array<i32>} : memref<128x64xf32, #tpu.memory_space<vmem>>, vector<1x16xf32>,
        %swap3A_456 = vector.shape_cast %swap3A_455 : vector<1x16xf32> to vector<16xf32>
        %swap3A_457 = vector.shape_cast %mul3A_452 : vector<16xf32> to vector<1x16xf32>
        tpu.vector_store %arg9[%swap3A_453, %swap3A_454], %swap3A_457 {strides = array<i32>} : memref<128x64xf32, #tpu.memory_space<vmem>>, vector<1x16xf32>,
        %get3A_458 = arith.index_cast %scan3A_435 : i32 to index
        %get3A_459 = arith.constant 32 : index
        %get3A_460 = tpu.vector_load %arg9[%get3A_458, %get3A_459] {strides = array<i32>} : memref<128x64xf32, #tpu.memory_space<vmem>>, vector<1x16xf32>,
        %get3A_461 = vector.shape_cast %get3A_460 : vector<1x16xf32> to vector<16xf32>
        %mul3A_462 = arith.constant 8.000000e+00 : f32
        %mul3A_463 = vector.broadcast %mul3A_462 : f32 to vector<16xf32>
        %mul3A_464 = arith.mulf %get3A_461, %mul3A_463 : vector<16xf32>
        %swap3A_465 = arith.index_cast %scan3A_435 : i32 to index
        %swap3A_466 = arith.constant 32 : index
        %swap3A_467 = tpu.vector_load %arg9[%swap3A_465, %swap3A_466] {strides = array<i32>} : memref<128x64xf32, #tpu.memory_space<vmem>>, vector<1x16xf32>,
        %swap3A_468 = vector.shape_cast %swap3A_467 : vector<1x16xf32> to vector<16xf32>
        %swap3A_469 = vector.shape_cast %mul3A_464 : vector<16xf32> to vector<1x16xf32>
        tpu.vector_store %arg9[%swap3A_465, %swap3A_466], %swap3A_469 {strides = array<i32>} : memref<128x64xf32, #tpu.memory_space<vmem>>, vector<1x16xf32>,
        %get3A_470 = arith.index_cast %scan3A_435 : i32 to index
        %get3A_471 = arith.constant 48 : index
        %get3A_472 = tpu.vector_load %arg9[%get3A_470, %get3A_471] {strides = array<i32>} : memref<128x64xf32, #tpu.memory_space<vmem>>, vector<1x16xf32>,
        %get3A_473 = vector.shape_cast %get3A_472 : vector<1x16xf32> to vector<16xf32>
        %mul3A_474 = arith.constant 8.000000e+00 : f32
        %mul3A_475 = vector.broadcast %mul3A_474 : f32 to vector<16xf32>
        %mul3A_476 = arith.mulf %get3A_473, %mul3A_475 : vector<16xf32>
        %swap3A_477 = arith.index_cast %scan3A_435 : i32 to index
        %swap3A_478 = arith.constant 48 : index
        %swap3A_479 = tpu.vector_load %arg9[%swap3A_477, %swap3A_478] {strides = array<i32>} : memref<128x64xf32, #tpu.memory_space<vmem>>, vector<1x16xf32>,
        %swap3A_480 = vector.shape_cast %swap3A_479 : vector<1x16xf32> to vector<16xf32>
        %swap3A_481 = vector.shape_cast %mul3A_476 : vector<16xf32> to vector<1x16xf32>
        tpu.vector_store %arg9[%swap3A_477, %swap3A_478], %swap3A_481 {strides = array<i32>} : memref<128x64xf32, #tpu.memory_space<vmem>>, vector<1x16xf32>,
        %scan3A_482 = arith.constant 1 : i32
        %scan3A_483 = arith.addi %scan3A_435, %scan3A_482 : i32
        %get3A_484 = arith.index_cast %scan3A_483 : i32 to index
        %get3A_485 = arith.constant 0 : index
        %get3A_486 = tpu.vector_load %arg9[%get3A_484, %get3A_485] {strides = array<i32>} : memref<128x64xf32, #tpu.memory_space<vmem>>, vector<1x16xf32>,
        %get3A_487 = vector.shape_cast %get3A_486 : vector<1x16xf32> to vector<16xf32>
        %mul3A_488 = arith.constant 8.000000e+00 : f32
        %mul3A_489 = vector.broadcast %mul3A_488 : f32 to vector<16xf32>
        %mul3A_490 = arith.mulf %get3A_487, %mul3A_489 : vector<16xf32>
        %swap3A_491 = arith.index_cast %scan3A_483 : i32 to index
        %swap3A_492 = arith.constant 0 : index
        %swap3A_493 = tpu.vector_load %arg9[%swap3A_491, %swap3A_492] {strides = array<i32>} : memref<128x64xf32, #tpu.memory_space<vmem>>, vector<1x16xf32>,
        %swap3A_494 = vector.shape_cast %swap3A_493 : vector<1x16xf32> to vector<16xf32>
        %swap3A_495 = vector.shape_cast %mul3A_490 : vector<16xf32> to vector<1x16xf32>
        tpu.vector_store %arg9[%swap3A_491, %swap3A_492], %swap3A_495 {strides = array<i32>} : memref<128x64xf32, #tpu.memory_space<vmem>>, vector<1x16xf32>,
        %get3A_496 = arith.index_cast %scan3A_483 : i32 to index
        %get3A_497 = arith.constant 16 : index
        %get3A_498 = tpu.vector_load %arg9[%get3A_496, %get3A_497] {strides = array<i32>} : memref<128x64xf32, #tpu.memory_space<vmem>>, vector<1x16xf32>,
        %get3A_499 = vector.shape_cast %get3A_498 : vector<1x16xf32> to vector<16xf32>
        %mul3A_500 = arith.constant 8.000000e+00 : f32
        %mul3A_501 = vector.broadcast %mul3A_500 : f32 to vector<16xf32>
        %mul3A_502 = arith.mulf %get3A_499, %mul3A_501 : vector<16xf32>
        %swap3A_503 = arith.index_cast %scan3A_483 : i32 to index
        %swap3A_504 = arith.constant 16 : index
        %swap3A_505 = tpu.vector_load %arg9[%swap3A_503, %swap3A_504] {strides = array<i32>} : memref<128x64xf32, #tpu.memory_space<vmem>>, vector<1x16xf32>,
        %swap3A_506 = vector.shape_cast %swap3A_505 : vector<1x16xf32> to vector<16xf32>
        %swap3A_507 = vector.shape_cast %mul3A_502 : vector<16xf32> to vector<1x16xf32>
        tpu.vector_store %arg9[%swap3A_503, %swap3A_504], %swap3A_507 {strides = array<i32>} : memref<128x64xf32, #tpu.memory_space<vmem>>, vector<1x16xf32>,
        %get3A_508 = arith.index_cast %scan3A_483 : i32 to index
        %get3A_509 = arith.constant 32 : index
        %get3A_510 = tpu.vector_load %arg9[%get3A_508, %get3A_509] {strides = array<i32>} : memref<128x64xf32, #tpu.memory_space<vmem>>, vector<1x16xf32>,
        %get3A_511 = vector.shape_cast %get3A_510 : vector<1x16xf32> to vector<16xf32>
        %mul3A_512 = arith.constant 8.000000e+00 : f32
        %mul3A_513 = vector.broadcast %mul3A_512 : f32 to vector<16xf32>
        %mul3A_514 = arith.mulf %get3A_511, %mul3A_513 : vector<16xf32>
        %swap3A_515 = arith.index_cast %scan3A_483 : i32 to index
        %swap3A_516 = arith.constant 32 : index
        %swap3A_517 = tpu.vector_load %arg9[%swap3A_515, %swap3A_516] {strides = array<i32>} : memref<128x64xf32, #tpu.memory_space<vmem>>, vector<1x16xf32>,
        %swap3A_518 = vector.shape_cast %swap3A_517 : vector<1x16xf32> to vector<16xf32>
        %swap3A_519 = vector.shape_cast %mul3A_514 : vector<16xf32> to vector<1x16xf32>
        tpu.vector_store %arg9[%swap3A_515, %swap3A_516], %swap3A_519 {strides = array<i32>} : memref<128x64xf32, #tpu.memory_space<vmem>>, vector<1x16xf32>,
        %get3A_520 = arith.index_cast %scan3A_483 : i32 to index
        %get3A_521 = arith.constant 48 : index
        %get3A_522 = tpu.vector_load %arg9[%get3A_520, %get3A_521] {strides = array<i32>} : memref<128x64xf32, #tpu.memory_space<vmem>>, vector<1x16xf32>,
        %get3A_523 = vector.shape_cast %get3A_522 : vector<1x16xf32> to vector<16xf32>
        %mul3A_524 = arith.constant 8.000000e+00 : f32
        %mul3A_525 = vector.broadcast %mul3A_524 : f32 to vector<16xf32>
        %mul3A_526 = arith.mulf %get3A_523, %mul3A_525 : vector<16xf32>
        %swap3A_527 = arith.index_cast %scan3A_483 : i32 to index
        %swap3A_528 = arith.constant 48 : index
        %swap3A_529 = tpu.vector_load %arg9[%swap3A_527, %swap3A_528] {strides = array<i32>} : memref<128x64xf32, #tpu.memory_space<vmem>>, vector<1x16xf32>,
        %swap3A_530 = vector.shape_cast %swap3A_529 : vector<1x16xf32> to vector<16xf32>
        %swap3A_531 = vector.shape_cast %mul3A_526 : vector<16xf32> to vector<1x16xf32>
        tpu.vector_store %arg9[%swap3A_527, %swap3A_528], %swap3A_531 {strides = array<i32>} : memref<128x64xf32, #tpu.memory_space<vmem>>, vector<1x16xf32>,
        %scan3A_532 = arith.constant 2 : i32
        %scan3A_533 = arith.addi %scan3A_435, %scan3A_532 : i32
        %get3A_534 = arith.index_cast %scan3A_533 : i32 to index
        %get3A_535 = arith.constant 0 : index
        %get3A_536 = tpu.vector_load %arg9[%get3A_534, %get3A_535] {strides = array<i32>} : memref<128x64xf32, #tpu.memory_space<vmem>>, vector<1x16xf32>,
        %get3A_537 = vector.shape_cast %get3A_536 : vector<1x16xf32> to vector<16xf32>
        %mul3A_538 = arith.constant 8.000000e+00 : f32
        %mul3A_539 = vector.broadcast %mul3A_538 : f32 to vector<16xf32>
        %mul3A_540 = arith.mulf %get3A_537, %mul3A_539 : vector<16xf32>
        %swap3A_541 = arith.index_cast %scan3A_533 : i32 to index
        %swap3A_542 = arith.constant 0 : index
        %swap3A_543 = tpu.vector_load %arg9[%swap3A_541, %swap3A_542] {strides = array<i32>} : memref<128x64xf32, #tpu.memory_space<vmem>>, vector<1x16xf32>,
        %swap3A_544 = vector.shape_cast %swap3A_543 : vector<1x16xf32> to vector<16xf32>
        %swap3A_545 = vector.shape_cast %mul3A_540 : vector<16xf32> to vector<1x16xf32>
        tpu.vector_store %arg9[%swap3A_541, %swap3A_542], %swap3A_545 {strides = array<i32>} : memref<128x64xf32, #tpu.memory_space<vmem>>, vector<1x16xf32>,
        %get3A_546 = arith.index_cast %scan3A_533 : i32 to index
        %get3A_547 = arith.constant 16 : index
        %get3A_548 = tpu.vector_load %arg9[%get3A_546, %get3A_547] {strides = array<i32>} : memref<128x64xf32, #tpu.memory_space<vmem>>, vector<1x16xf32>,
        %get3A_549 = vector.shape_cast %get3A_548 : vector<1x16xf32> to vector<16xf32>
        %mul3A_550 = arith.constant 8.000000e+00 : f32
        %mul3A_551 = vector.broadcast %mul3A_550 : f32 to vector<16xf32>
        %mul3A_552 = arith.mulf %get3A_549, %mul3A_551 : vector<16xf32>
        %swap3A_553 = arith.index_cast %scan3A_533 : i32 to index
        %swap3A_554 = arith.constant 16 : index
        %swap3A_555 = tpu.vector_load %arg9[%swap3A_553, %swap3A_554] {strides = array<i32>} : memref<128x64xf32, #tpu.memory_space<vmem>>, vector<1x16xf32>,
        %swap3A_556 = vector.shape_cast %swap3A_555 : vector<1x16xf32> to vector<16xf32>
        %swap3A_557 = vector.shape_cast %mul3A_552 : vector<16xf32> to vector<1x16xf32>
        tpu.vector_store %arg9[%swap3A_553, %swap3A_554], %swap3A_557 {strides = array<i32>} : memref<128x64xf32, #tpu.memory_space<vmem>>, vector<1x16xf32>,
        %get3A_558 = arith.index_cast %scan3A_533 : i32 to index
        %get3A_559 = arith.constant 32 : index
        %get3A_560 = tpu.vector_load %arg9[%get3A_558, %get3A_559] {strides = array<i32>} : memref<128x64xf32, #tpu.memory_space<vmem>>, vector<1x16xf32>,
        %get3A_561 = vector.shape_cast %get3A_560 : vector<1x16xf32> to vector<16xf32>
        %mul3A_562 = arith.constant 8.000000e+00 : f32
        %mul3A_563 = vector.broadcast %mul3A_562 : f32 to vector<16xf32>
        %mul3A_564 = arith.mulf %get3A_561, %mul3A_563 : vector<16xf32>
        %swap3A_565 = arith.index_cast %scan3A_533 : i32 to index
        %swap3A_566 = arith.constant 32 : index
        %swap3A_567 = tpu.vector_load %arg9[%swap3A_565, %swap3A_566] {strides = array<i32>} : memref<128x64xf32, #tpu.memory_space<vmem>>, vector<1x16xf32>,
        %swap3A_568 = vector.shape_cast %swap3A_567 : vector<1x16xf32> to vector<16xf32>
        %swap3A_569 = vector.shape_cast %mul3A_564 : vector<16xf32> to vector<1x16xf32>
        tpu.vector_store %arg9[%swap3A_565, %swap3A_566], %swap3A_569 {strides = array<i32>} : memref<128x64xf32, #tpu.memory_space<vmem>>, vector<1x16xf32>,
        %get3A_570 = arith.index_cast %scan3A_533 : i32 to index
        %get3A_571 = arith.constant 48 : index
        %get3A_572 = tpu.vector_load %arg9[%get3A_570, %get3A_571] {strides = array<i32>} : memref<128x64xf32, #tpu.memory_space<vmem>>, vector<1x16xf32>,
        %get3A_573 = vector.shape_cast %get3A_572 : vector<1x16xf32> to vector<16xf32>
        %mul3A_574 = arith.constant 8.000000e+00 : f32
        %mul3A_575 = vector.broadcast %mul3A_574 : f32 to vector<16xf32>
        %mul3A_576 = arith.mulf %get3A_573, %mul3A_575 : vector<16xf32>
        %swap3A_577 = arith.index_cast %scan3A_533 : i32 to index
        %swap3A_578 = arith.constant 48 : index
        %swap3A_579 = tpu.vector_load %arg9[%swap3A_577, %swap3A_578] {strides = array<i32>} : memref<128x64xf32, #tpu.memory_space<vmem>>, vector<1x16xf32>,
        %swap3A_580 = vector.shape_cast %swap3A_579 : vector<1x16xf32> to vector<16xf32>
        %swap3A_581 = vector.shape_cast %mul3A_576 : vector<16xf32> to vector<1x16xf32>
        tpu.vector_store %arg9[%swap3A_577, %swap3A_578], %swap3A_581 {strides = array<i32>} : memref<128x64xf32, #tpu.memory_space<vmem>>, vector<1x16xf32>,
        %scan3A_582 = arith.constant 3 : i32
        %scan3A_583 = arith.addi %scan3A_435, %scan3A_582 : i32
        %get3A_584 = arith.index_cast %scan3A_583 : i32 to index
        %get3A_585 = arith.constant 0 : index
        %get3A_586 = tpu.vector_load %arg9[%get3A_584, %get3A_585] {strides = array<i32>} : memref<128x64xf32, #tpu.memory_space<vmem>>, vector<1x16xf32>,
        %get3A_587 = vector.shape_cast %get3A_586 : vector<1x16xf32> to vector<16xf32>
        %mul3A_588 = arith.constant 8.000000e+00 : f32
        %mul3A_589 = vector.broadcast %mul3A_588 : f32 to vector<16xf32>
        %mul3A_590 = arith.mulf %get3A_587, %mul3A_589 : vector<16xf32>
        %swap3A_591 = arith.index_cast %scan3A_583 : i32 to index
        %swap3A_592 = arith.constant 0 : index
        %swap3A_593 = tpu.vector_load %arg9[%swap3A_591, %swap3A_592] {strides = array<i32>} : memref<128x64xf32, #tpu.memory_space<vmem>>, vector<1x16xf32>,
        %swap3A_594 = vector.shape_cast %swap3A_593 : vector<1x16xf32> to vector<16xf32>
        %swap3A_595 = vector.shape_cast %mul3A_590 : vector<16xf32> to vector<1x16xf32>
        tpu.vector_store %arg9[%swap3A_591, %swap3A_592], %swap3A_595 {strides = array<i32>} : memref<128x64xf32, #tpu.memory_space<vmem>>, vector<1x16xf32>,
        %get3A_596 = arith.index_cast %scan3A_583 : i32 to index
        %get3A_597 = arith.constant 16 : index
        %get3A_598 = tpu.vector_load %arg9[%get3A_596, %get3A_597] {strides = array<i32>} : memref<128x64xf32, #tpu.memory_space<vmem>>, vector<1x16xf32>,
        %get3A_599 = vector.shape_cast %get3A_598 : vector<1x16xf32> to vector<16xf32>
        %mul3A_600 = arith.constant 8.000000e+00 : f32
        %mul3A_601 = vector.broadcast %mul3A_600 : f32 to vector<16xf32>
        %mul3A_602 = arith.mulf %get3A_599, %mul3A_601 : vector<16xf32>
        %swap3A_603 = arith.index_cast %scan3A_583 : i32 to index
        %swap3A_604 = arith.constant 16 : index
        %swap3A_605 = tpu.vector_load %arg9[%swap3A_603, %swap3A_604] {strides = array<i32>} : memref<128x64xf32, #tpu.memory_space<vmem>>, vector<1x16xf32>,
        %swap3A_606 = vector.shape_cast %swap3A_605 : vector<1x16xf32> to vector<16xf32>
        %swap3A_607 = vector.shape_cast %mul3A_602 : vector<16xf32> to vector<1x16xf32>
        tpu.vector_store %arg9[%swap3A_603, %swap3A_604], %swap3A_607 {strides = array<i32>} : memref<128x64xf32, #tpu.memory_space<vmem>>, vector<1x16xf32>,
        %get3A_608 = arith.index_cast %scan3A_583 : i32 to index
        %get3A_609 = arith.constant 32 : index
        %get3A_610 = tpu.vector_load %arg9[%get3A_608, %get3A_609] {strides = array<i32>} : memref<128x64xf32, #tpu.memory_space<vmem>>, vector<1x16xf32>,
        %get3A_611 = vector.shape_cast %get3A_610 : vector<1x16xf32> to vector<16xf32>
        %mul3A_612 = arith.constant 8.000000e+00 : f32
        %mul3A_613 = vector.broadcast %mul3A_612 : f32 to vector<16xf32>
        %mul3A_614 = arith.mulf %get3A_611, %mul3A_613 : vector<16xf32>
        %swap3A_615 = arith.index_cast %scan3A_583 : i32 to index
        %swap3A_616 = arith.constant 32 : index
        %swap3A_617 = tpu.vector_load %arg9[%swap3A_615, %swap3A_616] {strides = array<i32>} : memref<128x64xf32, #tpu.memory_space<vmem>>, vector<1x16xf32>,
        %swap3A_618 = vector.shape_cast %swap3A_617 : vector<1x16xf32> to vector<16xf32>
        %swap3A_619 = vector.shape_cast %mul3A_614 : vector<16xf32> to vector<1x16xf32>
        tpu.vector_store %arg9[%swap3A_615, %swap3A_616], %swap3A_619 {strides = array<i32>} : memref<128x64xf32, #tpu.memory_space<vmem>>, vector<1x16xf32>,
        %get3A_620 = arith.index_cast %scan3A_583 : i32 to index
        %get3A_621 = arith.constant 48 : index
        %get3A_622 = tpu.vector_load %arg9[%get3A_620, %get3A_621] {strides = array<i32>} : memref<128x64xf32, #tpu.memory_space<vmem>>, vector<1x16xf32>,
        %get3A_623 = vector.shape_cast %get3A_622 : vector<1x16xf32> to vector<16xf32>
        %mul3A_624 = arith.constant 8.000000e+00 : f32
        %mul3A_625 = vector.broadcast %mul3A_624 : f32 to vector<16xf32>
        %mul3A_626 = arith.mulf %get3A_623, %mul3A_625 : vector<16xf32>
        %swap3A_627 = arith.index_cast %scan3A_583 : i32 to index
        %swap3A_628 = arith.constant 48 : index
        %swap3A_629 = tpu.vector_load %arg9[%swap3A_627, %swap3A_628] {strides = array<i32>} : memref<128x64xf32, #tpu.memory_space<vmem>>, vector<1x16xf32>,
        %swap3A_630 = vector.shape_cast %swap3A_629 : vector<1x16xf32> to vector<16xf32>
        %swap3A_631 = vector.shape_cast %mul3A_626 : vector<16xf32> to vector<1x16xf32>
        tpu.vector_store %arg9[%swap3A_627, %swap3A_628], %swap3A_631 {strides = array<i32>} : memref<128x64xf32, #tpu.memory_space<vmem>>, vector<1x16xf32>,
      }
      %scan3A_198 = arith.constant 128 : i32
      %dma_start3A_199 = arith.constant 0 : i32
      %dma_start3A_200 = arith.constant 0 : i32
      %dma_start3A_201 = tpu.memref_slice %arg4[%add3A, %add3A_186, %dma_start3A_199, %dma_start3A_200] : memref<32x200x128x64xf32, #tpu.memory_space<hbm>> -> memref<1x1x128x64xf32, #tpu.memory_space<hbm>>
      %dma_start3A_202 = tpu.memref_squeeze %dma_start3A_201 : memref<1x1x128x64xf32, #tpu.memory_space<hbm>> -> memref<128x64xf32, #tpu.memory_space<hbm>>
      %dma_start3A_203 = arith.constant 0 : i32
      %dma_start3A_204 = arith.constant 0 : i32
      %dma_start3A_205 = tpu.memref_slice %arg4[%add3A, %add3A_186, %dma_start3A_203, %dma_start3A_204] : memref<32x200x128x64xf32, #tpu.memory_space<hbm>> -> memref<1x1x128x64xf32, #tpu.memory_space<hbm>>
      %dma_start3A_206 = tpu.memref_squeeze %dma_start3A_205 : memref<1x1x128x64xf32, #tpu.memory_space<hbm>> -> memref<128x64xf32, #tpu.memory_space<hbm>>
      tpu.enqueue_dma source(%arg9 : memref<128x64xf32, #tpu.memory_space<vmem>>) target(%dma_start3A_206 : memref<128x64xf32, #tpu.memory_space<hbm>>) target_semaphore(%arg29 : memref<!tpu.dma_semaphore, #tpu.memory_space<semaphore_mem>>)
      %ge3A_207 = arith.constant 2 : i32
      %ge3A_208 = arith.cmpi sge, %add3A_186, %ge3A_207 : i32
      %convert_element_type3A_209 = arith.extui %ge3A_208 : i1 to i32
      %cond3A_210 = arith.constant 0 : i32
      %cond3A_211 = arith.cmpi ne, %convert_element_type3A_209, %cond3A_210 : i32
      scf.if %cond3A_211 {
        %dma_wait3A_435 = arith.constant 0 : i32
        %dma_wait3A_436 = arith.constant 0 : i32
        %dma_wait3A_437 = arith.constant 0 : i32
        %dma_wait3A_438 = tpu.memref_slice %arg4[%add3A, %dma_wait3A_435, %dma_wait3A_436, %dma_wait3A_437] : memref<32x200x128x64xf32, #tpu.memory_space<hbm>> -> memref<1x1x128x64xf32, #tpu.memory_space<hbm>>
        %dma_wait3A_439 = tpu.memref_squeeze %dma_wait3A_438 : memref<1x1x128x64xf32, #tpu.memory_space<hbm>> -> memref<128x64xf32, #tpu.memory_space<hbm>>
        %dma_wait3A_440 = arith.constant 0 : i32
        %dma_wait3A_441 = arith.constant 0 : i32
        %dma_wait3A_442 = tpu.memref_slice %arg4[%add3A, %dma_wait3A_435, %dma_wait3A_440, %dma_wait3A_441] : memref<32x200x128x64xf32, #tpu.memory_space<hbm>> -> memref<1x1x128x64xf32, #tpu.memory_space<hbm>>
        %dma_wait3A_443 = tpu.memref_squeeze %dma_wait3A_442 : memref<1x1x128x64xf32, #tpu.memory_space<hbm>> -> memref<128x64xf32, #tpu.memory_space<hbm>>
        tpu.wait_dma2 semaphore(%arg27 : memref<!tpu.dma_semaphore, #tpu.memory_space<semaphore_mem>>) src(%arg7 : memref<128x64xf32, #tpu.memory_space<vmem>>) dst(%dma_wait3A_443 : memref<128x64xf32, #tpu.memory_space<hbm>>)
      } else {
      }
      %add3A_212 = arith.constant 8 : i32
      %add3A_213 = arith.addi %add3A_186, %add3A_212 : i32
      %lt3A_214 = arith.constant 200 : i32
      %lt3A_215 = arith.cmpi slt, %add3A_213, %lt3A_214 : i32
      %convert_element_type3A_216 = arith.extui %lt3A_215 : i1 to i32
      %cond3A_217 = arith.constant 0 : i32
      %cond3A_218 = arith.cmpi ne, %convert_element_type3A_216, %cond3A_217 : i32
      scf.if %cond3A_218 {
        %add3A_435 = arith.constant 8 : i32
        %add3A_436 = arith.addi %add3A_186, %add3A_435 : i32
        %dma_start3A_437 = arith.constant 0 : i32
        %dma_start3A_438 = tpu.memref_slice %arg5[%add3A_436, %dma_start3A_437] : memref<200x128xi32, #tpu.memory_space<vmem>> -> memref<1x128xi32, #tpu.memory_space<vmem>>
        %dma_start3A_439 = tpu.memref_squeeze %dma_start3A_438 : memref<1x128xi32, #tpu.memory_space<vmem>> -> memref<128xi32, #tpu.memory_space<vmem>>
        %dma_start3A_440 = arith.constant 0 : i32
        %dma_start3A_441 = arith.constant 0 : i32
        %dma_start3A_442 = tpu.memref_slice %arg3[%dma_start3A_440, %dma_start3A_441] : memref<100000x64xf32, #tpu.memory_space<hbm>> -> memref<100000x64xf32, #tpu.memory_space<hbm>>
        tpu.enqueue_indirect_dma source(%dma_start3A_442 : memref<100000x64xf32, #tpu.memory_space<hbm>>) target(%arg7 : memref<128x64xf32, #tpu.memory_space<vmem>>) offsets(%dma_start3A_439 : memref<128xi32, #tpu.memory_space<vmem>>) semaphore(%arg17 : memref<!tpu.dma_semaphore, #tpu.memory_space<semaphore_mem>>)
      } else {
      }
      %mul3A_219 = arith.constant 10 : i32
      %mul3A_220 = arith.muli %scan3A_78, %mul3A_219 : i32
      %add3A_221 = arith.constant 4 : i32
      %add3A_222 = arith.addi %mul3A_220, %add3A_221 : i32
      %dma_wait3A_223 = arith.constant 0 : i32
      %dma_wait3A_224 = tpu.memref_slice %arg5[%add3A_222, %dma_wait3A_223] : memref<200x128xi32, #tpu.memory_space<vmem>> -> memref<1x128xi32, #tpu.memory_space<vmem>>
      %dma_wait3A_225 = tpu.memref_squeeze %dma_wait3A_224 : memref<1x128xi32, #tpu.memory_space<vmem>> -> memref<128xi32, #tpu.memory_space<vmem>>
      %dma_wait3A_226 = arith.constant 0 : i32
      %dma_wait3A_227 = arith.constant 0 : i32
      %dma_wait3A_228 = tpu.memref_slice %arg3[%dma_wait3A_226, %dma_wait3A_227] : memref<100000x64xf32, #tpu.memory_space<hbm>> -> memref<100000x64xf32, #tpu.memory_space<hbm>>
      tpu.wait_indirect_dma semaphore(%arg20 : memref<!tpu.dma_semaphore, #tpu.memory_space<semaphore_mem>>) src(%dma_wait3A_228 : memref<100000x64xf32, #tpu.memory_space<hbm>>) dst(%arg10 : memref<128x64xf32, #tpu.memory_space<vmem>>)
      %scan3A_229 = arith.constant 0 : i32
      %scan3A_230 = arith.constant 0 : i32
      %scan3A_231 = arith.constant 128 : i32
      %scan3A_232 = arith.addi %scan3A_230, %scan3A_231 : i32
      %scan3A_233 = arith.constant 4 : i32
      scf.for %scan3A_435 = %scan3A_230 to %scan3A_232 step %scan3A_233  : i32 {
        %get3A = arith.index_cast %scan3A_435 : i32 to index
        %get3A_436 = arith.constant 0 : index
        %get3A_437 = tpu.vector_load %arg10[%get3A, %get3A_436] {strides = array<i32>} : memref<128x64xf32, #tpu.memory_space<vmem>>, vector<1x16xf32>,
        %get3A_438 = vector.shape_cast %get3A_437 : vector<1x16xf32> to vector<16xf32>
        %mul3A_439 = arith.constant 8.000000e+00 : f32
        %mul3A_440 = vector.broadcast %mul3A_439 : f32 to vector<16xf32>
        %mul3A_441 = arith.mulf %get3A_438, %mul3A_440 : vector<16xf32>
        %swap3A = arith.index_cast %scan3A_435 : i32 to index
        %swap3A_442 = arith.constant 0 : index
        %swap3A_443 = tpu.vector_load %arg10[%swap3A, %swap3A_442] {strides = array<i32>} : memref<128x64xf32, #tpu.memory_space<vmem>>, vector<1x16xf32>,
        %swap3A_444 = vector.shape_cast %swap3A_443 : vector<1x16xf32> to vector<16xf32>
        %swap3A_445 = vector.shape_cast %mul3A_441 : vector<16xf32> to vector<1x16xf32>
        tpu.vector_store %arg10[%swap3A, %swap3A_442], %swap3A_445 {strides = array<i32>} : memref<128x64xf32, #tpu.memory_space<vmem>>, vector<1x16xf32>,
        %get3A_446 = arith.index_cast %scan3A_435 : i32 to index
        %get3A_447 = arith.constant 16 : index
        %get3A_448 = tpu.vector_load %arg10[%get3A_446, %get3A_447] {strides = array<i32>} : memref<128x64xf32, #tpu.memory_space<vmem>>, vector<1x16xf32>,
        %get3A_449 = vector.shape_cast %get3A_448 : vector<1x16xf32> to vector<16xf32>
        %mul3A_450 = arith.constant 8.000000e+00 : f32
        %mul3A_451 = vector.broadcast %mul3A_450 : f32 to vector<16xf32>
        %mul3A_452 = arith.mulf %get3A_449, %mul3A_451 : vector<16xf32>
        %swap3A_453 = arith.index_cast %scan3A_435 : i32 to index
        %swap3A_454 = arith.constant 16 : index
        %swap3A_455 = tpu.vector_load %arg10[%swap3A_453, %swap3A_454] {strides = array<i32>} : memref<128x64xf32, #tpu.memory_space<vmem>>, vector<1x16xf32>,
        %swap3A_456 = vector.shape_cast %swap3A_455 : vector<1x16xf32> to vector<16xf32>
        %swap3A_457 = vector.shape_cast %mul3A_452 : vector<16xf32> to vector<1x16xf32>
        tpu.vector_store %arg10[%swap3A_453, %swap3A_454], %swap3A_457 {strides = array<i32>} : memref<128x64xf32, #tpu.memory_space<vmem>>, vector<1x16xf32>,
        %get3A_458 = arith.index_cast %scan3A_435 : i32 to index
        %get3A_459 = arith.constant 32 : index
        %get3A_460 = tpu.vector_load %arg10[%get3A_458, %get3A_459] {strides = array<i32>} : memref<128x64xf32, #tpu.memory_space<vmem>>, vector<1x16xf32>,
        %get3A_461 = vector.shape_cast %get3A_460 : vector<1x16xf32> to vector<16xf32>
        %mul3A_462 = arith.constant 8.000000e+00 : f32
        %mul3A_463 = vector.broadcast %mul3A_462 : f32 to vector<16xf32>
        %mul3A_464 = arith.mulf %get3A_461, %mul3A_463 : vector<16xf32>
        %swap3A_465 = arith.index_cast %scan3A_435 : i32 to index
        %swap3A_466 = arith.constant 32 : index
        %swap3A_467 = tpu.vector_load %arg10[%swap3A_465, %swap3A_466] {strides = array<i32>} : memref<128x64xf32, #tpu.memory_space<vmem>>, vector<1x16xf32>,
        %swap3A_468 = vector.shape_cast %swap3A_467 : vector<1x16xf32> to vector<16xf32>
        %swap3A_469 = vector.shape_cast %mul3A_464 : vector<16xf32> to vector<1x16xf32>
        tpu.vector_store %arg10[%swap3A_465, %swap3A_466], %swap3A_469 {strides = array<i32>} : memref<128x64xf32, #tpu.memory_space<vmem>>, vector<1x16xf32>,
        %get3A_470 = arith.index_cast %scan3A_435 : i32 to index
        %get3A_471 = arith.constant 48 : index
        %get3A_472 = tpu.vector_load %arg10[%get3A_470, %get3A_471] {strides = array<i32>} : memref<128x64xf32, #tpu.memory_space<vmem>>, vector<1x16xf32>,
        %get3A_473 = vector.shape_cast %get3A_472 : vector<1x16xf32> to vector<16xf32>
        %mul3A_474 = arith.constant 8.000000e+00 : f32
        %mul3A_475 = vector.broadcast %mul3A_474 : f32 to vector<16xf32>
        %mul3A_476 = arith.mulf %get3A_473, %mul3A_475 : vector<16xf32>
        %swap3A_477 = arith.index_cast %scan3A_435 : i32 to index
        %swap3A_478 = arith.constant 48 : index
        %swap3A_479 = tpu.vector_load %arg10[%swap3A_477, %swap3A_478] {strides = array<i32>} : memref<128x64xf32, #tpu.memory_space<vmem>>, vector<1x16xf32>,
        %swap3A_480 = vector.shape_cast %swap3A_479 : vector<1x16xf32> to vector<16xf32>
        %swap3A_481 = vector.shape_cast %mul3A_476 : vector<16xf32> to vector<1x16xf32>
        tpu.vector_store %arg10[%swap3A_477, %swap3A_478], %swap3A_481 {strides = array<i32>} : memref<128x64xf32, #tpu.memory_space<vmem>>, vector<1x16xf32>,
        %scan3A_482 = arith.constant 1 : i32
        %scan3A_483 = arith.addi %scan3A_435, %scan3A_482 : i32
        %get3A_484 = arith.index_cast %scan3A_483 : i32 to index
        %get3A_485 = arith.constant 0 : index
        %get3A_486 = tpu.vector_load %arg10[%get3A_484, %get3A_485] {strides = array<i32>} : memref<128x64xf32, #tpu.memory_space<vmem>>, vector<1x16xf32>,
        %get3A_487 = vector.shape_cast %get3A_486 : vector<1x16xf32> to vector<16xf32>
        %mul3A_488 = arith.constant 8.000000e+00 : f32
        %mul3A_489 = vector.broadcast %mul3A_488 : f32 to vector<16xf32>
        %mul3A_490 = arith.mulf %get3A_487, %mul3A_489 : vector<16xf32>
        %swap3A_491 = arith.index_cast %scan3A_483 : i32 to index
        %swap3A_492 = arith.constant 0 : index
        %swap3A_493 = tpu.vector_load %arg10[%swap3A_491, %swap3A_492] {strides = array<i32>} : memref<128x64xf32, #tpu.memory_space<vmem>>, vector<1x16xf32>,
        %swap3A_494 = vector.shape_cast %swap3A_493 : vector<1x16xf32> to vector<16xf32>
        %swap3A_495 = vector.shape_cast %mul3A_490 : vector<16xf32> to vector<1x16xf32>
        tpu.vector_store %arg10[%swap3A_491, %swap3A_492], %swap3A_495 {strides = array<i32>} : memref<128x64xf32, #tpu.memory_space<vmem>>, vector<1x16xf32>,
        %get3A_496 = arith.index_cast %scan3A_483 : i32 to index
        %get3A_497 = arith.constant 16 : index
        %get3A_498 = tpu.vector_load %arg10[%get3A_496, %get3A_497] {strides = array<i32>} : memref<128x64xf32, #tpu.memory_space<vmem>>, vector<1x16xf32>,
        %get3A_499 = vector.shape_cast %get3A_498 : vector<1x16xf32> to vector<16xf32>
        %mul3A_500 = arith.constant 8.000000e+00 : f32
        %mul3A_501 = vector.broadcast %mul3A_500 : f32 to vector<16xf32>
        %mul3A_502 = arith.mulf %get3A_499, %mul3A_501 : vector<16xf32>
        %swap3A_503 = arith.index_cast %scan3A_483 : i32 to index
        %swap3A_504 = arith.constant 16 : index
        %swap3A_505 = tpu.vector_load %arg10[%swap3A_503, %swap3A_504] {strides = array<i32>} : memref<128x64xf32, #tpu.memory_space<vmem>>, vector<1x16xf32>,
        %swap3A_506 = vector.shape_cast %swap3A_505 : vector<1x16xf32> to vector<16xf32>
        %swap3A_507 = vector.shape_cast %mul3A_502 : vector<16xf32> to vector<1x16xf32>
        tpu.vector_store %arg10[%swap3A_503, %swap3A_504], %swap3A_507 {strides = array<i32>} : memref<128x64xf32, #tpu.memory_space<vmem>>, vector<1x16xf32>,
        %get3A_508 = arith.index_cast %scan3A_483 : i32 to index
        %get3A_509 = arith.constant 32 : index
        %get3A_510 = tpu.vector_load %arg10[%get3A_508, %get3A_509] {strides = array<i32>} : memref<128x64xf32, #tpu.memory_space<vmem>>, vector<1x16xf32>,
        %get3A_511 = vector.shape_cast %get3A_510 : vector<1x16xf32> to vector<16xf32>
        %mul3A_512 = arith.constant 8.000000e+00 : f32
        %mul3A_513 = vector.broadcast %mul3A_512 : f32 to vector<16xf32>
        %mul3A_514 = arith.mulf %get3A_511, %mul3A_513 : vector<16xf32>
        %swap3A_515 = arith.index_cast %scan3A_483 : i32 to index
        %swap3A_516 = arith.constant 32 : index
        %swap3A_517 = tpu.vector_load %arg10[%swap3A_515, %swap3A_516] {strides = array<i32>} : memref<128x64xf32, #tpu.memory_space<vmem>>, vector<1x16xf32>,
        %swap3A_518 = vector.shape_cast %swap3A_517 : vector<1x16xf32> to vector<16xf32>
        %swap3A_519 = vector.shape_cast %mul3A_514 : vector<16xf32> to vector<1x16xf32>
        tpu.vector_store %arg10[%swap3A_515, %swap3A_516], %swap3A_519 {strides = array<i32>} : memref<128x64xf32, #tpu.memory_space<vmem>>, vector<1x16xf32>,
        %get3A_520 = arith.index_cast %scan3A_483 : i32 to index
        %get3A_521 = arith.constant 48 : index
        %get3A_522 = tpu.vector_load %arg10[%get3A_520, %get3A_521] {strides = array<i32>} : memref<128x64xf32, #tpu.memory_space<vmem>>, vector<1x16xf32>,
        %get3A_523 = vector.shape_cast %get3A_522 : vector<1x16xf32> to vector<16xf32>
        %mul3A_524 = arith.constant 8.000000e+00 : f32
        %mul3A_525 = vector.broadcast %mul3A_524 : f32 to vector<16xf32>
        %mul3A_526 = arith.mulf %get3A_523, %mul3A_525 : vector<16xf32>
        %swap3A_527 = arith.index_cast %scan3A_483 : i32 to index
        %swap3A_528 = arith.constant 48 : index
        %swap3A_529 = tpu.vector_load %arg10[%swap3A_527, %swap3A_528] {strides = array<i32>} : memref<128x64xf32, #tpu.memory_space<vmem>>, vector<1x16xf32>,
        %swap3A_530 = vector.shape_cast %swap3A_529 : vector<1x16xf32> to vector<16xf32>
        %swap3A_531 = vector.shape_cast %mul3A_526 : vector<16xf32> to vector<1x16xf32>
        tpu.vector_store %arg10[%swap3A_527, %swap3A_528], %swap3A_531 {strides = array<i32>} : memref<128x64xf32, #tpu.memory_space<vmem>>, vector<1x16xf32>,
        %scan3A_532 = arith.constant 2 : i32
        %scan3A_533 = arith.addi %scan3A_435, %scan3A_532 : i32
        %get3A_534 = arith.index_cast %scan3A_533 : i32 to index
        %get3A_535 = arith.constant 0 : index
        %get3A_536 = tpu.vector_load %arg10[%get3A_534, %get3A_535] {strides = array<i32>} : memref<128x64xf32, #tpu.memory_space<vmem>>, vector<1x16xf32>,
        %get3A_537 = vector.shape_cast %get3A_536 : vector<1x16xf32> to vector<16xf32>
        %mul3A_538 = arith.constant 8.000000e+00 : f32
        %mul3A_539 = vector.broadcast %mul3A_538 : f32 to vector<16xf32>
        %mul3A_540 = arith.mulf %get3A_537, %mul3A_539 : vector<16xf32>
        %swap3A_541 = arith.index_cast %scan3A_533 : i32 to index
        %swap3A_542 = arith.constant 0 : index
        %swap3A_543 = tpu.vector_load %arg10[%swap3A_541, %swap3A_542] {strides = array<i32>} : memref<128x64xf32, #tpu.memory_space<vmem>>, vector<1x16xf32>,
        %swap3A_544 = vector.shape_cast %swap3A_543 : vector<1x16xf32> to vector<16xf32>
        %swap3A_545 = vector.shape_cast %mul3A_540 : vector<16xf32> to vector<1x16xf32>
        tpu.vector_store %arg10[%swap3A_541, %swap3A_542], %swap3A_545 {strides = array<i32>} : memref<128x64xf32, #tpu.memory_space<vmem>>, vector<1x16xf32>,
        %get3A_546 = arith.index_cast %scan3A_533 : i32 to index
        %get3A_547 = arith.constant 16 : index
        %get3A_548 = tpu.vector_load %arg10[%get3A_546, %get3A_547] {strides = array<i32>} : memref<128x64xf32, #tpu.memory_space<vmem>>, vector<1x16xf32>,
        %get3A_549 = vector.shape_cast %get3A_548 : vector<1x16xf32> to vector<16xf32>
        %mul3A_550 = arith.constant 8.000000e+00 : f32
        %mul3A_551 = vector.broadcast %mul3A_550 : f32 to vector<16xf32>
        %mul3A_552 = arith.mulf %get3A_549, %mul3A_551 : vector<16xf32>
        %swap3A_553 = arith.index_cast %scan3A_533 : i32 to index
        %swap3A_554 = arith.constant 16 : index
        %swap3A_555 = tpu.vector_load %arg10[%swap3A_553, %swap3A_554] {strides = array<i32>} : memref<128x64xf32, #tpu.memory_space<vmem>>, vector<1x16xf32>,
        %swap3A_556 = vector.shape_cast %swap3A_555 : vector<1x16xf32> to vector<16xf32>
        %swap3A_557 = vector.shape_cast %mul3A_552 : vector<16xf32> to vector<1x16xf32>
        tpu.vector_store %arg10[%swap3A_553, %swap3A_554], %swap3A_557 {strides = array<i32>} : memref<128x64xf32, #tpu.memory_space<vmem>>, vector<1x16xf32>,
        %get3A_558 = arith.index_cast %scan3A_533 : i32 to index
        %get3A_559 = arith.constant 32 : index
        %get3A_560 = tpu.vector_load %arg10[%get3A_558, %get3A_559] {strides = array<i32>} : memref<128x64xf32, #tpu.memory_space<vmem>>, vector<1x16xf32>,
        %get3A_561 = vector.shape_cast %get3A_560 : vector<1x16xf32> to vector<16xf32>
        %mul3A_562 = arith.constant 8.000000e+00 : f32
        %mul3A_563 = vector.broadcast %mul3A_562 : f32 to vector<16xf32>
        %mul3A_564 = arith.mulf %get3A_561, %mul3A_563 : vector<16xf32>
        %swap3A_565 = arith.index_cast %scan3A_533 : i32 to index
        %swap3A_566 = arith.constant 32 : index
        %swap3A_567 = tpu.vector_load %arg10[%swap3A_565, %swap3A_566] {strides = array<i32>} : memref<128x64xf32, #tpu.memory_space<vmem>>, vector<1x16xf32>,
        %swap3A_568 = vector.shape_cast %swap3A_567 : vector<1x16xf32> to vector<16xf32>
        %swap3A_569 = vector.shape_cast %mul3A_564 : vector<16xf32> to vector<1x16xf32>
        tpu.vector_store %arg10[%swap3A_565, %swap3A_566], %swap3A_569 {strides = array<i32>} : memref<128x64xf32, #tpu.memory_space<vmem>>, vector<1x16xf32>,
        %get3A_570 = arith.index_cast %scan3A_533 : i32 to index
        %get3A_571 = arith.constant 48 : index
        %get3A_572 = tpu.vector_load %arg10[%get3A_570, %get3A_571] {strides = array<i32>} : memref<128x64xf32, #tpu.memory_space<vmem>>, vector<1x16xf32>,
        %get3A_573 = vector.shape_cast %get3A_572 : vector<1x16xf32> to vector<16xf32>
        %mul3A_574 = arith.constant 8.000000e+00 : f32
        %mul3A_575 = vector.broadcast %mul3A_574 : f32 to vector<16xf32>
        %mul3A_576 = arith.mulf %get3A_573, %mul3A_575 : vector<16xf32>
        %swap3A_577 = arith.index_cast %scan3A_533 : i32 to index
        %swap3A_578 = arith.constant 48 : index
        %swap3A_579 = tpu.vector_load %arg10[%swap3A_577, %swap3A_578] {strides = array<i32>} : memref<128x64xf32, #tpu.memory_space<vmem>>, vector<1x16xf32>,
        %swap3A_580 = vector.shape_cast %swap3A_579 : vector<1x16xf32> to vector<16xf32>
        %swap3A_581 = vector.shape_cast %mul3A_576 : vector<16xf32> to vector<1x16xf32>
        tpu.vector_store %arg10[%swap3A_577, %swap3A_578], %swap3A_581 {strides = array<i32>} : memref<128x64xf32, #tpu.memory_space<vmem>>, vector<1x16xf32>,
        %scan3A_582 = arith.constant 3 : i32
        %scan3A_583 = arith.addi %scan3A_435, %scan3A_582 : i32
        %get3A_584 = arith.index_cast %scan3A_583 : i32 to index
        %get3A_585 = arith.constant 0 : index
        %get3A_586 = tpu.vector_load %arg10[%get3A_584, %get3A_585] {strides = array<i32>} : memref<128x64xf32, #tpu.memory_space<vmem>>, vector<1x16xf32>,
        %get3A_587 = vector.shape_cast %get3A_586 : vector<1x16xf32> to vector<16xf32>
        %mul3A_588 = arith.constant 8.000000e+00 : f32
        %mul3A_589 = vector.broadcast %mul3A_588 : f32 to vector<16xf32>
        %mul3A_590 = arith.mulf %get3A_587, %mul3A_589 : vector<16xf32>
        %swap3A_591 = arith.index_cast %scan3A_583 : i32 to index
        %swap3A_592 = arith.constant 0 : index
        %swap3A_593 = tpu.vector_load %arg10[%swap3A_591, %swap3A_592] {strides = array<i32>} : memref<128x64xf32, #tpu.memory_space<vmem>>, vector<1x16xf32>,
        %swap3A_594 = vector.shape_cast %swap3A_593 : vector<1x16xf32> to vector<16xf32>
        %swap3A_595 = vector.shape_cast %mul3A_590 : vector<16xf32> to vector<1x16xf32>
        tpu.vector_store %arg10[%swap3A_591, %swap3A_592], %swap3A_595 {strides = array<i32>} : memref<128x64xf32, #tpu.memory_space<vmem>>, vector<1x16xf32>,
        %get3A_596 = arith.index_cast %scan3A_583 : i32 to index
        %get3A_597 = arith.constant 16 : index
        %get3A_598 = tpu.vector_load %arg10[%get3A_596, %get3A_597] {strides = array<i32>} : memref<128x64xf32, #tpu.memory_space<vmem>>, vector<1x16xf32>,
        %get3A_599 = vector.shape_cast %get3A_598 : vector<1x16xf32> to vector<16xf32>
        %mul3A_600 = arith.constant 8.000000e+00 : f32
        %mul3A_601 = vector.broadcast %mul3A_600 : f32 to vector<16xf32>
        %mul3A_602 = arith.mulf %get3A_599, %mul3A_601 : vector<16xf32>
        %swap3A_603 = arith.index_cast %scan3A_583 : i32 to index
        %swap3A_604 = arith.constant 16 : index
        %swap3A_605 = tpu.vector_load %arg10[%swap3A_603, %swap3A_604] {strides = array<i32>} : memref<128x64xf32, #tpu.memory_space<vmem>>, vector<1x16xf32>,
        %swap3A_606 = vector.shape_cast %swap3A_605 : vector<1x16xf32> to vector<16xf32>
        %swap3A_607 = vector.shape_cast %mul3A_602 : vector<16xf32> to vector<1x16xf32>
        tpu.vector_store %arg10[%swap3A_603, %swap3A_604], %swap3A_607 {strides = array<i32>} : memref<128x64xf32, #tpu.memory_space<vmem>>, vector<1x16xf32>,
        %get3A_608 = arith.index_cast %scan3A_583 : i32 to index
        %get3A_609 = arith.constant 32 : index
        %get3A_610 = tpu.vector_load %arg10[%get3A_608, %get3A_609] {strides = array<i32>} : memref<128x64xf32, #tpu.memory_space<vmem>>, vector<1x16xf32>,
        %get3A_611 = vector.shape_cast %get3A_610 : vector<1x16xf32> to vector<16xf32>
        %mul3A_612 = arith.constant 8.000000e+00 : f32
        %mul3A_613 = vector.broadcast %mul3A_612 : f32 to vector<16xf32>
        %mul3A_614 = arith.mulf %get3A_611, %mul3A_613 : vector<16xf32>
        %swap3A_615 = arith.index_cast %scan3A_583 : i32 to index
        %swap3A_616 = arith.constant 32 : index
        %swap3A_617 = tpu.vector_load %arg10[%swap3A_615, %swap3A_616] {strides = array<i32>} : memref<128x64xf32, #tpu.memory_space<vmem>>, vector<1x16xf32>,
        %swap3A_618 = vector.shape_cast %swap3A_617 : vector<1x16xf32> to vector<16xf32>
        %swap3A_619 = vector.shape_cast %mul3A_614 : vector<16xf32> to vector<1x16xf32>
        tpu.vector_store %arg10[%swap3A_615, %swap3A_616], %swap3A_619 {strides = array<i32>} : memref<128x64xf32, #tpu.memory_space<vmem>>, vector<1x16xf32>,
        %get3A_620 = arith.index_cast %scan3A_583 : i32 to index
        %get3A_621 = arith.constant 48 : index
        %get3A_622 = tpu.vector_load %arg10[%get3A_620, %get3A_621] {strides = array<i32>} : memref<128x64xf32, #tpu.memory_space<vmem>>, vector<1x16xf32>,
        %get3A_623 = vector.shape_cast %get3A_622 : vector<1x16xf32> to vector<16xf32>
        %mul3A_624 = arith.constant 8.000000e+00 : f32
        %mul3A_625 = vector.broadcast %mul3A_624 : f32 to vector<16xf32>
        %mul3A_626 = arith.mulf %get3A_623, %mul3A_625 : vector<16xf32>
        %swap3A_627 = arith.index_cast %scan3A_583 : i32 to index
        %swap3A_628 = arith.constant 48 : index
        %swap3A_629 = tpu.vector_load %arg10[%swap3A_627, %swap3A_628] {strides = array<i32>} : memref<128x64xf32, #tpu.memory_space<vmem>>, vector<1x16xf32>,
        %swap3A_630 = vector.shape_cast %swap3A_629 : vector<1x16xf32> to vector<16xf32>
        %swap3A_631 = vector.shape_cast %mul3A_626 : vector<16xf32> to vector<1x16xf32>
        tpu.vector_store %arg10[%swap3A_627, %swap3A_628], %swap3A_631 {strides = array<i32>} : memref<128x64xf32, #tpu.memory_space<vmem>>, vector<1x16xf32>,
      }
      %scan3A_234 = arith.constant 128 : i32
      %dma_start3A_235 = arith.constant 0 : i32
      %dma_start3A_236 = arith.constant 0 : i32
      %dma_start3A_237 = tpu.memref_slice %arg4[%add3A, %add3A_222, %dma_start3A_235, %dma_start3A_236] : memref<32x200x128x64xf32, #tpu.memory_space<hbm>> -> memref<1x1x128x64xf32, #tpu.memory_space<hbm>>
      %dma_start3A_238 = tpu.memref_squeeze %dma_start3A_237 : memref<1x1x128x64xf32, #tpu.memory_space<hbm>> -> memref<128x64xf32, #tpu.memory_space<hbm>>
      %dma_start3A_239 = arith.constant 0 : i32
      %dma_start3A_240 = arith.constant 0 : i32
      %dma_start3A_241 = tpu.memref_slice %arg4[%add3A, %add3A_222, %dma_start3A_239, %dma_start3A_240] : memref<32x200x128x64xf32, #tpu.memory_space<hbm>> -> memref<1x1x128x64xf32, #tpu.memory_space<hbm>>
      %dma_start3A_242 = tpu.memref_squeeze %dma_start3A_241 : memref<1x1x128x64xf32, #tpu.memory_space<hbm>> -> memref<128x64xf32, #tpu.memory_space<hbm>>
      tpu.enqueue_dma source(%arg10 : memref<128x64xf32, #tpu.memory_space<vmem>>) target(%dma_start3A_242 : memref<128x64xf32, #tpu.memory_space<hbm>>) target_semaphore(%arg30 : memref<!tpu.dma_semaphore, #tpu.memory_space<semaphore_mem>>)
      %ge3A_243 = arith.constant 2 : i32
      %ge3A_244 = arith.cmpi sge, %add3A_222, %ge3A_243 : i32
      %convert_element_type3A_245 = arith.extui %ge3A_244 : i1 to i32
      %cond3A_246 = arith.constant 0 : i32
      %cond3A_247 = arith.cmpi ne, %convert_element_type3A_245, %cond3A_246 : i32
      scf.if %cond3A_247 {
        %dma_wait3A_435 = arith.constant 0 : i32
        %dma_wait3A_436 = arith.constant 0 : i32
        %dma_wait3A_437 = arith.constant 0 : i32
        %dma_wait3A_438 = tpu.memref_slice %arg4[%add3A, %dma_wait3A_435, %dma_wait3A_436, %dma_wait3A_437] : memref<32x200x128x64xf32, #tpu.memory_space<hbm>> -> memref<1x1x128x64xf32, #tpu.memory_space<hbm>>
        %dma_wait3A_439 = tpu.memref_squeeze %dma_wait3A_438 : memref<1x1x128x64xf32, #tpu.memory_space<hbm>> -> memref<128x64xf32, #tpu.memory_space<hbm>>
        %dma_wait3A_440 = arith.constant 0 : i32
        %dma_wait3A_441 = arith.constant 0 : i32
        %dma_wait3A_442 = tpu.memref_slice %arg4[%add3A, %dma_wait3A_435, %dma_wait3A_440, %dma_wait3A_441] : memref<32x200x128x64xf32, #tpu.memory_space<hbm>> -> memref<1x1x128x64xf32, #tpu.memory_space<hbm>>
        %dma_wait3A_443 = tpu.memref_squeeze %dma_wait3A_442 : memref<1x1x128x64xf32, #tpu.memory_space<hbm>> -> memref<128x64xf32, #tpu.memory_space<hbm>>
        tpu.wait_dma2 semaphore(%arg28 : memref<!tpu.dma_semaphore, #tpu.memory_space<semaphore_mem>>) src(%arg8 : memref<128x64xf32, #tpu.memory_space<vmem>>) dst(%dma_wait3A_443 : memref<128x64xf32, #tpu.memory_space<hbm>>)
      } else {
      }
      %add3A_248 = arith.constant 8 : i32
      %add3A_249 = arith.addi %add3A_222, %add3A_248 : i32
      %lt3A_250 = arith.constant 200 : i32
      %lt3A_251 = arith.cmpi slt, %add3A_249, %lt3A_250 : i32
      %convert_element_type3A_252 = arith.extui %lt3A_251 : i1 to i32
      %cond3A_253 = arith.constant 0 : i32
      %cond3A_254 = arith.cmpi ne, %convert_element_type3A_252, %cond3A_253 : i32
      scf.if %cond3A_254 {
        %add3A_435 = arith.constant 8 : i32
        %add3A_436 = arith.addi %add3A_222, %add3A_435 : i32
        %dma_start3A_437 = arith.constant 0 : i32
        %dma_start3A_438 = tpu.memref_slice %arg5[%add3A_436, %dma_start3A_437] : memref<200x128xi32, #tpu.memory_space<vmem>> -> memref<1x128xi32, #tpu.memory_space<vmem>>
        %dma_start3A_439 = tpu.memref_squeeze %dma_start3A_438 : memref<1x128xi32, #tpu.memory_space<vmem>> -> memref<128xi32, #tpu.memory_space<vmem>>
        %dma_start3A_440 = arith.constant 0 : i32
        %dma_start3A_441 = arith.constant 0 : i32
        %dma_start3A_442 = tpu.memref_slice %arg3[%dma_start3A_440, %dma_start3A_441] : memref<100000x64xf32, #tpu.memory_space<hbm>> -> memref<100000x64xf32, #tpu.memory_space<hbm>>
        tpu.enqueue_indirect_dma source(%dma_start3A_442 : memref<100000x64xf32, #tpu.memory_space<hbm>>) target(%arg8 : memref<128x64xf32, #tpu.memory_space<vmem>>) offsets(%dma_start3A_439 : memref<128xi32, #tpu.memory_space<vmem>>) semaphore(%arg18 : memref<!tpu.dma_semaphore, #tpu.memory_space<semaphore_mem>>)
      } else {
      }
      %mul3A_255 = arith.constant 10 : i32
      %mul3A_256 = arith.muli %scan3A_78, %mul3A_255 : i32
      %add3A_257 = arith.constant 5 : i32
      %add3A_258 = arith.addi %mul3A_256, %add3A_257 : i32
      %dma_wait3A_259 = arith.constant 0 : i32
      %dma_wait3A_260 = tpu.memref_slice %arg5[%add3A_258, %dma_wait3A_259] : memref<200x128xi32, #tpu.memory_space<vmem>> -> memref<1x128xi32, #tpu.memory_space<vmem>>
      %dma_wait3A_261 = tpu.memref_squeeze %dma_wait3A_260 : memref<1x128xi32, #tpu.memory_space<vmem>> -> memref<128xi32, #tpu.memory_space<vmem>>
      %dma_wait3A_262 = arith.constant 0 : i32
      %dma_wait3A_263 = arith.constant 0 : i32
      %dma_wait3A_264 = tpu.memref_slice %arg3[%dma_wait3A_262, %dma_wait3A_263] : memref<100000x64xf32, #tpu.memory_space<hbm>> -> memref<100000x64xf32, #tpu.memory_space<hbm>>
      tpu.wait_indirect_dma semaphore(%arg21 : memref<!tpu.dma_semaphore, #tpu.memory_space<semaphore_mem>>) src(%dma_wait3A_264 : memref<100000x64xf32, #tpu.memory_space<hbm>>) dst(%arg11 : memref<128x64xf32, #tpu.memory_space<vmem>>)
      %scan3A_265 = arith.constant 0 : i32
      %scan3A_266 = arith.constant 0 : i32
      %scan3A_267 = arith.constant 128 : i32
      %scan3A_268 = arith.addi %scan3A_266, %scan3A_267 : i32
      %scan3A_269 = arith.constant 4 : i32
      scf.for %scan3A_435 = %scan3A_266 to %scan3A_268 step %scan3A_269  : i32 {
        %get3A = arith.index_cast %scan3A_435 : i32 to index
        %get3A_436 = arith.constant 0 : index
        %get3A_437 = tpu.vector_load %arg11[%get3A, %get3A_436] {strides = array<i32>} : memref<128x64xf32, #tpu.memory_space<vmem>>, vector<1x16xf32>,
        %get3A_438 = vector.shape_cast %get3A_437 : vector<1x16xf32> to vector<16xf32>
        %mul3A_439 = arith.constant 8.000000e+00 : f32
        %mul3A_440 = vector.broadcast %mul3A_439 : f32 to vector<16xf32>
        %mul3A_441 = arith.mulf %get3A_438, %mul3A_440 : vector<16xf32>
        %swap3A = arith.index_cast %scan3A_435 : i32 to index
        %swap3A_442 = arith.constant 0 : index
        %swap3A_443 = tpu.vector_load %arg11[%swap3A, %swap3A_442] {strides = array<i32>} : memref<128x64xf32, #tpu.memory_space<vmem>>, vector<1x16xf32>,
        %swap3A_444 = vector.shape_cast %swap3A_443 : vector<1x16xf32> to vector<16xf32>
        %swap3A_445 = vector.shape_cast %mul3A_441 : vector<16xf32> to vector<1x16xf32>
        tpu.vector_store %arg11[%swap3A, %swap3A_442], %swap3A_445 {strides = array<i32>} : memref<128x64xf32, #tpu.memory_space<vmem>>, vector<1x16xf32>,
        %get3A_446 = arith.index_cast %scan3A_435 : i32 to index
        %get3A_447 = arith.constant 16 : index
        %get3A_448 = tpu.vector_load %arg11[%get3A_446, %get3A_447] {strides = array<i32>} : memref<128x64xf32, #tpu.memory_space<vmem>>, vector<1x16xf32>,
        %get3A_449 = vector.shape_cast %get3A_448 : vector<1x16xf32> to vector<16xf32>
        %mul3A_450 = arith.constant 8.000000e+00 : f32
        %mul3A_451 = vector.broadcast %mul3A_450 : f32 to vector<16xf32>
        %mul3A_452 = arith.mulf %get3A_449, %mul3A_451 : vector<16xf32>
        %swap3A_453 = arith.index_cast %scan3A_435 : i32 to index
        %swap3A_454 = arith.constant 16 : index
        %swap3A_455 = tpu.vector_load %arg11[%swap3A_453, %swap3A_454] {strides = array<i32>} : memref<128x64xf32, #tpu.memory_space<vmem>>, vector<1x16xf32>,
        %swap3A_456 = vector.shape_cast %swap3A_455 : vector<1x16xf32> to vector<16xf32>
        %swap3A_457 = vector.shape_cast %mul3A_452 : vector<16xf32> to vector<1x16xf32>
        tpu.vector_store %arg11[%swap3A_453, %swap3A_454], %swap3A_457 {strides = array<i32>} : memref<128x64xf32, #tpu.memory_space<vmem>>, vector<1x16xf32>,
        %get3A_458 = arith.index_cast %scan3A_435 : i32 to index
        %get3A_459 = arith.constant 32 : index
        %get3A_460 = tpu.vector_load %arg11[%get3A_458, %get3A_459] {strides = array<i32>} : memref<128x64xf32, #tpu.memory_space<vmem>>, vector<1x16xf32>,
        %get3A_461 = vector.shape_cast %get3A_460 : vector<1x16xf32> to vector<16xf32>
        %mul3A_462 = arith.constant 8.000000e+00 : f32
        %mul3A_463 = vector.broadcast %mul3A_462 : f32 to vector<16xf32>
        %mul3A_464 = arith.mulf %get3A_461, %mul3A_463 : vector<16xf32>
        %swap3A_465 = arith.index_cast %scan3A_435 : i32 to index
        %swap3A_466 = arith.constant 32 : index
        %swap3A_467 = tpu.vector_load %arg11[%swap3A_465, %swap3A_466] {strides = array<i32>} : memref<128x64xf32, #tpu.memory_space<vmem>>, vector<1x16xf32>,
        %swap3A_468 = vector.shape_cast %swap3A_467 : vector<1x16xf32> to vector<16xf32>
        %swap3A_469 = vector.shape_cast %mul3A_464 : vector<16xf32> to vector<1x16xf32>
        tpu.vector_store %arg11[%swap3A_465, %swap3A_466], %swap3A_469 {strides = array<i32>} : memref<128x64xf32, #tpu.memory_space<vmem>>, vector<1x16xf32>,
        %get3A_470 = arith.index_cast %scan3A_435 : i32 to index
        %get3A_471 = arith.constant 48 : index
        %get3A_472 = tpu.vector_load %arg11[%get3A_470, %get3A_471] {strides = array<i32>} : memref<128x64xf32, #tpu.memory_space<vmem>>, vector<1x16xf32>,
        %get3A_473 = vector.shape_cast %get3A_472 : vector<1x16xf32> to vector<16xf32>
        %mul3A_474 = arith.constant 8.000000e+00 : f32
        %mul3A_475 = vector.broadcast %mul3A_474 : f32 to vector<16xf32>
        %mul3A_476 = arith.mulf %get3A_473, %mul3A_475 : vector<16xf32>
        %swap3A_477 = arith.index_cast %scan3A_435 : i32 to index
        %swap3A_478 = arith.constant 48 : index
        %swap3A_479 = tpu.vector_load %arg11[%swap3A_477, %swap3A_478] {strides = array<i32>} : memref<128x64xf32, #tpu.memory_space<vmem>>, vector<1x16xf32>,
        %swap3A_480 = vector.shape_cast %swap3A_479 : vector<1x16xf32> to vector<16xf32>
        %swap3A_481 = vector.shape_cast %mul3A_476 : vector<16xf32> to vector<1x16xf32>
        tpu.vector_store %arg11[%swap3A_477, %swap3A_478], %swap3A_481 {strides = array<i32>} : memref<128x64xf32, #tpu.memory_space<vmem>>, vector<1x16xf32>,
        %scan3A_482 = arith.constant 1 : i32
        %scan3A_483 = arith.addi %scan3A_435, %scan3A_482 : i32
        %get3A_484 = arith.index_cast %scan3A_483 : i32 to index
        %get3A_485 = arith.constant 0 : index
        %get3A_486 = tpu.vector_load %arg11[%get3A_484, %get3A_485] {strides = array<i32>} : memref<128x64xf32, #tpu.memory_space<vmem>>, vector<1x16xf32>,
        %get3A_487 = vector.shape_cast %get3A_486 : vector<1x16xf32> to vector<16xf32>
        %mul3A_488 = arith.constant 8.000000e+00 : f32
        %mul3A_489 = vector.broadcast %mul3A_488 : f32 to vector<16xf32>
        %mul3A_490 = arith.mulf %get3A_487, %mul3A_489 : vector<16xf32>
        %swap3A_491 = arith.index_cast %scan3A_483 : i32 to index
        %swap3A_492 = arith.constant 0 : index
        %swap3A_493 = tpu.vector_load %arg11[%swap3A_491, %swap3A_492] {strides = array<i32>} : memref<128x64xf32, #tpu.memory_space<vmem>>, vector<1x16xf32>,
        %swap3A_494 = vector.shape_cast %swap3A_493 : vector<1x16xf32> to vector<16xf32>
        %swap3A_495 = vector.shape_cast %mul3A_490 : vector<16xf32> to vector<1x16xf32>
        tpu.vector_store %arg11[%swap3A_491, %swap3A_492], %swap3A_495 {strides = array<i32>} : memref<128x64xf32, #tpu.memory_space<vmem>>, vector<1x16xf32>,
        %get3A_496 = arith.index_cast %scan3A_483 : i32 to index
        %get3A_497 = arith.constant 16 : index
        %get3A_498 = tpu.vector_load %arg11[%get3A_496, %get3A_497] {strides = array<i32>} : memref<128x64xf32, #tpu.memory_space<vmem>>, vector<1x16xf32>,
        %get3A_499 = vector.shape_cast %get3A_498 : vector<1x16xf32> to vector<16xf32>
        %mul3A_500 = arith.constant 8.000000e+00 : f32
        %mul3A_501 = vector.broadcast %mul3A_500 : f32 to vector<16xf32>
        %mul3A_502 = arith.mulf %get3A_499, %mul3A_501 : vector<16xf32>
        %swap3A_503 = arith.index_cast %scan3A_483 : i32 to index
        %swap3A_504 = arith.constant 16 : index
        %swap3A_505 = tpu.vector_load %arg11[%swap3A_503, %swap3A_504] {strides = array<i32>} : memref<128x64xf32, #tpu.memory_space<vmem>>, vector<1x16xf32>,
        %swap3A_506 = vector.shape_cast %swap3A_505 : vector<1x16xf32> to vector<16xf32>
        %swap3A_507 = vector.shape_cast %mul3A_502 : vector<16xf32> to vector<1x16xf32>
        tpu.vector_store %arg11[%swap3A_503, %swap3A_504], %swap3A_507 {strides = array<i32>} : memref<128x64xf32, #tpu.memory_space<vmem>>, vector<1x16xf32>,
        %get3A_508 = arith.index_cast %scan3A_483 : i32 to index
        %get3A_509 = arith.constant 32 : index
        %get3A_510 = tpu.vector_load %arg11[%get3A_508, %get3A_509] {strides = array<i32>} : memref<128x64xf32, #tpu.memory_space<vmem>>, vector<1x16xf32>,
        %get3A_511 = vector.shape_cast %get3A_510 : vector<1x16xf32> to vector<16xf32>
        %mul3A_512 = arith.constant 8.000000e+00 : f32
        %mul3A_513 = vector.broadcast %mul3A_512 : f32 to vector<16xf32>
        %mul3A_514 = arith.mulf %get3A_511, %mul3A_513 : vector<16xf32>
        %swap3A_515 = arith.index_cast %scan3A_483 : i32 to index
        %swap3A_516 = arith.constant 32 : index
        %swap3A_517 = tpu.vector_load %arg11[%swap3A_515, %swap3A_516] {strides = array<i32>} : memref<128x64xf32, #tpu.memory_space<vmem>>, vector<1x16xf32>,
        %swap3A_518 = vector.shape_cast %swap3A_517 : vector<1x16xf32> to vector<16xf32>
        %swap3A_519 = vector.shape_cast %mul3A_514 : vector<16xf32> to vector<1x16xf32>
        tpu.vector_store %arg11[%swap3A_515, %swap3A_516], %swap3A_519 {strides = array<i32>} : memref<128x64xf32, #tpu.memory_space<vmem>>, vector<1x16xf32>,
        %get3A_520 = arith.index_cast %scan3A_483 : i32 to index
        %get3A_521 = arith.constant 48 : index
        %get3A_522 = tpu.vector_load %arg11[%get3A_520, %get3A_521] {strides = array<i32>} : memref<128x64xf32, #tpu.memory_space<vmem>>, vector<1x16xf32>,
        %get3A_523 = vector.shape_cast %get3A_522 : vector<1x16xf32> to vector<16xf32>
        %mul3A_524 = arith.constant 8.000000e+00 : f32
        %mul3A_525 = vector.broadcast %mul3A_524 : f32 to vector<16xf32>
        %mul3A_526 = arith.mulf %get3A_523, %mul3A_525 : vector<16xf32>
        %swap3A_527 = arith.index_cast %scan3A_483 : i32 to index
        %swap3A_528 = arith.constant 48 : index
        %swap3A_529 = tpu.vector_load %arg11[%swap3A_527, %swap3A_528] {strides = array<i32>} : memref<128x64xf32, #tpu.memory_space<vmem>>, vector<1x16xf32>,
        %swap3A_530 = vector.shape_cast %swap3A_529 : vector<1x16xf32> to vector<16xf32>
        %swap3A_531 = vector.shape_cast %mul3A_526 : vector<16xf32> to vector<1x16xf32>
        tpu.vector_store %arg11[%swap3A_527, %swap3A_528], %swap3A_531 {strides = array<i32>} : memref<128x64xf32, #tpu.memory_space<vmem>>, vector<1x16xf32>,
        %scan3A_532 = arith.constant 2 : i32
        %scan3A_533 = arith.addi %scan3A_435, %scan3A_532 : i32
        %get3A_534 = arith.index_cast %scan3A_533 : i32 to index
        %get3A_535 = arith.constant 0 : index
        %get3A_536 = tpu.vector_load %arg11[%get3A_534, %get3A_535] {strides = array<i32>} : memref<128x64xf32, #tpu.memory_space<vmem>>, vector<1x16xf32>,
        %get3A_537 = vector.shape_cast %get3A_536 : vector<1x16xf32> to vector<16xf32>
        %mul3A_538 = arith.constant 8.000000e+00 : f32
        %mul3A_539 = vector.broadcast %mul3A_538 : f32 to vector<16xf32>
        %mul3A_540 = arith.mulf %get3A_537, %mul3A_539 : vector<16xf32>
        %swap3A_541 = arith.index_cast %scan3A_533 : i32 to index
        %swap3A_542 = arith.constant 0 : index
        %swap3A_543 = tpu.vector_load %arg11[%swap3A_541, %swap3A_542] {strides = array<i32>} : memref<128x64xf32, #tpu.memory_space<vmem>>, vector<1x16xf32>,
        %swap3A_544 = vector.shape_cast %swap3A_543 : vector<1x16xf32> to vector<16xf32>
        %swap3A_545 = vector.shape_cast %mul3A_540 : vector<16xf32> to vector<1x16xf32>
        tpu.vector_store %arg11[%swap3A_541, %swap3A_542], %swap3A_545 {strides = array<i32>} : memref<128x64xf32, #tpu.memory_space<vmem>>, vector<1x16xf32>,
        %get3A_546 = arith.index_cast %scan3A_533 : i32 to index
        %get3A_547 = arith.constant 16 : index
        %get3A_548 = tpu.vector_load %arg11[%get3A_546, %get3A_547] {strides = array<i32>} : memref<128x64xf32, #tpu.memory_space<vmem>>, vector<1x16xf32>,
        %get3A_549 = vector.shape_cast %get3A_548 : vector<1x16xf32> to vector<16xf32>
        %mul3A_550 = arith.constant 8.000000e+00 : f32
        %mul3A_551 = vector.broadcast %mul3A_550 : f32 to vector<16xf32>
        %mul3A_552 = arith.mulf %get3A_549, %mul3A_551 : vector<16xf32>
        %swap3A_553 = arith.index_cast %scan3A_533 : i32 to index
        %swap3A_554 = arith.constant 16 : index
        %swap3A_555 = tpu.vector_load %arg11[%swap3A_553, %swap3A_554] {strides = array<i32>} : memref<128x64xf32, #tpu.memory_space<vmem>>, vector<1x16xf32>,
        %swap3A_556 = vector.shape_cast %swap3A_555 : vector<1x16xf32> to vector<16xf32>
        %swap3A_557 = vector.shape_cast %mul3A_552 : vector<16xf32> to vector<1x16xf32>
        tpu.vector_store %arg11[%swap3A_553, %swap3A_554], %swap3A_557 {strides = array<i32>} : memref<128x64xf32, #tpu.memory_space<vmem>>, vector<1x16xf32>,
        %get3A_558 = arith.index_cast %scan3A_533 : i32 to index
        %get3A_559 = arith.constant 32 : index
        %get3A_560 = tpu.vector_load %arg11[%get3A_558, %get3A_559] {strides = array<i32>} : memref<128x64xf32, #tpu.memory_space<vmem>>, vector<1x16xf32>,
        %get3A_561 = vector.shape_cast %get3A_560 : vector<1x16xf32> to vector<16xf32>
        %mul3A_562 = arith.constant 8.000000e+00 : f32
        %mul3A_563 = vector.broadcast %mul3A_562 : f32 to vector<16xf32>
        %mul3A_564 = arith.mulf %get3A_561, %mul3A_563 : vector<16xf32>
        %swap3A_565 = arith.index_cast %scan3A_533 : i32 to index
        %swap3A_566 = arith.constant 32 : index
        %swap3A_567 = tpu.vector_load %arg11[%swap3A_565, %swap3A_566] {strides = array<i32>} : memref<128x64xf32, #tpu.memory_space<vmem>>, vector<1x16xf32>,
        %swap3A_568 = vector.shape_cast %swap3A_567 : vector<1x16xf32> to vector<16xf32>
        %swap3A_569 = vector.shape_cast %mul3A_564 : vector<16xf32> to vector<1x16xf32>
        tpu.vector_store %arg11[%swap3A_565, %swap3A_566], %swap3A_569 {strides = array<i32>} : memref<128x64xf32, #tpu.memory_space<vmem>>, vector<1x16xf32>,
        %get3A_570 = arith.index_cast %scan3A_533 : i32 to index
        %get3A_571 = arith.constant 48 : index
        %get3A_572 = tpu.vector_load %arg11[%get3A_570, %get3A_571] {strides = array<i32>} : memref<128x64xf32, #tpu.memory_space<vmem>>, vector<1x16xf32>,
        %get3A_573 = vector.shape_cast %get3A_572 : vector<1x16xf32> to vector<16xf32>
        %mul3A_574 = arith.constant 8.000000e+00 : f32
        %mul3A_575 = vector.broadcast %mul3A_574 : f32 to vector<16xf32>
        %mul3A_576 = arith.mulf %get3A_573, %mul3A_575 : vector<16xf32>
        %swap3A_577 = arith.index_cast %scan3A_533 : i32 to index
        %swap3A_578 = arith.constant 48 : index
        %swap3A_579 = tpu.vector_load %arg11[%swap3A_577, %swap3A_578] {strides = array<i32>} : memref<128x64xf32, #tpu.memory_space<vmem>>, vector<1x16xf32>,
        %swap3A_580 = vector.shape_cast %swap3A_579 : vector<1x16xf32> to vector<16xf32>
        %swap3A_581 = vector.shape_cast %mul3A_576 : vector<16xf32> to vector<1x16xf32>
        tpu.vector_store %arg11[%swap3A_577, %swap3A_578], %swap3A_581 {strides = array<i32>} : memref<128x64xf32, #tpu.memory_space<vmem>>, vector<1x16xf32>,
        %scan3A_582 = arith.constant 3 : i32
        %scan3A_583 = arith.addi %scan3A_435, %scan3A_582 : i32
        %get3A_584 = arith.index_cast %scan3A_583 : i32 to index
        %get3A_585 = arith.constant 0 : index
        %get3A_586 = tpu.vector_load %arg11[%get3A_584, %get3A_585] {strides = array<i32>} : memref<128x64xf32, #tpu.memory_space<vmem>>, vector<1x16xf32>,
        %get3A_587 = vector.shape_cast %get3A_586 : vector<1x16xf32> to vector<16xf32>
        %mul3A_588 = arith.constant 8.000000e+00 : f32
        %mul3A_589 = vector.broadcast %mul3A_588 : f32 to vector<16xf32>
        %mul3A_590 = arith.mulf %get3A_587, %mul3A_589 : vector<16xf32>
        %swap3A_591 = arith.index_cast %scan3A_583 : i32 to index
        %swap3A_592 = arith.constant 0 : index
        %swap3A_593 = tpu.vector_load %arg11[%swap3A_591, %swap3A_592] {strides = array<i32>} : memref<128x64xf32, #tpu.memory_space<vmem>>, vector<1x16xf32>,
        %swap3A_594 = vector.shape_cast %swap3A_593 : vector<1x16xf32> to vector<16xf32>
        %swap3A_595 = vector.shape_cast %mul3A_590 : vector<16xf32> to vector<1x16xf32>
        tpu.vector_store %arg11[%swap3A_591, %swap3A_592], %swap3A_595 {strides = array<i32>} : memref<128x64xf32, #tpu.memory_space<vmem>>, vector<1x16xf32>,
        %get3A_596 = arith.index_cast %scan3A_583 : i32 to index
        %get3A_597 = arith.constant 16 : index
        %get3A_598 = tpu.vector_load %arg11[%get3A_596, %get3A_597] {strides = array<i32>} : memref<128x64xf32, #tpu.memory_space<vmem>>, vector<1x16xf32>,
        %get3A_599 = vector.shape_cast %get3A_598 : vector<1x16xf32> to vector<16xf32>
        %mul3A_600 = arith.constant 8.000000e+00 : f32
        %mul3A_601 = vector.broadcast %mul3A_600 : f32 to vector<16xf32>
        %mul3A_602 = arith.mulf %get3A_599, %mul3A_601 : vector<16xf32>
        %swap3A_603 = arith.index_cast %scan3A_583 : i32 to index
        %swap3A_604 = arith.constant 16 : index
        %swap3A_605 = tpu.vector_load %arg11[%swap3A_603, %swap3A_604] {strides = array<i32>} : memref<128x64xf32, #tpu.memory_space<vmem>>, vector<1x16xf32>,
        %swap3A_606 = vector.shape_cast %swap3A_605 : vector<1x16xf32> to vector<16xf32>
        %swap3A_607 = vector.shape_cast %mul3A_602 : vector<16xf32> to vector<1x16xf32>
        tpu.vector_store %arg11[%swap3A_603, %swap3A_604], %swap3A_607 {strides = array<i32>} : memref<128x64xf32, #tpu.memory_space<vmem>>, vector<1x16xf32>,
        %get3A_608 = arith.index_cast %scan3A_583 : i32 to index
        %get3A_609 = arith.constant 32 : index
        %get3A_610 = tpu.vector_load %arg11[%get3A_608, %get3A_609] {strides = array<i32>} : memref<128x64xf32, #tpu.memory_space<vmem>>, vector<1x16xf32>,
        %get3A_611 = vector.shape_cast %get3A_610 : vector<1x16xf32> to vector<16xf32>
        %mul3A_612 = arith.constant 8.000000e+00 : f32
        %mul3A_613 = vector.broadcast %mul3A_612 : f32 to vector<16xf32>
        %mul3A_614 = arith.mulf %get3A_611, %mul3A_613 : vector<16xf32>
        %swap3A_615 = arith.index_cast %scan3A_583 : i32 to index
        %swap3A_616 = arith.constant 32 : index
        %swap3A_617 = tpu.vector_load %arg11[%swap3A_615, %swap3A_616] {strides = array<i32>} : memref<128x64xf32, #tpu.memory_space<vmem>>, vector<1x16xf32>,
        %swap3A_618 = vector.shape_cast %swap3A_617 : vector<1x16xf32> to vector<16xf32>
        %swap3A_619 = vector.shape_cast %mul3A_614 : vector<16xf32> to vector<1x16xf32>
        tpu.vector_store %arg11[%swap3A_615, %swap3A_616], %swap3A_619 {strides = array<i32>} : memref<128x64xf32, #tpu.memory_space<vmem>>, vector<1x16xf32>,
        %get3A_620 = arith.index_cast %scan3A_583 : i32 to index
        %get3A_621 = arith.constant 48 : index
        %get3A_622 = tpu.vector_load %arg11[%get3A_620, %get3A_621] {strides = array<i32>} : memref<128x64xf32, #tpu.memory_space<vmem>>, vector<1x16xf32>,
        %get3A_623 = vector.shape_cast %get3A_622 : vector<1x16xf32> to vector<16xf32>
        %mul3A_624 = arith.constant 8.000000e+00 : f32
        %mul3A_625 = vector.broadcast %mul3A_624 : f32 to vector<16xf32>
        %mul3A_626 = arith.mulf %get3A_623, %mul3A_625 : vector<16xf32>
        %swap3A_627 = arith.index_cast %scan3A_583 : i32 to index
        %swap3A_628 = arith.constant 48 : index
        %swap3A_629 = tpu.vector_load %arg11[%swap3A_627, %swap3A_628] {strides = array<i32>} : memref<128x64xf32, #tpu.memory_space<vmem>>, vector<1x16xf32>,
        %swap3A_630 = vector.shape_cast %swap3A_629 : vector<1x16xf32> to vector<16xf32>
        %swap3A_631 = vector.shape_cast %mul3A_626 : vector<16xf32> to vector<1x16xf32>
        tpu.vector_store %arg11[%swap3A_627, %swap3A_628], %swap3A_631 {strides = array<i32>} : memref<128x64xf32, #tpu.memory_space<vmem>>, vector<1x16xf32>,
      }
      %scan3A_270 = arith.constant 128 : i32
      %dma_start3A_271 = arith.constant 0 : i32
      %dma_start3A_272 = arith.constant 0 : i32
      %dma_start3A_273 = tpu.memref_slice %arg4[%add3A, %add3A_258, %dma_start3A_271, %dma_start3A_272] : memref<32x200x128x64xf32, #tpu.memory_space<hbm>> -> memref<1x1x128x64xf32, #tpu.memory_space<hbm>>
      %dma_start3A_274 = tpu.memref_squeeze %dma_start3A_273 : memref<1x1x128x64xf32, #tpu.memory_space<hbm>> -> memref<128x64xf32, #tpu.memory_space<hbm>>
      %dma_start3A_275 = arith.constant 0 : i32
      %dma_start3A_276 = arith.constant 0 : i32
      %dma_start3A_277 = tpu.memref_slice %arg4[%add3A, %add3A_258, %dma_start3A_275, %dma_start3A_276] : memref<32x200x128x64xf32, #tpu.memory_space<hbm>> -> memref<1x1x128x64xf32, #tpu.memory_space<hbm>>
      %dma_start3A_278 = tpu.memref_squeeze %dma_start3A_277 : memref<1x1x128x64xf32, #tpu.memory_space<hbm>> -> memref<128x64xf32, #tpu.memory_space<hbm>>
      tpu.enqueue_dma source(%arg11 : memref<128x64xf32, #tpu.memory_space<vmem>>) target(%dma_start3A_278 : memref<128x64xf32, #tpu.memory_space<hbm>>) target_semaphore(%arg31 : memref<!tpu.dma_semaphore, #tpu.memory_space<semaphore_mem>>)
      %ge3A_279 = arith.constant 2 : i32
      %ge3A_280 = arith.cmpi sge, %add3A_258, %ge3A_279 : i32
      %convert_element_type3A_281 = arith.extui %ge3A_280 : i1 to i32
      %cond3A_282 = arith.constant 0 : i32
      %cond3A_283 = arith.cmpi ne, %convert_element_type3A_281, %cond3A_282 : i32
      scf.if %cond3A_283 {
        %dma_wait3A_435 = arith.constant 0 : i32
        %dma_wait3A_436 = arith.constant 0 : i32
        %dma_wait3A_437 = arith.constant 0 : i32
        %dma_wait3A_438 = tpu.memref_slice %arg4[%add3A, %dma_wait3A_435, %dma_wait3A_436, %dma_wait3A_437] : memref<32x200x128x64xf32, #tpu.memory_space<hbm>> -> memref<1x1x128x64xf32, #tpu.memory_space<hbm>>
        %dma_wait3A_439 = tpu.memref_squeeze %dma_wait3A_438 : memref<1x1x128x64xf32, #tpu.memory_space<hbm>> -> memref<128x64xf32, #tpu.memory_space<hbm>>
        %dma_wait3A_440 = arith.constant 0 : i32
        %dma_wait3A_441 = arith.constant 0 : i32
        %dma_wait3A_442 = tpu.memref_slice %arg4[%add3A, %dma_wait3A_435, %dma_wait3A_440, %dma_wait3A_441] : memref<32x200x128x64xf32, #tpu.memory_space<hbm>> -> memref<1x1x128x64xf32, #tpu.memory_space<hbm>>
        %dma_wait3A_443 = tpu.memref_squeeze %dma_wait3A_442 : memref<1x1x128x64xf32, #tpu.memory_space<hbm>> -> memref<128x64xf32, #tpu.memory_space<hbm>>
        tpu.wait_dma2 semaphore(%arg29 : memref<!tpu.dma_semaphore, #tpu.memory_space<semaphore_mem>>) src(%arg9 : memref<128x64xf32, #tpu.memory_space<vmem>>) dst(%dma_wait3A_443 : memref<128x64xf32, #tpu.memory_space<hbm>>)
      } else {
      }
      %add3A_284 = arith.constant 8 : i32
      %add3A_285 = arith.addi %add3A_258, %add3A_284 : i32
      %lt3A_286 = arith.constant 200 : i32
      %lt3A_287 = arith.cmpi slt, %add3A_285, %lt3A_286 : i32
      %convert_element_type3A_288 = arith.extui %lt3A_287 : i1 to i32
      %cond3A_289 = arith.constant 0 : i32
      %cond3A_290 = arith.cmpi ne, %convert_element_type3A_288, %cond3A_289 : i32
      scf.if %cond3A_290 {
        %add3A_435 = arith.constant 8 : i32
        %add3A_436 = arith.addi %add3A_258, %add3A_435 : i32
        %dma_start3A_437 = arith.constant 0 : i32
        %dma_start3A_438 = tpu.memref_slice %arg5[%add3A_436, %dma_start3A_437] : memref<200x128xi32, #tpu.memory_space<vmem>> -> memref<1x128xi32, #tpu.memory_space<vmem>>
        %dma_start3A_439 = tpu.memref_squeeze %dma_start3A_438 : memref<1x128xi32, #tpu.memory_space<vmem>> -> memref<128xi32, #tpu.memory_space<vmem>>
        %dma_start3A_440 = arith.constant 0 : i32
        %dma_start3A_441 = arith.constant 0 : i32
        %dma_start3A_442 = tpu.memref_slice %arg3[%dma_start3A_440, %dma_start3A_441] : memref<100000x64xf32, #tpu.memory_space<hbm>> -> memref<100000x64xf32, #tpu.memory_space<hbm>>
        tpu.enqueue_indirect_dma source(%dma_start3A_442 : memref<100000x64xf32, #tpu.memory_space<hbm>>) target(%arg9 : memref<128x64xf32, #tpu.memory_space<vmem>>) offsets(%dma_start3A_439 : memref<128xi32, #tpu.memory_space<vmem>>) semaphore(%arg19 : memref<!tpu.dma_semaphore, #tpu.memory_space<semaphore_mem>>)
      } else {
      }
      %mul3A_291 = arith.constant 10 : i32
      %mul3A_292 = arith.muli %scan3A_78, %mul3A_291 : i32
      %add3A_293 = arith.constant 6 : i32
      %add3A_294 = arith.addi %mul3A_292, %add3A_293 : i32
      %dma_wait3A_295 = arith.constant 0 : i32
      %dma_wait3A_296 = tpu.memref_slice %arg5[%add3A_294, %dma_wait3A_295] : memref<200x128xi32, #tpu.memory_space<vmem>> -> memref<1x128xi32, #tpu.memory_space<vmem>>
      %dma_wait3A_297 = tpu.memref_squeeze %dma_wait3A_296 : memref<1x128xi32, #tpu.memory_space<vmem>> -> memref<128xi32, #tpu.memory_space<vmem>>
      %dma_wait3A_298 = arith.constant 0 : i32
      %dma_wait3A_299 = arith.constant 0 : i32
      %dma_wait3A_300 = tpu.memref_slice %arg3[%dma_wait3A_298, %dma_wait3A_299] : memref<100000x64xf32, #tpu.memory_space<hbm>> -> memref<100000x64xf32, #tpu.memory_space<hbm>>
      tpu.wait_indirect_dma semaphore(%arg22 : memref<!tpu.dma_semaphore, #tpu.memory_space<semaphore_mem>>) src(%dma_wait3A_300 : memref<100000x64xf32, #tpu.memory_space<hbm>>) dst(%arg12 : memref<128x64xf32, #tpu.memory_space<vmem>>)
      %scan3A_301 = arith.constant 0 : i32
      %scan3A_302 = arith.constant 0 : i32
      %scan3A_303 = arith.constant 128 : i32
      %scan3A_304 = arith.addi %scan3A_302, %scan3A_303 : i32
      %scan3A_305 = arith.constant 4 : i32
      scf.for %scan3A_435 = %scan3A_302 to %scan3A_304 step %scan3A_305  : i32 {
        %get3A = arith.index_cast %scan3A_435 : i32 to index
        %get3A_436 = arith.constant 0 : index
        %get3A_437 = tpu.vector_load %arg12[%get3A, %get3A_436] {strides = array<i32>} : memref<128x64xf32, #tpu.memory_space<vmem>>, vector<1x16xf32>,
        %get3A_438 = vector.shape_cast %get3A_437 : vector<1x16xf32> to vector<16xf32>
        %mul3A_439 = arith.constant 8.000000e+00 : f32
        %mul3A_440 = vector.broadcast %mul3A_439 : f32 to vector<16xf32>
        %mul3A_441 = arith.mulf %get3A_438, %mul3A_440 : vector<16xf32>
        %swap3A = arith.index_cast %scan3A_435 : i32 to index
        %swap3A_442 = arith.constant 0 : index
        %swap3A_443 = tpu.vector_load %arg12[%swap3A, %swap3A_442] {strides = array<i32>} : memref<128x64xf32, #tpu.memory_space<vmem>>, vector<1x16xf32>,
        %swap3A_444 = vector.shape_cast %swap3A_443 : vector<1x16xf32> to vector<16xf32>
        %swap3A_445 = vector.shape_cast %mul3A_441 : vector<16xf32> to vector<1x16xf32>
        tpu.vector_store %arg12[%swap3A, %swap3A_442], %swap3A_445 {strides = array<i32>} : memref<128x64xf32, #tpu.memory_space<vmem>>, vector<1x16xf32>,
        %get3A_446 = arith.index_cast %scan3A_435 : i32 to index
        %get3A_447 = arith.constant 16 : index
        %get3A_448 = tpu.vector_load %arg12[%get3A_446, %get3A_447] {strides = array<i32>} : memref<128x64xf32, #tpu.memory_space<vmem>>, vector<1x16xf32>,
        %get3A_449 = vector.shape_cast %get3A_448 : vector<1x16xf32> to vector<16xf32>
        %mul3A_450 = arith.constant 8.000000e+00 : f32
        %mul3A_451 = vector.broadcast %mul3A_450 : f32 to vector<16xf32>
        %mul3A_452 = arith.mulf %get3A_449, %mul3A_451 : vector<16xf32>
        %swap3A_453 = arith.index_cast %scan3A_435 : i32 to index
        %swap3A_454 = arith.constant 16 : index
        %swap3A_455 = tpu.vector_load %arg12[%swap3A_453, %swap3A_454] {strides = array<i32>} : memref<128x64xf32, #tpu.memory_space<vmem>>, vector<1x16xf32>,
        %swap3A_456 = vector.shape_cast %swap3A_455 : vector<1x16xf32> to vector<16xf32>
        %swap3A_457 = vector.shape_cast %mul3A_452 : vector<16xf32> to vector<1x16xf32>
        tpu.vector_store %arg12[%swap3A_453, %swap3A_454], %swap3A_457 {strides = array<i32>} : memref<128x64xf32, #tpu.memory_space<vmem>>, vector<1x16xf32>,
        %get3A_458 = arith.index_cast %scan3A_435 : i32 to index
        %get3A_459 = arith.constant 32 : index
        %get3A_460 = tpu.vector_load %arg12[%get3A_458, %get3A_459] {strides = array<i32>} : memref<128x64xf32, #tpu.memory_space<vmem>>, vector<1x16xf32>,
        %get3A_461 = vector.shape_cast %get3A_460 : vector<1x16xf32> to vector<16xf32>
        %mul3A_462 = arith.constant 8.000000e+00 : f32
        %mul3A_463 = vector.broadcast %mul3A_462 : f32 to vector<16xf32>
        %mul3A_464 = arith.mulf %get3A_461, %mul3A_463 : vector<16xf32>
        %swap3A_465 = arith.index_cast %scan3A_435 : i32 to index
        %swap3A_466 = arith.constant 32 : index
        %swap3A_467 = tpu.vector_load %arg12[%swap3A_465, %swap3A_466] {strides = array<i32>} : memref<128x64xf32, #tpu.memory_space<vmem>>, vector<1x16xf32>,
        %swap3A_468 = vector.shape_cast %swap3A_467 : vector<1x16xf32> to vector<16xf32>
        %swap3A_469 = vector.shape_cast %mul3A_464 : vector<16xf32> to vector<1x16xf32>
        tpu.vector_store %arg12[%swap3A_465, %swap3A_466], %swap3A_469 {strides = array<i32>} : memref<128x64xf32, #tpu.memory_space<vmem>>, vector<1x16xf32>,
        %get3A_470 = arith.index_cast %scan3A_435 : i32 to index
        %get3A_471 = arith.constant 48 : index
        %get3A_472 = tpu.vector_load %arg12[%get3A_470, %get3A_471] {strides = array<i32>} : memref<128x64xf32, #tpu.memory_space<vmem>>, vector<1x16xf32>,
        %get3A_473 = vector.shape_cast %get3A_472 : vector<1x16xf32> to vector<16xf32>
        %mul3A_474 = arith.constant 8.000000e+00 : f32
        %mul3A_475 = vector.broadcast %mul3A_474 : f32 to vector<16xf32>
        %mul3A_476 = arith.mulf %get3A_473, %mul3A_475 : vector<16xf32>
        %swap3A_477 = arith.index_cast %scan3A_435 : i32 to index
        %swap3A_478 = arith.constant 48 : index
        %swap3A_479 = tpu.vector_load %arg12[%swap3A_477, %swap3A_478] {strides = array<i32>} : memref<128x64xf32, #tpu.memory_space<vmem>>, vector<1x16xf32>,
        %swap3A_480 = vector.shape_cast %swap3A_479 : vector<1x16xf32> to vector<16xf32>
        %swap3A_481 = vector.shape_cast %mul3A_476 : vector<16xf32> to vector<1x16xf32>
        tpu.vector_store %arg12[%swap3A_477, %swap3A_478], %swap3A_481 {strides = array<i32>} : memref<128x64xf32, #tpu.memory_space<vmem>>, vector<1x16xf32>,
        %scan3A_482 = arith.constant 1 : i32
        %scan3A_483 = arith.addi %scan3A_435, %scan3A_482 : i32
        %get3A_484 = arith.index_cast %scan3A_483 : i32 to index
        %get3A_485 = arith.constant 0 : index
        %get3A_486 = tpu.vector_load %arg12[%get3A_484, %get3A_485] {strides = array<i32>} : memref<128x64xf32, #tpu.memory_space<vmem>>, vector<1x16xf32>,
        %get3A_487 = vector.shape_cast %get3A_486 : vector<1x16xf32> to vector<16xf32>
        %mul3A_488 = arith.constant 8.000000e+00 : f32
        %mul3A_489 = vector.broadcast %mul3A_488 : f32 to vector<16xf32>
        %mul3A_490 = arith.mulf %get3A_487, %mul3A_489 : vector<16xf32>
        %swap3A_491 = arith.index_cast %scan3A_483 : i32 to index
        %swap3A_492 = arith.constant 0 : index
        %swap3A_493 = tpu.vector_load %arg12[%swap3A_491, %swap3A_492] {strides = array<i32>} : memref<128x64xf32, #tpu.memory_space<vmem>>, vector<1x16xf32>,
        %swap3A_494 = vector.shape_cast %swap3A_493 : vector<1x16xf32> to vector<16xf32>
        %swap3A_495 = vector.shape_cast %mul3A_490 : vector<16xf32> to vector<1x16xf32>
        tpu.vector_store %arg12[%swap3A_491, %swap3A_492], %swap3A_495 {strides = array<i32>} : memref<128x64xf32, #tpu.memory_space<vmem>>, vector<1x16xf32>,
        %get3A_496 = arith.index_cast %scan3A_483 : i32 to index
        %get3A_497 = arith.constant 16 : index
        %get3A_498 = tpu.vector_load %arg12[%get3A_496, %get3A_497] {strides = array<i32>} : memref<128x64xf32, #tpu.memory_space<vmem>>, vector<1x16xf32>,
        %get3A_499 = vector.shape_cast %get3A_498 : vector<1x16xf32> to vector<16xf32>
        %mul3A_500 = arith.constant 8.000000e+00 : f32
        %mul3A_501 = vector.broadcast %mul3A_500 : f32 to vector<16xf32>
        %mul3A_502 = arith.mulf %get3A_499, %mul3A_501 : vector<16xf32>
        %swap3A_503 = arith.index_cast %scan3A_483 : i32 to index
        %swap3A_504 = arith.constant 16 : index
        %swap3A_505 = tpu.vector_load %arg12[%swap3A_503, %swap3A_504] {strides = array<i32>} : memref<128x64xf32, #tpu.memory_space<vmem>>, vector<1x16xf32>,
        %swap3A_506 = vector.shape_cast %swap3A_505 : vector<1x16xf32> to vector<16xf32>
        %swap3A_507 = vector.shape_cast %mul3A_502 : vector<16xf32> to vector<1x16xf32>
        tpu.vector_store %arg12[%swap3A_503, %swap3A_504], %swap3A_507 {strides = array<i32>} : memref<128x64xf32, #tpu.memory_space<vmem>>, vector<1x16xf32>,
        %get3A_508 = arith.index_cast %scan3A_483 : i32 to index
        %get3A_509 = arith.constant 32 : index
        %get3A_510 = tpu.vector_load %arg12[%get3A_508, %get3A_509] {strides = array<i32>} : memref<128x64xf32, #tpu.memory_space<vmem>>, vector<1x16xf32>,
        %get3A_511 = vector.shape_cast %get3A_510 : vector<1x16xf32> to vector<16xf32>
        %mul3A_512 = arith.constant 8.000000e+00 : f32
        %mul3A_513 = vector.broadcast %mul3A_512 : f32 to vector<16xf32>
        %mul3A_514 = arith.mulf %get3A_511, %mul3A_513 : vector<16xf32>
        %swap3A_515 = arith.index_cast %scan3A_483 : i32 to index
        %swap3A_516 = arith.constant 32 : index
        %swap3A_517 = tpu.vector_load %arg12[%swap3A_515, %swap3A_516] {strides = array<i32>} : memref<128x64xf32, #tpu.memory_space<vmem>>, vector<1x16xf32>,
        %swap3A_518 = vector.shape_cast %swap3A_517 : vector<1x16xf32> to vector<16xf32>
        %swap3A_519 = vector.shape_cast %mul3A_514 : vector<16xf32> to vector<1x16xf32>
        tpu.vector_store %arg12[%swap3A_515, %swap3A_516], %swap3A_519 {strides = array<i32>} : memref<128x64xf32, #tpu.memory_space<vmem>>, vector<1x16xf32>,
        %get3A_520 = arith.index_cast %scan3A_483 : i32 to index
        %get3A_521 = arith.constant 48 : index
        %get3A_522 = tpu.vector_load %arg12[%get3A_520, %get3A_521] {strides = array<i32>} : memref<128x64xf32, #tpu.memory_space<vmem>>, vector<1x16xf32>,
        %get3A_523 = vector.shape_cast %get3A_522 : vector<1x16xf32> to vector<16xf32>
        %mul3A_524 = arith.constant 8.000000e+00 : f32
        %mul3A_525 = vector.broadcast %mul3A_524 : f32 to vector<16xf32>
        %mul3A_526 = arith.mulf %get3A_523, %mul3A_525 : vector<16xf32>
        %swap3A_527 = arith.index_cast %scan3A_483 : i32 to index
        %swap3A_528 = arith.constant 48 : index
        %swap3A_529 = tpu.vector_load %arg12[%swap3A_527, %swap3A_528] {strides = array<i32>} : memref<128x64xf32, #tpu.memory_space<vmem>>, vector<1x16xf32>,
        %swap3A_530 = vector.shape_cast %swap3A_529 : vector<1x16xf32> to vector<16xf32>
        %swap3A_531 = vector.shape_cast %mul3A_526 : vector<16xf32> to vector<1x16xf32>
        tpu.vector_store %arg12[%swap3A_527, %swap3A_528], %swap3A_531 {strides = array<i32>} : memref<128x64xf32, #tpu.memory_space<vmem>>, vector<1x16xf32>,
        %scan3A_532 = arith.constant 2 : i32
        %scan3A_533 = arith.addi %scan3A_435, %scan3A_532 : i32
        %get3A_534 = arith.index_cast %scan3A_533 : i32 to index
        %get3A_535 = arith.constant 0 : index
        %get3A_536 = tpu.vector_load %arg12[%get3A_534, %get3A_535] {strides = array<i32>} : memref<128x64xf32, #tpu.memory_space<vmem>>, vector<1x16xf32>,
        %get3A_537 = vector.shape_cast %get3A_536 : vector<1x16xf32> to vector<16xf32>
        %mul3A_538 = arith.constant 8.000000e+00 : f32
        %mul3A_539 = vector.broadcast %mul3A_538 : f32 to vector<16xf32>
        %mul3A_540 = arith.mulf %get3A_537, %mul3A_539 : vector<16xf32>
        %swap3A_541 = arith.index_cast %scan3A_533 : i32 to index
        %swap3A_542 = arith.constant 0 : index
        %swap3A_543 = tpu.vector_load %arg12[%swap3A_541, %swap3A_542] {strides = array<i32>} : memref<128x64xf32, #tpu.memory_space<vmem>>, vector<1x16xf32>,
        %swap3A_544 = vector.shape_cast %swap3A_543 : vector<1x16xf32> to vector<16xf32>
        %swap3A_545 = vector.shape_cast %mul3A_540 : vector<16xf32> to vector<1x16xf32>
        tpu.vector_store %arg12[%swap3A_541, %swap3A_542], %swap3A_545 {strides = array<i32>} : memref<128x64xf32, #tpu.memory_space<vmem>>, vector<1x16xf32>,
        %get3A_546 = arith.index_cast %scan3A_533 : i32 to index
        %get3A_547 = arith.constant 16 : index
        %get3A_548 = tpu.vector_load %arg12[%get3A_546, %get3A_547] {strides = array<i32>} : memref<128x64xf32, #tpu.memory_space<vmem>>, vector<1x16xf32>,
        %get3A_549 = vector.shape_cast %get3A_548 : vector<1x16xf32> to vector<16xf32>
        %mul3A_550 = arith.constant 8.000000e+00 : f32
        %mul3A_551 = vector.broadcast %mul3A_550 : f32 to vector<16xf32>
        %mul3A_552 = arith.mulf %get3A_549, %mul3A_551 : vector<16xf32>
        %swap3A_553 = arith.index_cast %scan3A_533 : i32 to index
        %swap3A_554 = arith.constant 16 : index
        %swap3A_555 = tpu.vector_load %arg12[%swap3A_553, %swap3A_554] {strides = array<i32>} : memref<128x64xf32, #tpu.memory_space<vmem>>, vector<1x16xf32>,
        %swap3A_556 = vector.shape_cast %swap3A_555 : vector<1x16xf32> to vector<16xf32>
        %swap3A_557 = vector.shape_cast %mul3A_552 : vector<16xf32> to vector<1x16xf32>
        tpu.vector_store %arg12[%swap3A_553, %swap3A_554], %swap3A_557 {strides = array<i32>} : memref<128x64xf32, #tpu.memory_space<vmem>>, vector<1x16xf32>,
        %get3A_558 = arith.index_cast %scan3A_533 : i32 to index
        %get3A_559 = arith.constant 32 : index
        %get3A_560 = tpu.vector_load %arg12[%get3A_558, %get3A_559] {strides = array<i32>} : memref<128x64xf32, #tpu.memory_space<vmem>>, vector<1x16xf32>,
        %get3A_561 = vector.shape_cast %get3A_560 : vector<1x16xf32> to vector<16xf32>
        %mul3A_562 = arith.constant 8.000000e+00 : f32
        %mul3A_563 = vector.broadcast %mul3A_562 : f32 to vector<16xf32>
        %mul3A_564 = arith.mulf %get3A_561, %mul3A_563 : vector<16xf32>
        %swap3A_565 = arith.index_cast %scan3A_533 : i32 to index
        %swap3A_566 = arith.constant 32 : index
        %swap3A_567 = tpu.vector_load %arg12[%swap3A_565, %swap3A_566] {strides = array<i32>} : memref<128x64xf32, #tpu.memory_space<vmem>>, vector<1x16xf32>,
        %swap3A_568 = vector.shape_cast %swap3A_567 : vector<1x16xf32> to vector<16xf32>
        %swap3A_569 = vector.shape_cast %mul3A_564 : vector<16xf32> to vector<1x16xf32>
        tpu.vector_store %arg12[%swap3A_565, %swap3A_566], %swap3A_569 {strides = array<i32>} : memref<128x64xf32, #tpu.memory_space<vmem>>, vector<1x16xf32>,
        %get3A_570 = arith.index_cast %scan3A_533 : i32 to index
        %get3A_571 = arith.constant 48 : index
        %get3A_572 = tpu.vector_load %arg12[%get3A_570, %get3A_571] {strides = array<i32>} : memref<128x64xf32, #tpu.memory_space<vmem>>, vector<1x16xf32>,
        %get3A_573 = vector.shape_cast %get3A_572 : vector<1x16xf32> to vector<16xf32>
        %mul3A_574 = arith.constant 8.000000e+00 : f32
        %mul3A_575 = vector.broadcast %mul3A_574 : f32 to vector<16xf32>
        %mul3A_576 = arith.mulf %get3A_573, %mul3A_575 : vector<16xf32>
        %swap3A_577 = arith.index_cast %scan3A_533 : i32 to index
        %swap3A_578 = arith.constant 48 : index
        %swap3A_579 = tpu.vector_load %arg12[%swap3A_577, %swap3A_578] {strides = array<i32>} : memref<128x64xf32, #tpu.memory_space<vmem>>, vector<1x16xf32>,
        %swap3A_580 = vector.shape_cast %swap3A_579 : vector<1x16xf32> to vector<16xf32>
        %swap3A_581 = vector.shape_cast %mul3A_576 : vector<16xf32> to vector<1x16xf32>
        tpu.vector_store %arg12[%swap3A_577, %swap3A_578], %swap3A_581 {strides = array<i32>} : memref<128x64xf32, #tpu.memory_space<vmem>>, vector<1x16xf32>,
        %scan3A_582 = arith.constant 3 : i32
        %scan3A_583 = arith.addi %scan3A_435, %scan3A_582 : i32
        %get3A_584 = arith.index_cast %scan3A_583 : i32 to index
        %get3A_585 = arith.constant 0 : index
        %get3A_586 = tpu.vector_load %arg12[%get3A_584, %get3A_585] {strides = array<i32>} : memref<128x64xf32, #tpu.memory_space<vmem>>, vector<1x16xf32>,
        %get3A_587 = vector.shape_cast %get3A_586 : vector<1x16xf32> to vector<16xf32>
        %mul3A_588 = arith.constant 8.000000e+00 : f32
        %mul3A_589 = vector.broadcast %mul3A_588 : f32 to vector<16xf32>
        %mul3A_590 = arith.mulf %get3A_587, %mul3A_589 : vector<16xf32>
        %swap3A_591 = arith.index_cast %scan3A_583 : i32 to index
        %swap3A_592 = arith.constant 0 : index
        %swap3A_593 = tpu.vector_load %arg12[%swap3A_591, %swap3A_592] {strides = array<i32>} : memref<128x64xf32, #tpu.memory_space<vmem>>, vector<1x16xf32>,
        %swap3A_594 = vector.shape_cast %swap3A_593 : vector<1x16xf32> to vector<16xf32>
        %swap3A_595 = vector.shape_cast %mul3A_590 : vector<16xf32> to vector<1x16xf32>
        tpu.vector_store %arg12[%swap3A_591, %swap3A_592], %swap3A_595 {strides = array<i32>} : memref<128x64xf32, #tpu.memory_space<vmem>>, vector<1x16xf32>,
        %get3A_596 = arith.index_cast %scan3A_583 : i32 to index
        %get3A_597 = arith.constant 16 : index
        %get3A_598 = tpu.vector_load %arg12[%get3A_596, %get3A_597] {strides = array<i32>} : memref<128x64xf32, #tpu.memory_space<vmem>>, vector<1x16xf32>,
        %get3A_599 = vector.shape_cast %get3A_598 : vector<1x16xf32> to vector<16xf32>
        %mul3A_600 = arith.constant 8.000000e+00 : f32
        %mul3A_601 = vector.broadcast %mul3A_600 : f32 to vector<16xf32>
        %mul3A_602 = arith.mulf %get3A_599, %mul3A_601 : vector<16xf32>
        %swap3A_603 = arith.index_cast %scan3A_583 : i32 to index
        %swap3A_604 = arith.constant 16 : index
        %swap3A_605 = tpu.vector_load %arg12[%swap3A_603, %swap3A_604] {strides = array<i32>} : memref<128x64xf32, #tpu.memory_space<vmem>>, vector<1x16xf32>,
        %swap3A_606 = vector.shape_cast %swap3A_605 : vector<1x16xf32> to vector<16xf32>
        %swap3A_607 = vector.shape_cast %mul3A_602 : vector<16xf32> to vector<1x16xf32>
        tpu.vector_store %arg12[%swap3A_603, %swap3A_604], %swap3A_607 {strides = array<i32>} : memref<128x64xf32, #tpu.memory_space<vmem>>, vector<1x16xf32>,
        %get3A_608 = arith.index_cast %scan3A_583 : i32 to index
        %get3A_609 = arith.constant 32 : index
        %get3A_610 = tpu.vector_load %arg12[%get3A_608, %get3A_609] {strides = array<i32>} : memref<128x64xf32, #tpu.memory_space<vmem>>, vector<1x16xf32>,
        %get3A_611 = vector.shape_cast %get3A_610 : vector<1x16xf32> to vector<16xf32>
        %mul3A_612 = arith.constant 8.000000e+00 : f32
        %mul3A_613 = vector.broadcast %mul3A_612 : f32 to vector<16xf32>
        %mul3A_614 = arith.mulf %get3A_611, %mul3A_613 : vector<16xf32>
        %swap3A_615 = arith.index_cast %scan3A_583 : i32 to index
        %swap3A_616 = arith.constant 32 : index
        %swap3A_617 = tpu.vector_load %arg12[%swap3A_615, %swap3A_616] {strides = array<i32>} : memref<128x64xf32, #tpu.memory_space<vmem>>, vector<1x16xf32>,
        %swap3A_618 = vector.shape_cast %swap3A_617 : vector<1x16xf32> to vector<16xf32>
        %swap3A_619 = vector.shape_cast %mul3A_614 : vector<16xf32> to vector<1x16xf32>
        tpu.vector_store %arg12[%swap3A_615, %swap3A_616], %swap3A_619 {strides = array<i32>} : memref<128x64xf32, #tpu.memory_space<vmem>>, vector<1x16xf32>,
        %get3A_620 = arith.index_cast %scan3A_583 : i32 to index
        %get3A_621 = arith.constant 48 : index
        %get3A_622 = tpu.vector_load %arg12[%get3A_620, %get3A_621] {strides = array<i32>} : memref<128x64xf32, #tpu.memory_space<vmem>>, vector<1x16xf32>,
        %get3A_623 = vector.shape_cast %get3A_622 : vector<1x16xf32> to vector<16xf32>
        %mul3A_624 = arith.constant 8.000000e+00 : f32
        %mul3A_625 = vector.broadcast %mul3A_624 : f32 to vector<16xf32>
        %mul3A_626 = arith.mulf %get3A_623, %mul3A_625 : vector<16xf32>
        %swap3A_627 = arith.index_cast %scan3A_583 : i32 to index
        %swap3A_628 = arith.constant 48 : index
        %swap3A_629 = tpu.vector_load %arg12[%swap3A_627, %swap3A_628] {strides = array<i32>} : memref<128x64xf32, #tpu.memory_space<vmem>>, vector<1x16xf32>,
        %swap3A_630 = vector.shape_cast %swap3A_629 : vector<1x16xf32> to vector<16xf32>
        %swap3A_631 = vector.shape_cast %mul3A_626 : vector<16xf32> to vector<1x16xf32>
        tpu.vector_store %arg12[%swap3A_627, %swap3A_628], %swap3A_631 {strides = array<i32>} : memref<128x64xf32, #tpu.memory_space<vmem>>, vector<1x16xf32>,
      }
      %scan3A_306 = arith.constant 128 : i32
      %dma_start3A_307 = arith.constant 0 : i32
      %dma_start3A_308 = arith.constant 0 : i32
      %dma_start3A_309 = tpu.memref_slice %arg4[%add3A, %add3A_294, %dma_start3A_307, %dma_start3A_308] : memref<32x200x128x64xf32, #tpu.memory_space<hbm>> -> memref<1x1x128x64xf32, #tpu.memory_space<hbm>>
      %dma_start3A_310 = tpu.memref_squeeze %dma_start3A_309 : memref<1x1x128x64xf32, #tpu.memory_space<hbm>> -> memref<128x64xf32, #tpu.memory_space<hbm>>
      %dma_start3A_311 = arith.constant 0 : i32
      %dma_start3A_312 = arith.constant 0 : i32
      %dma_start3A_313 = tpu.memref_slice %arg4[%add3A, %add3A_294, %dma_start3A_311, %dma_start3A_312] : memref<32x200x128x64xf32, #tpu.memory_space<hbm>> -> memref<1x1x128x64xf32, #tpu.memory_space<hbm>>
      %dma_start3A_314 = tpu.memref_squeeze %dma_start3A_313 : memref<1x1x128x64xf32, #tpu.memory_space<hbm>> -> memref<128x64xf32, #tpu.memory_space<hbm>>
      tpu.enqueue_dma source(%arg12 : memref<128x64xf32, #tpu.memory_space<vmem>>) target(%dma_start3A_314 : memref<128x64xf32, #tpu.memory_space<hbm>>) target_semaphore(%arg32 : memref<!tpu.dma_semaphore, #tpu.memory_space<semaphore_mem>>)
      %ge3A_315 = arith.constant 2 : i32
      %ge3A_316 = arith.cmpi sge, %add3A_294, %ge3A_315 : i32
      %convert_element_type3A_317 = arith.extui %ge3A_316 : i1 to i32
      %cond3A_318 = arith.constant 0 : i32
      %cond3A_319 = arith.cmpi ne, %convert_element_type3A_317, %cond3A_318 : i32
      scf.if %cond3A_319 {
        %dma_wait3A_435 = arith.constant 0 : i32
        %dma_wait3A_436 = arith.constant 0 : i32
        %dma_wait3A_437 = arith.constant 0 : i32
        %dma_wait3A_438 = tpu.memref_slice %arg4[%add3A, %dma_wait3A_435, %dma_wait3A_436, %dma_wait3A_437] : memref<32x200x128x64xf32, #tpu.memory_space<hbm>> -> memref<1x1x128x64xf32, #tpu.memory_space<hbm>>
        %dma_wait3A_439 = tpu.memref_squeeze %dma_wait3A_438 : memref<1x1x128x64xf32, #tpu.memory_space<hbm>> -> memref<128x64xf32, #tpu.memory_space<hbm>>
        %dma_wait3A_440 = arith.constant 0 : i32
        %dma_wait3A_441 = arith.constant 0 : i32
        %dma_wait3A_442 = tpu.memref_slice %arg4[%add3A, %dma_wait3A_435, %dma_wait3A_440, %dma_wait3A_441] : memref<32x200x128x64xf32, #tpu.memory_space<hbm>> -> memref<1x1x128x64xf32, #tpu.memory_space<hbm>>
        %dma_wait3A_443 = tpu.memref_squeeze %dma_wait3A_442 : memref<1x1x128x64xf32, #tpu.memory_space<hbm>> -> memref<128x64xf32, #tpu.memory_space<hbm>>
        tpu.wait_dma2 semaphore(%arg30 : memref<!tpu.dma_semaphore, #tpu.memory_space<semaphore_mem>>) src(%arg10 : memref<128x64xf32, #tpu.memory_space<vmem>>) dst(%dma_wait3A_443 : memref<128x64xf32, #tpu.memory_space<hbm>>)
      } else {
      }
      %add3A_320 = arith.constant 8 : i32
      %add3A_321 = arith.addi %add3A_294, %add3A_320 : i32
      %lt3A_322 = arith.constant 200 : i32
      %lt3A_323 = arith.cmpi slt, %add3A_321, %lt3A_322 : i32
      %convert_element_type3A_324 = arith.extui %lt3A_323 : i1 to i32
      %cond3A_325 = arith.constant 0 : i32
      %cond3A_326 = arith.cmpi ne, %convert_element_type3A_324, %cond3A_325 : i32
      scf.if %cond3A_326 {
        %add3A_435 = arith.constant 8 : i32
        %add3A_436 = arith.addi %add3A_294, %add3A_435 : i32
        %dma_start3A_437 = arith.constant 0 : i32
        %dma_start3A_438 = tpu.memref_slice %arg5[%add3A_436, %dma_start3A_437] : memref<200x128xi32, #tpu.memory_space<vmem>> -> memref<1x128xi32, #tpu.memory_space<vmem>>
        %dma_start3A_439 = tpu.memref_squeeze %dma_start3A_438 : memref<1x128xi32, #tpu.memory_space<vmem>> -> memref<128xi32, #tpu.memory_space<vmem>>
        %dma_start3A_440 = arith.constant 0 : i32
        %dma_start3A_441 = arith.constant 0 : i32
        %dma_start3A_442 = tpu.memref_slice %arg3[%dma_start3A_440, %dma_start3A_441] : memref<100000x64xf32, #tpu.memory_space<hbm>> -> memref<100000x64xf32, #tpu.memory_space<hbm>>
        tpu.enqueue_indirect_dma source(%dma_start3A_442 : memref<100000x64xf32, #tpu.memory_space<hbm>>) target(%arg10 : memref<128x64xf32, #tpu.memory_space<vmem>>) offsets(%dma_start3A_439 : memref<128xi32, #tpu.memory_space<vmem>>) semaphore(%arg20 : memref<!tpu.dma_semaphore, #tpu.memory_space<semaphore_mem>>)
      } else {
      }
      %mul3A_327 = arith.constant 10 : i32
      %mul3A_328 = arith.muli %scan3A_78, %mul3A_327 : i32
      %add3A_329 = arith.constant 7 : i32
      %add3A_330 = arith.addi %mul3A_328, %add3A_329 : i32
      %dma_wait3A_331 = arith.constant 0 : i32
      %dma_wait3A_332 = tpu.memref_slice %arg5[%add3A_330, %dma_wait3A_331] : memref<200x128xi32, #tpu.memory_space<vmem>> -> memref<1x128xi32, #tpu.memory_space<vmem>>
      %dma_wait3A_333 = tpu.memref_squeeze %dma_wait3A_332 : memref<1x128xi32, #tpu.memory_space<vmem>> -> memref<128xi32, #tpu.memory_space<vmem>>
      %dma_wait3A_334 = arith.constant 0 : i32
      %dma_wait3A_335 = arith.constant 0 : i32
      %dma_wait3A_336 = tpu.memref_slice %arg3[%dma_wait3A_334, %dma_wait3A_335] : memref<100000x64xf32, #tpu.memory_space<hbm>> -> memref<100000x64xf32, #tpu.memory_space<hbm>>
      tpu.wait_indirect_dma semaphore(%arg23 : memref<!tpu.dma_semaphore, #tpu.memory_space<semaphore_mem>>) src(%dma_wait3A_336 : memref<100000x64xf32, #tpu.memory_space<hbm>>) dst(%arg13 : memref<128x64xf32, #tpu.memory_space<vmem>>)
      %scan3A_337 = arith.constant 0 : i32
      %scan3A_338 = arith.constant 0 : i32
      %scan3A_339 = arith.constant 128 : i32
      %scan3A_340 = arith.addi %scan3A_338, %scan3A_339 : i32
      %scan3A_341 = arith.constant 4 : i32
      scf.for %scan3A_435 = %scan3A_338 to %scan3A_340 step %scan3A_341  : i32 {
        %get3A = arith.index_cast %scan3A_435 : i32 to index
        %get3A_436 = arith.constant 0 : index
        %get3A_437 = tpu.vector_load %arg13[%get3A, %get3A_436] {strides = array<i32>} : memref<128x64xf32, #tpu.memory_space<vmem>>, vector<1x16xf32>,
        %get3A_438 = vector.shape_cast %get3A_437 : vector<1x16xf32> to vector<16xf32>
        %mul3A_439 = arith.constant 8.000000e+00 : f32
        %mul3A_440 = vector.broadcast %mul3A_439 : f32 to vector<16xf32>
        %mul3A_441 = arith.mulf %get3A_438, %mul3A_440 : vector<16xf32>
        %swap3A = arith.index_cast %scan3A_435 : i32 to index
        %swap3A_442 = arith.constant 0 : index
        %swap3A_443 = tpu.vector_load %arg13[%swap3A, %swap3A_442] {strides = array<i32>} : memref<128x64xf32, #tpu.memory_space<vmem>>, vector<1x16xf32>,
        %swap3A_444 = vector.shape_cast %swap3A_443 : vector<1x16xf32> to vector<16xf32>
        %swap3A_445 = vector.shape_cast %mul3A_441 : vector<16xf32> to vector<1x16xf32>
        tpu.vector_store %arg13[%swap3A, %swap3A_442], %swap3A_445 {strides = array<i32>} : memref<128x64xf32, #tpu.memory_space<vmem>>, vector<1x16xf32>,
        %get3A_446 = arith.index_cast %scan3A_435 : i32 to index
        %get3A_447 = arith.constant 16 : index
        %get3A_448 = tpu.vector_load %arg13[%get3A_446, %get3A_447] {strides = array<i32>} : memref<128x64xf32, #tpu.memory_space<vmem>>, vector<1x16xf32>,
        %get3A_449 = vector.shape_cast %get3A_448 : vector<1x16xf32> to vector<16xf32>
        %mul3A_450 = arith.constant 8.000000e+00 : f32
        %mul3A_451 = vector.broadcast %mul3A_450 : f32 to vector<16xf32>
        %mul3A_452 = arith.mulf %get3A_449, %mul3A_451 : vector<16xf32>
        %swap3A_453 = arith.index_cast %scan3A_435 : i32 to index
        %swap3A_454 = arith.constant 16 : index
        %swap3A_455 = tpu.vector_load %arg13[%swap3A_453, %swap3A_454] {strides = array<i32>} : memref<128x64xf32, #tpu.memory_space<vmem>>, vector<1x16xf32>,
        %swap3A_456 = vector.shape_cast %swap3A_455 : vector<1x16xf32> to vector<16xf32>
        %swap3A_457 = vector.shape_cast %mul3A_452 : vector<16xf32> to vector<1x16xf32>
        tpu.vector_store %arg13[%swap3A_453, %swap3A_454], %swap3A_457 {strides = array<i32>} : memref<128x64xf32, #tpu.memory_space<vmem>>, vector<1x16xf32>,
        %get3A_458 = arith.index_cast %scan3A_435 : i32 to index
        %get3A_459 = arith.constant 32 : index
        %get3A_460 = tpu.vector_load %arg13[%get3A_458, %get3A_459] {strides = array<i32>} : memref<128x64xf32, #tpu.memory_space<vmem>>, vector<1x16xf32>,
        %get3A_461 = vector.shape_cast %get3A_460 : vector<1x16xf32> to vector<16xf32>
        %mul3A_462 = arith.constant 8.000000e+00 : f32
        %mul3A_463 = vector.broadcast %mul3A_462 : f32 to vector<16xf32>
        %mul3A_464 = arith.mulf %get3A_461, %mul3A_463 : vector<16xf32>
        %swap3A_465 = arith.index_cast %scan3A_435 : i32 to index
        %swap3A_466 = arith.constant 32 : index
        %swap3A_467 = tpu.vector_load %arg13[%swap3A_465, %swap3A_466] {strides = array<i32>} : memref<128x64xf32, #tpu.memory_space<vmem>>, vector<1x16xf32>,
        %swap3A_468 = vector.shape_cast %swap3A_467 : vector<1x16xf32> to vector<16xf32>
        %swap3A_469 = vector.shape_cast %mul3A_464 : vector<16xf32> to vector<1x16xf32>
        tpu.vector_store %arg13[%swap3A_465, %swap3A_466], %swap3A_469 {strides = array<i32>} : memref<128x64xf32, #tpu.memory_space<vmem>>, vector<1x16xf32>,
        %get3A_470 = arith.index_cast %scan3A_435 : i32 to index
        %get3A_471 = arith.constant 48 : index
        %get3A_472 = tpu.vector_load %arg13[%get3A_470, %get3A_471] {strides = array<i32>} : memref<128x64xf32, #tpu.memory_space<vmem>>, vector<1x16xf32>,
        %get3A_473 = vector.shape_cast %get3A_472 : vector<1x16xf32> to vector<16xf32>
        %mul3A_474 = arith.constant 8.000000e+00 : f32
        %mul3A_475 = vector.broadcast %mul3A_474 : f32 to vector<16xf32>
        %mul3A_476 = arith.mulf %get3A_473, %mul3A_475 : vector<16xf32>
        %swap3A_477 = arith.index_cast %scan3A_435 : i32 to index
        %swap3A_478 = arith.constant 48 : index
        %swap3A_479 = tpu.vector_load %arg13[%swap3A_477, %swap3A_478] {strides = array<i32>} : memref<128x64xf32, #tpu.memory_space<vmem>>, vector<1x16xf32>,
        %swap3A_480 = vector.shape_cast %swap3A_479 : vector<1x16xf32> to vector<16xf32>
        %swap3A_481 = vector.shape_cast %mul3A_476 : vector<16xf32> to vector<1x16xf32>
        tpu.vector_store %arg13[%swap3A_477, %swap3A_478], %swap3A_481 {strides = array<i32>} : memref<128x64xf32, #tpu.memory_space<vmem>>, vector<1x16xf32>,
        %scan3A_482 = arith.constant 1 : i32
        %scan3A_483 = arith.addi %scan3A_435, %scan3A_482 : i32
        %get3A_484 = arith.index_cast %scan3A_483 : i32 to index
        %get3A_485 = arith.constant 0 : index
        %get3A_486 = tpu.vector_load %arg13[%get3A_484, %get3A_485] {strides = array<i32>} : memref<128x64xf32, #tpu.memory_space<vmem>>, vector<1x16xf32>,
        %get3A_487 = vector.shape_cast %get3A_486 : vector<1x16xf32> to vector<16xf32>
        %mul3A_488 = arith.constant 8.000000e+00 : f32
        %mul3A_489 = vector.broadcast %mul3A_488 : f32 to vector<16xf32>
        %mul3A_490 = arith.mulf %get3A_487, %mul3A_489 : vector<16xf32>
        %swap3A_491 = arith.index_cast %scan3A_483 : i32 to index
        %swap3A_492 = arith.constant 0 : index
        %swap3A_493 = tpu.vector_load %arg13[%swap3A_491, %swap3A_492] {strides = array<i32>} : memref<128x64xf32, #tpu.memory_space<vmem>>, vector<1x16xf32>,
        %swap3A_494 = vector.shape_cast %swap3A_493 : vector<1x16xf32> to vector<16xf32>
        %swap3A_495 = vector.shape_cast %mul3A_490 : vector<16xf32> to vector<1x16xf32>
        tpu.vector_store %arg13[%swap3A_491, %swap3A_492], %swap3A_495 {strides = array<i32>} : memref<128x64xf32, #tpu.memory_space<vmem>>, vector<1x16xf32>,
        %get3A_496 = arith.index_cast %scan3A_483 : i32 to index
        %get3A_497 = arith.constant 16 : index
        %get3A_498 = tpu.vector_load %arg13[%get3A_496, %get3A_497] {strides = array<i32>} : memref<128x64xf32, #tpu.memory_space<vmem>>, vector<1x16xf32>,
        %get3A_499 = vector.shape_cast %get3A_498 : vector<1x16xf32> to vector<16xf32>
        %mul3A_500 = arith.constant 8.000000e+00 : f32
        %mul3A_501 = vector.broadcast %mul3A_500 : f32 to vector<16xf32>
        %mul3A_502 = arith.mulf %get3A_499, %mul3A_501 : vector<16xf32>
        %swap3A_503 = arith.index_cast %scan3A_483 : i32 to index
        %swap3A_504 = arith.constant 16 : index
        %swap3A_505 = tpu.vector_load %arg13[%swap3A_503, %swap3A_504] {strides = array<i32>} : memref<128x64xf32, #tpu.memory_space<vmem>>, vector<1x16xf32>,
        %swap3A_506 = vector.shape_cast %swap3A_505 : vector<1x16xf32> to vector<16xf32>
        %swap3A_507 = vector.shape_cast %mul3A_502 : vector<16xf32> to vector<1x16xf32>
        tpu.vector_store %arg13[%swap3A_503, %swap3A_504], %swap3A_507 {strides = array<i32>} : memref<128x64xf32, #tpu.memory_space<vmem>>, vector<1x16xf32>,
        %get3A_508 = arith.index_cast %scan3A_483 : i32 to index
        %get3A_509 = arith.constant 32 : index
        %get3A_510 = tpu.vector_load %arg13[%get3A_508, %get3A_509] {strides = array<i32>} : memref<128x64xf32, #tpu.memory_space<vmem>>, vector<1x16xf32>,
        %get3A_511 = vector.shape_cast %get3A_510 : vector<1x16xf32> to vector<16xf32>
        %mul3A_512 = arith.constant 8.000000e+00 : f32
        %mul3A_513 = vector.broadcast %mul3A_512 : f32 to vector<16xf32>
        %mul3A_514 = arith.mulf %get3A_511, %mul3A_513 : vector<16xf32>
        %swap3A_515 = arith.index_cast %scan3A_483 : i32 to index
        %swap3A_516 = arith.constant 32 : index
        %swap3A_517 = tpu.vector_load %arg13[%swap3A_515, %swap3A_516] {strides = array<i32>} : memref<128x64xf32, #tpu.memory_space<vmem>>, vector<1x16xf32>,
        %swap3A_518 = vector.shape_cast %swap3A_517 : vector<1x16xf32> to vector<16xf32>
        %swap3A_519 = vector.shape_cast %mul3A_514 : vector<16xf32> to vector<1x16xf32>
        tpu.vector_store %arg13[%swap3A_515, %swap3A_516], %swap3A_519 {strides = array<i32>} : memref<128x64xf32, #tpu.memory_space<vmem>>, vector<1x16xf32>,
        %get3A_520 = arith.index_cast %scan3A_483 : i32 to index
        %get3A_521 = arith.constant 48 : index
        %get3A_522 = tpu.vector_load %arg13[%get3A_520, %get3A_521] {strides = array<i32>} : memref<128x64xf32, #tpu.memory_space<vmem>>, vector<1x16xf32>,
        %get3A_523 = vector.shape_cast %get3A_522 : vector<1x16xf32> to vector<16xf32>
        %mul3A_524 = arith.constant 8.000000e+00 : f32
        %mul3A_525 = vector.broadcast %mul3A_524 : f32 to vector<16xf32>
        %mul3A_526 = arith.mulf %get3A_523, %mul3A_525 : vector<16xf32>
        %swap3A_527 = arith.index_cast %scan3A_483 : i32 to index
        %swap3A_528 = arith.constant 48 : index
        %swap3A_529 = tpu.vector_load %arg13[%swap3A_527, %swap3A_528] {strides = array<i32>} : memref<128x64xf32, #tpu.memory_space<vmem>>, vector<1x16xf32>,
        %swap3A_530 = vector.shape_cast %swap3A_529 : vector<1x16xf32> to vector<16xf32>
        %swap3A_531 = vector.shape_cast %mul3A_526 : vector<16xf32> to vector<1x16xf32>
        tpu.vector_store %arg13[%swap3A_527, %swap3A_528], %swap3A_531 {strides = array<i32>} : memref<128x64xf32, #tpu.memory_space<vmem>>, vector<1x16xf32>,
        %scan3A_532 = arith.constant 2 : i32
        %scan3A_533 = arith.addi %scan3A_435, %scan3A_532 : i32
        %get3A_534 = arith.index_cast %scan3A_533 : i32 to index
        %get3A_535 = arith.constant 0 : index
        %get3A_536 = tpu.vector_load %arg13[%get3A_534, %get3A_535] {strides = array<i32>} : memref<128x64xf32, #tpu.memory_space<vmem>>, vector<1x16xf32>,
        %get3A_537 = vector.shape_cast %get3A_536 : vector<1x16xf32> to vector<16xf32>
        %mul3A_538 = arith.constant 8.000000e+00 : f32
        %mul3A_539 = vector.broadcast %mul3A_538 : f32 to vector<16xf32>
        %mul3A_540 = arith.mulf %get3A_537, %mul3A_539 : vector<16xf32>
        %swap3A_541 = arith.index_cast %scan3A_533 : i32 to index
        %swap3A_542 = arith.constant 0 : index
        %swap3A_543 = tpu.vector_load %arg13[%swap3A_541, %swap3A_542] {strides = array<i32>} : memref<128x64xf32, #tpu.memory_space<vmem>>, vector<1x16xf32>,
        %swap3A_544 = vector.shape_cast %swap3A_543 : vector<1x16xf32> to vector<16xf32>
        %swap3A_545 = vector.shape_cast %mul3A_540 : vector<16xf32> to vector<1x16xf32>
        tpu.vector_store %arg13[%swap3A_541, %swap3A_542], %swap3A_545 {strides = array<i32>} : memref<128x64xf32, #tpu.memory_space<vmem>>, vector<1x16xf32>,
        %get3A_546 = arith.index_cast %scan3A_533 : i32 to index
        %get3A_547 = arith.constant 16 : index
        %get3A_548 = tpu.vector_load %arg13[%get3A_546, %get3A_547] {strides = array<i32>} : memref<128x64xf32, #tpu.memory_space<vmem>>, vector<1x16xf32>,
        %get3A_549 = vector.shape_cast %get3A_548 : vector<1x16xf32> to vector<16xf32>
        %mul3A_550 = arith.constant 8.000000e+00 : f32
        %mul3A_551 = vector.broadcast %mul3A_550 : f32 to vector<16xf32>
        %mul3A_552 = arith.mulf %get3A_549, %mul3A_551 : vector<16xf32>
        %swap3A_553 = arith.index_cast %scan3A_533 : i32 to index
        %swap3A_554 = arith.constant 16 : index
        %swap3A_555 = tpu.vector_load %arg13[%swap3A_553, %swap3A_554] {strides = array<i32>} : memref<128x64xf32, #tpu.memory_space<vmem>>, vector<1x16xf32>,
        %swap3A_556 = vector.shape_cast %swap3A_555 : vector<1x16xf32> to vector<16xf32>
        %swap3A_557 = vector.shape_cast %mul3A_552 : vector<16xf32> to vector<1x16xf32>
        tpu.vector_store %arg13[%swap3A_553, %swap3A_554], %swap3A_557 {strides = array<i32>} : memref<128x64xf32, #tpu.memory_space<vmem>>, vector<1x16xf32>,
        %get3A_558 = arith.index_cast %scan3A_533 : i32 to index
        %get3A_559 = arith.constant 32 : index
        %get3A_560 = tpu.vector_load %arg13[%get3A_558, %get3A_559] {strides = array<i32>} : memref<128x64xf32, #tpu.memory_space<vmem>>, vector<1x16xf32>,
        %get3A_561 = vector.shape_cast %get3A_560 : vector<1x16xf32> to vector<16xf32>
        %mul3A_562 = arith.constant 8.000000e+00 : f32
        %mul3A_563 = vector.broadcast %mul3A_562 : f32 to vector<16xf32>
        %mul3A_564 = arith.mulf %get3A_561, %mul3A_563 : vector<16xf32>
        %swap3A_565 = arith.index_cast %scan3A_533 : i32 to index
        %swap3A_566 = arith.constant 32 : index
        %swap3A_567 = tpu.vector_load %arg13[%swap3A_565, %swap3A_566] {strides = array<i32>} : memref<128x64xf32, #tpu.memory_space<vmem>>, vector<1x16xf32>,
        %swap3A_568 = vector.shape_cast %swap3A_567 : vector<1x16xf32> to vector<16xf32>
        %swap3A_569 = vector.shape_cast %mul3A_564 : vector<16xf32> to vector<1x16xf32>
        tpu.vector_store %arg13[%swap3A_565, %swap3A_566], %swap3A_569 {strides = array<i32>} : memref<128x64xf32, #tpu.memory_space<vmem>>, vector<1x16xf32>,
        %get3A_570 = arith.index_cast %scan3A_533 : i32 to index
        %get3A_571 = arith.constant 48 : index
        %get3A_572 = tpu.vector_load %arg13[%get3A_570, %get3A_571] {strides = array<i32>} : memref<128x64xf32, #tpu.memory_space<vmem>>, vector<1x16xf32>,
        %get3A_573 = vector.shape_cast %get3A_572 : vector<1x16xf32> to vector<16xf32>
        %mul3A_574 = arith.constant 8.000000e+00 : f32
        %mul3A_575 = vector.broadcast %mul3A_574 : f32 to vector<16xf32>
        %mul3A_576 = arith.mulf %get3A_573, %mul3A_575 : vector<16xf32>
        %swap3A_577 = arith.index_cast %scan3A_533 : i32 to index
        %swap3A_578 = arith.constant 48 : index
        %swap3A_579 = tpu.vector_load %arg13[%swap3A_577, %swap3A_578] {strides = array<i32>} : memref<128x64xf32, #tpu.memory_space<vmem>>, vector<1x16xf32>,
        %swap3A_580 = vector.shape_cast %swap3A_579 : vector<1x16xf32> to vector<16xf32>
        %swap3A_581 = vector.shape_cast %mul3A_576 : vector<16xf32> to vector<1x16xf32>
        tpu.vector_store %arg13[%swap3A_577, %swap3A_578], %swap3A_581 {strides = array<i32>} : memref<128x64xf32, #tpu.memory_space<vmem>>, vector<1x16xf32>,
        %scan3A_582 = arith.constant 3 : i32
        %scan3A_583 = arith.addi %scan3A_435, %scan3A_582 : i32
        %get3A_584 = arith.index_cast %scan3A_583 : i32 to index
        %get3A_585 = arith.constant 0 : index
        %get3A_586 = tpu.vector_load %arg13[%get3A_584, %get3A_585] {strides = array<i32>} : memref<128x64xf32, #tpu.memory_space<vmem>>, vector<1x16xf32>,
        %get3A_587 = vector.shape_cast %get3A_586 : vector<1x16xf32> to vector<16xf32>
        %mul3A_588 = arith.constant 8.000000e+00 : f32
        %mul3A_589 = vector.broadcast %mul3A_588 : f32 to vector<16xf32>
        %mul3A_590 = arith.mulf %get3A_587, %mul3A_589 : vector<16xf32>
        %swap3A_591 = arith.index_cast %scan3A_583 : i32 to index
        %swap3A_592 = arith.constant 0 : index
        %swap3A_593 = tpu.vector_load %arg13[%swap3A_591, %swap3A_592] {strides = array<i32>} : memref<128x64xf32, #tpu.memory_space<vmem>>, vector<1x16xf32>,
        %swap3A_594 = vector.shape_cast %swap3A_593 : vector<1x16xf32> to vector<16xf32>
        %swap3A_595 = vector.shape_cast %mul3A_590 : vector<16xf32> to vector<1x16xf32>
        tpu.vector_store %arg13[%swap3A_591, %swap3A_592], %swap3A_595 {strides = array<i32>} : memref<128x64xf32, #tpu.memory_space<vmem>>, vector<1x16xf32>,
        %get3A_596 = arith.index_cast %scan3A_583 : i32 to index
        %get3A_597 = arith.constant 16 : index
        %get3A_598 = tpu.vector_load %arg13[%get3A_596, %get3A_597] {strides = array<i32>} : memref<128x64xf32, #tpu.memory_space<vmem>>, vector<1x16xf32>,
        %get3A_599 = vector.shape_cast %get3A_598 : vector<1x16xf32> to vector<16xf32>
        %mul3A_600 = arith.constant 8.000000e+00 : f32
        %mul3A_601 = vector.broadcast %mul3A_600 : f32 to vector<16xf32>
        %mul3A_602 = arith.mulf %get3A_599, %mul3A_601 : vector<16xf32>
        %swap3A_603 = arith.index_cast %scan3A_583 : i32 to index
        %swap3A_604 = arith.constant 16 : index
        %swap3A_605 = tpu.vector_load %arg13[%swap3A_603, %swap3A_604] {strides = array<i32>} : memref<128x64xf32, #tpu.memory_space<vmem>>, vector<1x16xf32>,
        %swap3A_606 = vector.shape_cast %swap3A_605 : vector<1x16xf32> to vector<16xf32>
        %swap3A_607 = vector.shape_cast %mul3A_602 : vector<16xf32> to vector<1x16xf32>
        tpu.vector_store %arg13[%swap3A_603, %swap3A_604], %swap3A_607 {strides = array<i32>} : memref<128x64xf32, #tpu.memory_space<vmem>>, vector<1x16xf32>,
        %get3A_608 = arith.index_cast %scan3A_583 : i32 to index
        %get3A_609 = arith.constant 32 : index
        %get3A_610 = tpu.vector_load %arg13[%get3A_608, %get3A_609] {strides = array<i32>} : memref<128x64xf32, #tpu.memory_space<vmem>>, vector<1x16xf32>,
        %get3A_611 = vector.shape_cast %get3A_610 : vector<1x16xf32> to vector<16xf32>
        %mul3A_612 = arith.constant 8.000000e+00 : f32
        %mul3A_613 = vector.broadcast %mul3A_612 : f32 to vector<16xf32>
        %mul3A_614 = arith.mulf %get3A_611, %mul3A_613 : vector<16xf32>
        %swap3A_615 = arith.index_cast %scan3A_583 : i32 to index
        %swap3A_616 = arith.constant 32 : index
        %swap3A_617 = tpu.vector_load %arg13[%swap3A_615, %swap3A_616] {strides = array<i32>} : memref<128x64xf32, #tpu.memory_space<vmem>>, vector<1x16xf32>,
        %swap3A_618 = vector.shape_cast %swap3A_617 : vector<1x16xf32> to vector<16xf32>
        %swap3A_619 = vector.shape_cast %mul3A_614 : vector<16xf32> to vector<1x16xf32>
        tpu.vector_store %arg13[%swap3A_615, %swap3A_616], %swap3A_619 {strides = array<i32>} : memref<128x64xf32, #tpu.memory_space<vmem>>, vector<1x16xf32>,
        %get3A_620 = arith.index_cast %scan3A_583 : i32 to index
        %get3A_621 = arith.constant 48 : index
        %get3A_622 = tpu.vector_load %arg13[%get3A_620, %get3A_621] {strides = array<i32>} : memref<128x64xf32, #tpu.memory_space<vmem>>, vector<1x16xf32>,
        %get3A_623 = vector.shape_cast %get3A_622 : vector<1x16xf32> to vector<16xf32>
        %mul3A_624 = arith.constant 8.000000e+00 : f32
        %mul3A_625 = vector.broadcast %mul3A_624 : f32 to vector<16xf32>
        %mul3A_626 = arith.mulf %get3A_623, %mul3A_625 : vector<16xf32>
        %swap3A_627 = arith.index_cast %scan3A_583 : i32 to index
        %swap3A_628 = arith.constant 48 : index
        %swap3A_629 = tpu.vector_load %arg13[%swap3A_627, %swap3A_628] {strides = array<i32>} : memref<128x64xf32, #tpu.memory_space<vmem>>, vector<1x16xf32>,
        %swap3A_630 = vector.shape_cast %swap3A_629 : vector<1x16xf32> to vector<16xf32>
        %swap3A_631 = vector.shape_cast %mul3A_626 : vector<16xf32> to vector<1x16xf32>
        tpu.vector_store %arg13[%swap3A_627, %swap3A_628], %swap3A_631 {strides = array<i32>} : memref<128x64xf32, #tpu.memory_space<vmem>>, vector<1x16xf32>,
      }
      %scan3A_342 = arith.constant 128 : i32
      %dma_start3A_343 = arith.constant 0 : i32
      %dma_start3A_344 = arith.constant 0 : i32
      %dma_start3A_345 = tpu.memref_slice %arg4[%add3A, %add3A_330, %dma_start3A_343, %dma_start3A_344] : memref<32x200x128x64xf32, #tpu.memory_space<hbm>> -> memref<1x1x128x64xf32, #tpu.memory_space<hbm>>
      %dma_start3A_346 = tpu.memref_squeeze %dma_start3A_345 : memref<1x1x128x64xf32, #tpu.memory_space<hbm>> -> memref<128x64xf32, #tpu.memory_space<hbm>>
      %dma_start3A_347 = arith.constant 0 : i32
      %dma_start3A_348 = arith.constant 0 : i32
      %dma_start3A_349 = tpu.memref_slice %arg4[%add3A, %add3A_330, %dma_start3A_347, %dma_start3A_348] : memref<32x200x128x64xf32, #tpu.memory_space<hbm>> -> memref<1x1x128x64xf32, #tpu.memory_space<hbm>>
      %dma_start3A_350 = tpu.memref_squeeze %dma_start3A_349 : memref<1x1x128x64xf32, #tpu.memory_space<hbm>> -> memref<128x64xf32, #tpu.memory_space<hbm>>
      tpu.enqueue_dma source(%arg13 : memref<128x64xf32, #tpu.memory_space<vmem>>) target(%dma_start3A_350 : memref<128x64xf32, #tpu.memory_space<hbm>>) target_semaphore(%arg33 : memref<!tpu.dma_semaphore, #tpu.memory_space<semaphore_mem>>)
      %ge3A_351 = arith.constant 2 : i32
      %ge3A_352 = arith.cmpi sge, %add3A_330, %ge3A_351 : i32
      %convert_element_type3A_353 = arith.extui %ge3A_352 : i1 to i32
      %cond3A_354 = arith.constant 0 : i32
      %cond3A_355 = arith.cmpi ne, %convert_element_type3A_353, %cond3A_354 : i32
      scf.if %cond3A_355 {
        %dma_wait3A_435 = arith.constant 0 : i32
        %dma_wait3A_436 = arith.constant 0 : i32
        %dma_wait3A_437 = arith.constant 0 : i32
        %dma_wait3A_438 = tpu.memref_slice %arg4[%add3A, %dma_wait3A_435, %dma_wait3A_436, %dma_wait3A_437] : memref<32x200x128x64xf32, #tpu.memory_space<hbm>> -> memref<1x1x128x64xf32, #tpu.memory_space<hbm>>
        %dma_wait3A_439 = tpu.memref_squeeze %dma_wait3A_438 : memref<1x1x128x64xf32, #tpu.memory_space<hbm>> -> memref<128x64xf32, #tpu.memory_space<hbm>>
        %dma_wait3A_440 = arith.constant 0 : i32
        %dma_wait3A_441 = arith.constant 0 : i32
        %dma_wait3A_442 = tpu.memref_slice %arg4[%add3A, %dma_wait3A_435, %dma_wait3A_440, %dma_wait3A_441] : memref<32x200x128x64xf32, #tpu.memory_space<hbm>> -> memref<1x1x128x64xf32, #tpu.memory_space<hbm>>
        %dma_wait3A_443 = tpu.memref_squeeze %dma_wait3A_442 : memref<1x1x128x64xf32, #tpu.memory_space<hbm>> -> memref<128x64xf32, #tpu.memory_space<hbm>>
        tpu.wait_dma2 semaphore(%arg31 : memref<!tpu.dma_semaphore, #tpu.memory_space<semaphore_mem>>) src(%arg11 : memref<128x64xf32, #tpu.memory_space<vmem>>) dst(%dma_wait3A_443 : memref<128x64xf32, #tpu.memory_space<hbm>>)
      } else {
      }
      %add3A_356 = arith.constant 8 : i32
      %add3A_357 = arith.addi %add3A_330, %add3A_356 : i32
      %lt3A_358 = arith.constant 200 : i32
      %lt3A_359 = arith.cmpi slt, %add3A_357, %lt3A_358 : i32
      %convert_element_type3A_360 = arith.extui %lt3A_359 : i1 to i32
      %cond3A_361 = arith.constant 0 : i32
      %cond3A_362 = arith.cmpi ne, %convert_element_type3A_360, %cond3A_361 : i32
      scf.if %cond3A_362 {
        %add3A_435 = arith.constant 8 : i32
        %add3A_436 = arith.addi %add3A_330, %add3A_435 : i32
        %dma_start3A_437 = arith.constant 0 : i32
        %dma_start3A_438 = tpu.memref_slice %arg5[%add3A_436, %dma_start3A_437] : memref<200x128xi32, #tpu.memory_space<vmem>> -> memref<1x128xi32, #tpu.memory_space<vmem>>
        %dma_start3A_439 = tpu.memref_squeeze %dma_start3A_438 : memref<1x128xi32, #tpu.memory_space<vmem>> -> memref<128xi32, #tpu.memory_space<vmem>>
        %dma_start3A_440 = arith.constant 0 : i32
        %dma_start3A_441 = arith.constant 0 : i32
        %dma_start3A_442 = tpu.memref_slice %arg3[%dma_start3A_440, %dma_start3A_441] : memref<100000x64xf32, #tpu.memory_space<hbm>> -> memref<100000x64xf32, #tpu.memory_space<hbm>>
        tpu.enqueue_indirect_dma source(%dma_start3A_442 : memref<100000x64xf32, #tpu.memory_space<hbm>>) target(%arg11 : memref<128x64xf32, #tpu.memory_space<vmem>>) offsets(%dma_start3A_439 : memref<128xi32, #tpu.memory_space<vmem>>) semaphore(%arg21 : memref<!tpu.dma_semaphore, #tpu.memory_space<semaphore_mem>>)
      } else {
      }
      %mul3A_363 = arith.constant 10 : i32
      %mul3A_364 = arith.muli %scan3A_78, %mul3A_363 : i32
      %add3A_365 = arith.constant 8 : i32
      %add3A_366 = arith.addi %mul3A_364, %add3A_365 : i32
      %dma_wait3A_367 = arith.constant 0 : i32
      %dma_wait3A_368 = tpu.memref_slice %arg5[%add3A_366, %dma_wait3A_367] : memref<200x128xi32, #tpu.memory_space<vmem>> -> memref<1x128xi32, #tpu.memory_space<vmem>>
      %dma_wait3A_369 = tpu.memref_squeeze %dma_wait3A_368 : memref<1x128xi32, #tpu.memory_space<vmem>> -> memref<128xi32, #tpu.memory_space<vmem>>
      %dma_wait3A_370 = arith.constant 0 : i32
      %dma_wait3A_371 = arith.constant 0 : i32
      %dma_wait3A_372 = tpu.memref_slice %arg3[%dma_wait3A_370, %dma_wait3A_371] : memref<100000x64xf32, #tpu.memory_space<hbm>> -> memref<100000x64xf32, #tpu.memory_space<hbm>>
      tpu.wait_indirect_dma semaphore(%arg24 : memref<!tpu.dma_semaphore, #tpu.memory_space<semaphore_mem>>) src(%dma_wait3A_372 : memref<100000x64xf32, #tpu.memory_space<hbm>>) dst(%arg14 : memref<128x64xf32, #tpu.memory_space<vmem>>)
      %scan3A_373 = arith.constant 0 : i32
      %scan3A_374 = arith.constant 0 : i32
      %scan3A_375 = arith.constant 128 : i32
      %scan3A_376 = arith.addi %scan3A_374, %scan3A_375 : i32
      %scan3A_377 = arith.constant 4 : i32
      scf.for %scan3A_435 = %scan3A_374 to %scan3A_376 step %scan3A_377  : i32 {
        %get3A = arith.index_cast %scan3A_435 : i32 to index
        %get3A_436 = arith.constant 0 : index
        %get3A_437 = tpu.vector_load %arg14[%get3A, %get3A_436] {strides = array<i32>} : memref<128x64xf32, #tpu.memory_space<vmem>>, vector<1x16xf32>,
        %get3A_438 = vector.shape_cast %get3A_437 : vector<1x16xf32> to vector<16xf32>
        %mul3A_439 = arith.constant 8.000000e+00 : f32
        %mul3A_440 = vector.broadcast %mul3A_439 : f32 to vector<16xf32>
        %mul3A_441 = arith.mulf %get3A_438, %mul3A_440 : vector<16xf32>
        %swap3A = arith.index_cast %scan3A_435 : i32 to index
        %swap3A_442 = arith.constant 0 : index
        %swap3A_443 = tpu.vector_load %arg14[%swap3A, %swap3A_442] {strides = array<i32>} : memref<128x64xf32, #tpu.memory_space<vmem>>, vector<1x16xf32>,
        %swap3A_444 = vector.shape_cast %swap3A_443 : vector<1x16xf32> to vector<16xf32>
        %swap3A_445 = vector.shape_cast %mul3A_441 : vector<16xf32> to vector<1x16xf32>
        tpu.vector_store %arg14[%swap3A, %swap3A_442], %swap3A_445 {strides = array<i32>} : memref<128x64xf32, #tpu.memory_space<vmem>>, vector<1x16xf32>,
        %get3A_446 = arith.index_cast %scan3A_435 : i32 to index
        %get3A_447 = arith.constant 16 : index
        %get3A_448 = tpu.vector_load %arg14[%get3A_446, %get3A_447] {strides = array<i32>} : memref<128x64xf32, #tpu.memory_space<vmem>>, vector<1x16xf32>,
        %get3A_449 = vector.shape_cast %get3A_448 : vector<1x16xf32> to vector<16xf32>
        %mul3A_450 = arith.constant 8.000000e+00 : f32
        %mul3A_451 = vector.broadcast %mul3A_450 : f32 to vector<16xf32>
        %mul3A_452 = arith.mulf %get3A_449, %mul3A_451 : vector<16xf32>
        %swap3A_453 = arith.index_cast %scan3A_435 : i32 to index
        %swap3A_454 = arith.constant 16 : index
        %swap3A_455 = tpu.vector_load %arg14[%swap3A_453, %swap3A_454] {strides = array<i32>} : memref<128x64xf32, #tpu.memory_space<vmem>>, vector<1x16xf32>,
        %swap3A_456 = vector.shape_cast %swap3A_455 : vector<1x16xf32> to vector<16xf32>
        %swap3A_457 = vector.shape_cast %mul3A_452 : vector<16xf32> to vector<1x16xf32>
        tpu.vector_store %arg14[%swap3A_453, %swap3A_454], %swap3A_457 {strides = array<i32>} : memref<128x64xf32, #tpu.memory_space<vmem>>, vector<1x16xf32>,
        %get3A_458 = arith.index_cast %scan3A_435 : i32 to index
        %get3A_459 = arith.constant 32 : index
        %get3A_460 = tpu.vector_load %arg14[%get3A_458, %get3A_459] {strides = array<i32>} : memref<128x64xf32, #tpu.memory_space<vmem>>, vector<1x16xf32>,
        %get3A_461 = vector.shape_cast %get3A_460 : vector<1x16xf32> to vector<16xf32>
        %mul3A_462 = arith.constant 8.000000e+00 : f32
        %mul3A_463 = vector.broadcast %mul3A_462 : f32 to vector<16xf32>
        %mul3A_464 = arith.mulf %get3A_461, %mul3A_463 : vector<16xf32>
        %swap3A_465 = arith.index_cast %scan3A_435 : i32 to index
        %swap3A_466 = arith.constant 32 : index
        %swap3A_467 = tpu.vector_load %arg14[%swap3A_465, %swap3A_466] {strides = array<i32>} : memref<128x64xf32, #tpu.memory_space<vmem>>, vector<1x16xf32>,
        %swap3A_468 = vector.shape_cast %swap3A_467 : vector<1x16xf32> to vector<16xf32>
        %swap3A_469 = vector.shape_cast %mul3A_464 : vector<16xf32> to vector<1x16xf32>
        tpu.vector_store %arg14[%swap3A_465, %swap3A_466], %swap3A_469 {strides = array<i32>} : memref<128x64xf32, #tpu.memory_space<vmem>>, vector<1x16xf32>,
        %get3A_470 = arith.index_cast %scan3A_435 : i32 to index
        %get3A_471 = arith.constant 48 : index
        %get3A_472 = tpu.vector_load %arg14[%get3A_470, %get3A_471] {strides = array<i32>} : memref<128x64xf32, #tpu.memory_space<vmem>>, vector<1x16xf32>,
        %get3A_473 = vector.shape_cast %get3A_472 : vector<1x16xf32> to vector<16xf32>
        %mul3A_474 = arith.constant 8.000000e+00 : f32
        %mul3A_475 = vector.broadcast %mul3A_474 : f32 to vector<16xf32>
        %mul3A_476 = arith.mulf %get3A_473, %mul3A_475 : vector<16xf32>
        %swap3A_477 = arith.index_cast %scan3A_435 : i32 to index
        %swap3A_478 = arith.constant 48 : index
        %swap3A_479 = tpu.vector_load %arg14[%swap3A_477, %swap3A_478] {strides = array<i32>} : memref<128x64xf32, #tpu.memory_space<vmem>>, vector<1x16xf32>,
        %swap3A_480 = vector.shape_cast %swap3A_479 : vector<1x16xf32> to vector<16xf32>
        %swap3A_481 = vector.shape_cast %mul3A_476 : vector<16xf32> to vector<1x16xf32>
        tpu.vector_store %arg14[%swap3A_477, %swap3A_478], %swap3A_481 {strides = array<i32>} : memref<128x64xf32, #tpu.memory_space<vmem>>, vector<1x16xf32>,
        %scan3A_482 = arith.constant 1 : i32
        %scan3A_483 = arith.addi %scan3A_435, %scan3A_482 : i32
        %get3A_484 = arith.index_cast %scan3A_483 : i32 to index
        %get3A_485 = arith.constant 0 : index
        %get3A_486 = tpu.vector_load %arg14[%get3A_484, %get3A_485] {strides = array<i32>} : memref<128x64xf32, #tpu.memory_space<vmem>>, vector<1x16xf32>,
        %get3A_487 = vector.shape_cast %get3A_486 : vector<1x16xf32> to vector<16xf32>
        %mul3A_488 = arith.constant 8.000000e+00 : f32
        %mul3A_489 = vector.broadcast %mul3A_488 : f32 to vector<16xf32>
        %mul3A_490 = arith.mulf %get3A_487, %mul3A_489 : vector<16xf32>
        %swap3A_491 = arith.index_cast %scan3A_483 : i32 to index
        %swap3A_492 = arith.constant 0 : index
        %swap3A_493 = tpu.vector_load %arg14[%swap3A_491, %swap3A_492] {strides = array<i32>} : memref<128x64xf32, #tpu.memory_space<vmem>>, vector<1x16xf32>,
        %swap3A_494 = vector.shape_cast %swap3A_493 : vector<1x16xf32> to vector<16xf32>
        %swap3A_495 = vector.shape_cast %mul3A_490 : vector<16xf32> to vector<1x16xf32>
        tpu.vector_store %arg14[%swap3A_491, %swap3A_492], %swap3A_495 {strides = array<i32>} : memref<128x64xf32, #tpu.memory_space<vmem>>, vector<1x16xf32>,
        %get3A_496 = arith.index_cast %scan3A_483 : i32 to index
        %get3A_497 = arith.constant 16 : index
        %get3A_498 = tpu.vector_load %arg14[%get3A_496, %get3A_497] {strides = array<i32>} : memref<128x64xf32, #tpu.memory_space<vmem>>, vector<1x16xf32>,
        %get3A_499 = vector.shape_cast %get3A_498 : vector<1x16xf32> to vector<16xf32>
        %mul3A_500 = arith.constant 8.000000e+00 : f32
        %mul3A_501 = vector.broadcast %mul3A_500 : f32 to vector<16xf32>
        %mul3A_502 = arith.mulf %get3A_499, %mul3A_501 : vector<16xf32>
        %swap3A_503 = arith.index_cast %scan3A_483 : i32 to index
        %swap3A_504 = arith.constant 16 : index
        %swap3A_505 = tpu.vector_load %arg14[%swap3A_503, %swap3A_504] {strides = array<i32>} : memref<128x64xf32, #tpu.memory_space<vmem>>, vector<1x16xf32>,
        %swap3A_506 = vector.shape_cast %swap3A_505 : vector<1x16xf32> to vector<16xf32>
        %swap3A_507 = vector.shape_cast %mul3A_502 : vector<16xf32> to vector<1x16xf32>
        tpu.vector_store %arg14[%swap3A_503, %swap3A_504], %swap3A_507 {strides = array<i32>} : memref<128x64xf32, #tpu.memory_space<vmem>>, vector<1x16xf32>,
        %get3A_508 = arith.index_cast %scan3A_483 : i32 to index
        %get3A_509 = arith.constant 32 : index
        %get3A_510 = tpu.vector_load %arg14[%get3A_508, %get3A_509] {strides = array<i32>} : memref<128x64xf32, #tpu.memory_space<vmem>>, vector<1x16xf32>,
        %get3A_511 = vector.shape_cast %get3A_510 : vector<1x16xf32> to vector<16xf32>
        %mul3A_512 = arith.constant 8.000000e+00 : f32
        %mul3A_513 = vector.broadcast %mul3A_512 : f32 to vector<16xf32>
        %mul3A_514 = arith.mulf %get3A_511, %mul3A_513 : vector<16xf32>
        %swap3A_515 = arith.index_cast %scan3A_483 : i32 to index
        %swap3A_516 = arith.constant 32 : index
        %swap3A_517 = tpu.vector_load %arg14[%swap3A_515, %swap3A_516] {strides = array<i32>} : memref<128x64xf32, #tpu.memory_space<vmem>>, vector<1x16xf32>,
        %swap3A_518 = vector.shape_cast %swap3A_517 : vector<1x16xf32> to vector<16xf32>
        %swap3A_519 = vector.shape_cast %mul3A_514 : vector<16xf32> to vector<1x16xf32>
        tpu.vector_store %arg14[%swap3A_515, %swap3A_516], %swap3A_519 {strides = array<i32>} : memref<128x64xf32, #tpu.memory_space<vmem>>, vector<1x16xf32>,
        %get3A_520 = arith.index_cast %scan3A_483 : i32 to index
        %get3A_521 = arith.constant 48 : index
        %get3A_522 = tpu.vector_load %arg14[%get3A_520, %get3A_521] {strides = array<i32>} : memref<128x64xf32, #tpu.memory_space<vmem>>, vector<1x16xf32>,
        %get3A_523 = vector.shape_cast %get3A_522 : vector<1x16xf32> to vector<16xf32>
        %mul3A_524 = arith.constant 8.000000e+00 : f32
        %mul3A_525 = vector.broadcast %mul3A_524 : f32 to vector<16xf32>
        %mul3A_526 = arith.mulf %get3A_523, %mul3A_525 : vector<16xf32>
        %swap3A_527 = arith.index_cast %scan3A_483 : i32 to index
        %swap3A_528 = arith.constant 48 : index
        %swap3A_529 = tpu.vector_load %arg14[%swap3A_527, %swap3A_528] {strides = array<i32>} : memref<128x64xf32, #tpu.memory_space<vmem>>, vector<1x16xf32>,
        %swap3A_530 = vector.shape_cast %swap3A_529 : vector<1x16xf32> to vector<16xf32>
        %swap3A_531 = vector.shape_cast %mul3A_526 : vector<16xf32> to vector<1x16xf32>
        tpu.vector_store %arg14[%swap3A_527, %swap3A_528], %swap3A_531 {strides = array<i32>} : memref<128x64xf32, #tpu.memory_space<vmem>>, vector<1x16xf32>,
        %scan3A_532 = arith.constant 2 : i32
        %scan3A_533 = arith.addi %scan3A_435, %scan3A_532 : i32
        %get3A_534 = arith.index_cast %scan3A_533 : i32 to index
        %get3A_535 = arith.constant 0 : index
        %get3A_536 = tpu.vector_load %arg14[%get3A_534, %get3A_535] {strides = array<i32>} : memref<128x64xf32, #tpu.memory_space<vmem>>, vector<1x16xf32>,
        %get3A_537 = vector.shape_cast %get3A_536 : vector<1x16xf32> to vector<16xf32>
        %mul3A_538 = arith.constant 8.000000e+00 : f32
        %mul3A_539 = vector.broadcast %mul3A_538 : f32 to vector<16xf32>
        %mul3A_540 = arith.mulf %get3A_537, %mul3A_539 : vector<16xf32>
        %swap3A_541 = arith.index_cast %scan3A_533 : i32 to index
        %swap3A_542 = arith.constant 0 : index
        %swap3A_543 = tpu.vector_load %arg14[%swap3A_541, %swap3A_542] {strides = array<i32>} : memref<128x64xf32, #tpu.memory_space<vmem>>, vector<1x16xf32>,
        %swap3A_544 = vector.shape_cast %swap3A_543 : vector<1x16xf32> to vector<16xf32>
        %swap3A_545 = vector.shape_cast %mul3A_540 : vector<16xf32> to vector<1x16xf32>
        tpu.vector_store %arg14[%swap3A_541, %swap3A_542], %swap3A_545 {strides = array<i32>} : memref<128x64xf32, #tpu.memory_space<vmem>>, vector<1x16xf32>,
        %get3A_546 = arith.index_cast %scan3A_533 : i32 to index
        %get3A_547 = arith.constant 16 : index
        %get3A_548 = tpu.vector_load %arg14[%get3A_546, %get3A_547] {strides = array<i32>} : memref<128x64xf32, #tpu.memory_space<vmem>>, vector<1x16xf32>,
        %get3A_549 = vector.shape_cast %get3A_548 : vector<1x16xf32> to vector<16xf32>
        %mul3A_550 = arith.constant 8.000000e+00 : f32
        %mul3A_551 = vector.broadcast %mul3A_550 : f32 to vector<16xf32>
        %mul3A_552 = arith.mulf %get3A_549, %mul3A_551 : vector<16xf32>
        %swap3A_553 = arith.index_cast %scan3A_533 : i32 to index
        %swap3A_554 = arith.constant 16 : index
        %swap3A_555 = tpu.vector_load %arg14[%swap3A_553, %swap3A_554] {strides = array<i32>} : memref<128x64xf32, #tpu.memory_space<vmem>>, vector<1x16xf32>,
        %swap3A_556 = vector.shape_cast %swap3A_555 : vector<1x16xf32> to vector<16xf32>
        %swap3A_557 = vector.shape_cast %mul3A_552 : vector<16xf32> to vector<1x16xf32>
        tpu.vector_store %arg14[%swap3A_553, %swap3A_554], %swap3A_557 {strides = array<i32>} : memref<128x64xf32, #tpu.memory_space<vmem>>, vector<1x16xf32>,
        %get3A_558 = arith.index_cast %scan3A_533 : i32 to index
        %get3A_559 = arith.constant 32 : index
        %get3A_560 = tpu.vector_load %arg14[%get3A_558, %get3A_559] {strides = array<i32>} : memref<128x64xf32, #tpu.memory_space<vmem>>, vector<1x16xf32>,
        %get3A_561 = vector.shape_cast %get3A_560 : vector<1x16xf32> to vector<16xf32>
        %mul3A_562 = arith.constant 8.000000e+00 : f32
        %mul3A_563 = vector.broadcast %mul3A_562 : f32 to vector<16xf32>
        %mul3A_564 = arith.mulf %get3A_561, %mul3A_563 : vector<16xf32>
        %swap3A_565 = arith.index_cast %scan3A_533 : i32 to index
        %swap3A_566 = arith.constant 32 : index
        %swap3A_567 = tpu.vector_load %arg14[%swap3A_565, %swap3A_566] {strides = array<i32>} : memref<128x64xf32, #tpu.memory_space<vmem>>, vector<1x16xf32>,
        %swap3A_568 = vector.shape_cast %swap3A_567 : vector<1x16xf32> to vector<16xf32>
        %swap3A_569 = vector.shape_cast %mul3A_564 : vector<16xf32> to vector<1x16xf32>
        tpu.vector_store %arg14[%swap3A_565, %swap3A_566], %swap3A_569 {strides = array<i32>} : memref<128x64xf32, #tpu.memory_space<vmem>>, vector<1x16xf32>,
        %get3A_570 = arith.index_cast %scan3A_533 : i32 to index
        %get3A_571 = arith.constant 48 : index
        %get3A_572 = tpu.vector_load %arg14[%get3A_570, %get3A_571] {strides = array<i32>} : memref<128x64xf32, #tpu.memory_space<vmem>>, vector<1x16xf32>,
        %get3A_573 = vector.shape_cast %get3A_572 : vector<1x16xf32> to vector<16xf32>
        %mul3A_574 = arith.constant 8.000000e+00 : f32
        %mul3A_575 = vector.broadcast %mul3A_574 : f32 to vector<16xf32>
        %mul3A_576 = arith.mulf %get3A_573, %mul3A_575 : vector<16xf32>
        %swap3A_577 = arith.index_cast %scan3A_533 : i32 to index
        %swap3A_578 = arith.constant 48 : index
        %swap3A_579 = tpu.vector_load %arg14[%swap3A_577, %swap3A_578] {strides = array<i32>} : memref<128x64xf32, #tpu.memory_space<vmem>>, vector<1x16xf32>,
        %swap3A_580 = vector.shape_cast %swap3A_579 : vector<1x16xf32> to vector<16xf32>
        %swap3A_581 = vector.shape_cast %mul3A_576 : vector<16xf32> to vector<1x16xf32>
        tpu.vector_store %arg14[%swap3A_577, %swap3A_578], %swap3A_581 {strides = array<i32>} : memref<128x64xf32, #tpu.memory_space<vmem>>, vector<1x16xf32>,
        %scan3A_582 = arith.constant 3 : i32
        %scan3A_583 = arith.addi %scan3A_435, %scan3A_582 : i32
        %get3A_584 = arith.index_cast %scan3A_583 : i32 to index
        %get3A_585 = arith.constant 0 : index
        %get3A_586 = tpu.vector_load %arg14[%get3A_584, %get3A_585] {strides = array<i32>} : memref<128x64xf32, #tpu.memory_space<vmem>>, vector<1x16xf32>,
        %get3A_587 = vector.shape_cast %get3A_586 : vector<1x16xf32> to vector<16xf32>
        %mul3A_588 = arith.constant 8.000000e+00 : f32
        %mul3A_589 = vector.broadcast %mul3A_588 : f32 to vector<16xf32>
        %mul3A_590 = arith.mulf %get3A_587, %mul3A_589 : vector<16xf32>
        %swap3A_591 = arith.index_cast %scan3A_583 : i32 to index
        %swap3A_592 = arith.constant 0 : index
        %swap3A_593 = tpu.vector_load %arg14[%swap3A_591, %swap3A_592] {strides = array<i32>} : memref<128x64xf32, #tpu.memory_space<vmem>>, vector<1x16xf32>,
        %swap3A_594 = vector.shape_cast %swap3A_593 : vector<1x16xf32> to vector<16xf32>
        %swap3A_595 = vector.shape_cast %mul3A_590 : vector<16xf32> to vector<1x16xf32>
        tpu.vector_store %arg14[%swap3A_591, %swap3A_592], %swap3A_595 {strides = array<i32>} : memref<128x64xf32, #tpu.memory_space<vmem>>, vector<1x16xf32>,
        %get3A_596 = arith.index_cast %scan3A_583 : i32 to index
        %get3A_597 = arith.constant 16 : index
        %get3A_598 = tpu.vector_load %arg14[%get3A_596, %get3A_597] {strides = array<i32>} : memref<128x64xf32, #tpu.memory_space<vmem>>, vector<1x16xf32>,
        %get3A_599 = vector.shape_cast %get3A_598 : vector<1x16xf32> to vector<16xf32>
        %mul3A_600 = arith.constant 8.000000e+00 : f32
        %mul3A_601 = vector.broadcast %mul3A_600 : f32 to vector<16xf32>
        %mul3A_602 = arith.mulf %get3A_599, %mul3A_601 : vector<16xf32>
        %swap3A_603 = arith.index_cast %scan3A_583 : i32 to index
        %swap3A_604 = arith.constant 16 : index
        %swap3A_605 = tpu.vector_load %arg14[%swap3A_603, %swap3A_604] {strides = array<i32>} : memref<128x64xf32, #tpu.memory_space<vmem>>, vector<1x16xf32>,
        %swap3A_606 = vector.shape_cast %swap3A_605 : vector<1x16xf32> to vector<16xf32>
        %swap3A_607 = vector.shape_cast %mul3A_602 : vector<16xf32> to vector<1x16xf32>
        tpu.vector_store %arg14[%swap3A_603, %swap3A_604], %swap3A_607 {strides = array<i32>} : memref<128x64xf32, #tpu.memory_space<vmem>>, vector<1x16xf32>,
        %get3A_608 = arith.index_cast %scan3A_583 : i32 to index
        %get3A_609 = arith.constant 32 : index
        %get3A_610 = tpu.vector_load %arg14[%get3A_608, %get3A_609] {strides = array<i32>} : memref<128x64xf32, #tpu.memory_space<vmem>>, vector<1x16xf32>,
        %get3A_611 = vector.shape_cast %get3A_610 : vector<1x16xf32> to vector<16xf32>
        %mul3A_612 = arith.constant 8.000000e+00 : f32
        %mul3A_613 = vector.broadcast %mul3A_612 : f32 to vector<16xf32>
        %mul3A_614 = arith.mulf %get3A_611, %mul3A_613 : vector<16xf32>
        %swap3A_615 = arith.index_cast %scan3A_583 : i32 to index
        %swap3A_616 = arith.constant 32 : index
        %swap3A_617 = tpu.vector_load %arg14[%swap3A_615, %swap3A_616] {strides = array<i32>} : memref<128x64xf32, #tpu.memory_space<vmem>>, vector<1x16xf32>,
        %swap3A_618 = vector.shape_cast %swap3A_617 : vector<1x16xf32> to vector<16xf32>
        %swap3A_619 = vector.shape_cast %mul3A_614 : vector<16xf32> to vector<1x16xf32>
        tpu.vector_store %arg14[%swap3A_615, %swap3A_616], %swap3A_619 {strides = array<i32>} : memref<128x64xf32, #tpu.memory_space<vmem>>, vector<1x16xf32>,
        %get3A_620 = arith.index_cast %scan3A_583 : i32 to index
        %get3A_621 = arith.constant 48 : index
        %get3A_622 = tpu.vector_load %arg14[%get3A_620, %get3A_621] {strides = array<i32>} : memref<128x64xf32, #tpu.memory_space<vmem>>, vector<1x16xf32>,
        %get3A_623 = vector.shape_cast %get3A_622 : vector<1x16xf32> to vector<16xf32>
        %mul3A_624 = arith.constant 8.000000e+00 : f32
        %mul3A_625 = vector.broadcast %mul3A_624 : f32 to vector<16xf32>
        %mul3A_626 = arith.mulf %get3A_623, %mul3A_625 : vector<16xf32>
        %swap3A_627 = arith.index_cast %scan3A_583 : i32 to index
        %swap3A_628 = arith.constant 48 : index
        %swap3A_629 = tpu.vector_load %arg14[%swap3A_627, %swap3A_628] {strides = array<i32>} : memref<128x64xf32, #tpu.memory_space<vmem>>, vector<1x16xf32>,
        %swap3A_630 = vector.shape_cast %swap3A_629 : vector<1x16xf32> to vector<16xf32>
        %swap3A_631 = vector.shape_cast %mul3A_626 : vector<16xf32> to vector<1x16xf32>
        tpu.vector_store %arg14[%swap3A_627, %swap3A_628], %swap3A_631 {strides = array<i32>} : memref<128x64xf32, #tpu.memory_space<vmem>>, vector<1x16xf32>,
      }
      %scan3A_378 = arith.constant 128 : i32
      %dma_start3A_379 = arith.constant 0 : i32
      %dma_start3A_380 = arith.constant 0 : i32
      %dma_start3A_381 = tpu.memref_slice %arg4[%add3A, %add3A_366, %dma_start3A_379, %dma_start3A_380] : memref<32x200x128x64xf32, #tpu.memory_space<hbm>> -> memref<1x1x128x64xf32, #tpu.memory_space<hbm>>
      %dma_start3A_382 = tpu.memref_squeeze %dma_start3A_381 : memref<1x1x128x64xf32, #tpu.memory_space<hbm>> -> memref<128x64xf32, #tpu.memory_space<hbm>>
      %dma_start3A_383 = arith.constant 0 : i32
      %dma_start3A_384 = arith.constant 0 : i32
      %dma_start3A_385 = tpu.memref_slice %arg4[%add3A, %add3A_366, %dma_start3A_383, %dma_start3A_384] : memref<32x200x128x64xf32, #tpu.memory_space<hbm>> -> memref<1x1x128x64xf32, #tpu.memory_space<hbm>>
      %dma_start3A_386 = tpu.memref_squeeze %dma_start3A_385 : memref<1x1x128x64xf32, #tpu.memory_space<hbm>> -> memref<128x64xf32, #tpu.memory_space<hbm>>
      tpu.enqueue_dma source(%arg14 : memref<128x64xf32, #tpu.memory_space<vmem>>) target(%dma_start3A_386 : memref<128x64xf32, #tpu.memory_space<hbm>>) target_semaphore(%arg34 : memref<!tpu.dma_semaphore, #tpu.memory_space<semaphore_mem>>)
      %ge3A_387 = arith.constant 2 : i32
      %ge3A_388 = arith.cmpi sge, %add3A_366, %ge3A_387 : i32
      %convert_element_type3A_389 = arith.extui %ge3A_388 : i1 to i32
      %cond3A_390 = arith.constant 0 : i32
      %cond3A_391 = arith.cmpi ne, %convert_element_type3A_389, %cond3A_390 : i32
      scf.if %cond3A_391 {
        %dma_wait3A_435 = arith.constant 0 : i32
        %dma_wait3A_436 = arith.constant 0 : i32
        %dma_wait3A_437 = arith.constant 0 : i32
        %dma_wait3A_438 = tpu.memref_slice %arg4[%add3A, %dma_wait3A_435, %dma_wait3A_436, %dma_wait3A_437] : memref<32x200x128x64xf32, #tpu.memory_space<hbm>> -> memref<1x1x128x64xf32, #tpu.memory_space<hbm>>
        %dma_wait3A_439 = tpu.memref_squeeze %dma_wait3A_438 : memref<1x1x128x64xf32, #tpu.memory_space<hbm>> -> memref<128x64xf32, #tpu.memory_space<hbm>>
        %dma_wait3A_440 = arith.constant 0 : i32
        %dma_wait3A_441 = arith.constant 0 : i32
        %dma_wait3A_442 = tpu.memref_slice %arg4[%add3A, %dma_wait3A_435, %dma_wait3A_440, %dma_wait3A_441] : memref<32x200x128x64xf32, #tpu.memory_space<hbm>> -> memref<1x1x128x64xf32, #tpu.memory_space<hbm>>
        %dma_wait3A_443 = tpu.memref_squeeze %dma_wait3A_442 : memref<1x1x128x64xf32, #tpu.memory_space<hbm>> -> memref<128x64xf32, #tpu.memory_space<hbm>>
        tpu.wait_dma2 semaphore(%arg32 : memref<!tpu.dma_semaphore, #tpu.memory_space<semaphore_mem>>) src(%arg12 : memref<128x64xf32, #tpu.memory_space<vmem>>) dst(%dma_wait3A_443 : memref<128x64xf32, #tpu.memory_space<hbm>>)
      } else {
      }
      %add3A_392 = arith.constant 8 : i32
      %add3A_393 = arith.addi %add3A_366, %add3A_392 : i32
      %lt3A_394 = arith.constant 200 : i32
      %lt3A_395 = arith.cmpi slt, %add3A_393, %lt3A_394 : i32
      %convert_element_type3A_396 = arith.extui %lt3A_395 : i1 to i32
      %cond3A_397 = arith.constant 0 : i32
      %cond3A_398 = arith.cmpi ne, %convert_element_type3A_396, %cond3A_397 : i32
      scf.if %cond3A_398 {
        %add3A_435 = arith.constant 8 : i32
        %add3A_436 = arith.addi %add3A_366, %add3A_435 : i32
        %dma_start3A_437 = arith.constant 0 : i32
        %dma_start3A_438 = tpu.memref_slice %arg5[%add3A_436, %dma_start3A_437] : memref<200x128xi32, #tpu.memory_space<vmem>> -> memref<1x128xi32, #tpu.memory_space<vmem>>
        %dma_start3A_439 = tpu.memref_squeeze %dma_start3A_438 : memref<1x128xi32, #tpu.memory_space<vmem>> -> memref<128xi32, #tpu.memory_space<vmem>>
        %dma_start3A_440 = arith.constant 0 : i32
        %dma_start3A_441 = arith.constant 0 : i32
        %dma_start3A_442 = tpu.memref_slice %arg3[%dma_start3A_440, %dma_start3A_441] : memref<100000x64xf32, #tpu.memory_space<hbm>> -> memref<100000x64xf32, #tpu.memory_space<hbm>>
        tpu.enqueue_indirect_dma source(%dma_start3A_442 : memref<100000x64xf32, #tpu.memory_space<hbm>>) target(%arg12 : memref<128x64xf32, #tpu.memory_space<vmem>>) offsets(%dma_start3A_439 : memref<128xi32, #tpu.memory_space<vmem>>) semaphore(%arg22 : memref<!tpu.dma_semaphore, #tpu.memory_space<semaphore_mem>>)
      } else {
      }
      %mul3A_399 = arith.constant 10 : i32
      %mul3A_400 = arith.muli %scan3A_78, %mul3A_399 : i32
      %add3A_401 = arith.constant 9 : i32
      %add3A_402 = arith.addi %mul3A_400, %add3A_401 : i32
      %dma_wait3A_403 = arith.constant 0 : i32
      %dma_wait3A_404 = tpu.memref_slice %arg5[%add3A_402, %dma_wait3A_403] : memref<200x128xi32, #tpu.memory_space<vmem>> -> memref<1x128xi32, #tpu.memory_space<vmem>>
      %dma_wait3A_405 = tpu.memref_squeeze %dma_wait3A_404 : memref<1x128xi32, #tpu.memory_space<vmem>> -> memref<128xi32, #tpu.memory_space<vmem>>
      %dma_wait3A_406 = arith.constant 0 : i32
      %dma_wait3A_407 = arith.constant 0 : i32
      %dma_wait3A_408 = tpu.memref_slice %arg3[%dma_wait3A_406, %dma_wait3A_407] : memref<100000x64xf32, #tpu.memory_space<hbm>> -> memref<100000x64xf32, #tpu.memory_space<hbm>>
      tpu.wait_indirect_dma semaphore(%arg25 : memref<!tpu.dma_semaphore, #tpu.memory_space<semaphore_mem>>) src(%dma_wait3A_408 : memref<100000x64xf32, #tpu.memory_space<hbm>>) dst(%arg15 : memref<128x64xf32, #tpu.memory_space<vmem>>)
      %scan3A_409 = arith.constant 0 : i32
      %scan3A_410 = arith.constant 0 : i32
      %scan3A_411 = arith.constant 128 : i32
      %scan3A_412 = arith.addi %scan3A_410, %scan3A_411 : i32
      %scan3A_413 = arith.constant 4 : i32
      scf.for %scan3A_435 = %scan3A_410 to %scan3A_412 step %scan3A_413  : i32 {
        %get3A = arith.index_cast %scan3A_435 : i32 to index
        %get3A_436 = arith.constant 0 : index
        %get3A_437 = tpu.vector_load %arg15[%get3A, %get3A_436] {strides = array<i32>} : memref<128x64xf32, #tpu.memory_space<vmem>>, vector<1x16xf32>,
        %get3A_438 = vector.shape_cast %get3A_437 : vector<1x16xf32> to vector<16xf32>
        %mul3A_439 = arith.constant 8.000000e+00 : f32
        %mul3A_440 = vector.broadcast %mul3A_439 : f32 to vector<16xf32>
        %mul3A_441 = arith.mulf %get3A_438, %mul3A_440 : vector<16xf32>
        %swap3A = arith.index_cast %scan3A_435 : i32 to index
        %swap3A_442 = arith.constant 0 : index
        %swap3A_443 = tpu.vector_load %arg15[%swap3A, %swap3A_442] {strides = array<i32>} : memref<128x64xf32, #tpu.memory_space<vmem>>, vector<1x16xf32>,
        %swap3A_444 = vector.shape_cast %swap3A_443 : vector<1x16xf32> to vector<16xf32>
        %swap3A_445 = vector.shape_cast %mul3A_441 : vector<16xf32> to vector<1x16xf32>
        tpu.vector_store %arg15[%swap3A, %swap3A_442], %swap3A_445 {strides = array<i32>} : memref<128x64xf32, #tpu.memory_space<vmem>>, vector<1x16xf32>,
        %get3A_446 = arith.index_cast %scan3A_435 : i32 to index
        %get3A_447 = arith.constant 16 : index
        %get3A_448 = tpu.vector_load %arg15[%get3A_446, %get3A_447] {strides = array<i32>} : memref<128x64xf32, #tpu.memory_space<vmem>>, vector<1x16xf32>,
        %get3A_449 = vector.shape_cast %get3A_448 : vector<1x16xf32> to vector<16xf32>
        %mul3A_450 = arith.constant 8.000000e+00 : f32
        %mul3A_451 = vector.broadcast %mul3A_450 : f32 to vector<16xf32>
        %mul3A_452 = arith.mulf %get3A_449, %mul3A_451 : vector<16xf32>
        %swap3A_453 = arith.index_cast %scan3A_435 : i32 to index
        %swap3A_454 = arith.constant 16 : index
        %swap3A_455 = tpu.vector_load %arg15[%swap3A_453, %swap3A_454] {strides = array<i32>} : memref<128x64xf32, #tpu.memory_space<vmem>>, vector<1x16xf32>,
        %swap3A_456 = vector.shape_cast %swap3A_455 : vector<1x16xf32> to vector<16xf32>
        %swap3A_457 = vector.shape_cast %mul3A_452 : vector<16xf32> to vector<1x16xf32>
        tpu.vector_store %arg15[%swap3A_453, %swap3A_454], %swap3A_457 {strides = array<i32>} : memref<128x64xf32, #tpu.memory_space<vmem>>, vector<1x16xf32>,
        %get3A_458 = arith.index_cast %scan3A_435 : i32 to index
        %get3A_459 = arith.constant 32 : index
        %get3A_460 = tpu.vector_load %arg15[%get3A_458, %get3A_459] {strides = array<i32>} : memref<128x64xf32, #tpu.memory_space<vmem>>, vector<1x16xf32>,
        %get3A_461 = vector.shape_cast %get3A_460 : vector<1x16xf32> to vector<16xf32>
        %mul3A_462 = arith.constant 8.000000e+00 : f32
        %mul3A_463 = vector.broadcast %mul3A_462 : f32 to vector<16xf32>
        %mul3A_464 = arith.mulf %get3A_461, %mul3A_463 : vector<16xf32>
        %swap3A_465 = arith.index_cast %scan3A_435 : i32 to index
        %swap3A_466 = arith.constant 32 : index
        %swap3A_467 = tpu.vector_load %arg15[%swap3A_465, %swap3A_466] {strides = array<i32>} : memref<128x64xf32, #tpu.memory_space<vmem>>, vector<1x16xf32>,
        %swap3A_468 = vector.shape_cast %swap3A_467 : vector<1x16xf32> to vector<16xf32>
        %swap3A_469 = vector.shape_cast %mul3A_464 : vector<16xf32> to vector<1x16xf32>
        tpu.vector_store %arg15[%swap3A_465, %swap3A_466], %swap3A_469 {strides = array<i32>} : memref<128x64xf32, #tpu.memory_space<vmem>>, vector<1x16xf32>,
        %get3A_470 = arith.index_cast %scan3A_435 : i32 to index
        %get3A_471 = arith.constant 48 : index
        %get3A_472 = tpu.vector_load %arg15[%get3A_470, %get3A_471] {strides = array<i32>} : memref<128x64xf32, #tpu.memory_space<vmem>>, vector<1x16xf32>,
        %get3A_473 = vector.shape_cast %get3A_472 : vector<1x16xf32> to vector<16xf32>
        %mul3A_474 = arith.constant 8.000000e+00 : f32
        %mul3A_475 = vector.broadcast %mul3A_474 : f32 to vector<16xf32>
        %mul3A_476 = arith.mulf %get3A_473, %mul3A_475 : vector<16xf32>
        %swap3A_477 = arith.index_cast %scan3A_435 : i32 to index
        %swap3A_478 = arith.constant 48 : index
        %swap3A_479 = tpu.vector_load %arg15[%swap3A_477, %swap3A_478] {strides = array<i32>} : memref<128x64xf32, #tpu.memory_space<vmem>>, vector<1x16xf32>,
        %swap3A_480 = vector.shape_cast %swap3A_479 : vector<1x16xf32> to vector<16xf32>
        %swap3A_481 = vector.shape_cast %mul3A_476 : vector<16xf32> to vector<1x16xf32>
        tpu.vector_store %arg15[%swap3A_477, %swap3A_478], %swap3A_481 {strides = array<i32>} : memref<128x64xf32, #tpu.memory_space<vmem>>, vector<1x16xf32>,
        %scan3A_482 = arith.constant 1 : i32
        %scan3A_483 = arith.addi %scan3A_435, %scan3A_482 : i32
        %get3A_484 = arith.index_cast %scan3A_483 : i32 to index
        %get3A_485 = arith.constant 0 : index
        %get3A_486 = tpu.vector_load %arg15[%get3A_484, %get3A_485] {strides = array<i32>} : memref<128x64xf32, #tpu.memory_space<vmem>>, vector<1x16xf32>,
        %get3A_487 = vector.shape_cast %get3A_486 : vector<1x16xf32> to vector<16xf32>
        %mul3A_488 = arith.constant 8.000000e+00 : f32
        %mul3A_489 = vector.broadcast %mul3A_488 : f32 to vector<16xf32>
        %mul3A_490 = arith.mulf %get3A_487, %mul3A_489 : vector<16xf32>
        %swap3A_491 = arith.index_cast %scan3A_483 : i32 to index
        %swap3A_492 = arith.constant 0 : index
        %swap3A_493 = tpu.vector_load %arg15[%swap3A_491, %swap3A_492] {strides = array<i32>} : memref<128x64xf32, #tpu.memory_space<vmem>>, vector<1x16xf32>,
        %swap3A_494 = vector.shape_cast %swap3A_493 : vector<1x16xf32> to vector<16xf32>
        %swap3A_495 = vector.shape_cast %mul3A_490 : vector<16xf32> to vector<1x16xf32>
        tpu.vector_store %arg15[%swap3A_491, %swap3A_492], %swap3A_495 {strides = array<i32>} : memref<128x64xf32, #tpu.memory_space<vmem>>, vector<1x16xf32>,
        %get3A_496 = arith.index_cast %scan3A_483 : i32 to index
        %get3A_497 = arith.constant 16 : index
        %get3A_498 = tpu.vector_load %arg15[%get3A_496, %get3A_497] {strides = array<i32>} : memref<128x64xf32, #tpu.memory_space<vmem>>, vector<1x16xf32>,
        %get3A_499 = vector.shape_cast %get3A_498 : vector<1x16xf32> to vector<16xf32>
        %mul3A_500 = arith.constant 8.000000e+00 : f32
        %mul3A_501 = vector.broadcast %mul3A_500 : f32 to vector<16xf32>
        %mul3A_502 = arith.mulf %get3A_499, %mul3A_501 : vector<16xf32>
        %swap3A_503 = arith.index_cast %scan3A_483 : i32 to index
        %swap3A_504 = arith.constant 16 : index
        %swap3A_505 = tpu.vector_load %arg15[%swap3A_503, %swap3A_504] {strides = array<i32>} : memref<128x64xf32, #tpu.memory_space<vmem>>, vector<1x16xf32>,
        %swap3A_506 = vector.shape_cast %swap3A_505 : vector<1x16xf32> to vector<16xf32>
        %swap3A_507 = vector.shape_cast %mul3A_502 : vector<16xf32> to vector<1x16xf32>
        tpu.vector_store %arg15[%swap3A_503, %swap3A_504], %swap3A_507 {strides = array<i32>} : memref<128x64xf32, #tpu.memory_space<vmem>>, vector<1x16xf32>,
        %get3A_508 = arith.index_cast %scan3A_483 : i32 to index
        %get3A_509 = arith.constant 32 : index
        %get3A_510 = tpu.vector_load %arg15[%get3A_508, %get3A_509] {strides = array<i32>} : memref<128x64xf32, #tpu.memory_space<vmem>>, vector<1x16xf32>,
        %get3A_511 = vector.shape_cast %get3A_510 : vector<1x16xf32> to vector<16xf32>
        %mul3A_512 = arith.constant 8.000000e+00 : f32
        %mul3A_513 = vector.broadcast %mul3A_512 : f32 to vector<16xf32>
        %mul3A_514 = arith.mulf %get3A_511, %mul3A_513 : vector<16xf32>
        %swap3A_515 = arith.index_cast %scan3A_483 : i32 to index
        %swap3A_516 = arith.constant 32 : index
        %swap3A_517 = tpu.vector_load %arg15[%swap3A_515, %swap3A_516] {strides = array<i32>} : memref<128x64xf32, #tpu.memory_space<vmem>>, vector<1x16xf32>,
        %swap3A_518 = vector.shape_cast %swap3A_517 : vector<1x16xf32> to vector<16xf32>
        %swap3A_519 = vector.shape_cast %mul3A_514 : vector<16xf32> to vector<1x16xf32>
        tpu.vector_store %arg15[%swap3A_515, %swap3A_516], %swap3A_519 {strides = array<i32>} : memref<128x64xf32, #tpu.memory_space<vmem>>, vector<1x16xf32>,
        %get3A_520 = arith.index_cast %scan3A_483 : i32 to index
        %get3A_521 = arith.constant 48 : index
        %get3A_522 = tpu.vector_load %arg15[%get3A_520, %get3A_521] {strides = array<i32>} : memref<128x64xf32, #tpu.memory_space<vmem>>, vector<1x16xf32>,
        %get3A_523 = vector.shape_cast %get3A_522 : vector<1x16xf32> to vector<16xf32>
        %mul3A_524 = arith.constant 8.000000e+00 : f32
        %mul3A_525 = vector.broadcast %mul3A_524 : f32 to vector<16xf32>
        %mul3A_526 = arith.mulf %get3A_523, %mul3A_525 : vector<16xf32>
        %swap3A_527 = arith.index_cast %scan3A_483 : i32 to index
        %swap3A_528 = arith.constant 48 : index
        %swap3A_529 = tpu.vector_load %arg15[%swap3A_527, %swap3A_528] {strides = array<i32>} : memref<128x64xf32, #tpu.memory_space<vmem>>, vector<1x16xf32>,
        %swap3A_530 = vector.shape_cast %swap3A_529 : vector<1x16xf32> to vector<16xf32>
        %swap3A_531 = vector.shape_cast %mul3A_526 : vector<16xf32> to vector<1x16xf32>
        tpu.vector_store %arg15[%swap3A_527, %swap3A_528], %swap3A_531 {strides = array<i32>} : memref<128x64xf32, #tpu.memory_space<vmem>>, vector<1x16xf32>,
        %scan3A_532 = arith.constant 2 : i32
        %scan3A_533 = arith.addi %scan3A_435, %scan3A_532 : i32
        %get3A_534 = arith.index_cast %scan3A_533 : i32 to index
        %get3A_535 = arith.constant 0 : index
        %get3A_536 = tpu.vector_load %arg15[%get3A_534, %get3A_535] {strides = array<i32>} : memref<128x64xf32, #tpu.memory_space<vmem>>, vector<1x16xf32>,
        %get3A_537 = vector.shape_cast %get3A_536 : vector<1x16xf32> to vector<16xf32>
        %mul3A_538 = arith.constant 8.000000e+00 : f32
        %mul3A_539 = vector.broadcast %mul3A_538 : f32 to vector<16xf32>
        %mul3A_540 = arith.mulf %get3A_537, %mul3A_539 : vector<16xf32>
        %swap3A_541 = arith.index_cast %scan3A_533 : i32 to index
        %swap3A_542 = arith.constant 0 : index
        %swap3A_543 = tpu.vector_load %arg15[%swap3A_541, %swap3A_542] {strides = array<i32>} : memref<128x64xf32, #tpu.memory_space<vmem>>, vector<1x16xf32>,
        %swap3A_544 = vector.shape_cast %swap3A_543 : vector<1x16xf32> to vector<16xf32>
        %swap3A_545 = vector.shape_cast %mul3A_540 : vector<16xf32> to vector<1x16xf32>
        tpu.vector_store %arg15[%swap3A_541, %swap3A_542], %swap3A_545 {strides = array<i32>} : memref<128x64xf32, #tpu.memory_space<vmem>>, vector<1x16xf32>,
        %get3A_546 = arith.index_cast %scan3A_533 : i32 to index
        %get3A_547 = arith.constant 16 : index
        %get3A_548 = tpu.vector_load %arg15[%get3A_546, %get3A_547] {strides = array<i32>} : memref<128x64xf32, #tpu.memory_space<vmem>>, vector<1x16xf32>,
        %get3A_549 = vector.shape_cast %get3A_548 : vector<1x16xf32> to vector<16xf32>
        %mul3A_550 = arith.constant 8.000000e+00 : f32
        %mul3A_551 = vector.broadcast %mul3A_550 : f32 to vector<16xf32>
        %mul3A_552 = arith.mulf %get3A_549, %mul3A_551 : vector<16xf32>
        %swap3A_553 = arith.index_cast %scan3A_533 : i32 to index
        %swap3A_554 = arith.constant 16 : index
        %swap3A_555 = tpu.vector_load %arg15[%swap3A_553, %swap3A_554] {strides = array<i32>} : memref<128x64xf32, #tpu.memory_space<vmem>>, vector<1x16xf32>,
        %swap3A_556 = vector.shape_cast %swap3A_555 : vector<1x16xf32> to vector<16xf32>
        %swap3A_557 = vector.shape_cast %mul3A_552 : vector<16xf32> to vector<1x16xf32>
        tpu.vector_store %arg15[%swap3A_553, %swap3A_554], %swap3A_557 {strides = array<i32>} : memref<128x64xf32, #tpu.memory_space<vmem>>, vector<1x16xf32>,
        %get3A_558 = arith.index_cast %scan3A_533 : i32 to index
        %get3A_559 = arith.constant 32 : index
        %get3A_560 = tpu.vector_load %arg15[%get3A_558, %get3A_559] {strides = array<i32>} : memref<128x64xf32, #tpu.memory_space<vmem>>, vector<1x16xf32>,
        %get3A_561 = vector.shape_cast %get3A_560 : vector<1x16xf32> to vector<16xf32>
        %mul3A_562 = arith.constant 8.000000e+00 : f32
        %mul3A_563 = vector.broadcast %mul3A_562 : f32 to vector<16xf32>
        %mul3A_564 = arith.mulf %get3A_561, %mul3A_563 : vector<16xf32>
        %swap3A_565 = arith.index_cast %scan3A_533 : i32 to index
        %swap3A_566 = arith.constant 32 : index
        %swap3A_567 = tpu.vector_load %arg15[%swap3A_565, %swap3A_566] {strides = array<i32>} : memref<128x64xf32, #tpu.memory_space<vmem>>, vector<1x16xf32>,
        %swap3A_568 = vector.shape_cast %swap3A_567 : vector<1x16xf32> to vector<16xf32>
        %swap3A_569 = vector.shape_cast %mul3A_564 : vector<16xf32> to vector<1x16xf32>
        tpu.vector_store %arg15[%swap3A_565, %swap3A_566], %swap3A_569 {strides = array<i32>} : memref<128x64xf32, #tpu.memory_space<vmem>>, vector<1x16xf32>,
        %get3A_570 = arith.index_cast %scan3A_533 : i32 to index
        %get3A_571 = arith.constant 48 : index
        %get3A_572 = tpu.vector_load %arg15[%get3A_570, %get3A_571] {strides = array<i32>} : memref<128x64xf32, #tpu.memory_space<vmem>>, vector<1x16xf32>,
        %get3A_573 = vector.shape_cast %get3A_572 : vector<1x16xf32> to vector<16xf32>
        %mul3A_574 = arith.constant 8.000000e+00 : f32
        %mul3A_575 = vector.broadcast %mul3A_574 : f32 to vector<16xf32>
        %mul3A_576 = arith.mulf %get3A_573, %mul3A_575 : vector<16xf32>
        %swap3A_577 = arith.index_cast %scan3A_533 : i32 to index
        %swap3A_578 = arith.constant 48 : index
        %swap3A_579 = tpu.vector_load %arg15[%swap3A_577, %swap3A_578] {strides = array<i32>} : memref<128x64xf32, #tpu.memory_space<vmem>>, vector<1x16xf32>,
        %swap3A_580 = vector.shape_cast %swap3A_579 : vector<1x16xf32> to vector<16xf32>
        %swap3A_581 = vector.shape_cast %mul3A_576 : vector<16xf32> to vector<1x16xf32>
        tpu.vector_store %arg15[%swap3A_577, %swap3A_578], %swap3A_581 {strides = array<i32>} : memref<128x64xf32, #tpu.memory_space<vmem>>, vector<1x16xf32>,
        %scan3A_582 = arith.constant 3 : i32
        %scan3A_583 = arith.addi %scan3A_435, %scan3A_582 : i32
        %get3A_584 = arith.index_cast %scan3A_583 : i32 to index
        %get3A_585 = arith.constant 0 : index
        %get3A_586 = tpu.vector_load %arg15[%get3A_584, %get3A_585] {strides = array<i32>} : memref<128x64xf32, #tpu.memory_space<vmem>>, vector<1x16xf32>,
        %get3A_587 = vector.shape_cast %get3A_586 : vector<1x16xf32> to vector<16xf32>
        %mul3A_588 = arith.constant 8.000000e+00 : f32
        %mul3A_589 = vector.broadcast %mul3A_588 : f32 to vector<16xf32>
        %mul3A_590 = arith.mulf %get3A_587, %mul3A_589 : vector<16xf32>
        %swap3A_591 = arith.index_cast %scan3A_583 : i32 to index
        %swap3A_592 = arith.constant 0 : index
        %swap3A_593 = tpu.vector_load %arg15[%swap3A_591, %swap3A_592] {strides = array<i32>} : memref<128x64xf32, #tpu.memory_space<vmem>>, vector<1x16xf32>,
        %swap3A_594 = vector.shape_cast %swap3A_593 : vector<1x16xf32> to vector<16xf32>
        %swap3A_595 = vector.shape_cast %mul3A_590 : vector<16xf32> to vector<1x16xf32>
        tpu.vector_store %arg15[%swap3A_591, %swap3A_592], %swap3A_595 {strides = array<i32>} : memref<128x64xf32, #tpu.memory_space<vmem>>, vector<1x16xf32>,
        %get3A_596 = arith.index_cast %scan3A_583 : i32 to index
        %get3A_597 = arith.constant 16 : index
        %get3A_598 = tpu.vector_load %arg15[%get3A_596, %get3A_597] {strides = array<i32>} : memref<128x64xf32, #tpu.memory_space<vmem>>, vector<1x16xf32>,
        %get3A_599 = vector.shape_cast %get3A_598 : vector<1x16xf32> to vector<16xf32>
        %mul3A_600 = arith.constant 8.000000e+00 : f32
        %mul3A_601 = vector.broadcast %mul3A_600 : f32 to vector<16xf32>
        %mul3A_602 = arith.mulf %get3A_599, %mul3A_601 : vector<16xf32>
        %swap3A_603 = arith.index_cast %scan3A_583 : i32 to index
        %swap3A_604 = arith.constant 16 : index
        %swap3A_605 = tpu.vector_load %arg15[%swap3A_603, %swap3A_604] {strides = array<i32>} : memref<128x64xf32, #tpu.memory_space<vmem>>, vector<1x16xf32>,
        %swap3A_606 = vector.shape_cast %swap3A_605 : vector<1x16xf32> to vector<16xf32>
        %swap3A_607 = vector.shape_cast %mul3A_602 : vector<16xf32> to vector<1x16xf32>
        tpu.vector_store %arg15[%swap3A_603, %swap3A_604], %swap3A_607 {strides = array<i32>} : memref<128x64xf32, #tpu.memory_space<vmem>>, vector<1x16xf32>,
        %get3A_608 = arith.index_cast %scan3A_583 : i32 to index
        %get3A_609 = arith.constant 32 : index
        %get3A_610 = tpu.vector_load %arg15[%get3A_608, %get3A_609] {strides = array<i32>} : memref<128x64xf32, #tpu.memory_space<vmem>>, vector<1x16xf32>,
        %get3A_611 = vector.shape_cast %get3A_610 : vector<1x16xf32> to vector<16xf32>
        %mul3A_612 = arith.constant 8.000000e+00 : f32
        %mul3A_613 = vector.broadcast %mul3A_612 : f32 to vector<16xf32>
        %mul3A_614 = arith.mulf %get3A_611, %mul3A_613 : vector<16xf32>
        %swap3A_615 = arith.index_cast %scan3A_583 : i32 to index
        %swap3A_616 = arith.constant 32 : index
        %swap3A_617 = tpu.vector_load %arg15[%swap3A_615, %swap3A_616] {strides = array<i32>} : memref<128x64xf32, #tpu.memory_space<vmem>>, vector<1x16xf32>,
        %swap3A_618 = vector.shape_cast %swap3A_617 : vector<1x16xf32> to vector<16xf32>
        %swap3A_619 = vector.shape_cast %mul3A_614 : vector<16xf32> to vector<1x16xf32>
        tpu.vector_store %arg15[%swap3A_615, %swap3A_616], %swap3A_619 {strides = array<i32>} : memref<128x64xf32, #tpu.memory_space<vmem>>, vector<1x16xf32>,
        %get3A_620 = arith.index_cast %scan3A_583 : i32 to index
        %get3A_621 = arith.constant 48 : index
        %get3A_622 = tpu.vector_load %arg15[%get3A_620, %get3A_621] {strides = array<i32>} : memref<128x64xf32, #tpu.memory_space<vmem>>, vector<1x16xf32>,
        %get3A_623 = vector.shape_cast %get3A_622 : vector<1x16xf32> to vector<16xf32>
        %mul3A_624 = arith.constant 8.000000e+00 : f32
        %mul3A_625 = vector.broadcast %mul3A_624 : f32 to vector<16xf32>
        %mul3A_626 = arith.mulf %get3A_623, %mul3A_625 : vector<16xf32>
        %swap3A_627 = arith.index_cast %scan3A_583 : i32 to index
        %swap3A_628 = arith.constant 48 : index
        %swap3A_629 = tpu.vector_load %arg15[%swap3A_627, %swap3A_628] {strides = array<i32>} : memref<128x64xf32, #tpu.memory_space<vmem>>, vector<1x16xf32>,
        %swap3A_630 = vector.shape_cast %swap3A_629 : vector<1x16xf32> to vector<16xf32>
        %swap3A_631 = vector.shape_cast %mul3A_626 : vector<16xf32> to vector<1x16xf32>
        tpu.vector_store %arg15[%swap3A_627, %swap3A_628], %swap3A_631 {strides = array<i32>} : memref<128x64xf32, #tpu.memory_space<vmem>>, vector<1x16xf32>,
      }
      %scan3A_414 = arith.constant 128 : i32
      %dma_start3A_415 = arith.constant 0 : i32
      %dma_start3A_416 = arith.constant 0 : i32
      %dma_start3A_417 = tpu.memref_slice %arg4[%add3A, %add3A_402, %dma_start3A_415, %dma_start3A_416] : memref<32x200x128x64xf32, #tpu.memory_space<hbm>> -> memref<1x1x128x64xf32, #tpu.memory_space<hbm>>
      %dma_start3A_418 = tpu.memref_squeeze %dma_start3A_417 : memref<1x1x128x64xf32, #tpu.memory_space<hbm>> -> memref<128x64xf32, #tpu.memory_space<hbm>>
      %dma_start3A_419 = arith.constant 0 : i32
      %dma_start3A_420 = arith.constant 0 : i32
      %dma_start3A_421 = tpu.memref_slice %arg4[%add3A, %add3A_402, %dma_start3A_419, %dma_start3A_420] : memref<32x200x128x64xf32, #tpu.memory_space<hbm>> -> memref<1x1x128x64xf32, #tpu.memory_space<hbm>>
      %dma_start3A_422 = tpu.memref_squeeze %dma_start3A_421 : memref<1x1x128x64xf32, #tpu.memory_space<hbm>> -> memref<128x64xf32, #tpu.memory_space<hbm>>
      tpu.enqueue_dma source(%arg15 : memref<128x64xf32, #tpu.memory_space<vmem>>) target(%dma_start3A_422 : memref<128x64xf32, #tpu.memory_space<hbm>>) target_semaphore(%arg35 : memref<!tpu.dma_semaphore, #tpu.memory_space<semaphore_mem>>)
      %ge3A_423 = arith.constant 2 : i32
      %ge3A_424 = arith.cmpi sge, %add3A_402, %ge3A_423 : i32
      %convert_element_type3A_425 = arith.extui %ge3A_424 : i1 to i32
      %cond3A_426 = arith.constant 0 : i32
      %cond3A_427 = arith.cmpi ne, %convert_element_type3A_425, %cond3A_426 : i32
      scf.if %cond3A_427 {
        %dma_wait3A_435 = arith.constant 0 : i32
        %dma_wait3A_436 = arith.constant 0 : i32
        %dma_wait3A_437 = arith.constant 0 : i32
        %dma_wait3A_438 = tpu.memref_slice %arg4[%add3A, %dma_wait3A_435, %dma_wait3A_436, %dma_wait3A_437] : memref<32x200x128x64xf32, #tpu.memory_space<hbm>> -> memref<1x1x128x64xf32, #tpu.memory_space<hbm>>
        %dma_wait3A_439 = tpu.memref_squeeze %dma_wait3A_438 : memref<1x1x128x64xf32, #tpu.memory_space<hbm>> -> memref<128x64xf32, #tpu.memory_space<hbm>>
        %dma_wait3A_440 = arith.constant 0 : i32
        %dma_wait3A_441 = arith.constant 0 : i32
        %dma_wait3A_442 = tpu.memref_slice %arg4[%add3A, %dma_wait3A_435, %dma_wait3A_440, %dma_wait3A_441] : memref<32x200x128x64xf32, #tpu.memory_space<hbm>> -> memref<1x1x128x64xf32, #tpu.memory_space<hbm>>
        %dma_wait3A_443 = tpu.memref_squeeze %dma_wait3A_442 : memref<1x1x128x64xf32, #tpu.memory_space<hbm>> -> memref<128x64xf32, #tpu.memory_space<hbm>>
        tpu.wait_dma2 semaphore(%arg33 : memref<!tpu.dma_semaphore, #tpu.memory_space<semaphore_mem>>) src(%arg13 : memref<128x64xf32, #tpu.memory_space<vmem>>) dst(%dma_wait3A_443 : memref<128x64xf32, #tpu.memory_space<hbm>>)
      } else {
      }
      %add3A_428 = arith.constant 8 : i32
      %add3A_429 = arith.addi %add3A_402, %add3A_428 : i32
      %lt3A_430 = arith.constant 200 : i32
      %lt3A_431 = arith.cmpi slt, %add3A_429, %lt3A_430 : i32
      %convert_element_type3A_432 = arith.extui %lt3A_431 : i1 to i32
      %cond3A_433 = arith.constant 0 : i32
      %cond3A_434 = arith.cmpi ne, %convert_element_type3A_432, %cond3A_433 : i32
      scf.if %cond3A_434 {
        %add3A_435 = arith.constant 8 : i32
        %add3A_436 = arith.addi %add3A_402, %add3A_435 : i32
        %dma_start3A_437 = arith.constant 0 : i32
        %dma_start3A_438 = tpu.memref_slice %arg5[%add3A_436, %dma_start3A_437] : memref<200x128xi32, #tpu.memory_space<vmem>> -> memref<1x128xi32, #tpu.memory_space<vmem>>
        %dma_start3A_439 = tpu.memref_squeeze %dma_start3A_438 : memref<1x128xi32, #tpu.memory_space<vmem>> -> memref<128xi32, #tpu.memory_space<vmem>>
        %dma_start3A_440 = arith.constant 0 : i32
        %dma_start3A_441 = arith.constant 0 : i32
        %dma_start3A_442 = tpu.memref_slice %arg3[%dma_start3A_440, %dma_start3A_441] : memref<100000x64xf32, #tpu.memory_space<hbm>> -> memref<100000x64xf32, #tpu.memory_space<hbm>>
        tpu.enqueue_indirect_dma source(%dma_start3A_442 : memref<100000x64xf32, #tpu.memory_space<hbm>>) target(%arg13 : memref<128x64xf32, #tpu.memory_space<vmem>>) offsets(%dma_start3A_439 : memref<128xi32, #tpu.memory_space<vmem>>) semaphore(%arg23 : memref<!tpu.dma_semaphore, #tpu.memory_space<semaphore_mem>>)
      } else {
      }
    }
    %scan3A_60 = arith.constant 20 : i32
    %dma_wait3A = arith.constant 0 : i32
    %dma_wait3A_61 = arith.constant 0 : i32
    %dma_wait3A_62 = arith.constant 0 : i32
    %dma_wait3A_63 = tpu.memref_slice %arg4[%add3A, %dma_wait3A, %dma_wait3A_61, %dma_wait3A_62] : memref<32x200x128x64xf32, #tpu.memory_space<hbm>> -> memref<1x1x128x64xf32, #tpu.memory_space<hbm>>
    %dma_wait3A_64 = tpu.memref_squeeze %dma_wait3A_63 : memref<1x1x128x64xf32, #tpu.memory_space<hbm>> -> memref<128x64xf32, #tpu.memory_space<hbm>>
    %dma_wait3A_65 = arith.constant 0 : i32
    %dma_wait3A_66 = arith.constant 0 : i32
    %dma_wait3A_67 = tpu.memref_slice %arg4[%add3A, %dma_wait3A, %dma_wait3A_65, %dma_wait3A_66] : memref<32x200x128x64xf32, #tpu.memory_space<hbm>> -> memref<1x1x128x64xf32, #tpu.memory_space<hbm>>
    %dma_wait3A_68 = tpu.memref_squeeze %dma_wait3A_67 : memref<1x1x128x64xf32, #tpu.memory_space<hbm>> -> memref<128x64xf32, #tpu.memory_space<hbm>>
    tpu.wait_dma2 semaphore(%arg34 : memref<!tpu.dma_semaphore, #tpu.memory_space<semaphore_mem>>) src(%arg14 : memref<128x64xf32, #tpu.memory_space<vmem>>) dst(%dma_wait3A_68 : memref<128x64xf32, #tpu.memory_space<hbm>>)
    %dma_wait3A_69 = arith.constant 0 : i32
    %dma_wait3A_70 = arith.constant 0 : i32
    %dma_wait3A_71 = arith.constant 0 : i32
    %dma_wait3A_72 = tpu.memref_slice %arg4[%add3A, %dma_wait3A_69, %dma_wait3A_70, %dma_wait3A_71] : memref<32x200x128x64xf32, #tpu.memory_space<hbm>> -> memref<1x1x128x64xf32, #tpu.memory_space<hbm>>
    %dma_wait3A_73 = tpu.memref_squeeze %dma_wait3A_72 : memref<1x1x128x64xf32, #tpu.memory_space<hbm>> -> memref<128x64xf32, #tpu.memory_space<hbm>>
    %dma_wait3A_74 = arith.constant 0 : i32
    %dma_wait3A_75 = arith.constant 0 : i32
    %dma_wait3A_76 = tpu.memref_slice %arg4[%add3A, %dma_wait3A_69, %dma_wait3A_74, %dma_wait3A_75] : memref<32x200x128x64xf32, #tpu.memory_space<hbm>> -> memref<1x1x128x64xf32, #tpu.memory_space<hbm>>
    %dma_wait3A_77 = tpu.memref_squeeze %dma_wait3A_76 : memref<1x1x128x64xf32, #tpu.memory_space<hbm>> -> memref<128x64xf32, #tpu.memory_space<hbm>>
    tpu.wait_dma2 semaphore(%arg35 : memref<!tpu.dma_semaphore, #tpu.memory_space<semaphore_mem>>) src(%arg15 : memref<128x64xf32, #tpu.memory_space<vmem>>) dst(%dma_wait3A_77 : memref<128x64xf32, #tpu.memory_space<hbm>>)
    return
  }
}

</mosaic_0001>

<sc_bundles>
// kernel: kernel.3.cloned.1.call-start
scs
__scs_entry_jumppad:
0x0: {  	(pc) =	sbr.rel $0x88, $3  }
0x1: {  	(tag) =	ssettag $0x0;
	lr =	simm.s32 $0x1  }
0x2: {  	[smem:$0x3F9F] =	sst lr;
	_ =	strace $0xD0000000  }
0x3: {  	_ = 	snop  }
0x4: {  	_ = 	snop  }
0x5: {  	_ = 	snop  }
0x6: {  	_ = 	snop  }
0x7: {  	_ = 	snop  }
__scs_overlays_trampoline_lowered:
0x8: {  	[smem:$0x3FAE] =	sst s0  }
0x9: {  	[smem:$0x3FAF] =	sst s1  }
0xa: {  	[smem:$0x3FB0] =	sst s2  }
0xb: {  	[smem:$0x3FB1] =	sst s3  }
0xc: {  	[smem:$0x3FB2] =	sst s4  }
0xd: {  	[smem:$0x3FB3] =	sst s5  }
0xe: {  	[smem:$0x3FB4] =	sst s6  }
0xf: {  	[smem:$0x3FB5] =	sst s7  }
0x10: {  	[smem:$0x3FB6] =	sst s8  }
0x11: {  	[smem:$0x3FB7] =	sst s9;
	s0 =	simm.s32 @!p0 $0x0  }
0x12: {  	s1 =	sld [smem:$0x3F9D];
	s0 =	simm.s32 @p0 $0x1  }
0x13: {  	[smem:$0x3FB8] =	sst s0;
	s0 =	simm.s32 @!p1 $0x0  }
0x14: {  	s2 =	sld [smem:$0x3F9C];
	s0 =	simm.s32 @p1 $0x1  }
0x15: {  	[smem:$0x3FB9] =	sst s0;
	s0 =	simm.s32 @!p2 $0x0  }
0x16: {  	s3 =	sld [smem:$0x3FDB];
	s0 =	simm.s32 @p2 $0x1  }
0x17: {  	s4 =	simm.s32 $0x1BF5;
	[smem:$0x3FBB] =	sst s0  }
0x18: {  	s0 =	sld [smem:$0x3F9E];
	_ =	swait.ge [sflag:s4], $0x0  }
0x19: {  	s7 =	sld [smem:$0x3F9F]  }
0x1a: {  	s8 =	sadd.s32 $0xFFFFE003, lr  }
0x1b: {  	s9 =	sadd.s32 $0xFFFFFEF7, lr;
	s5 =	simm.s32 $0xFFFFFFFF;
	p2 =	slt.u32 s8, $0xFFFFF086  }
0x1c: {  	p1 =	slt.u32 s9, $0xF7A;
	s5 =	simm.s32 @!p2 $0x0  }
0x1d: {  	s5 =	simm.s32 @p1 $0x1;
	p0 =	seq.s32 s7, s2  }
0x1e: {  	s7 =	smul.u32 @!p0 $0xF7A, s2;
	p2 =	seq.s32 @!p0 s5, $0x0  }
0x1f: {  	s9 =	smul.u32 $0xF7A, s1;
	s8 =	simm.s32 @!p0 $0x1BF5;
	p2 =	por !p2, p0  }
0x20: {  	[sflag:s8] =	ssyncset.s32 @!p0 $0xFFFFF086;
	s6 =	sadd.s32 @!p0 s3, s7;
	s7 =	simm.s32 @!p0 $0x108  }
0x21: {  	s3 =	sadd.s32 s3, s9;
	s6 =	sadd.s32 @!p0 $0x88, s6;
	s7 =	simm.s32 @p2 $0x1082  }
0x22: {  	[simem:s7], [sflag:s8] =	dma.local @!p0 [hbm:s6], $0xF7A  }
0x23: {  	s9 =	sor.u32 $0xD0000000, s2;
	s6 =	simm.s32 $0x108;
	_ =	swait.ge @!p0 [sflag:s8], $0x0  }
0x24: {  	s3 =	sadd.s32 $0x88, s3;
	s6 =	simm.s32 @!p1 $0x1082;
	[sflag:s4] =	ssyncset.s32 $0xFFFFF086  }
0x25: {  	[simem:s6], [sflag:s4] =	dma.local [hbm:s3], $0xF7A  }
0x26: {  	[smem:$0x3F9F] =	sst s1;
	(tag) =	ssettag s2;
	_ =	strace s9  }
0x27: {  	s1 =	sld [smem:$0x3FAF]  }
0x28: {  	s2 =	sld [smem:$0x3FB0]  }
0x29: {  	s4 =	sld [smem:$0x3FB2]  }
0x2a: {  	p0 =	seq.s32 s5, $0x0;
	s5 =	sld [smem:$0x3FB3]  }
0x2b: {  	s6 =	sld [smem:$0x3FB4]  }
0x2c: {  	s7 =	sld [smem:$0x3FB5]  }
0x2d: {  	s3 =	simm.s32 $0x108;
	s8 =	sld [smem:$0x3FB6]  }
0x2e: {  	s3 =	simm.s32 @!p0 $0x1082;
	s9 =	sld [smem:$0x3FB7]  }
0x2f: {  	lr =	sadd.s32 s0, s3;
	s0 =	sld [smem:$0x3FAE]  }
0x30: {  	s3 =	sld [smem:$0x3FB1]  }
0x31: {  	[smem:$0x3FBA] =	sst s10  }
0x32: {  	s10 =	sld [smem:$0x3FB8];
	_ =	sdelay $0x3  }
0x33: {  	p0 =	seq.s32 s10, $0x1;
	s10 =	sld [smem:$0x3FBA];
	_ =	sdelay $0x3  }
0x34: {  	[smem:$0x3FBA] =	sst s10  }
0x35: {  	s10 =	sld [smem:$0x3FB9];
	_ =	sdelay $0x3  }
0x36: {  	p1 =	seq.s32 s10, $0x1;
	s10 =	sld [smem:$0x3FBA];
	_ =	sdelay $0x3  }
0x37: {  	[smem:$0x3FBA] =	sst s10  }
0x38: {  	s10 =	sld [smem:$0x3FBB]  }
0x39: {  	_ = 	snop;
	(pc) =	sbr.ind lr, $3  }
0x3a: {  	_ = 	snop  }
0x3b: {  	_ = 	snop  }
0x3c: {  	p2 =	seq.s32 s10, $0x1;
	s10 =	sld [smem:$0x3FBA]  }
0x3d: {  	_ =	shalt  }
0x3e: {  	_ =	shalt  }
0x3f: {  	_ =	shalt  }
0x40: {  	_ =	shalt  }
0x41: {  	_ =	shalt  }
0x42: {  	_ =	shalt  }
0x43: {  	_ =	shalt  }
0x44: {  	_ =	shalt  }
0x45: {  	_ =	shalt  }
0x46: {  	_ =	shalt  }
0x47: {  	_ =	shalt  }
0x48: {  	_ =	shalt  }
0x49: {  	_ =	shalt  }
0x4a: {  	_ =	shalt  }
0x4b: {  	_ =	shalt  }
0x4c: {  	_ =	shalt  }
0x4d: {  	_ =	shalt  }
0x4e: {  	_ =	shalt  }
0x4f: {  	_ =	shalt  }
0x50: {  	_ =	shalt  }
0x51: {  	_ =	shalt  }
0x52: {  	_ =	shalt  }
0x53: {  	_ =	shalt  }
0x54: {  	_ =	shalt  }
0x55: {  	_ =	shalt  }
0x56: {  	_ =	shalt  }
0x57: {  	_ =	shalt  }
0x58: {  	_ =	shalt  }
0x59: {  	_ =	shalt  }
0x5a: {  	_ =	shalt  }
0x5b: {  	_ =	shalt  }
0x5c: {  	_ =	shalt  }
0x5d: {  	_ =	shalt  }
0x5e: {  	_ =	shalt  }
0x5f: {  	_ =	shalt  }
0x60: {  	_ =	shalt  }
0x61: {  	_ =	shalt  }
0x62: {  	_ =	shalt  }
0x63: {  	_ =	shalt  }
0x64: {  	_ =	shalt  }
0x65: {  	_ =	shalt  }
0x66: {  	_ =	shalt  }
0x67: {  	_ =	shalt  }
0x68: {  	_ =	shalt  }
0x69: {  	_ =	shalt  }
0x6a: {  	_ =	shalt  }
0x6b: {  	_ =	shalt  }
0x6c: {  	_ =	shalt  }
0x6d: {  	_ =	shalt  }
0x6e: {  	_ =	shalt  }
0x6f: {  	_ =	shalt  }
0x70: {  	_ =	shalt  }
0x71: {  	_ =	shalt  }
0x72: {  	_ =	shalt  }
0x73: {  	_ =	shalt  }
0x74: {  	_ =	shalt  }
0x75: {  	_ =	shalt  }
0x76: {  	_ =	shalt  }
0x77: {  	_ =	shalt  }
0x78: {  	_ =	shalt  }
0x79: {  	_ =	shalt  }
0x7a: {  	_ =	shalt  }
0x7b: {  	_ =	shalt  }
0x7c: {  	_ =	shalt  }
0x7d: {  	_ =	shalt  }
0x7e: {  	_ =	shalt  }
0x7f: {  	_ =	shalt  }
0x80: {  	_ =	shalt  }
0x81: {  	_ =	shalt  }
0x82: {  	_ =	shalt  }
0x83: {  	_ =	shalt  }
0x84: {  	_ =	shalt  }
0x85: {  	_ =	shalt  }
0x86: {  	_ =	shalt  }
0x87: {  	_ =	shalt  }
.Lfunc_end0:
.L_simem_size_0:
called_computation.1_lowered:
.L_overlay_start_0:
0x88: {  	s2 =	sld [smem:$0x3FD9]  }
0x89: {  	s3 =	sld [smem:$0x3FFE];
	_ =	sdelay $0x1  }
0x8a: {  	s1 =	srdreg.scid  }
0x8b: {  	s0 =	sand.u32 $0x1, s1  }
0x8c: {  	s17 =	sshll.u32 s0, $0xA;
	s2 =	sadd.s32 s3, s2  }
0x8d: {  	s2 =	sadd.s32 s2, s17  }
0x8e: {  	[smem:$0x3FC6] =	sst s2  }
0x8f: {  	_ = 	snop  }
0x90: {  	s2 =	sld [smem:$0x3FD0];
	(tm) =	ssettm $0x1  }
0x91: {  	s18 =	sld [smem:$0x3FFB];
	_ =	sdelay $0x3  }
0x92: {  	_ =	strace s18  }
0x93: {  	s3 =	sld [smem:$0x3FFC];
	_ =	sdelay $0x3  }
0x94: {  	_ =	strace s3  }
0x95: {  	s3 =	sld [smem:$0x3FFD];
	_ =	sdelay $0x3  }
0x96: {  	_ =	strace s3  }
0x97: {  	_ =	strace $0x8FFFFFFF  }
0x98: {  	s19 =	sld [smem:$0x3FDB];
	_ =	sdelay $0x1  }
0x99: {  	s4 =	simm.s32 $_scs_section_size  }
0x9a: {  	s5 =	simm.s32 $_size__tile_overlayer_lowered;
	s6 =	simm.s32 $_tile_overlayer_lowered  }
0x9b: {  	s22 =	simm.s32 $0x1BFF;
	s21 =	sshll.u32 s6, $0x1;
	s3 =	sadd.s32 s4, s19  }
0x9c: {  	s7 =	simm.s32 $0x0;
	s20 =	sshll.u32 s5, $0x1;
	s5 =	sadd.s32 s21, s3  }
0x9d: {  	[timem:s7], [sflag:s22] =	dma.local [hbm:s5], s20  }
0x9e: {  	_ =	swait.ge [sflag:s22], s20  }
0x9f: {  	s4 =	ssub.s32 $0x0, s20;
	[sflag:s22] =	ssyncset.done $0x0  }
0xa0: {  	[sflag:s22] =	ssyncadd.s32 s4;
	_ =	sdelay $0x1  }
0xa1: {  	s23 =	simm.s32 $0x1B8B  }
0xa2: {  	_ =	swait.ge [sflag:s23], $0x1  }
0xa3: {  	[sflag:s23] =	ssyncset.done $0x0  }
0xa4: {  	s25 =	simm.s32 $0x1B8E;
	s24 =	sld [smem:$0x3FFE];
	[sflag:s23] =	ssyncadd.s32 $0xFFFFFFFF  }
0xa5: {  	s26 =	simm.s32 $execute0_lowered;
	[smem:$0x3FD2] =	sst s25  }
0xa6: {  	s5 =	sshll.u32 s26, $0x1;
	_ =	strace $0x80000046;
	[dreg:$0x1] =	wrdreg $0xFFFFFFFF  }
0xa7: {  	s28 =	simm.s32 $_size_execute0_lowered;
	s3 =	sadd.s32 s3, s5;
	[dreg:$0x0] =	wrdreg $0x0  }
0xa8: {  	s5 =	sshll.u32 s28, $0x1;
	[dreg:$0x2] =	wrdreg s3  }
0xa9: {  	[dreg:$0x3] =	wrdreg s5  }
0xaa: {  	[dreg:$0x4] =	wrdreg $0xC0  }
0xab: {  	_ =	task [dreg:s7], $0x5FFFF  }
0xac: {  	[dreg:$0x1] =	wrdreg $0xFFFFFFFF  }
0xad: {  	[dreg:$0x0] =	wrdreg $0x60  }
0xae: {  	[dreg:$0x2] =	wrdreg s24  }
0xaf: {  	[dreg:$0x3] =	wrdreg s2  }
0xb0: {  	[dreg:$0x4] =	wrdreg $0x9  }
0xb1: {  	_ =	task.clear_ibuf [dreg:s7], $0x5FFFF;
	_ =	strace $0x90000046  }
0xb2: {  	s29 =	simm.s32 $0x9;
	_ =	strace $0x80000048  }
0xb3: {  	_ =	swait.ge [sflag:s29], $0x1  }
0xb4: {  	[sflag:s29] =	ssyncadd.s32 $0xFFFFFFFF  }
0xb5: {  	_ =	strace $0x90000048  }
0xb6: {  	_ =	sfence  }
0xb7: {  	s30 =	sld [smem:$0x0];
	_ =	sdelay $0x2  }
0xb8: {  	s31 =	sshll.u32 s1, $0xD;
	s1 =	sshrl.u32 s1, $0x2  }
0xb9: {  	s3 =	sand.u32 $0x4000, s31;
	s1 =	sadd.s32 s1, s30  }
0xba: {  	s0 =	sor.u32 s3, s0;
	s1 =	sshll.u32 s1, $0x11  }
0xbb: {  	s0 =	sor.u32 s1, s0  }
0xbc: {  	s0 =	sadd.s32 $0x8F2B, s0  }
0xbd: {  	[sflag:s0] =	ssyncadd.remote.s32 $0x1  }
0xbe: {  	_ =	sfence.sel $0xFFFF  }
0xbf: {  	[dreg:$0x0] =	wrdreg $0xFFFFFFFF;
	(pc) =	sbr.abs _section_cstart, $3  }
0xc0: {  	[dreg:$0x1] =	wrdreg $0xFFFFFFFF  }
0xc1: {  	_ =	task.clear_ibuf [dreg:s7], $0x2FFFF;
	_ =	strace $0x9FFFFFFF  }
0xc2: {  	(tm) =	ssettm $0x7FFFFFFF  }
0xc3: {  	_ =	shalt  }
tec
execute0_lowered:
.L_overlay_start_1:
0x0: {  	(tag) =	ssettag $0x1  }
0x1: {  	s0 =	rddreg [dreg:$0x0];
	s1 =	srdreg.scid  }
0x2: {  	s3 =	stileid.u32;
	s2 =	rddreg [dreg:$0x1]  }
0x3: {  	s16 =	simm.s32 $0x80;
	s31 =	simm.s32 $0x14400;
	s28 =	simm.s32 $0x4  }
0x4: {  	s30 =	simm.s32 $0xC;
	s1 =	sand.u32 $0x1, s1;
	s4 =	sshll.u32 s3, $0x1  }
0x5: {  	s14 =	simm.s32 $0xD;
	s15 =	simm.s32 $0x6;
	s4 =	sor.u32 s1, s4  }
0x6: {  	s17 =	simm.s32 $0xE;
	s29 =	simm.s32 $0x11;
	s5 =	smul.u32 $0xC80, s4  }
0x7: {  	s8 =	simm.s32 $0x12;
	s3 =	simm.s32 $0x0;
	s4 =	smul.u32 $0x190000, s4  }
0x8: {  	s10 =	simm.s32 $0x0;
	[smem:$0x7FF] =	sst s3;
	s1 =	ssub.s32 $0x2, s1  }
0x9: {  	_ =	strace $0x80000047;
	s6 =	sshrl.u32 s1, $0x1;
	s20 =	sor.u32 $0x2000, s4  }
0xa: {  	s18 =	ssub.s32 s1, s6;
	s21 =	sor.u32 $0x4000, s4;
	[dreg:$0x4] =	wrdreg s20  }
0xb: {  	s1 =	simm.s32 $0x1;
	s22 =	sor.u32 $0x6000, s4;
	[dreg:$0x5] =	wrdreg s21  }
0xc: {  	s6 =	simm.s32 $0x5;
	s23 =	sor.u32 $0x8000, s4;
	[dreg:$0x6] =	wrdreg s22  }
0xd: {  	s7 =	sadd.s32 s5, s0;
	s24 =	sor.u32 $0xA000, s4;
	[dreg:$0x7] =	wrdreg s23  }
0xe: {  	s5 =	sadd.s32 $0x19800, s0;
	s25 =	sor.u32 $0xC000, s4;
	[dreg:$0x8] =	wrdreg s24  }
0xf: {  	s26 =	sor.u32 $0xE000, s4;
	s0 =	smax.u32 s18, $0x1;
	[dreg:$0x9] =	wrdreg s25  }
.Ltmp0:
0x10: {  	s18 =	simm.s32 $0x7;
	[dreg:$0xa] =	wrdreg s26;
	(pc) =	sbr.rel .LBB2_1-.Ltmp0, $4  }
0x11: {  	s19 =	sadd.s32 $0x800, s7;
	[dreg:$0xb] =	wrdreg s0;
	s21 =	simm.s32 $0x16400  }
0x12: {  	s23 =	simm.s32 $0x3;
	s25 =	simm.s32 $0xB;
	s20 =	simm.s32 $0xF  }
0x13: {  	s22 =	simm.s32 $0x8;
	s24 =	simm.s32 $0x10;
	s26 =	simm.s32 $0x9  }
0x14: {  	s7 =	simm.s32 $0xA;
	[dreg:$0x3] =	wrdreg s19;
	s19 =	simm.s32 $0x2  }
.LBB2_24:
0x15: {  	s0 =	simm.s32 $0x13  }
0x16: {  	_ =	swait.ge [sflag:s0], $0x2000  }
0x17: {  	[sflag:s0] =	ssyncset.done $0x0  }
0x18: {  	s9 =	simm.s32 $0x14;
	[sflag:s0] =	ssyncadd.s32 $0xFFFFE000  }
0x19: {  	_ =	swait.ge [sflag:s9], $0x2000  }
0x1a: {  	s10 =	rddreg [dreg:$0xc]  }
0x1b: {  	s13 =	rddreg [dreg:$0xb];
	s10 =	sadd.s32 $0x1, s10  }
0x1c: {  	p0 =	sne.s32 s10, s13  }
.Ltmp1:
0x1d: {  	_ = 	snop;
	(pc) =	sbr.rel @!p0 .LBB2_25-.Ltmp1, $3  }
0x1e: {  	_ =	sdelay $0x1  }
0x1f: {  	[sflag:s9] =	ssyncset.done $0x0  }
0x20: {  	[sflag:s9] =	ssyncadd.s32 $0xFFFFE000  }
.LBB2_1:
0x21: {  	[dreg:$0xc] =	wrdreg s10  }
0x22: {  	s0 =	rddreg [dreg:$0x3];
	s10 =	simm.s32 $0x15  }
0x23: {  	[tilespmem:s3], [sflag:$0x15] =	stream.linear.gather [hbm4b:s0+s3], $0x6400, $0x38;
	[tilespmem:$0x1A400] =	vst v63  }
0x24: {  	_ =	swait.ge [sflag:s10], $0x6400  }
0x25: {  	[sflag:s10] =	ssyncset.done $0x0  }
0x26: {  	s11 =	simm.s32 $0x6400;
	[sflag:s10] =	ssyncadd.s32 $0xFFFF9C00  }
0x27: {  	[tilespmem:s11], [sflag:$0x1] =	stream.indirect.gather [hbm4b:s5+s16], $0x40, s3, s16, $0xb8;
	[tilespmem:$0x1A400] =	vst v63  }
0x28: {  	s12 =	simm.s32 $0x8400  }
0x29: {  	[tilespmem:s12], [sflag:$0x2] =	stream.indirect.gather [hbm4b:s5+s16], $0x40, s16, s16, $0xb8;
	[tilespmem:$0x1A400] =	vst v63  }
0x2a: {  	s13 =	simm.s32 $0x100;
	s9 =	simm.s32 $0xA400  }
0x2b: {  	[tilespmem:s9], [sflag:$0x3] =	stream.indirect.gather [hbm4b:s5+s16], $0x40, s13, s16, $0xb8;
	[tilespmem:$0x1A400] =	vst v63  }
0x2c: {  	s10 =	simm.s32 $0x180;
	s11 =	simm.s32 $0xC400  }
0x2d: {  	[tilespmem:s11], [sflag:$0x4] =	stream.indirect.gather [hbm4b:s5+s16], $0x40, s10, s16, $0xb8;
	[tilespmem:$0x1A400] =	vst v63  }
0x2e: {  	s12 =	simm.s32 $0x200;
	s13 =	simm.s32 $0xE400  }
0x2f: {  	[tilespmem:s13], [sflag:$0x5] =	stream.indirect.gather [hbm4b:s5+s16], $0x40, s12, s16, $0xb8;
	[tilespmem:$0x1A400] =	vst v63  }
0x30: {  	s9 =	simm.s32 $0x280;
	s10 =	simm.s32 $0x10400  }
0x31: {  	[tilespmem:s10], [sflag:$0x6] =	stream.indirect.gather [hbm4b:s5+s16], $0x40, s9, s16, $0xb8;
	[tilespmem:$0x1A400] =	vst v63  }
0x32: {  	s11 =	simm.s32 $0x300;
	s12 =	simm.s32 $0x12400  }
0x33: {  	[tilespmem:s12], [sflag:$0x7] =	stream.indirect.gather [hbm4b:s5+s16], $0x40, s11, s16, $0xb8;
	[tilespmem:$0x1A400] =	vst v63  }
0x34: {  	s13 =	simm.s32 $0x380;
	s9 =	simm.s32 $0x0  }
0x35: {  	[tilespmem:s31], [sflag:$0x8] =	stream.indirect.gather [hbm4b:s5+s16], $0x40, s13, s16, $0xb8;
	[tilespmem:$0x1A400] =	vst v63  }
.LBB2_2:
0x36: {  	_ =	swait.ge [sflag:s1], $0x2000  }
0x37: {  	[sflag:s1] =	ssyncset.done $0x0  }
0x38: {  	s10 =	simm.s32 $0x6480;
	[sflag:s1] =	ssyncadd.s32 $0xFFFFE000  }
0x39: {  	v0 =	vld [tilespmem:s10+$0xFFFFFF80]  }
0x3a: {  	v1 =	vld [tilespmem:s10+$0xFFFFFF90]  }
0x3b: {  	v2 =	vld [tilespmem:s10+$0xFFFFFFA0]  }
0x3c: {  	v3 =	vld [tilespmem:s10+$0xFFFFFFB0]  }
0x3d: {  	v4 =	vld [tilespmem:s10+$0xFFFFFFC0]  }
0x3e: {  	v5 =	vld [tilespmem:s10+$0xFFFFFFD0];
	v0 =	vmul.f32 $8.000000000e+00, v0  }
0x3f: {  	v6 =	vld [tilespmem:s10+$0xFFFFFFE0];
	v1 =	vmul.f32 $8.000000000e+00, v1  }
0x40: {  	[tilespmem:s10+$0xFFFFFF80] =	vst v0;
	v0 =	vmul.f32 $8.000000000e+00, v2;
	v2 =	vld [tilespmem:s10+$0x0]  }
0x41: {  	[tilespmem:s10+$0xFFFFFF90] =	vst v1;
	v1 =	vmul.f32 $8.000000000e+00, v3;
	v3 =	vld [tilespmem:s10+$0x10]  }
0x42: {  	[tilespmem:s10+$0xFFFFFFA0] =	vst v0;
	v0 =	vmul.f32 $8.000000000e+00, v4;
	v4 =	vld [tilespmem:s10+$0x20]  }
0x43: {  	v7 =	vld [tilespmem:s10+$0x30];
	[tilespmem:s10+$0xFFFFFFB0] =	vst v1;
	v1 =	vmul.f32 $8.000000000e+00, v5  }
0x44: {  	v5 =	vmul.f32 $8.000000000e+00, v6;
	[tilespmem:s10+$0xFFFFFFC0] =	vst v0;
	v0 =	vld [tilespmem:s10+$0x40]  }
0x45: {  	[tilespmem:s10+$0xFFFFFFD0] =	vst v1;
	v1 =	vmul.f32 $8.000000000e+00, v2;
	v2 =	vld [tilespmem:s10+$0x50]  }
0x46: {  	[tilespmem:s10+$0xFFFFFFE0] =	vst v5;
	v6 =	vmul.f32 $8.000000000e+00, v3;
	v3 =	vld [tilespmem:s10+$0x60]  }
0x47: {  	[tilespmem:s10+$0x0] =	vst v1;
	v5 =	vmul.f32 $8.000000000e+00, v4;
	v4 =	vld [tilespmem:s10+$0x70]  }
0x48: {  	s11 =	simm.s32 $0x0;
	s0 =	simm.s32 $0x6580;
	v1 =	vld [tilespmem:s10+$0xFFFFFFF0];
	[tilespmem:s10+$0x10] =	vst v6;
	v6 =	vmul.f32 $8.000000000e+00, v7  }
.LBB2_3:
0x49: {  	v7 =	vld [tilespmem:s0+$0xFFFFFF80];
	[tilespmem:s10+$0x20] =	vst v5;
	v0 =	vmul.f32 $8.000000000e+00, v0  }
0x4a: {  	v5 =	vld [tilespmem:s0+$0xFFFFFF90];
	[tilespmem:s10+$0x30] =	vst v6;
	v2 =	vmul.f32 $8.000000000e+00, v2  }
0x4b: {  	v6 =	vld [tilespmem:s0+$0xFFFFFFA0];
	[tilespmem:s10+$0x40] =	vst v0;
	v0 =	vmul.f32 $8.000000000e+00, v3  }
0x4c: {  	v3 =	vld [tilespmem:s0+$0xFFFFFFB0];
	[tilespmem:s10+$0x50] =	vst v2;
	v2 =	vmul.f32 $8.000000000e+00, v4  }
0x4d: {  	v4 =	vld [tilespmem:s0+$0xFFFFFFC0];
	v1 =	vmul.f32 $8.000000000e+00, v1;
	[tilespmem:s10+$0x60] =	vst v0  }
0x4e: {  	v0 =	vmul.f32 $8.000000000e+00, v7;
	v7 =	vld [tilespmem:s0+$0xFFFFFFD0];
	[tilespmem:s10+$0x70] =	vst v2  }
0x4f: {  	v2 =	vmul.f32 $8.000000000e+00, v5;
	v5 =	vld [tilespmem:s0+$0xFFFFFFE0];
	[tilespmem:s10+$0xFFFFFFF0] =	vst v1;
	s10 =	smov.u32 s0  }
0x50: {  	[tilespmem:s0+$0xFFFFFF80] =	vst v0;
	v0 =	vmul.f32 $8.000000000e+00, v6;
	v1 =	vld [tilespmem:s0+$0x0]  }
0x51: {  	[tilespmem:s0+$0xFFFFFF90] =	vst v2;
	v2 =	vmul.f32 $8.000000000e+00, v3;
	v3 =	vld [tilespmem:s0+$0x10]  }
0x52: {  	s11 =	sadd.s32 $0x4, s11;
	[tilespmem:s0+$0xFFFFFFA0] =	vst v0;
	v0 =	vmul.f32 $8.000000000e+00, v4;
	v4 =	vld [tilespmem:s0+$0x20]  }
0x53: {  	p0 =	slt.u32 s11, $0x7C;
	[tilespmem:s0+$0xFFFFFFB0] =	vst v2;
	v2 =	vmul.f32 $8.000000000e+00, v7;
	v6 =	vld [tilespmem:s0+$0x30]  }
.Ltmp2:
0x54: {  	[tilespmem:s0+$0xFFFFFFC0] =	vst v0;
	v5 =	vmul.f32 $8.000000000e+00, v5;
	v0 =	vld [tilespmem:s0+$0x40];
	(pc) =	sbr.rel @p0 .LBB2_3-.Ltmp2, $4  }
0x55: {  	[tilespmem:s0+$0xFFFFFFD0] =	vst v2;
	v1 =	vmul.f32 $8.000000000e+00, v1;
	v2 =	vld [tilespmem:s0+$0x50]  }
0x56: {  	[tilespmem:s0+$0xFFFFFFE0] =	vst v5;
	v7 =	vmul.f32 $8.000000000e+00, v3;
	v3 =	vld [tilespmem:s0+$0x60]  }
0x57: {  	[tilespmem:s0+$0x0] =	vst v1;
	v5 =	vmul.f32 $8.000000000e+00, v4;
	v4 =	vld [tilespmem:s0+$0x70]  }
0x58: {  	s0 =	sadd.s32 $0x100, s0;
	v1 =	vld [tilespmem:s10+$0xFFFFFFF0];
	[tilespmem:s10+$0x10] =	vst v7;
	v6 =	vmul.f32 $8.000000000e+00, v6  }
0x59: {  	[tilespmem:s10+$0x20] =	vst v5;
	v0 =	vmul.f32 $8.000000000e+00, v0  }
0x5a: {  	[tilespmem:s10+$0x30] =	vst v6;
	v2 =	vmul.f32 $8.000000000e+00, v2  }
0x5b: {  	s12 =	smul.u32 $0x14000, s9;
	[tilespmem:s10+$0x40] =	vst v0;
	v0 =	vmul.f32 $8.000000000e+00, v3  }
0x5c: {  	[tilespmem:s10+$0x50] =	vst v2;
	v2 =	vmul.f32 $8.000000000e+00, v4  }
0x5d: {  	s0 =	sadd.s32 s4, s12;
	v1 =	vmul.f32 $8.000000000e+00, v1;
	[tilespmem:s10+$0x60] =	vst v0  }
0x5e: {  	s0 =	sshrl.u32 s0, $0x3;
	[tilespmem:s10+$0x70] =	vst v2  }
0x5f: {  	s11 =	simm.s32 $0x6400;
	s0 =	sadd.s32 s2, s0;
	[tilespmem:s10+$0xFFFFFFF0] =	vst v1  }
0x60: {  	[hbm4b:s0+s3] =	stream.linear.scatter [tilespmem:s11], [sflag:$0xB], $0x2000, $0x38;
	[tilespmem:$0x1A400] =	vst v63  }
0x61: {  	p0 =	seq.s32 s9, $0x0;
	s11 =	smul.u32 $0xA, s9  }
0x62: {  	s0 =	simm.s32 @!p0 $0x13  }
0x63: {  	_ =	swait.ge @!p0 [sflag:s0], $0x2000;
	s10 =	sadd.s32 $0x8, s11  }
0x64: {  	[sflag:s0] =	ssyncset.done @!p0 $0x0;
	s13 =	sshll.u32 s10, $0x7  }
0x65: {  	[sflag:s0] =	ssyncadd.s32 @!p0 $0xFFFFE000;
	s13 =	sand.u32 $0x3FFFFF80, s13  }
0x66: {  	[tilespmem:s21], [sflag:$0x9] =	stream.indirect.gather [hbm4b:s5+s16], $0x40, s13, s16, $0xb8;
	[tilespmem:$0x1A400] =	vst v63  }
0x67: {  	_ =	swait.ge [sflag:s19], $0x2000  }
0x68: {  	[sflag:s19] =	ssyncset.done $0x0  }
0x69: {  	s13 =	simm.s32 $0x8480;
	[sflag:s19] =	ssyncadd.s32 $0xFFFFE000  }
0x6a: {  	v0 =	vld [tilespmem:s13+$0xFFFFFF80]  }
0x6b: {  	v1 =	vld [tilespmem:s13+$0xFFFFFF90]  }
0x6c: {  	v2 =	vld [tilespmem:s13+$0xFFFFFFA0]  }
0x6d: {  	v3 =	vld [tilespmem:s13+$0xFFFFFFB0]  }
0x6e: {  	v4 =	vld [tilespmem:s13+$0xFFFFFFC0]  }
0x6f: {  	v5 =	vld [tilespmem:s13+$0xFFFFFFD0];
	v0 =	vmul.f32 $8.000000000e+00, v0  }
0x70: {  	v6 =	vld [tilespmem:s13+$0xFFFFFFE0];
	v1 =	vmul.f32 $8.000000000e+00, v1  }
0x71: {  	[tilespmem:s13+$0xFFFFFF80] =	vst v0;
	v0 =	vmul.f32 $8.000000000e+00, v2;
	v2 =	vld [tilespmem:s13+$0x0]  }
0x72: {  	[tilespmem:s13+$0xFFFFFF90] =	vst v1;
	v1 =	vmul.f32 $8.000000000e+00, v3;
	v3 =	vld [tilespmem:s13+$0x10]  }
0x73: {  	[tilespmem:s13+$0xFFFFFFA0] =	vst v0;
	v0 =	vmul.f32 $8.000000000e+00, v4;
	v4 =	vld [tilespmem:s13+$0x20]  }
0x74: {  	v7 =	vld [tilespmem:s13+$0x30];
	[tilespmem:s13+$0xFFFFFFB0] =	vst v1;
	v1 =	vmul.f32 $8.000000000e+00, v5  }
0x75: {  	v5 =	vmul.f32 $8.000000000e+00, v6;
	[tilespmem:s13+$0xFFFFFFC0] =	vst v0;
	v0 =	vld [tilespmem:s13+$0x40]  }
0x76: {  	[tilespmem:s13+$0xFFFFFFD0] =	vst v1;
	v1 =	vld [tilespmem:s13+$0x50];
	v2 =	vmul.f32 $8.000000000e+00, v2  }
0x77: {  	[tilespmem:s13+$0xFFFFFFE0] =	vst v5;
	v6 =	vmul.f32 $8.000000000e+00, v3;
	v3 =	vld [tilespmem:s13+$0x60]  }
0x78: {  	[tilespmem:s13+$0x0] =	vst v2;
	v5 =	vmul.f32 $8.000000000e+00, v4;
	v4 =	vld [tilespmem:s13+$0x70]  }
0x79: {  	s31 =	simm.s32 $0x0;
	s0 =	simm.s32 $0x8580;
	v2 =	vld [tilespmem:s13+$0xFFFFFFF0];
	[tilespmem:s13+$0x10] =	vst v6;
	v6 =	vmul.f32 $8.000000000e+00, v7  }
.LBB2_5:
0x7a: {  	v7 =	vld [tilespmem:s0+$0xFFFFFF80];
	[tilespmem:s13+$0x20] =	vst v5;
	v0 =	vmul.f32 $8.000000000e+00, v0  }
0x7b: {  	v5 =	vld [tilespmem:s0+$0xFFFFFF90];
	[tilespmem:s13+$0x30] =	vst v6;
	v1 =	vmul.f32 $8.000000000e+00, v1  }
0x7c: {  	v6 =	vld [tilespmem:s0+$0xFFFFFFA0];
	[tilespmem:s13+$0x40] =	vst v0;
	v0 =	vmul.f32 $8.000000000e+00, v3  }
0x7d: {  	v3 =	vld [tilespmem:s0+$0xFFFFFFB0];
	[tilespmem:s13+$0x50] =	vst v1;
	v1 =	vmul.f32 $8.000000000e+00, v4  }
0x7e: {  	v4 =	vld [tilespmem:s0+$0xFFFFFFC0];
	v2 =	vmul.f32 $8.000000000e+00, v2;
	[tilespmem:s13+$0x60] =	vst v0  }
0x7f: {  	v0 =	vmul.f32 $8.000000000e+00, v7;
	v7 =	vld [tilespmem:s0+$0xFFFFFFD0];
	[tilespmem:s13+$0x70] =	vst v1  }
0x80: {  	v1 =	vmul.f32 $8.000000000e+00, v5;
	v5 =	vld [tilespmem:s0+$0xFFFFFFE0];
	[tilespmem:s13+$0xFFFFFFF0] =	vst v2;
	s13 =	smov.u32 s0  }
0x81: {  	[tilespmem:s0+$0xFFFFFF80] =	vst v0;
	v0 =	vmul.f32 $8.000000000e+00, v6;
	v2 =	vld [tilespmem:s0+$0x0]  }
0x82: {  	[tilespmem:s0+$0xFFFFFF90] =	vst v1;
	v1 =	vmul.f32 $8.000000000e+00, v3;
	v3 =	vld [tilespmem:s0+$0x10]  }
0x83: {  	s31 =	sadd.s32 $0x4, s31;
	[tilespmem:s0+$0xFFFFFFA0] =	vst v0;
	v0 =	vmul.f32 $8.000000000e+00, v4;
	v4 =	vld [tilespmem:s0+$0x20]  }
0x84: {  	p1 =	slt.u32 s31, $0x7C;
	[tilespmem:s0+$0xFFFFFFB0] =	vst v1;
	v1 =	vmul.f32 $8.000000000e+00, v7;
	v6 =	vld [tilespmem:s0+$0x30]  }
.Ltmp3:
0x85: {  	[tilespmem:s0+$0xFFFFFFC0] =	vst v0;
	v5 =	vmul.f32 $8.000000000e+00, v5;
	v0 =	vld [tilespmem:s0+$0x40];
	(pc) =	sbr.rel @p1 .LBB2_5-.Ltmp3, $4  }
0x86: {  	[tilespmem:s0+$0xFFFFFFD0] =	vst v1;
	v2 =	vmul.f32 $8.000000000e+00, v2;
	v1 =	vld [tilespmem:s0+$0x50]  }
0x87: {  	[tilespmem:s0+$0xFFFFFFE0] =	vst v5;
	v7 =	vmul.f32 $8.000000000e+00, v3;
	v3 =	vld [tilespmem:s0+$0x60]  }
0x88: {  	[tilespmem:s0+$0x0] =	vst v2;
	v5 =	vmul.f32 $8.000000000e+00, v4;
	v4 =	vld [tilespmem:s0+$0x70]  }
0x89: {  	s0 =	sadd.s32 $0x100, s0;
	v2 =	vld [tilespmem:s13+$0xFFFFFFF0];
	[tilespmem:s13+$0x10] =	vst v7;
	v6 =	vmul.f32 $8.000000000e+00, v6  }
0x8a: {  	[tilespmem:s13+$0x20] =	vst v5;
	v0 =	vmul.f32 $8.000000000e+00, v0  }
0x8b: {  	[tilespmem:s13+$0x30] =	vst v6;
	v1 =	vmul.f32 $8.000000000e+00, v1  }
0x8c: {  	[tilespmem:s13+$0x40] =	vst v0;
	v0 =	vmul.f32 $8.000000000e+00, v3  }
0x8d: {  	s0 =	rddreg [dreg:$0x4];
	[tilespmem:s13+$0x50] =	vst v1;
	v1 =	vmul.f32 $8.000000000e+00, v4  }
0x8e: {  	s0 =	sadd.s32 s0, s12;
	v2 =	vmul.f32 $8.000000000e+00, v2;
	[tilespmem:s13+$0x60] =	vst v0  }
0x8f: {  	s0 =	sshrl.u32 s0, $0x3;
	[tilespmem:s13+$0x70] =	vst v1  }
0x90: {  	s21 =	simm.s32 $0x8400;
	s0 =	sadd.s32 s2, s0;
	[tilespmem:s13+$0xFFFFFFF0] =	vst v2  }
0x91: {  	[hbm4b:s0+s3] =	stream.linear.scatter [tilespmem:s21], [sflag:$0xC], $0x2000, $0x38;
	[tilespmem:$0x1A400] =	vst v63  }
0x92: {  	s0 =	simm.s32 @!p0 $0x14  }
0x93: {  	s11 =	sadd.s32 $0x9, s11;
	_ =	swait.ge @!p0 [sflag:s0], $0x2000  }
0x94: {  	s21 =	sshll.u32 s11, $0x7;
	[sflag:s0] =	ssyncset.done @!p0 $0x0  }
0x95: {  	s13 =	sand.u32 $0x3FFFFF80, s21;
	s21 =	simm.s32 $0x18400;
	[sflag:s0] =	ssyncadd.s32 @!p0 $0xFFFFE000  }
0x96: {  	[tilespmem:s21], [sflag:$0xA] =	stream.indirect.gather [hbm4b:s5+s16], $0x40, s13, s16, $0xb8;
	[tilespmem:$0x1A400] =	vst v63  }
0x97: {  	_ =	swait.ge [sflag:s23], $0x2000  }
0x98: {  	[sflag:s23] =	ssyncset.done $0x0  }
0x99: {  	s13 =	simm.s32 $0xA480;
	[sflag:s23] =	ssyncadd.s32 $0xFFFFE000  }
0x9a: {  	v0 =	vld [tilespmem:s13+$0xFFFFFF80]  }
0x9b: {  	v1 =	vld [tilespmem:s13+$0xFFFFFF90]  }
0x9c: {  	v2 =	vld [tilespmem:s13+$0xFFFFFFA0]  }
0x9d: {  	v3 =	vld [tilespmem:s13+$0xFFFFFFB0]  }
0x9e: {  	v4 =	vld [tilespmem:s13+$0xFFFFFFC0]  }
0x9f: {  	v5 =	vld [tilespmem:s13+$0xFFFFFFD0];
	v0 =	vmul.f32 $8.000000000e+00, v0  }
0xa0: {  	v6 =	vld [tilespmem:s13+$0xFFFFFFE0];
	v1 =	vmul.f32 $8.000000000e+00, v1  }
0xa1: {  	[tilespmem:s13+$0xFFFFFF80] =	vst v0;
	v0 =	vmul.f32 $8.000000000e+00, v2;
	v2 =	vld [tilespmem:s13+$0x0]  }
0xa2: {  	[tilespmem:s13+$0xFFFFFF90] =	vst v1;
	v1 =	vmul.f32 $8.000000000e+00, v3;
	v3 =	vld [tilespmem:s13+$0x10]  }
0xa3: {  	[tilespmem:s13+$0xFFFFFFA0] =	vst v0;
	v0 =	vmul.f32 $8.000000000e+00, v4;
	v4 =	vld [tilespmem:s13+$0x20]  }
0xa4: {  	v7 =	vld [tilespmem:s13+$0x30];
	[tilespmem:s13+$0xFFFFFFB0] =	vst v1;
	v1 =	vmul.f32 $8.000000000e+00, v5  }
0xa5: {  	v5 =	vmul.f32 $8.000000000e+00, v6;
	[tilespmem:s13+$0xFFFFFFC0] =	vst v0;
	v0 =	vld [tilespmem:s13+$0x40]  }
0xa6: {  	[tilespmem:s13+$0xFFFFFFD0] =	vst v1;
	v1 =	vld [tilespmem:s13+$0x50];
	v2 =	vmul.f32 $8.000000000e+00, v2  }
0xa7: {  	[tilespmem:s13+$0xFFFFFFE0] =	vst v5;
	v6 =	vmul.f32 $8.000000000e+00, v3;
	v3 =	vld [tilespmem:s13+$0x60]  }
0xa8: {  	[tilespmem:s13+$0x0] =	vst v2;
	v5 =	vmul.f32 $8.000000000e+00, v4;
	v4 =	vld [tilespmem:s13+$0x70]  }
0xa9: {  	s31 =	simm.s32 $0x0;
	s0 =	simm.s32 $0xA580;
	v2 =	vld [tilespmem:s13+$0xFFFFFFF0];
	[tilespmem:s13+$0x10] =	vst v6;
	v6 =	vmul.f32 $8.000000000e+00, v7  }
.LBB2_7:
0xaa: {  	v7 =	vld [tilespmem:s0+$0xFFFFFF80];
	[tilespmem:s13+$0x20] =	vst v5;
	v0 =	vmul.f32 $8.000000000e+00, v0  }
0xab: {  	v5 =	vld [tilespmem:s0+$0xFFFFFF90];
	[tilespmem:s13+$0x30] =	vst v6;
	v1 =	vmul.f32 $8.000000000e+00, v1  }
0xac: {  	v6 =	vld [tilespmem:s0+$0xFFFFFFA0];
	[tilespmem:s13+$0x40] =	vst v0;
	v0 =	vmul.f32 $8.000000000e+00, v3  }
0xad: {  	v3 =	vld [tilespmem:s0+$0xFFFFFFB0];
	[tilespmem:s13+$0x50] =	vst v1;
	v1 =	vmul.f32 $8.000000000e+00, v4  }
0xae: {  	v4 =	vld [tilespmem:s0+$0xFFFFFFC0];
	v2 =	vmul.f32 $8.000000000e+00, v2;
	[tilespmem:s13+$0x60] =	vst v0  }
0xaf: {  	v0 =	vmul.f32 $8.000000000e+00, v7;
	v7 =	vld [tilespmem:s0+$0xFFFFFFD0];
	[tilespmem:s13+$0x70] =	vst v1  }
0xb0: {  	v1 =	vmul.f32 $8.000000000e+00, v5;
	v5 =	vld [tilespmem:s0+$0xFFFFFFE0];
	[tilespmem:s13+$0xFFFFFFF0] =	vst v2;
	s13 =	smov.u32 s0  }
0xb1: {  	[tilespmem:s0+$0xFFFFFF80] =	vst v0;
	v0 =	vmul.f32 $8.000000000e+00, v6;
	v2 =	vld [tilespmem:s0+$0x0]  }
0xb2: {  	[tilespmem:s0+$0xFFFFFF90] =	vst v1;
	v1 =	vmul.f32 $8.000000000e+00, v3;
	v3 =	vld [tilespmem:s0+$0x10]  }
0xb3: {  	s31 =	sadd.s32 $0x4, s31;
	[tilespmem:s0+$0xFFFFFFA0] =	vst v0;
	v0 =	vmul.f32 $8.000000000e+00, v4;
	v4 =	vld [tilespmem:s0+$0x20]  }
0xb4: {  	p0 =	slt.u32 s31, $0x7C;
	[tilespmem:s0+$0xFFFFFFB0] =	vst v1;
	v1 =	vmul.f32 $8.000000000e+00, v7;
	v6 =	vld [tilespmem:s0+$0x30]  }
.Ltmp4:
0xb5: {  	[tilespmem:s0+$0xFFFFFFC0] =	vst v0;
	v5 =	vmul.f32 $8.000000000e+00, v5;
	v0 =	vld [tilespmem:s0+$0x40];
	(pc) =	sbr.rel @p0 .LBB2_7-.Ltmp4, $4  }
0xb6: {  	[tilespmem:s0+$0xFFFFFFD0] =	vst v1;
	v2 =	vmul.f32 $8.000000000e+00, v2;
	v1 =	vld [tilespmem:s0+$0x50]  }
0xb7: {  	[tilespmem:s0+$0xFFFFFFE0] =	vst v5;
	v7 =	vmul.f32 $8.000000000e+00, v3;
	v3 =	vld [tilespmem:s0+$0x60]  }
0xb8: {  	[tilespmem:s0+$0x0] =	vst v2;
	v5 =	vmul.f32 $8.000000000e+00, v4;
	v4 =	vld [tilespmem:s0+$0x70]  }
0xb9: {  	s0 =	sadd.s32 $0x100, s0;
	v2 =	vld [tilespmem:s13+$0xFFFFFFF0];
	[tilespmem:s13+$0x10] =	vst v7;
	v6 =	vmul.f32 $8.000000000e+00, v6  }
0xba: {  	[tilespmem:s13+$0x20] =	vst v5;
	v0 =	vmul.f32 $8.000000000e+00, v0  }
0xbb: {  	[tilespmem:s13+$0x30] =	vst v6;
	v1 =	vmul.f32 $8.000000000e+00, v1  }
0xbc: {  	[tilespmem:s13+$0x40] =	vst v0;
	v0 =	vmul.f32 $8.000000000e+00, v3  }
0xbd: {  	s0 =	rddreg [dreg:$0x5];
	[tilespmem:s13+$0x50] =	vst v1;
	v1 =	vmul.f32 $8.000000000e+00, v4  }
0xbe: {  	s0 =	sadd.s32 s0, s12;
	v2 =	vmul.f32 $8.000000000e+00, v2;
	[tilespmem:s13+$0x60] =	vst v0  }
0xbf: {  	s0 =	sshrl.u32 s0, $0x3;
	[tilespmem:s13+$0x70] =	vst v1  }
0xc0: {  	s21 =	simm.s32 $0xA400;
	p0 =	seq.s32 s9, $0x13;
	s0 =	sadd.s32 s2, s0;
	[tilespmem:s13+$0xFFFFFFF0] =	vst v2  }
0xc1: {  	[hbm4b:s0+s3] =	stream.linear.scatter [tilespmem:s21], [sflag:$0xD], $0x2000, $0x38;
	[tilespmem:$0x1A400] =	vst v63  }
0xc2: {  	s0 =	smul.u32 @!p0 $0x1400, s9  }
0xc3: {  	_ =	swait.ge [sflag:s25], $0x2000  }
0xc4: {  	s31 =	simm.s32 @!p0 $0x6400;
	[sflag:s25] =	ssyncset.done $0x0;
	s13 =	sshra.s32 @!p0 s0, $0x2  }
0xc5: {  	s21 =	simm.s32 @!p0 $0x80;
	[sflag:s25] =	ssyncadd.s32 $0xFFFFE000;
	s0 =	sadd.s32 @!p0 $0x500, s13  }
0xc6: {  	[tilespmem:s31], [sflag:$0x1] =	stream.indirect.gather @!p0 [hbm4b:s5+s21], $0x40, s0, s21, $0xb8;
	[tilespmem:$0x1A400] =	vst v63  }
0xc7: {  	_ =	swait.ge [sflag:s28], $0x2000  }
0xc8: {  	[sflag:s28] =	ssyncset.done $0x0  }
0xc9: {  	s31 =	simm.s32 $0xC480;
	[sflag:s28] =	ssyncadd.s32 $0xFFFFE000  }
0xca: {  	v0 =	vld [tilespmem:s31+$0xFFFFFF80]  }
0xcb: {  	v1 =	vld [tilespmem:s31+$0xFFFFFF90]  }
0xcc: {  	v2 =	vld [tilespmem:s31+$0xFFFFFFA0]  }
0xcd: {  	v3 =	vld [tilespmem:s31+$0xFFFFFFB0]  }
0xce: {  	v4 =	vld [tilespmem:s31+$0xFFFFFFC0]  }
0xcf: {  	v5 =	vld [tilespmem:s31+$0xFFFFFFD0];
	v0 =	vmul.f32 $8.000000000e+00, v0  }
0xd0: {  	v6 =	vld [tilespmem:s31+$0xFFFFFFE0];
	v1 =	vmul.f32 $8.000000000e+00, v1  }
0xd1: {  	[tilespmem:s31+$0xFFFFFF80] =	vst v0;
	v0 =	vmul.f32 $8.000000000e+00, v2;
	v2 =	vld [tilespmem:s31+$0x0]  }
0xd2: {  	[tilespmem:s31+$0xFFFFFF90] =	vst v1;
	v1 =	vmul.f32 $8.000000000e+00, v3;
	v3 =	vld [tilespmem:s31+$0x10]  }
0xd3: {  	[tilespmem:s31+$0xFFFFFFA0] =	vst v0;
	v0 =	vmul.f32 $8.000000000e+00, v4;
	v4 =	vld [tilespmem:s31+$0x20]  }
0xd4: {  	v7 =	vld [tilespmem:s31+$0x30];
	[tilespmem:s31+$0xFFFFFFB0] =	vst v1;
	v1 =	vmul.f32 $8.000000000e+00, v5  }
0xd5: {  	v5 =	vmul.f32 $8.000000000e+00, v6;
	[tilespmem:s31+$0xFFFFFFC0] =	vst v0;
	v0 =	vld [tilespmem:s31+$0x40]  }
0xd6: {  	[tilespmem:s31+$0xFFFFFFD0] =	vst v1;
	v1 =	vld [tilespmem:s31+$0x50];
	v2 =	vmul.f32 $8.000000000e+00, v2  }
0xd7: {  	[tilespmem:s31+$0xFFFFFFE0] =	vst v5;
	v6 =	vmul.f32 $8.000000000e+00, v3;
	v3 =	vld [tilespmem:s31+$0x60]  }
0xd8: {  	[tilespmem:s31+$0x0] =	vst v2;
	v5 =	vmul.f32 $8.000000000e+00, v4;
	v4 =	vld [tilespmem:s31+$0x70]  }
0xd9: {  	s0 =	simm.s32 $0x0;
	s21 =	simm.s32 $0xC580;
	v2 =	vld [tilespmem:s31+$0xFFFFFFF0];
	[tilespmem:s31+$0x10] =	vst v6;
	v6 =	vmul.f32 $8.000000000e+00, v7  }
.LBB2_9:
0xda: {  	v7 =	vld [tilespmem:s21+$0xFFFFFF80];
	[tilespmem:s31+$0x20] =	vst v5;
	v0 =	vmul.f32 $8.000000000e+00, v0  }
0xdb: {  	v5 =	vld [tilespmem:s21+$0xFFFFFF90];
	[tilespmem:s31+$0x30] =	vst v6;
	v1 =	vmul.f32 $8.000000000e+00, v1  }
0xdc: {  	v6 =	vld [tilespmem:s21+$0xFFFFFFA0];
	[tilespmem:s31+$0x40] =	vst v0;
	v0 =	vmul.f32 $8.000000000e+00, v3  }
0xdd: {  	v3 =	vld [tilespmem:s21+$0xFFFFFFB0];
	[tilespmem:s31+$0x50] =	vst v1;
	v1 =	vmul.f32 $8.000000000e+00, v4  }
0xde: {  	v4 =	vld [tilespmem:s21+$0xFFFFFFC0];
	v2 =	vmul.f32 $8.000000000e+00, v2;
	[tilespmem:s31+$0x60] =	vst v0  }
0xdf: {  	v0 =	vmul.f32 $8.000000000e+00, v7;
	v7 =	vld [tilespmem:s21+$0xFFFFFFD0];
	[tilespmem:s31+$0x70] =	vst v1  }
0xe0: {  	v1 =	vmul.f32 $8.000000000e+00, v5;
	v5 =	vld [tilespmem:s21+$0xFFFFFFE0];
	[tilespmem:s31+$0xFFFFFFF0] =	vst v2;
	s31 =	smov.u32 s21  }
0xe1: {  	[tilespmem:s21+$0xFFFFFF80] =	vst v0;
	v0 =	vmul.f32 $8.000000000e+00, v6;
	v2 =	vld [tilespmem:s21+$0x0]  }
0xe2: {  	[tilespmem:s21+$0xFFFFFF90] =	vst v1;
	v1 =	vmul.f32 $8.000000000e+00, v3;
	v3 =	vld [tilespmem:s21+$0x10]  }
0xe3: {  	s0 =	sadd.s32 $0x4, s0;
	[tilespmem:s21+$0xFFFFFFA0] =	vst v0;
	v0 =	vmul.f32 $8.000000000e+00, v4;
	v4 =	vld [tilespmem:s21+$0x20]  }
0xe4: {  	p1 =	slt.u32 s0, $0x7C;
	[tilespmem:s21+$0xFFFFFFB0] =	vst v1;
	v1 =	vmul.f32 $8.000000000e+00, v7;
	v6 =	vld [tilespmem:s21+$0x30]  }
.Ltmp5:
0xe5: {  	[tilespmem:s21+$0xFFFFFFC0] =	vst v0;
	v5 =	vmul.f32 $8.000000000e+00, v5;
	v0 =	vld [tilespmem:s21+$0x40];
	(pc) =	sbr.rel @p1 .LBB2_9-.Ltmp5, $4  }
0xe6: {  	[tilespmem:s21+$0xFFFFFFD0] =	vst v1;
	v2 =	vmul.f32 $8.000000000e+00, v2;
	v1 =	vld [tilespmem:s21+$0x50]  }
0xe7: {  	[tilespmem:s21+$0xFFFFFFE0] =	vst v5;
	v7 =	vmul.f32 $8.000000000e+00, v3;
	v3 =	vld [tilespmem:s21+$0x60]  }
0xe8: {  	[tilespmem:s21+$0x0] =	vst v2;
	v5 =	vmul.f32 $8.000000000e+00, v4;
	v4 =	vld [tilespmem:s21+$0x70]  }
0xe9: {  	s21 =	sadd.s32 $0x100, s21;
	v2 =	vld [tilespmem:s31+$0xFFFFFFF0];
	[tilespmem:s31+$0x10] =	vst v7;
	v6 =	vmul.f32 $8.000000000e+00, v6  }
0xea: {  	[tilespmem:s31+$0x20] =	vst v5;
	v0 =	vmul.f32 $8.000000000e+00, v0  }
0xeb: {  	[tilespmem:s31+$0x30] =	vst v6;
	v1 =	vmul.f32 $8.000000000e+00, v1  }
0xec: {  	[tilespmem:s31+$0x40] =	vst v0;
	v0 =	vmul.f32 $8.000000000e+00, v3  }
0xed: {  	s0 =	rddreg [dreg:$0x6];
	[tilespmem:s31+$0x50] =	vst v1;
	v1 =	vmul.f32 $8.000000000e+00, v4  }
0xee: {  	s0 =	sadd.s32 s0, s12;
	v2 =	vmul.f32 $8.000000000e+00, v2;
	[tilespmem:s31+$0x60] =	vst v0  }
0xef: {  	s0 =	sshrl.u32 s0, $0x3;
	[tilespmem:s31+$0x70] =	vst v1  }
0xf0: {  	s21 =	simm.s32 $0xC400;
	s0 =	sadd.s32 s2, s0;
	[tilespmem:s31+$0xFFFFFFF0] =	vst v2  }
0xf1: {  	[hbm4b:s0+s3] =	stream.linear.scatter [tilespmem:s21], [sflag:$0xE], $0x2000, $0x38;
	[tilespmem:$0x1A400] =	vst v63  }
0xf2: {  	_ =	swait.ge [sflag:s30], $0x2000  }
0xf3: {  	s31 =	simm.s32 @!p0 $0x8400;
	[sflag:s30] =	ssyncset.done $0x0  }
0xf4: {  	s0 =	sadd.s32 @!p0 $0x580, s13;
	s21 =	simm.s32 @!p0 $0x80;
	[sflag:s30] =	ssyncadd.s32 $0xFFFFE000  }
0xf5: {  	[tilespmem:s31], [sflag:$0x2] =	stream.indirect.gather @!p0 [hbm4b:s5+s21], $0x40, s0, s21, $0xb8;
	[tilespmem:$0x1A400] =	vst v63  }
0xf6: {  	_ =	swait.ge [sflag:s6], $0x2000  }
0xf7: {  	[sflag:s6] =	ssyncset.done $0x0  }
0xf8: {  	s31 =	simm.s32 $0xE480;
	[sflag:s6] =	ssyncadd.s32 $0xFFFFE000  }
0xf9: {  	v0 =	vld [tilespmem:s31+$0xFFFFFF80]  }
0xfa: {  	v1 =	vld [tilespmem:s31+$0xFFFFFF90]  }
0xfb: {  	v2 =	vld [tilespmem:s31+$0xFFFFFFA0]  }
0xfc: {  	v3 =	vld [tilespmem:s31+$0xFFFFFFB0]  }
0xfd: {  	v4 =	vld [tilespmem:s31+$0xFFFFFFC0]  }
0xfe: {  	v5 =	vld [tilespmem:s31+$0xFFFFFFD0];
	v0 =	vmul.f32 $8.000000000e+00, v0  }
0xff: {  	v6 =	vld [tilespmem:s31+$0xFFFFFFE0];
	v1 =	vmul.f32 $8.000000000e+00, v1  }
0x100: {  	[tilespmem:s31+$0xFFFFFF80] =	vst v0;
	v0 =	vmul.f32 $8.000000000e+00, v2;
	v2 =	vld [tilespmem:s31+$0x0]  }
0x101: {  	[tilespmem:s31+$0xFFFFFF90] =	vst v1;
	v1 =	vmul.f32 $8.000000000e+00, v3;
	v3 =	vld [tilespmem:s31+$0x10]  }
0x102: {  	[tilespmem:s31+$0xFFFFFFA0] =	vst v0;
	v0 =	vmul.f32 $8.000000000e+00, v4;
	v4 =	vld [tilespmem:s31+$0x20]  }
0x103: {  	v7 =	vld [tilespmem:s31+$0x30];
	[tilespmem:s31+$0xFFFFFFB0] =	vst v1;
	v1 =	vmul.f32 $8.000000000e+00, v5  }
0x104: {  	v5 =	vmul.f32 $8.000000000e+00, v6;
	[tilespmem:s31+$0xFFFFFFC0] =	vst v0;
	v0 =	vld [tilespmem:s31+$0x40]  }
0x105: {  	[tilespmem:s31+$0xFFFFFFD0] =	vst v1;
	v1 =	vld [tilespmem:s31+$0x50];
	v2 =	vmul.f32 $8.000000000e+00, v2  }
0x106: {  	[tilespmem:s31+$0xFFFFFFE0] =	vst v5;
	v6 =	vmul.f32 $8.000000000e+00, v3;
	v3 =	vld [tilespmem:s31+$0x60]  }
0x107: {  	[tilespmem:s31+$0x0] =	vst v2;
	v5 =	vmul.f32 $8.000000000e+00, v4;
	v4 =	vld [tilespmem:s31+$0x70]  }
0x108: {  	s0 =	simm.s32 $0x0;
	s21 =	simm.s32 $0xE580;
	v2 =	vld [tilespmem:s31+$0xFFFFFFF0];
	[tilespmem:s31+$0x10] =	vst v6;
	v6 =	vmul.f32 $8.000000000e+00, v7  }
.LBB2_11:
0x109: {  	v7 =	vld [tilespmem:s21+$0xFFFFFF80];
	[tilespmem:s31+$0x20] =	vst v5;
	v0 =	vmul.f32 $8.000000000e+00, v0  }
0x10a: {  	v5 =	vld [tilespmem:s21+$0xFFFFFF90];
	[tilespmem:s31+$0x30] =	vst v6;
	v1 =	vmul.f32 $8.000000000e+00, v1  }
0x10b: {  	v6 =	vld [tilespmem:s21+$0xFFFFFFA0];
	[tilespmem:s31+$0x40] =	vst v0;
	v0 =	vmul.f32 $8.000000000e+00, v3  }
0x10c: {  	v3 =	vld [tilespmem:s21+$0xFFFFFFB0];
	[tilespmem:s31+$0x50] =	vst v1;
	v1 =	vmul.f32 $8.000000000e+00, v4  }
0x10d: {  	v4 =	vld [tilespmem:s21+$0xFFFFFFC0];
	v2 =	vmul.f32 $8.000000000e+00, v2;
	[tilespmem:s31+$0x60] =	vst v0  }
0x10e: {  	v0 =	vmul.f32 $8.000000000e+00, v7;
	v7 =	vld [tilespmem:s21+$0xFFFFFFD0];
	[tilespmem:s31+$0x70] =	vst v1  }
0x10f: {  	v1 =	vmul.f32 $8.000000000e+00, v5;
	v5 =	vld [tilespmem:s21+$0xFFFFFFE0];
	[tilespmem:s31+$0xFFFFFFF0] =	vst v2;
	s31 =	smov.u32 s21  }
0x110: {  	[tilespmem:s21+$0xFFFFFF80] =	vst v0;
	v0 =	vmul.f32 $8.000000000e+00, v6;
	v2 =	vld [tilespmem:s21+$0x0]  }
0x111: {  	[tilespmem:s21+$0xFFFFFF90] =	vst v1;
	v1 =	vmul.f32 $8.000000000e+00, v3;
	v3 =	vld [tilespmem:s21+$0x10]  }
0x112: {  	s0 =	sadd.s32 $0x4, s0;
	[tilespmem:s21+$0xFFFFFFA0] =	vst v0;
	v0 =	vmul.f32 $8.000000000e+00, v4;
	v4 =	vld [tilespmem:s21+$0x20]  }
0x113: {  	p1 =	slt.u32 s0, $0x7C;
	[tilespmem:s21+$0xFFFFFFB0] =	vst v1;
	v1 =	vmul.f32 $8.000000000e+00, v7;
	v6 =	vld [tilespmem:s21+$0x30]  }
.Ltmp6:
0x114: {  	[tilespmem:s21+$0xFFFFFFC0] =	vst v0;
	v5 =	vmul.f32 $8.000000000e+00, v5;
	v0 =	vld [tilespmem:s21+$0x40];
	(pc) =	sbr.rel @p1 .LBB2_11-.Ltmp6, $4  }
0x115: {  	[tilespmem:s21+$0xFFFFFFD0] =	vst v1;
	v2 =	vmul.f32 $8.000000000e+00, v2;
	v1 =	vld [tilespmem:s21+$0x50]  }
0x116: {  	[tilespmem:s21+$0xFFFFFFE0] =	vst v5;
	v7 =	vmul.f32 $8.000000000e+00, v3;
	v3 =	vld [tilespmem:s21+$0x60]  }
0x117: {  	[tilespmem:s21+$0x0] =	vst v2;
	v5 =	vmul.f32 $8.000000000e+00, v4;
	v4 =	vld [tilespmem:s21+$0x70]  }
0x118: {  	s21 =	sadd.s32 $0x100, s21;
	v2 =	vld [tilespmem:s31+$0xFFFFFFF0];
	[tilespmem:s31+$0x10] =	vst v7;
	v6 =	vmul.f32 $8.000000000e+00, v6  }
0x119: {  	[tilespmem:s31+$0x20] =	vst v5;
	v0 =	vmul.f32 $8.000000000e+00, v0  }
0x11a: {  	[tilespmem:s31+$0x30] =	vst v6;
	v1 =	vmul.f32 $8.000000000e+00, v1  }
0x11b: {  	[tilespmem:s31+$0x40] =	vst v0;
	v0 =	vmul.f32 $8.000000000e+00, v3  }
0x11c: {  	s0 =	rddreg [dreg:$0x7];
	[tilespmem:s31+$0x50] =	vst v1;
	v1 =	vmul.f32 $8.000000000e+00, v4  }
0x11d: {  	s0 =	sadd.s32 s0, s12;
	v2 =	vmul.f32 $8.000000000e+00, v2;
	[tilespmem:s31+$0x60] =	vst v0  }
0x11e: {  	s0 =	sshrl.u32 s0, $0x3;
	[tilespmem:s31+$0x70] =	vst v1  }
0x11f: {  	s21 =	simm.s32 $0xE400;
	s0 =	sadd.s32 s2, s0;
	[tilespmem:s31+$0xFFFFFFF0] =	vst v2  }
0x120: {  	[hbm4b:s0+s3] =	stream.linear.scatter [tilespmem:s21], [sflag:$0xF], $0x2000, $0x38;
	[tilespmem:$0x1A400] =	vst v63  }
0x121: {  	_ =	swait.ge [sflag:s14], $0x2000  }
0x122: {  	s31 =	simm.s32 @!p0 $0xA400;
	[sflag:s14] =	ssyncset.done $0x0  }
0x123: {  	s0 =	sadd.s32 @!p0 $0x600, s13;
	s21 =	simm.s32 @!p0 $0x80;
	[sflag:s14] =	ssyncadd.s32 $0xFFFFE000  }
0x124: {  	[tilespmem:s31], [sflag:$0x3] =	stream.indirect.gather @!p0 [hbm4b:s5+s21], $0x40, s0, s21, $0xb8;
	[tilespmem:$0x1A400] =	vst v63  }
0x125: {  	_ =	swait.ge [sflag:s15], $0x2000  }
0x126: {  	[sflag:s15] =	ssyncset.done $0x0  }
0x127: {  	s31 =	simm.s32 $0x10480;
	[sflag:s15] =	ssyncadd.s32 $0xFFFFE000  }
0x128: {  	v0 =	vld [tilespmem:s31+$0xFFFFFF80]  }
0x129: {  	v1 =	vld [tilespmem:s31+$0xFFFFFF90]  }
0x12a: {  	v2 =	vld [tilespmem:s31+$0xFFFFFFA0]  }
0x12b: {  	v3 =	vld [tilespmem:s31+$0xFFFFFFB0]  }
0x12c: {  	v4 =	vld [tilespmem:s31+$0xFFFFFFC0]  }
0x12d: {  	v5 =	vld [tilespmem:s31+$0xFFFFFFD0];
	v0 =	vmul.f32 $8.000000000e+00, v0  }
0x12e: {  	v6 =	vld [tilespmem:s31+$0xFFFFFFE0];
	v1 =	vmul.f32 $8.000000000e+00, v1  }
0x12f: {  	[tilespmem:s31+$0xFFFFFF80] =	vst v0;
	v0 =	vmul.f32 $8.000000000e+00, v2;
	v2 =	vld [tilespmem:s31+$0x0]  }
0x130: {  	[tilespmem:s31+$0xFFFFFF90] =	vst v1;
	v1 =	vmul.f32 $8.000000000e+00, v3;
	v3 =	vld [tilespmem:s31+$0x10]  }
0x131: {  	[tilespmem:s31+$0xFFFFFFA0] =	vst v0;
	v0 =	vmul.f32 $8.000000000e+00, v4;
	v4 =	vld [tilespmem:s31+$0x20]  }
0x132: {  	v7 =	vld [tilespmem:s31+$0x30];
	[tilespmem:s31+$0xFFFFFFB0] =	vst v1;
	v1 =	vmul.f32 $8.000000000e+00, v5  }
0x133: {  	v5 =	vmul.f32 $8.000000000e+00, v6;
	[tilespmem:s31+$0xFFFFFFC0] =	vst v0;
	v0 =	vld [tilespmem:s31+$0x40]  }
0x134: {  	[tilespmem:s31+$0xFFFFFFD0] =	vst v1;
	v1 =	vld [tilespmem:s31+$0x50];
	v2 =	vmul.f32 $8.000000000e+00, v2  }
0x135: {  	[tilespmem:s31+$0xFFFFFFE0] =	vst v5;
	v6 =	vmul.f32 $8.000000000e+00, v3;
	v3 =	vld [tilespmem:s31+$0x60]  }
0x136: {  	[tilespmem:s31+$0x0] =	vst v2;
	v5 =	vmul.f32 $8.000000000e+00, v4;
	v4 =	vld [tilespmem:s31+$0x70]  }
0x137: {  	s0 =	simm.s32 $0x0;
	s21 =	simm.s32 $0x10580;
	v2 =	vld [tilespmem:s31+$0xFFFFFFF0];
	[tilespmem:s31+$0x10] =	vst v6;
	v6 =	vmul.f32 $8.000000000e+00, v7  }
.LBB2_13:
0x138: {  	v7 =	vld [tilespmem:s21+$0xFFFFFF80];
	[tilespmem:s31+$0x20] =	vst v5;
	v0 =	vmul.f32 $8.000000000e+00, v0  }
0x139: {  	v5 =	vld [tilespmem:s21+$0xFFFFFF90];
	[tilespmem:s31+$0x30] =	vst v6;
	v1 =	vmul.f32 $8.000000000e+00, v1  }
0x13a: {  	v6 =	vld [tilespmem:s21+$0xFFFFFFA0];
	[tilespmem:s31+$0x40] =	vst v0;
	v0 =	vmul.f32 $8.000000000e+00, v3  }
0x13b: {  	v3 =	vld [tilespmem:s21+$0xFFFFFFB0];
	[tilespmem:s31+$0x50] =	vst v1;
	v1 =	vmul.f32 $8.000000000e+00, v4  }
0x13c: {  	v4 =	vld [tilespmem:s21+$0xFFFFFFC0];
	v2 =	vmul.f32 $8.000000000e+00, v2;
	[tilespmem:s31+$0x60] =	vst v0  }
0x13d: {  	v0 =	vmul.f32 $8.000000000e+00, v7;
	v7 =	vld [tilespmem:s21+$0xFFFFFFD0];
	[tilespmem:s31+$0x70] =	vst v1  }
0x13e: {  	v1 =	vmul.f32 $8.000000000e+00, v5;
	v5 =	vld [tilespmem:s21+$0xFFFFFFE0];
	[tilespmem:s31+$0xFFFFFFF0] =	vst v2;
	s31 =	smov.u32 s21  }
0x13f: {  	[tilespmem:s21+$0xFFFFFF80] =	vst v0;
	v0 =	vmul.f32 $8.000000000e+00, v6;
	v2 =	vld [tilespmem:s21+$0x0]  }
0x140: {  	[tilespmem:s21+$0xFFFFFF90] =	vst v1;
	v1 =	vmul.f32 $8.000000000e+00, v3;
	v3 =	vld [tilespmem:s21+$0x10]  }
0x141: {  	s0 =	sadd.s32 $0x4, s0;
	[tilespmem:s21+$0xFFFFFFA0] =	vst v0;
	v0 =	vmul.f32 $8.000000000e+00, v4;
	v4 =	vld [tilespmem:s21+$0x20]  }
0x142: {  	p1 =	slt.u32 s0, $0x7C;
	[tilespmem:s21+$0xFFFFFFB0] =	vst v1;
	v1 =	vmul.f32 $8.000000000e+00, v7;
	v6 =	vld [tilespmem:s21+$0x30]  }
.Ltmp7:
0x143: {  	[tilespmem:s21+$0xFFFFFFC0] =	vst v0;
	v5 =	vmul.f32 $8.000000000e+00, v5;
	v0 =	vld [tilespmem:s21+$0x40];
	(pc) =	sbr.rel @p1 .LBB2_13-.Ltmp7, $4  }
0x144: {  	[tilespmem:s21+$0xFFFFFFD0] =	vst v1;
	v2 =	vmul.f32 $8.000000000e+00, v2;
	v1 =	vld [tilespmem:s21+$0x50]  }
0x145: {  	[tilespmem:s21+$0xFFFFFFE0] =	vst v5;
	v7 =	vmul.f32 $8.000000000e+00, v3;
	v3 =	vld [tilespmem:s21+$0x60]  }
0x146: {  	[tilespmem:s21+$0x0] =	vst v2;
	v5 =	vmul.f32 $8.000000000e+00, v4;
	v4 =	vld [tilespmem:s21+$0x70]  }
0x147: {  	s21 =	sadd.s32 $0x100, s21;
	v2 =	vld [tilespmem:s31+$0xFFFFFFF0];
	[tilespmem:s31+$0x10] =	vst v7;
	v6 =	vmul.f32 $8.000000000e+00, v6  }
0x148: {  	[tilespmem:s31+$0x20] =	vst v5;
	v0 =	vmul.f32 $8.000000000e+00, v0  }
0x149: {  	[tilespmem:s31+$0x30] =	vst v6;
	v1 =	vmul.f32 $8.000000000e+00, v1  }
0x14a: {  	[tilespmem:s31+$0x40] =	vst v0;
	v0 =	vmul.f32 $8.000000000e+00, v3  }
0x14b: {  	s0 =	rddreg [dreg:$0x8];
	[tilespmem:s31+$0x50] =	vst v1;
	v1 =	vmul.f32 $8.000000000e+00, v4  }
0x14c: {  	s0 =	sadd.s32 s0, s12;
	v2 =	vmul.f32 $8.000000000e+00, v2;
	[tilespmem:s31+$0x60] =	vst v0  }
0x14d: {  	s0 =	sshrl.u32 s0, $0x3;
	[tilespmem:s31+$0x70] =	vst v1  }
0x14e: {  	s21 =	simm.s32 $0x10400;
	s0 =	sadd.s32 s2, s0;
	[tilespmem:s31+$0xFFFFFFF0] =	vst v2  }
0x14f: {  	[hbm4b:s0+s3] =	stream.linear.scatter [tilespmem:s21], [sflag:$0x10], $0x2000, $0x38;
	[tilespmem:$0x1A400] =	vst v63  }
0x150: {  	_ =	swait.ge [sflag:s17], $0x2000  }
0x151: {  	s31 =	simm.s32 @!p0 $0xC400;
	[sflag:s17] =	ssyncset.done $0x0  }
0x152: {  	s0 =	sadd.s32 @!p0 $0x680, s13;
	s21 =	simm.s32 @!p0 $0x80;
	[sflag:s17] =	ssyncadd.s32 $0xFFFFE000  }
0x153: {  	[tilespmem:s31], [sflag:$0x4] =	stream.indirect.gather @!p0 [hbm4b:s5+s21], $0x40, s0, s21, $0xb8;
	[tilespmem:$0x1A400] =	vst v63  }
0x154: {  	_ =	swait.ge [sflag:s18], $0x2000  }
0x155: {  	[sflag:s18] =	ssyncset.done $0x0  }
0x156: {  	s31 =	simm.s32 $0x12480;
	[sflag:s18] =	ssyncadd.s32 $0xFFFFE000  }
0x157: {  	v0 =	vld [tilespmem:s31+$0xFFFFFF80]  }
0x158: {  	v1 =	vld [tilespmem:s31+$0xFFFFFF90]  }
0x159: {  	v2 =	vld [tilespmem:s31+$0xFFFFFFA0]  }
0x15a: {  	v3 =	vld [tilespmem:s31+$0xFFFFFFB0]  }
0x15b: {  	v4 =	vld [tilespmem:s31+$0xFFFFFFC0]  }
0x15c: {  	v5 =	vld [tilespmem:s31+$0xFFFFFFD0];
	v0 =	vmul.f32 $8.000000000e+00, v0  }
0x15d: {  	v6 =	vld [tilespmem:s31+$0xFFFFFFE0];
	v1 =	vmul.f32 $8.000000000e+00, v1  }
0x15e: {  	[tilespmem:s31+$0xFFFFFF80] =	vst v0;
	v0 =	vmul.f32 $8.000000000e+00, v2;
	v2 =	vld [tilespmem:s31+$0x0]  }
0x15f: {  	[tilespmem:s31+$0xFFFFFF90] =	vst v1;
	v1 =	vmul.f32 $8.000000000e+00, v3;
	v3 =	vld [tilespmem:s31+$0x10]  }
0x160: {  	[tilespmem:s31+$0xFFFFFFA0] =	vst v0;
	v0 =	vmul.f32 $8.000000000e+00, v4;
	v4 =	vld [tilespmem:s31+$0x20]  }
0x161: {  	v7 =	vld [tilespmem:s31+$0x30];
	[tilespmem:s31+$0xFFFFFFB0] =	vst v1;
	v1 =	vmul.f32 $8.000000000e+00, v5  }
0x162: {  	v5 =	vmul.f32 $8.000000000e+00, v6;
	[tilespmem:s31+$0xFFFFFFC0] =	vst v0;
	v0 =	vld [tilespmem:s31+$0x40]  }
0x163: {  	[tilespmem:s31+$0xFFFFFFD0] =	vst v1;
	v1 =	vld [tilespmem:s31+$0x50];
	v2 =	vmul.f32 $8.000000000e+00, v2  }
0x164: {  	[tilespmem:s31+$0xFFFFFFE0] =	vst v5;
	v6 =	vmul.f32 $8.000000000e+00, v3;
	v3 =	vld [tilespmem:s31+$0x60]  }
0x165: {  	[tilespmem:s31+$0x0] =	vst v2;
	v5 =	vmul.f32 $8.000000000e+00, v4;
	v4 =	vld [tilespmem:s31+$0x70]  }
0x166: {  	s0 =	simm.s32 $0x0;
	s21 =	simm.s32 $0x12580;
	v2 =	vld [tilespmem:s31+$0xFFFFFFF0];
	[tilespmem:s31+$0x10] =	vst v6;
	v6 =	vmul.f32 $8.000000000e+00, v7  }
.LBB2_15:
0x167: {  	v7 =	vld [tilespmem:s21+$0xFFFFFF80];
	[tilespmem:s31+$0x20] =	vst v5;
	v0 =	vmul.f32 $8.000000000e+00, v0  }
0x168: {  	v5 =	vld [tilespmem:s21+$0xFFFFFF90];
	[tilespmem:s31+$0x30] =	vst v6;
	v1 =	vmul.f32 $8.000000000e+00, v1  }
0x169: {  	v6 =	vld [tilespmem:s21+$0xFFFFFFA0];
	[tilespmem:s31+$0x40] =	vst v0;
	v0 =	vmul.f32 $8.000000000e+00, v3  }
0x16a: {  	v3 =	vld [tilespmem:s21+$0xFFFFFFB0];
	[tilespmem:s31+$0x50] =	vst v1;
	v1 =	vmul.f32 $8.000000000e+00, v4  }
0x16b: {  	v4 =	vld [tilespmem:s21+$0xFFFFFFC0];
	v2 =	vmul.f32 $8.000000000e+00, v2;
	[tilespmem:s31+$0x60] =	vst v0  }
0x16c: {  	v0 =	vmul.f32 $8.000000000e+00, v7;
	v7 =	vld [tilespmem:s21+$0xFFFFFFD0];
	[tilespmem:s31+$0x70] =	vst v1  }
0x16d: {  	v1 =	vmul.f32 $8.000000000e+00, v5;
	v5 =	vld [tilespmem:s21+$0xFFFFFFE0];
	[tilespmem:s31+$0xFFFFFFF0] =	vst v2;
	s31 =	smov.u32 s21  }
0x16e: {  	[tilespmem:s21+$0xFFFFFF80] =	vst v0;
	v0 =	vmul.f32 $8.000000000e+00, v6;
	v2 =	vld [tilespmem:s21+$0x0]  }
0x16f: {  	[tilespmem:s21+$0xFFFFFF90] =	vst v1;
	v1 =	vmul.f32 $8.000000000e+00, v3;
	v3 =	vld [tilespmem:s21+$0x10]  }
0x170: {  	s0 =	sadd.s32 $0x4, s0;
	[tilespmem:s21+$0xFFFFFFA0] =	vst v0;
	v0 =	vmul.f32 $8.000000000e+00, v4;
	v4 =	vld [tilespmem:s21+$0x20]  }
0x171: {  	p1 =	slt.u32 s0, $0x7C;
	[tilespmem:s21+$0xFFFFFFB0] =	vst v1;
	v1 =	vmul.f32 $8.000000000e+00, v7;
	v6 =	vld [tilespmem:s21+$0x30]  }
.Ltmp8:
0x172: {  	[tilespmem:s21+$0xFFFFFFC0] =	vst v0;
	v5 =	vmul.f32 $8.000000000e+00, v5;
	v0 =	vld [tilespmem:s21+$0x40];
	(pc) =	sbr.rel @p1 .LBB2_15-.Ltmp8, $4  }
0x173: {  	[tilespmem:s21+$0xFFFFFFD0] =	vst v1;
	v2 =	vmul.f32 $8.000000000e+00, v2;
	v1 =	vld [tilespmem:s21+$0x50]  }
0x174: {  	[tilespmem:s21+$0xFFFFFFE0] =	vst v5;
	v7 =	vmul.f32 $8.000000000e+00, v3;
	v3 =	vld [tilespmem:s21+$0x60]  }
0x175: {  	[tilespmem:s21+$0x0] =	vst v2;
	v5 =	vmul.f32 $8.000000000e+00, v4;
	v4 =	vld [tilespmem:s21+$0x70]  }
0x176: {  	s21 =	sadd.s32 $0x100, s21;
	v2 =	vld [tilespmem:s31+$0xFFFFFFF0];
	[tilespmem:s31+$0x10] =	vst v7;
	v6 =	vmul.f32 $8.000000000e+00, v6  }
0x177: {  	[tilespmem:s31+$0x20] =	vst v5;
	v0 =	vmul.f32 $8.000000000e+00, v0  }
0x178: {  	[tilespmem:s31+$0x30] =	vst v6;
	v1 =	vmul.f32 $8.000000000e+00, v1  }
0x179: {  	[tilespmem:s31+$0x40] =	vst v0;
	v0 =	vmul.f32 $8.000000000e+00, v3  }
0x17a: {  	s0 =	rddreg [dreg:$0x9];
	[tilespmem:s31+$0x50] =	vst v1;
	v1 =	vmul.f32 $8.000000000e+00, v4  }
0x17b: {  	s0 =	sadd.s32 s0, s12;
	v2 =	vmul.f32 $8.000000000e+00, v2;
	[tilespmem:s31+$0x60] =	vst v0  }
0x17c: {  	s0 =	sshrl.u32 s0, $0x3;
	[tilespmem:s31+$0x70] =	vst v1  }
0x17d: {  	s21 =	simm.s32 $0x12400;
	s0 =	sadd.s32 s2, s0;
	[tilespmem:s31+$0xFFFFFFF0] =	vst v2  }
0x17e: {  	[hbm4b:s0+s3] =	stream.linear.scatter [tilespmem:s21], [sflag:$0x11], $0x2000, $0x38;
	[tilespmem:$0x1A400] =	vst v63  }
0x17f: {  	_ =	swait.ge [sflag:s20], $0x2000  }
0x180: {  	s31 =	simm.s32 @!p0 $0xE400;
	[sflag:s20] =	ssyncset.done $0x0  }
0x181: {  	s0 =	sadd.s32 @!p0 $0x700, s13;
	s21 =	simm.s32 @!p0 $0x80;
	[sflag:s20] =	ssyncadd.s32 $0xFFFFE000  }
0x182: {  	[tilespmem:s31], [sflag:$0x5] =	stream.indirect.gather @!p0 [hbm4b:s5+s21], $0x40, s0, s21, $0xb8;
	[tilespmem:$0x1A400] =	vst v63  }
0x183: {  	_ =	swait.ge [sflag:s22], $0x2000  }
0x184: {  	[sflag:s22] =	ssyncset.done $0x0  }
0x185: {  	s31 =	simm.s32 $0x14480;
	[sflag:s22] =	ssyncadd.s32 $0xFFFFE000  }
0x186: {  	v0 =	vld [tilespmem:s31+$0xFFFFFF80]  }
0x187: {  	v1 =	vld [tilespmem:s31+$0xFFFFFF90]  }
0x188: {  	v2 =	vld [tilespmem:s31+$0xFFFFFFA0]  }
0x189: {  	v3 =	vld [tilespmem:s31+$0xFFFFFFB0]  }
0x18a: {  	v4 =	vld [tilespmem:s31+$0xFFFFFFC0]  }
0x18b: {  	v5 =	vld [tilespmem:s31+$0xFFFFFFD0];
	v0 =	vmul.f32 $8.000000000e+00, v0  }
0x18c: {  	v6 =	vld [tilespmem:s31+$0xFFFFFFE0];
	v1 =	vmul.f32 $8.000000000e+00, v1  }
0x18d: {  	[tilespmem:s31+$0xFFFFFF80] =	vst v0;
	v0 =	vmul.f32 $8.000000000e+00, v2;
	v2 =	vld [tilespmem:s31+$0x0]  }
0x18e: {  	[tilespmem:s31+$0xFFFFFF90] =	vst v1;
	v1 =	vmul.f32 $8.000000000e+00, v3;
	v3 =	vld [tilespmem:s31+$0x10]  }
0x18f: {  	[tilespmem:s31+$0xFFFFFFA0] =	vst v0;
	v0 =	vmul.f32 $8.000000000e+00, v4;
	v4 =	vld [tilespmem:s31+$0x20]  }
0x190: {  	v7 =	vld [tilespmem:s31+$0x30];
	[tilespmem:s31+$0xFFFFFFB0] =	vst v1;
	v1 =	vmul.f32 $8.000000000e+00, v5  }
0x191: {  	v5 =	vmul.f32 $8.000000000e+00, v6;
	[tilespmem:s31+$0xFFFFFFC0] =	vst v0;
	v0 =	vld [tilespmem:s31+$0x40]  }
0x192: {  	[tilespmem:s31+$0xFFFFFFD0] =	vst v1;
	v1 =	vld [tilespmem:s31+$0x50];
	v2 =	vmul.f32 $8.000000000e+00, v2  }
0x193: {  	[tilespmem:s31+$0xFFFFFFE0] =	vst v5;
	v6 =	vmul.f32 $8.000000000e+00, v3;
	v3 =	vld [tilespmem:s31+$0x60]  }
0x194: {  	[tilespmem:s31+$0x0] =	vst v2;
	v5 =	vmul.f32 $8.000000000e+00, v4;
	v4 =	vld [tilespmem:s31+$0x70]  }
0x195: {  	s0 =	simm.s32 $0x0;
	s21 =	simm.s32 $0x14580;
	v2 =	vld [tilespmem:s31+$0xFFFFFFF0];
	[tilespmem:s31+$0x10] =	vst v6;
	v6 =	vmul.f32 $8.000000000e+00, v7  }
.LBB2_17:
0x196: {  	v7 =	vld [tilespmem:s21+$0xFFFFFF80];
	[tilespmem:s31+$0x20] =	vst v5;
	v0 =	vmul.f32 $8.000000000e+00, v0  }
0x197: {  	v5 =	vld [tilespmem:s21+$0xFFFFFF90];
	[tilespmem:s31+$0x30] =	vst v6;
	v1 =	vmul.f32 $8.000000000e+00, v1  }
0x198: {  	v6 =	vld [tilespmem:s21+$0xFFFFFFA0];
	[tilespmem:s31+$0x40] =	vst v0;
	v0 =	vmul.f32 $8.000000000e+00, v3  }
0x199: {  	v3 =	vld [tilespmem:s21+$0xFFFFFFB0];
	[tilespmem:s31+$0x50] =	vst v1;
	v1 =	vmul.f32 $8.000000000e+00, v4  }
0x19a: {  	v4 =	vld [tilespmem:s21+$0xFFFFFFC0];
	v2 =	vmul.f32 $8.000000000e+00, v2;
	[tilespmem:s31+$0x60] =	vst v0  }
0x19b: {  	v0 =	vmul.f32 $8.000000000e+00, v7;
	v7 =	vld [tilespmem:s21+$0xFFFFFFD0];
	[tilespmem:s31+$0x70] =	vst v1  }
0x19c: {  	v1 =	vmul.f32 $8.000000000e+00, v5;
	v5 =	vld [tilespmem:s21+$0xFFFFFFE0];
	[tilespmem:s31+$0xFFFFFFF0] =	vst v2;
	s31 =	smov.u32 s21  }
0x19d: {  	[tilespmem:s21+$0xFFFFFF80] =	vst v0;
	v0 =	vmul.f32 $8.000000000e+00, v6;
	v2 =	vld [tilespmem:s21+$0x0]  }
0x19e: {  	[tilespmem:s21+$0xFFFFFF90] =	vst v1;
	v1 =	vmul.f32 $8.000000000e+00, v3;
	v3 =	vld [tilespmem:s21+$0x10]  }
0x19f: {  	s0 =	sadd.s32 $0x4, s0;
	[tilespmem:s21+$0xFFFFFFA0] =	vst v0;
	v0 =	vmul.f32 $8.000000000e+00, v4;
	v4 =	vld [tilespmem:s21+$0x20]  }
0x1a0: {  	p1 =	slt.u32 s0, $0x7C;
	[tilespmem:s21+$0xFFFFFFB0] =	vst v1;
	v1 =	vmul.f32 $8.000000000e+00, v7;
	v6 =	vld [tilespmem:s21+$0x30]  }
.Ltmp9:
0x1a1: {  	[tilespmem:s21+$0xFFFFFFC0] =	vst v0;
	v5 =	vmul.f32 $8.000000000e+00, v5;
	v0 =	vld [tilespmem:s21+$0x40];
	(pc) =	sbr.rel @p1 .LBB2_17-.Ltmp9, $4  }
0x1a2: {  	[tilespmem:s21+$0xFFFFFFD0] =	vst v1;
	v2 =	vmul.f32 $8.000000000e+00, v2;
	v1 =	vld [tilespmem:s21+$0x50]  }
0x1a3: {  	[tilespmem:s21+$0xFFFFFFE0] =	vst v5;
	v7 =	vmul.f32 $8.000000000e+00, v3;
	v3 =	vld [tilespmem:s21+$0x60]  }
0x1a4: {  	[tilespmem:s21+$0x0] =	vst v2;
	v5 =	vmul.f32 $8.000000000e+00, v4;
	v4 =	vld [tilespmem:s21+$0x70]  }
0x1a5: {  	s21 =	sadd.s32 $0x100, s21;
	v2 =	vld [tilespmem:s31+$0xFFFFFFF0];
	[tilespmem:s31+$0x10] =	vst v7;
	v6 =	vmul.f32 $8.000000000e+00, v6  }
0x1a6: {  	[tilespmem:s31+$0x20] =	vst v5;
	v0 =	vmul.f32 $8.000000000e+00, v0  }
0x1a7: {  	[tilespmem:s31+$0x30] =	vst v6;
	v1 =	vmul.f32 $8.000000000e+00, v1  }
0x1a8: {  	[tilespmem:s31+$0x40] =	vst v0;
	v0 =	vmul.f32 $8.000000000e+00, v3  }
0x1a9: {  	s0 =	rddreg [dreg:$0xa];
	[tilespmem:s31+$0x50] =	vst v1;
	v1 =	vmul.f32 $8.000000000e+00, v4  }
0x1aa: {  	s0 =	sadd.s32 s0, s12;
	v2 =	vmul.f32 $8.000000000e+00, v2;
	[tilespmem:s31+$0x60] =	vst v0  }
0x1ab: {  	s0 =	sshrl.u32 s0, $0x3;
	[tilespmem:s31+$0x70] =	vst v1  }
0x1ac: {  	s0 =	sadd.s32 s2, s0;
	[tilespmem:s31+$0xFFFFFFF0] =	vst v2;
	s31 =	simm.s32 $0x14400  }
0x1ad: {  	[hbm4b:s0+s3] =	stream.linear.scatter [tilespmem:s31], [sflag:$0x12], $0x2000, $0x38;
	[tilespmem:$0x1A400] =	vst v63  }
0x1ae: {  	_ =	swait.ge [sflag:s24], $0x2000  }
0x1af: {  	s21 =	simm.s32 @!p0 $0x10400;
	[sflag:s24] =	ssyncset.done $0x0  }
0x1b0: {  	s12 =	simm.s32 @!p0 $0x80;
	s0 =	sadd.s32 @!p0 $0x780, s13;
	[sflag:s24] =	ssyncadd.s32 $0xFFFFE000  }
0x1b1: {  	[tilespmem:s21], [sflag:$0x6] =	stream.indirect.gather @!p0 [hbm4b:s5+s12], $0x40, s0, s12, $0xb8;
	[tilespmem:$0x1A400] =	vst v63  }
0x1b2: {  	_ =	swait.ge [sflag:s26], $0x2000  }
0x1b3: {  	[sflag:s26] =	ssyncset.done $0x0  }
0x1b4: {  	s12 =	simm.s32 $0x16480;
	[sflag:s26] =	ssyncadd.s32 $0xFFFFE000  }
0x1b5: {  	v0 =	vld [tilespmem:s12+$0xFFFFFF80]  }
0x1b6: {  	v1 =	vld [tilespmem:s12+$0xFFFFFF90]  }
0x1b7: {  	v2 =	vld [tilespmem:s12+$0xFFFFFFA0]  }
0x1b8: {  	v3 =	vld [tilespmem:s12+$0xFFFFFFB0]  }
0x1b9: {  	v4 =	vld [tilespmem:s12+$0xFFFFFFC0]  }
0x1ba: {  	v5 =	vld [tilespmem:s12+$0xFFFFFFD0];
	v0 =	vmul.f32 $8.000000000e+00, v0  }
0x1bb: {  	v6 =	vld [tilespmem:s12+$0xFFFFFFE0];
	v1 =	vmul.f32 $8.000000000e+00, v1  }
0x1bc: {  	[tilespmem:s12+$0xFFFFFF80] =	vst v0;
	v0 =	vmul.f32 $8.000000000e+00, v2;
	v2 =	vld [tilespmem:s12+$0x0]  }
0x1bd: {  	[tilespmem:s12+$0xFFFFFF90] =	vst v1;
	v1 =	vmul.f32 $8.000000000e+00, v3;
	v3 =	vld [tilespmem:s12+$0x10]  }
0x1be: {  	[tilespmem:s12+$0xFFFFFFA0] =	vst v0;
	v0 =	vmul.f32 $8.000000000e+00, v4;
	v4 =	vld [tilespmem:s12+$0x20]  }
0x1bf: {  	v7 =	vld [tilespmem:s12+$0x30];
	[tilespmem:s12+$0xFFFFFFB0] =	vst v1;
	v1 =	vmul.f32 $8.000000000e+00, v5  }
0x1c0: {  	v5 =	vmul.f32 $8.000000000e+00, v6;
	[tilespmem:s12+$0xFFFFFFC0] =	vst v0;
	v0 =	vld [tilespmem:s12+$0x40]  }
0x1c1: {  	[tilespmem:s12+$0xFFFFFFD0] =	vst v1;
	v1 =	vmul.f32 $8.000000000e+00, v2;
	v2 =	vld [tilespmem:s12+$0x50]  }
0x1c2: {  	[tilespmem:s12+$0xFFFFFFE0] =	vst v5;
	v6 =	vmul.f32 $8.000000000e+00, v3;
	v3 =	vld [tilespmem:s12+$0x60]  }
0x1c3: {  	[tilespmem:s12+$0x0] =	vst v1;
	v5 =	vmul.f32 $8.000000000e+00, v4;
	v4 =	vld [tilespmem:s12+$0x70]  }
0x1c4: {  	s0 =	simm.s32 $0x0;
	s21 =	simm.s32 $0x16580;
	v1 =	vld [tilespmem:s12+$0xFFFFFFF0];
	[tilespmem:s12+$0x10] =	vst v6;
	v6 =	vmul.f32 $8.000000000e+00, v7  }
.LBB2_19:
0x1c5: {  	v7 =	vld [tilespmem:s21+$0xFFFFFF80];
	[tilespmem:s12+$0x20] =	vst v5;
	v0 =	vmul.f32 $8.000000000e+00, v0  }
0x1c6: {  	v5 =	vld [tilespmem:s21+$0xFFFFFF90];
	[tilespmem:s12+$0x30] =	vst v6;
	v2 =	vmul.f32 $8.000000000e+00, v2  }
0x1c7: {  	v6 =	vld [tilespmem:s21+$0xFFFFFFA0];
	[tilespmem:s12+$0x40] =	vst v0;
	v0 =	vmul.f32 $8.000000000e+00, v3  }
0x1c8: {  	v3 =	vld [tilespmem:s21+$0xFFFFFFB0];
	[tilespmem:s12+$0x50] =	vst v2;
	v2 =	vmul.f32 $8.000000000e+00, v4  }
0x1c9: {  	v4 =	vld [tilespmem:s21+$0xFFFFFFC0];
	v1 =	vmul.f32 $8.000000000e+00, v1;
	[tilespmem:s12+$0x60] =	vst v0  }
0x1ca: {  	v0 =	vmul.f32 $8.000000000e+00, v7;
	v7 =	vld [tilespmem:s21+$0xFFFFFFD0];
	[tilespmem:s12+$0x70] =	vst v2  }
0x1cb: {  	v2 =	vmul.f32 $8.000000000e+00, v5;
	v5 =	vld [tilespmem:s21+$0xFFFFFFE0];
	[tilespmem:s12+$0xFFFFFFF0] =	vst v1;
	s12 =	smov.u32 s21  }
0x1cc: {  	[tilespmem:s21+$0xFFFFFF80] =	vst v0;
	v0 =	vmul.f32 $8.000000000e+00, v6;
	v1 =	vld [tilespmem:s21+$0x0]  }
0x1cd: {  	[tilespmem:s21+$0xFFFFFF90] =	vst v2;
	v2 =	vmul.f32 $8.000000000e+00, v3;
	v3 =	vld [tilespmem:s21+$0x10]  }
0x1ce: {  	s0 =	sadd.s32 $0x4, s0;
	[tilespmem:s21+$0xFFFFFFA0] =	vst v0;
	v0 =	vmul.f32 $8.000000000e+00, v4;
	v4 =	vld [tilespmem:s21+$0x20]  }
0x1cf: {  	p1 =	slt.u32 s0, $0x7C;
	[tilespmem:s21+$0xFFFFFFB0] =	vst v2;
	v2 =	vmul.f32 $8.000000000e+00, v7;
	v6 =	vld [tilespmem:s21+$0x30]  }
.Ltmp10:
0x1d0: {  	[tilespmem:s21+$0xFFFFFFC0] =	vst v0;
	v5 =	vmul.f32 $8.000000000e+00, v5;
	v0 =	vld [tilespmem:s21+$0x40];
	(pc) =	sbr.rel @p1 .LBB2_19-.Ltmp10, $4  }
0x1d1: {  	[tilespmem:s21+$0xFFFFFFD0] =	vst v2;
	v1 =	vmul.f32 $8.000000000e+00, v1;
	v2 =	vld [tilespmem:s21+$0x50]  }
0x1d2: {  	[tilespmem:s21+$0xFFFFFFE0] =	vst v5;
	v7 =	vmul.f32 $8.000000000e+00, v3;
	v3 =	vld [tilespmem:s21+$0x60]  }
0x1d3: {  	[tilespmem:s21+$0x0] =	vst v1;
	v5 =	vmul.f32 $8.000000000e+00, v4;
	v4 =	vld [tilespmem:s21+$0x70]  }
0x1d4: {  	s21 =	sadd.s32 $0x100, s21;
	v1 =	vld [tilespmem:s12+$0xFFFFFFF0];
	[tilespmem:s12+$0x10] =	vst v7;
	v6 =	vmul.f32 $8.000000000e+00, v6  }
0x1d5: {  	[tilespmem:s12+$0x20] =	vst v5;
	v0 =	vmul.f32 $8.000000000e+00, v0  }
0x1d6: {  	[tilespmem:s12+$0x30] =	vst v6;
	v2 =	vmul.f32 $8.000000000e+00, v2  }
0x1d7: {  	[tilespmem:s12+$0x40] =	vst v0;
	v0 =	vmul.f32 $8.000000000e+00, v3  }
0x1d8: {  	s0 =	sshll.u32 s10, $0xD;
	[tilespmem:s12+$0x50] =	vst v2;
	v2 =	vmul.f32 $8.000000000e+00, v4  }
0x1d9: {  	s0 =	sadd.s32 s4, s0;
	v1 =	vmul.f32 $8.000000000e+00, v1;
	[tilespmem:s12+$0x60] =	vst v0  }
0x1da: {  	s0 =	sshrl.u32 s0, $0x3;
	[tilespmem:s12+$0x70] =	vst v2  }
0x1db: {  	s21 =	simm.s32 $0x16400;
	s0 =	sadd.s32 s2, s0;
	[tilespmem:s12+$0xFFFFFFF0] =	vst v1  }
0x1dc: {  	[hbm4b:s0+s3] =	stream.linear.scatter [tilespmem:s21], [sflag:$0x13], $0x2000, $0x38;
	[tilespmem:$0x1A400] =	vst v63  }
0x1dd: {  	_ =	swait.ge [sflag:s29], $0x2000  }
0x1de: {  	s10 =	simm.s32 @!p0 $0x80;
	[sflag:s29] =	ssyncset.done $0x0  }
0x1df: {  	s12 =	simm.s32 @!p0 $0x12400;
	s0 =	sadd.s32 @!p0 $0x800, s13;
	[sflag:s29] =	ssyncadd.s32 $0xFFFFE000  }
0x1e0: {  	[tilespmem:s12], [sflag:$0x7] =	stream.indirect.gather @!p0 [hbm4b:s5+s10], $0x40, s0, s10, $0xb8;
	[tilespmem:$0x1A400] =	vst v63  }
0x1e1: {  	_ =	swait.ge [sflag:s7], $0x2000  }
0x1e2: {  	[sflag:s7] =	ssyncset.done $0x0  }
0x1e3: {  	s10 =	simm.s32 $0x18480;
	[sflag:s7] =	ssyncadd.s32 $0xFFFFE000  }
0x1e4: {  	v0 =	vld [tilespmem:s10+$0xFFFFFF80]  }
0x1e5: {  	v1 =	vld [tilespmem:s10+$0xFFFFFF90]  }
0x1e6: {  	v2 =	vld [tilespmem:s10+$0xFFFFFFA0]  }
0x1e7: {  	v3 =	vld [tilespmem:s10+$0xFFFFFFB0]  }
0x1e8: {  	v4 =	vld [tilespmem:s10+$0xFFFFFFC0]  }
0x1e9: {  	v5 =	vld [tilespmem:s10+$0xFFFFFFD0];
	v0 =	vmul.f32 $8.000000000e+00, v0  }
0x1ea: {  	v6 =	vld [tilespmem:s10+$0xFFFFFFE0];
	v1 =	vmul.f32 $8.000000000e+00, v1  }
0x1eb: {  	[tilespmem:s10+$0xFFFFFF80] =	vst v0;
	v0 =	vmul.f32 $8.000000000e+00, v2;
	v2 =	vld [tilespmem:s10+$0x0]  }
0x1ec: {  	[tilespmem:s10+$0xFFFFFF90] =	vst v1;
	v1 =	vmul.f32 $8.000000000e+00, v3;
	v3 =	vld [tilespmem:s10+$0x10]  }
0x1ed: {  	[tilespmem:s10+$0xFFFFFFA0] =	vst v0;
	v0 =	vmul.f32 $8.000000000e+00, v4;
	v4 =	vld [tilespmem:s10+$0x20]  }
0x1ee: {  	v7 =	vld [tilespmem:s10+$0x30];
	[tilespmem:s10+$0xFFFFFFB0] =	vst v1;
	v1 =	vmul.f32 $8.000000000e+00, v5  }
0x1ef: {  	v5 =	vmul.f32 $8.000000000e+00, v6;
	[tilespmem:s10+$0xFFFFFFC0] =	vst v0;
	v0 =	vld [tilespmem:s10+$0x40]  }
0x1f0: {  	[tilespmem:s10+$0xFFFFFFD0] =	vst v1;
	v1 =	vmul.f32 $8.000000000e+00, v2;
	v2 =	vld [tilespmem:s10+$0x50]  }
0x1f1: {  	[tilespmem:s10+$0xFFFFFFE0] =	vst v5;
	v6 =	vmul.f32 $8.000000000e+00, v3;
	v3 =	vld [tilespmem:s10+$0x60]  }
0x1f2: {  	[tilespmem:s10+$0x0] =	vst v1;
	v5 =	vmul.f32 $8.000000000e+00, v4;
	v4 =	vld [tilespmem:s10+$0x70]  }
0x1f3: {  	s0 =	simm.s32 $0x0;
	s12 =	simm.s32 $0x18580;
	v1 =	vld [tilespmem:s10+$0xFFFFFFF0];
	[tilespmem:s10+$0x10] =	vst v6;
	v6 =	vmul.f32 $8.000000000e+00, v7  }
.LBB2_21:
0x1f4: {  	v7 =	vld [tilespmem:s12+$0xFFFFFF80];
	[tilespmem:s10+$0x20] =	vst v5;
	v0 =	vmul.f32 $8.000000000e+00, v0  }
0x1f5: {  	v5 =	vld [tilespmem:s12+$0xFFFFFF90];
	[tilespmem:s10+$0x30] =	vst v6;
	v2 =	vmul.f32 $8.000000000e+00, v2  }
0x1f6: {  	v6 =	vld [tilespmem:s12+$0xFFFFFFA0];
	[tilespmem:s10+$0x40] =	vst v0;
	v0 =	vmul.f32 $8.000000000e+00, v3  }
0x1f7: {  	v3 =	vld [tilespmem:s12+$0xFFFFFFB0];
	[tilespmem:s10+$0x50] =	vst v2;
	v2 =	vmul.f32 $8.000000000e+00, v4  }
0x1f8: {  	v4 =	vld [tilespmem:s12+$0xFFFFFFC0];
	v1 =	vmul.f32 $8.000000000e+00, v1;
	[tilespmem:s10+$0x60] =	vst v0  }
0x1f9: {  	v0 =	vmul.f32 $8.000000000e+00, v7;
	v7 =	vld [tilespmem:s12+$0xFFFFFFD0];
	[tilespmem:s10+$0x70] =	vst v2  }
0x1fa: {  	v2 =	vmul.f32 $8.000000000e+00, v5;
	v5 =	vld [tilespmem:s12+$0xFFFFFFE0];
	[tilespmem:s10+$0xFFFFFFF0] =	vst v1;
	s10 =	smov.u32 s12  }
0x1fb: {  	[tilespmem:s12+$0xFFFFFF80] =	vst v0;
	v0 =	vmul.f32 $8.000000000e+00, v6;
	v1 =	vld [tilespmem:s12+$0x0]  }
0x1fc: {  	[tilespmem:s12+$0xFFFFFF90] =	vst v2;
	v2 =	vmul.f32 $8.000000000e+00, v3;
	v3 =	vld [tilespmem:s12+$0x10]  }
0x1fd: {  	s0 =	sadd.s32 $0x4, s0;
	[tilespmem:s12+$0xFFFFFFA0] =	vst v0;
	v0 =	vmul.f32 $8.000000000e+00, v4;
	v4 =	vld [tilespmem:s12+$0x20]  }
0x1fe: {  	p1 =	slt.u32 s0, $0x7C;
	[tilespmem:s12+$0xFFFFFFB0] =	vst v2;
	v2 =	vmul.f32 $8.000000000e+00, v7;
	v6 =	vld [tilespmem:s12+$0x30]  }
.Ltmp11:
0x1ff: {  	[tilespmem:s12+$0xFFFFFFC0] =	vst v0;
	v5 =	vmul.f32 $8.000000000e+00, v5;
	v0 =	vld [tilespmem:s12+$0x40];
	(pc) =	sbr.rel @p1 .LBB2_21-.Ltmp11, $4  }
0x200: {  	[tilespmem:s12+$0xFFFFFFD0] =	vst v2;
	v1 =	vmul.f32 $8.000000000e+00, v1;
	v2 =	vld [tilespmem:s12+$0x50]  }
0x201: {  	[tilespmem:s12+$0xFFFFFFE0] =	vst v5;
	v7 =	vmul.f32 $8.000000000e+00, v3;
	v3 =	vld [tilespmem:s12+$0x60]  }
0x202: {  	[tilespmem:s12+$0x0] =	vst v1;
	v5 =	vmul.f32 $8.000000000e+00, v4;
	v4 =	vld [tilespmem:s12+$0x70]  }
0x203: {  	s12 =	sadd.s32 $0x100, s12;
	v1 =	vld [tilespmem:s10+$0xFFFFFFF0];
	[tilespmem:s10+$0x10] =	vst v7;
	v6 =	vmul.f32 $8.000000000e+00, v6  }
0x204: {  	[tilespmem:s10+$0x20] =	vst v5;
	v0 =	vmul.f32 $8.000000000e+00, v0  }
0x205: {  	[tilespmem:s10+$0x30] =	vst v6;
	v2 =	vmul.f32 $8.000000000e+00, v2  }
0x206: {  	[tilespmem:s10+$0x40] =	vst v0;
	v62 =	vmul.f32 $8.000000000e+00, v3  }
0x207: {  	s0 =	sshll.u32 s11, $0xD;
	[tilespmem:s10+$0x50] =	vst v2;
	v63 =	vmul.f32 $8.000000000e+00, v4  }
0x208: {  	s0 =	sadd.s32 s4, s0;
	v1 =	vmul.f32 $8.000000000e+00, v1;
	[tilespmem:s10+$0x60] =	vst v62  }
0x209: {  	s0 =	sshrl.u32 s0, $0x3;
	[tilespmem:s10+$0x70] =	vst v63  }
.Ltmp12:
0x20a: {  	s13 =	simm.s32 $0x18400;
	s0 =	sadd.s32 s2, s0;
	[tilespmem:s10+$0xFFFFFFF0] =	vst v1;
	(pc) =	sbr.rel @p0 .LBB2_24-.Ltmp12, $4  }
0x20b: {  	[hbm4b:s0+s3] =	stream.linear.scatter [tilespmem:s13], [sflag:$0x14], $0x2000, $0x38;
	[tilespmem:$0x1A400] =	vst v63  }
0x20c: {  	_ =	swait.ge [sflag:s8], $0x2000  }
0x20d: {  	[sflag:s8] =	ssyncset.done $0x0  }
0x20e: {  	[sflag:s8] =	ssyncadd.s32 $0xFFFFE000  }
0x20f: {  	s0 =	smul.u32 $0x1400, s9  }
.Ltmp13:
0x210: {  	_ = 	snop;
	(pc) =	sbr.rel .LBB2_2-.Ltmp13, $4  }
0x211: {  	_ = 	snop  }
0x212: {  	s0 =	sshra.s32 s0, $0x2  }
0x213: {  	s9 =	sadd.s32 $0x1, s9;
	s0 =	sadd.s32 $0x880, s0  }
0x214: {  	[tilespmem:s31], [sflag:$0x8] =	stream.indirect.gather [hbm4b:s5+s16], $0x40, s0, s16, $0xb8;
	[tilespmem:$0x1A400] =	vst v63  }
.LBB2_25:
0x215: {  	_ =	sfence.sel $0x180000  }
0x216: {  	[bflag:$0x0] =	sbarrier.arrive $0xFFFF  }
0x217: {  	_ =	strace $0x90000047  }
0x218: {  	s0 =	stileid.u32;
	[bflag:$0x2] =	sbarrier.arrive $0xFFFF  }
0x219: {  	p0 =	sne.s32 s0, $0x0;
	s0 =	rddreg [dreg:$0x2]  }
0x21a: {  	s0 =	sadd.s32 @!p0 $0x100000, s0  }
0x21b: {  	[sflag:s0] =	ssyncadd.tile.s32 @!p0 $0x1;
	_ =	shalt  }
.Lfunc_end2:
_tile_overlayer_lowered:
.L_overlay_start_2:
0x21c: {  	(tag) =	ssettag $0x2  }
0x21d: {  	s0 =	rddreg [dreg:$0x0];
	s2 =	stileid.u32  }
0x21e: {  	s1 =	rddreg [dreg:$0x1];
	p0 =	sne.s32 s2, $0x0  }
0x21f: {  	s3 =	rddreg [dreg:$0x2];
	[bflag:$0x3] =	sbarrier.arrive $0xFFFF;
	s2 =	simm.s32 @!p0 $0x1C15  }
0x220: {  	[timem:s3], [sflag:s2] =	dma.local @!p0 [hbm:s0], s1  }
0x221: {  	s0 =	simm.s32 @!p0 $0x15  }
0x222: {  	_ =	swait.ge @!p0 [sflag:s0], s1  }
0x223: {  	s1 =	ssub.s32 @!p0 $0x0, s1;
	[sflag:s0] =	ssyncset.done @!p0 $0x0  }
0x224: {  	[sflag:s0] =	ssyncadd.s32 @!p0 s1  }
0x225: {  	[bflag:$0x3] =	sbarrier.arrive $0xFFFF  }
0x226: {  	_ =	shalt  }

// kernel: sparse-core-data-format-call.cloned.1.call-start
scs
called_computation_lowered:
.L_overlay_start_0:
0x0: {  	s2 =	sld [smem:$0x3FD9]  }
0x1: {  	s3 =	sld [smem:$0x3FFE];
	_ =	sdelay $0x1  }
0x2: {  	s1 =	srdreg.scid  }
0x3: {  	s0 =	sand.u32 $0x1, s1  }
0x4: {  	s18 =	sshll.u32 s0, $0xA;
	s2 =	sadd.s32 s3, s2  }
0x5: {  	s2 =	sadd.s32 s2, s18  }
0x6: {  	[smem:$0x3FC6] =	sst s2  }
0x7: {  	_ = 	snop  }
0x8: {  	s2 =	sld [smem:$0x3FD0];
	(tm) =	ssettm $0x1  }
0x9: {  	s19 =	sld [smem:$0x3FFB];
	_ =	sdelay $0x3  }
0xa: {  	_ =	strace s19  }
0xb: {  	s3 =	sld [smem:$0x3FFC];
	_ =	sdelay $0x3  }
0xc: {  	_ =	strace s3  }
0xd: {  	s3 =	sld [smem:$0x3FFD];
	_ =	sdelay $0x3  }
0xe: {  	_ =	strace s3  }
0xf: {  	_ =	strace $0x8FFFFFFF  }
0x10: {  	s20 =	sld [smem:$0x3FDB];
	_ =	sdelay $0x1  }
0x11: {  	s4 =	simm.s32 $_scs_section_size  }
0x12: {  	s5 =	simm.s32 $_size__tile_overlayer_lowered;
	s6 =	simm.s32 $_tile_overlayer_lowered  }
0x13: {  	s23 =	simm.s32 $0x1BFF;
	s22 =	sshll.u32 s6, $0x1;
	s3 =	sadd.s32 s4, s20  }
0x14: {  	s7 =	simm.s32 $0x0;
	s21 =	sshll.u32 s5, $0x1;
	s5 =	sadd.s32 s22, s3  }
0x15: {  	[timem:s7], [sflag:s23] =	dma.local [hbm:s5], s21  }
0x16: {  	_ =	swait.ge [sflag:s23], s21  }
0x17: {  	s4 =	ssub.s32 $0x0, s21;
	[sflag:s23] =	ssyncset.done $0x0  }
0x18: {  	[sflag:s23] =	ssyncadd.s32 s4;
	_ =	sdelay $0x1  }
0x19: {  	s24 =	simm.s32 $0x1B8B  }
0x1a: {  	_ =	swait.ge [sflag:s24], $0x1  }
0x1b: {  	[sflag:s24] =	ssyncset.done $0x0  }
0x1c: {  	s26 =	simm.s32 $0x1B8E;
	s25 =	sld [smem:$0x3FFE];
	[sflag:s24] =	ssyncadd.s32 $0xFFFFFFFF  }
0x1d: {  	s27 =	simm.s32 $execute0_lowered;
	[smem:$0x3FD2] =	sst s26  }
0x1e: {  	s5 =	sshll.u32 s27, $0x1;
	_ =	strace $0x80000049;
	[dreg:$0x1] =	wrdreg $0xFFFFFFFF  }
0x1f: {  	s28 =	simm.s32 $_size_execute0_lowered;
	s3 =	sadd.s32 s3, s5;
	[dreg:$0x0] =	wrdreg $0x0  }
0x20: {  	s5 =	sshll.u32 s28, $0x1;
	[dreg:$0x2] =	wrdreg s3  }
0x21: {  	[dreg:$0x3] =	wrdreg s5  }
0x22: {  	[dreg:$0x4] =	wrdreg $0xC0  }
0x23: {  	_ =	task [dreg:s7], $0x5FFFF  }
0x24: {  	[dreg:$0x1] =	wrdreg $0xFFFFFFFF  }
0x25: {  	[dreg:$0x0] =	wrdreg $0x60  }
0x26: {  	[dreg:$0x2] =	wrdreg s25  }
0x27: {  	[dreg:$0x3] =	wrdreg s2  }
0x28: {  	[dreg:$0x4] =	wrdreg $0x9  }
0x29: {  	_ =	task.clear_ibuf [dreg:s7], $0x5FFFF;
	_ =	strace $0x90000049  }
0x2a: {  	s29 =	simm.s32 $0x9;
	_ =	strace $0x8000004B  }
0x2b: {  	_ =	swait.ge [sflag:s29], $0x1  }
0x2c: {  	[sflag:s29] =	ssyncadd.s32 $0xFFFFFFFF  }
0x2d: {  	_ =	strace $0x9000004B  }
0x2e: {  	_ =	sfence  }
0x2f: {  	s30 =	sld [smem:$0x0];
	_ =	sdelay $0x2  }
0x30: {  	s31 =	sshll.u32 s1, $0xD;
	s1 =	sshrl.u32 s1, $0x2  }
0x31: {  	s3 =	sand.u32 $0x4000, s31;
	s1 =	sadd.s32 s1, s30  }
0x32: {  	s0 =	sor.u32 s3, s0;
	s1 =	sshll.u32 s1, $0x11  }
0x33: {  	s0 =	sor.u32 s1, s0  }
0x34: {  	s0 =	sadd.s32 $0x8F2B, s0  }
0x35: {  	[sflag:s0] =	ssyncadd.remote.s32 $0x1  }
0x36: {  	_ =	sfence.sel $0xFFFF  }
0x37: {  	[dreg:$0x0] =	wrdreg $0xFFFFFFFF;
	(pc) =	sbr.abs _section_cstart, $3  }
0x38: {  	[dreg:$0x1] =	wrdreg $0xFFFFFFFF  }
0x39: {  	_ =	task.clear_ibuf [dreg:s7], $0x2FFFF;
	_ =	strace $0x9FFFFFFF  }
0x3a: {  	(tm) =	ssettm $0x7FFFFFFF  }
0x3b: {  	_ =	shalt  }
tec
execute0_lowered:
.L_overlay_start_1:
0x0: {  	(tag) =	ssettag $0x1  }
0x1: {  	s0 =	srdreg.scid  }
0x2: {  	s1 =	sshll.u32 s0, $0x4  }
0x3: {  	s0 =	stileid.u32;
	s1 =	sand.u32 $0x10, s1  }
0x4: {  	s1 =	sor.u32 s0, s1  }
0x5: {  	s6 =	rddreg [dreg:$0x0];
	s4 =	simm.s32 $0x1;
	s2 =	sshll.u32 s1, $0x7  }
0x6: {  	s7 =	simm.s32 $0x2;
	s12 =	simm.s32 $0x0;
	s1 =	ssub.s32 $0x1000, s2  }
0x7: {  	s8 =	simm.s32 $0x8000;
	s13 =	simm.s32 $0x0;
	s3 =	sand.u32 $0xF80, s1  }
0x8: {  	s9 =	simm.s32 $0x0;
	s5 =	sshrl.u32 s1, $0xC;
	p0 =	sne.s32 s3, $0x0  }
.Ltmp0:
0x9: {  	s1 =	rddreg [dreg:$0x2];
	s4 =	simm.s32 @!p0 $0x0;
	(pc) =	sbr.rel .LBB1_1-.Ltmp0, $4  }
0xa: {  	s11 =	simm.s32 $0x0;
	s3 =	rddreg [dreg:$0x1];
	s5 =	sadd.s32 s4, s5  }
0xb: {  	_ =	strace $0x8000004A;
	s4 =	simm.s32 $0x1;
	s5 =	smul.u32 $0xC8, s5  }
0xc: {  	s6 =	sadd.s32 $0x800, s6;
	s10 =	smov.u32 s2;
	[sflag:s4] =	ssyncpa.u1 $0x0  }
0xd: {  	p0 =	por $0x0, $0x0;
	[sflag:s7] =	ssyncpa.u1 $0x0;
	s7 =	sor.u32 $0x1, s5  }
.LBB1_4:
0xe: {  	s16 =	sshll.u32 s13, $0x3;
	s17 =	sand.u32 $0x78, s13  }
0xf: {  	s30 =	sand.u32 $0x7E00, s13;
	s12 =	sshll.u32 s12, $0xF;
	s16 =	sand.u32 $0xC00, s16  }
0x10: {  	[tilespmem:s15+$0x810 ss:$0x81] =	vst.msk $0xffff, v2;
	s31 =	sand.u32 $0x7, s13;
	s16 =	sor.u32 s17, s16;
	s17 =	sadd.s32 s3, s30  }
0x11: {  	[tilespmem:s15+$0x1020 ss:$0x81] =	vst.msk $0xffff, v0;
	s13 =	sshll.u32 s31, $0x12;
	s12 =	sadd.s32 s12, s17;
	s16 =	sshrl.u32 s16, $0x3  }
0x12: {  	[tilespmem:s15+$0x0 ss:$0x81] =	vst.msk $0xffff, v1;
	s13 =	sor.u32 $0x400, s13;
	s12 =	sadd.s32 s16, s12  }
0x13: {  	[hbm4b:s12+s13] =	stream.strided.scatter [tilespmem:s14], [sflag:$0x2], $0x2000, s8, s13, $0x20;
	[tilespmem:$0x8080] =	vst v63  }
.LBB1_5:
0x14: {  	s14 =	sadd.s32 $0x1, s9  }
0x15: {  	s12 =	sadd.s32 $0x1000, s10;
	s16 =	smov.u32 s10;
	p2 =	sgt.s32 s14, $0xC7  }
0x16: {  	s16 =	smov.u32 @p2 s12  }
0x17: {  	s14 =	simm.s32 @p2 $0x0;
	p2 =	sgt.s32 s16, $0xFFF  }
0x18: {  	s16 =	smov.u32 @p2 s2;
	p2 =	sne.s32 s11, s7  }
.Ltmp1:
0x19: {  	p1 =	slt.u32 s11, $0x2;
	(pc) =	sbr.rel @!p2 .LBB1_6-.Ltmp1, $4  }
0x1a: {  	s15 =	simm.s32 @!p1 $0x2  }
0x1b: {  	s13 =	smov.u32 s10;
	p0 =	por !p0, !p0;
	_ =	swait.ge @!p1 [sflag:s15], $0x2000  }
0x1c: {  	s12 =	smov.u32 s9;
	[sflag:s15] =	ssyncset.done @!p1 $0x0;
	s9 =	smov.u32 s14  }
0x1d: {  	s11 =	sadd.s32 $0x1, s11;
	[sflag:s15] =	ssyncadd.s32 @!p1 $0xFFFFE000;
	s10 =	smov.u32 s16  }
.LBB1_1:
0x1e: {  	p1 =	sge.u32 s11, s5  }
0x1f: {  	s14 =	sand.u32 @!p1 $0x1FFFFFF, s9  }
0x20: {  	s15 =	smulhi.u32 @!p1 $0x147AE15, s14;
	_ =	sdelay $0x1  }
0x21: {  	s15 =	smul.u32 @!p1 $0xC8, s15  }
0x22: {  	s16 =	sxor.u32 @!p1 $0xFFFFFFFF, s11;
	s17 =	smul.u32 @!p1 $0xC80, s10  }
0x23: {  	s31 =	sadd.s32 $0xFFFFFFFF, s11;
	s16 =	sshll.u32 @!p1 s16, $0xD;
	s14 =	ssub.s32 @!p1 s14, s15  }
0x24: {  	s15 =	sand.u32 @!p1 $0x2000, s16;
	s16 =	sadd.s32 @!p1 s6, s17;
	s14 =	sshll.u32 @!p1 s14, $0x4  }
0x25: {  	s17 =	simm.s32 @!p1 $0x6400;
	s14 =	sadd.s32 @!p1 s14, s16;
	s16 =	simm.s32 @!p1 $0x40  }
0x26: {  	[tilespmem:s15], [sflag:$0x1] =	stream.strided.gather @!p1 [hbm4b:s14+s16], $0x2000, s17, s16, $0x38;
	[tilespmem:$0x8080] =	vst v63  }
0x27: {  	p1 =	sge.u32 s31, s5  }
.Ltmp2:
0x28: {  	_ = 	snop;
	(pc) =	sbr.rel @p1 .LBB1_5-.Ltmp2, $1  }
0x29: {  	_ =	sdelay $0x3  }
0x2a: {  	s14 =	simm.s32 $0x1  }
0x2b: {  	_ =	swait.ge [sflag:s4], $0x2000;
	s14 =	simm.s32 @!p0 $0x0  }
0x2c: {  	[sflag:s4] =	ssyncset.done $0x0;
	s15 =	sshll.u32 s14, $0xD  }
0x2d: {  	[sflag:s4] =	ssyncadd.s32 $0xFFFFE000;
	s18 =	sor.u32 $0x20, s15  }
0x2e: {  	s14 =	smul.u32 $0x8100, s14;
	v3 =	vld [tilespmem:s18+$0x10]  }
0x2f: {  	s30 =	sand.u32 $0x1, s11;
	v2 =	vld [tilespmem:s18+$0xFFFFFFF0]  }
0x30: {  	s15 =	smul.u32 $0x8100, s30;
	s14 =	sshrl.u32 s14, $0x2;
	v0 =	vld [tilespmem:s18+$0x0]  }
0x31: {  	v1 =	vld [tilespmem:s18+$0xFFFFFFE0];
	s16 =	sor.u32 $0x4000, s14  }
0x32: {  	s31 =	sshrl.u32 s15, $0x2;
	s15 =	sadd.s32 $0x0, s16  }
0x33: {  	s17 =	simm.s32 $0x4;
	s18 =	sadd.s32 $0x40, s18;
	s14 =	sor.u32 $0x4000, s31;
	[tilespmem:s15+$0x1830 ss:$0x81] =	vst.msk $0xffff, v3  }
.LBB1_3:
0x34: {  	v3 =	vld [tilespmem:s18+$0x10];
	p1 =	sne.s32 s17, $0x1FC;
	[tilespmem:s15+$0x810 ss:$0x81] =	vst.msk $0xffff, v2;
	s19 =	smov.u32 s17;
	s17 =	sadd.s32 $0x4, s17  }
.Ltmp3:
0x35: {  	v2 =	vld [tilespmem:s18+$0xFFFFFFF0];
	[tilespmem:s15+$0x1020 ss:$0x81] =	vst.msk $0xffff, v0;
	(pc) =	sbr.rel @p1 .LBB1_3-.Ltmp3, $4  }
0x36: {  	v0 =	vld [tilespmem:s18+$0x0];
	[tilespmem:s15+$0x0 ss:$0x81] =	vst.msk $0xffff, v1  }
0x37: {  	s15 =	sshra.s32 s19, $0x2;
	v1 =	vld [tilespmem:s18+$0xFFFFFFE0]  }
0x38: {  	s15 =	sadd.s32 s15, s16  }
0x39: {  	s18 =	sadd.s32 $0x40, s18;
	[tilespmem:s15+$0x1830 ss:$0x81] =	vst.msk $0xffff, v3  }
.Ltmp4:
0x3a: {  	_ = 	snop;
	(pc) =	sbr.rel .LBB1_4-.Ltmp4, $1  }
0x3b: {  	_ =	sdelay $0x3  }
.LBB1_6:
0x3c: {  	_ =	sfence.sel $0x180000  }
0x3d: {  	s2 =	simm.s32 $0x1;
	[bflag:$0x0] =	sbarrier.arrive $0xFFFF  }
0x3e: {  	s31 =	simm.s32 $0x2;
	[sflag:s2] =	ssyncpa.u1 $0x1  }
0x3f: {  	[sflag:s31] =	ssyncpa.u1 $0x1  }
0x40: {  	p0 =	sne.s32 s0, $0x0;
	_ =	strace $0x9000004A  }
0x41: {  	s0 =	sadd.s32 @!p0 $0x100000, s1;
	[bflag:$0x2] =	sbarrier.arrive $0xFFFF  }
0x42: {  	[sflag:s0] =	ssyncadd.tile.s32 @!p0 $0x1;
	_ =	shalt  }
.Lfunc_end1:
_tile_overlayer_lowered:
.L_overlay_start_2:
0x43: {  	(tag) =	ssettag $0x2  }
0x44: {  	s0 =	rddreg [dreg:$0x0];
	s2 =	stileid.u32  }
0x45: {  	s1 =	rddreg [dreg:$0x1];
	p0 =	sne.s32 s2, $0x0  }
0x46: {  	s3 =	rddreg [dreg:$0x2];
	[bflag:$0x3] =	sbarrier.arrive $0xFFFF;
	s2 =	simm.s32 @!p0 $0x1C01  }
0x47: {  	[timem:s3], [sflag:s2] =	dma.local @!p0 [hbm:s0], s1  }
0x48: {  	s0 =	simm.s32 @!p0 $0x1  }
0x49: {  	_ =	swait.ge @!p0 [sflag:s0], s1  }
0x4a: {  	s1 =	ssub.s32 @!p0 $0x0, s1;
	[sflag:s0] =	ssyncset.done @!p0 $0x0  }
0x4b: {  	[sflag:s0] =	ssyncadd.s32 @!p0 s1  }
0x4c: {  	[bflag:$0x3] =	sbarrier.arrive $0xFFFF  }
0x4d: {  	_ =	shalt  }

</sc_bundles>
